<compile_context>
chip_gen: v7x
topology: tpu7x:2x2x1
jax: 0.10.2.dev20260603
libtpu: 0.0.44.dev20260713+nightly
codegen_flags: <defaults>
</compile_context>

<pallas_src>
import functools

import jax
import jax.numpy as jnp
from jax import lax
from jax.experimental import pallas as pl
from jax.experimental.pallas import tpu as pltpu
from jax.experimental.pallas import tpu_sc as plsc

N = 10000
E = 320000
H = 128

NC = 2
NS = 16
NW = NC * NS

NP = 10240
EP = 327680
PER_W = EP // NW
C = 128
NCHUNK = PER_W // C
ROWS_PER_SUB = NP // NS

def _sc_mesh():
    return plsc.VectorSubcoreMesh(core_axis_name="c", subcore_axis_name="s",
                                  num_cores=NC, num_subcores=NS)




def _sc_gather2(table, rowp, colp, d):

    kk = 160 if d == H // 2 else 80
    tot = (EP // C) // NS
    kmax = max(kk, tot - kk)

    def body(tab, rid, cid, out_r, out_c, idxs, b00, b01, b10, b11,
             g00, g01, g10, g11, w00, w01, w10, w11):
        cor = lax.axis_index("c")
        sid = lax.axis_index("s")

        bufs = ((b00, b01), (b10, b11))
        gsem = ((g00, g01), (g10, g11))
        wsem = ((w00, w01), (w10, w11))
        outs = (out_r, out_c)

        def run(nch, base):
            if nch == 0:
                return
            pltpu.sync_copy(rid.at[pl.ds(base, nch * C)],
                            idxs.at[0, pl.ds(0, nch * C)])
            pltpu.sync_copy(cid.at[pl.ds(base, nch * C)],
                            idxs.at[1, pl.ds(0, nch * C)])

            def fire(b, p, g):
                pltpu.async_copy(
                    tab.at[idxs.at[b, pl.ds(g * C, C)]], bufs[b][p],
                    gsem[b][p])

            def wait_gather(b, p):
                pltpu.make_async_copy(
                    tab.at[pl.ds(0, C)], bufs[b][p], gsem[b][p]).wait()

            def wait_wb(b, p):
                pltpu.make_async_copy(
                    bufs[b][p], outs[b].at[pl.ds(base, C)], wsem[b][p]).wait()

            for b in (0, 1):
                fire(b, 0, 0)

            @pl.loop(0, nch, step=2)
            def _(g0):
                for p in (0, 1):
                    g = g0 + p
                    for b in (0, 1):
                        wait_gather(b, p)
                        pltpu.async_copy(
                            bufs[b][p], outs[b].at[pl.ds(base + g * C, C)],
                            wsem[b][p])

                        @pl.when(g + 1 < nch)
                        def _():
                            @pl.when(g >= 1)
                            def _():
                                wait_wb(b, 1 - p)
                            fire(b, 1 - p, g + 1)

            for b in (0, 1):
                wait_wb(b, (nch - 1) % 2)

        @pl.when(cor == 0)
        def _():
            run(kk, sid * (kk * C))

        @pl.when(cor == 1)
        def _():
            run(tot - kk, (NS * kk + sid * (tot - kk)) * C)

    fn = pl.kernel(
        body,
        out_type=[
            jax.ShapeDtypeStruct((EP, d), jnp.float32),
            jax.ShapeDtypeStruct((EP, d), jnp.float32),
        ],
        mesh=_sc_mesh(),
        scratch_types=[
            pltpu.VMEM((2, kmax * C), jnp.int32),
            pltpu.VMEM((C, d), jnp.float32),
            pltpu.VMEM((C, d), jnp.float32),
            pltpu.VMEM((C, d), jnp.float32),
            pltpu.VMEM((C, d), jnp.float32),
            pltpu.SemaphoreType.DMA,
            pltpu.SemaphoreType.DMA,
            pltpu.SemaphoreType.DMA,
            pltpu.SemaphoreType.DMA,
            pltpu.SemaphoreType.DMA,
            pltpu.SemaphoreType.DMA,
            pltpu.SemaphoreType.DMA,
            pltpu.SemaphoreType.DMA,
        ],
        name=f"sc_gather2_{d}",
        compiler_params=pltpu.CompilerParams(use_tc_tiling_on_sc=(d % 128 == 0)),
    )
    return fn(table, rowp, colp)


HALF_E = EP // 2
PER_S = HALF_E // NS


def _sc_scatter_add(msga, msgb, colp, zeros_np):

    def body(ma, mb, cidx, zer, out0, out1, idx, buf, acc, sem):
        cid = lax.axis_index("c")
        sid = lax.axis_index("s")
        myrows = pl.ds(sid * ROWS_PER_SUB, ROWS_PER_SUB)
        pltpu.sync_copy(zer.at[myrows], acc.at[myrows])
        plsc.subcore_barrier()

        def run(m, half_base):
            base = half_base + sid * PER_S

            @pl.loop(0, PER_S // C)
            def _(k):
                off = base + k * C
                pltpu.sync_copy(cidx.at[pl.ds(off, C)], idx)
                cp = pltpu.async_copy(m.at[pl.ds(off - half_base, C)], buf,
                                      sem)
                cp.wait()
                pltpu.sync_copy(buf, acc.at[idx], add=True)

        @pl.when(cid == 0)
        def _():
            run(ma, 0)

        @pl.when(cid == 1)
        def _():
            run(mb, HALF_E)

        plsc.subcore_barrier()

        @pl.when(cid == 0)
        def _():
            pltpu.sync_copy(acc.at[myrows], out0.at[myrows])

        @pl.when(cid == 1)
        def _():
            pltpu.sync_copy(acc.at[myrows], out1.at[myrows])

    fn = pl.kernel(
        body,
        out_type=[
            jax.ShapeDtypeStruct((NP, H), jnp.float32),
            jax.ShapeDtypeStruct((NP, H), jnp.float32),
        ],
        mesh=_sc_mesh(),
        scratch_types=[
            pltpu.VMEM((C,), jnp.int32),
            pltpu.VMEM((C, H), jnp.float32),
            pltpu.VMEM_SHARED((NP, H), jnp.float32),
            pltpu.SemaphoreType.DMA,
        ],
        name="sc_scatter_add",
    )
    return fn(msga, msgb, colp, zeros_np)




def _ln(y, g, be):
    mu = jnp.mean(y, axis=-1, keepdims=True)
    var = jnp.mean((y - mu) * (y - mu), axis=-1, keepdims=True)
    return (y - mu) * lax.rsqrt(var + 1e-5) * g + be


def _full(shape):
    return pl.BlockSpec(shape, lambda i: (0,) * len(shape))


def _rows(b, d):
    return pl.BlockSpec((b, d), lambda i: (i, 0))


def _pack_bf16(o):
    u = lax.bitcast_convert_type(o, jnp.uint32)
    r = u + jnp.uint32(0x7FFF) + ((u >> 16) & jnp.uint32(1))
    lo = r[:, :H // 2] >> 16
    hi = r[:, H // 2:] & jnp.uint32(0xFFFF0000)
    return lax.bitcast_convert_type(hi | lo, jnp.float32)


def _unpack_bf16(p):
    u = lax.bitcast_convert_type(p, jnp.uint32)
    lo = lax.bitcast_convert_type(u << 16, jnp.float32)
    hi = lax.bitcast_convert_type(u & jnp.uint32(0xFFFF0000), jnp.float32)
    return jnp.concatenate([lo, hi], axis=1)


def _encode_body(x_ref, w1, b1, w2, b2, g, be, o_ref, op_ref):
    h = jnp.maximum(x_ref[...] @ w1[...] + b1[...], 0.0)
    o = _ln(h @ w2[...] + b2[...], g[...], be[...])
    o_ref[...] = o
    op_ref[...] = _pack_bf16(o)


def _tc_encode(x, w1, b1, w2, b2, g, be, bn):
    n, din = x.shape
    return pl.pallas_call(
        _encode_body,
        grid=(n // bn,),
        in_specs=[
            _rows(bn, din),
            _full(w1.shape), _full(b1.shape), _full(w2.shape),
            _full(b2.shape), _full(g.shape), _full(be.shape),
        ],
        out_specs=[_rows(bn, H), _rows(bn, H // 2)],
        out_shape=[
            jax.ShapeDtypeStruct((n, H), jnp.float32),
            jax.ShapeDtypeStruct((n, H // 2), jnp.float32),
        ],
        name="tc_encode",
    )(x, w1, b1, w2, b2, g, be)


def _edge_enc_body(pr_ref, pc_ref, ssel, wd, wdist, b1, w2, b2, g, be, o_ref):
    d = pr_ref[...] - pc_ref[...]
    s2 = (d * d) @ ssel[...]
    dist = jnp.sqrt(s2 + 1e-12)
    h = jnp.maximum(d @ wd[...] + dist @ wdist[...] + b1[...], 0.0)
    o_ref[...] = _ln(h @ w2[...] + b2[...], g[...], be[...])


def _tc_edge_encode(pr, pc, ssel, wd, wdist, b1, w2, b2, g, be, bn):
    return pl.pallas_call(
        _edge_enc_body,
        grid=(EP // bn,),
        in_specs=[
            _rows(bn, pr.shape[1]), _rows(bn, pc.shape[1]),
            _full(ssel.shape), _full(wd.shape), _full(wdist.shape),
            _full(b1.shape), _full(w2.shape), _full(b2.shape),
            _full(g.shape), _full(be.shape),
        ],
        out_specs=_rows(bn, H),
        out_shape=jax.ShapeDtypeStruct((EP, H), jnp.float32),
        name="tc_edge_encode",
    )(pr, pc, ssel, wd, wdist, b1, w2, b2, g, be)


def _dot(a, b):
    return jnp.dot(a, b, preferred_element_type=jnp.float32)


def _unpack_pair(p):
    u = lax.bitcast_convert_type(p, jnp.uint32)
    lo = lax.bitcast_convert_type(u << 16, jnp.float32)
    hi = lax.bitcast_convert_type(u & jnp.uint32(0xFFFF0000), jnp.float32)
    d2 = H // 2
    xa = jnp.concatenate([lo[:, :d2], hi[:, :d2]], axis=1)
    xb = jnp.concatenate([lo[:, d2:], hi[:, d2:]], axis=1)
    return jnp.concatenate([xa, xb], axis=0)


def _edge_step_body(xr_ref, xc_ref, eha_ref, ehb_ref, w1ab, w1c, b1, w2, b2,
                    g, be, msga_ref, msgb_ref, nea_ref, neb_ref):
    eh = jnp.concatenate([eha_ref[...], ehb_ref[...]], axis=0)
    xr = _unpack_pair(xr_ref[...])
    xc = _unpack_pair(xc_ref[...])
    mc = _dot(xc, w1ab[...])
    mr = _dot(xr, w1ab[...])
    ec = _dot(eh, w1c[...]) + b1[...]
    pre_m = mc[:, :H] + mr[:, H:] + ec
    pre_n = mr[:, :H] + mc[:, H:] + ec
    hm = jnp.maximum(pre_m, 0.0)
    hn = jnp.maximum(pre_n, 0.0)
    msg = _ln(_dot(hm, w2[...]) + b2[...], g[...], be[...])
    ne = eh + _ln(_dot(hn, w2[...]) + b2[...], g[...], be[...])
    bn2 = msga_ref.shape[0]
    msga_ref[...] = msg[:bn2]
    msgb_ref[...] = msg[bn2:]
    nea_ref[...] = ne[:bn2]
    neb_ref[...] = ne[bn2:]


def _tc_edge_step(xr, xc, eha, ehb, eh_split, w1ab, w1c, b1, w2, b2, g, be,
                  bn):
    bn2 = bn // 2
    nblk = HALF_E // bn2
    ehb_map = (lambda i: (i + nblk, 0)) if eh_split else (lambda i: (i, 0))
    half_shape = jax.ShapeDtypeStruct((HALF_E, H), jnp.float32)
    return pl.pallas_call(
        _edge_step_body,
        grid=(nblk,),
        in_specs=[
            _rows(bn2, H), _rows(bn2, H), _rows(bn2, H),
            pl.BlockSpec((bn2, H), ehb_map),
            _full(w1ab.shape), _full(w1c.shape), _full(b1.shape),
            _full(w2.shape), _full(b2.shape), _full(g.shape), _full(be.shape),
        ],
        out_specs=[_rows(bn2, H)] * 4,
        out_shape=[half_shape] * 4,
        name="tc_edge_step",
    )(xr, xc, eha, ehb, w1ab, w1c, b1, w2, b2, g, be)


def _node_step_body(a0_ref, a1_ref, xh_ref, wna, wnb, b1, w2, b2, g, be,
                    o_ref, op_ref):
    xh = xh_ref[...]
    pre = (a0_ref[...] + a1_ref[...]) @ wna[...] + xh @ wnb[...] + b1[...]
    h = jnp.maximum(pre, 0.0)
    o = xh + _ln(h @ w2[...] + b2[...], g[...], be[...])
    o_ref[...] = o
    op_ref[...] = _pack_bf16(o)


def _tc_node_step(a0, a1, xh, wna, wnb, b1, w2, b2, g, be, bn):
    return pl.pallas_call(
        _node_step_body,
        grid=(NP // bn,),
        in_specs=[
            _rows(bn, H), _rows(bn, H), _rows(bn, H),
            _full(wna.shape), _full(wnb.shape), _full(b1.shape),
            _full(w2.shape), _full(b2.shape), _full(g.shape), _full(be.shape),
        ],
        out_specs=[_rows(bn, H), _rows(bn, H // 2)],
        out_shape=[
            jax.ShapeDtypeStruct((NP, H), jnp.float32),
            jax.ShapeDtypeStruct((NP, H // 2), jnp.float32),
        ],
        name="tc_node_step",
    )(a0, a1, xh, wna, wnb, b1, w2, b2, g, be)


def _decode_body(xh_ref, w1, b1, w2, b2, o_ref):
    h = jnp.maximum(xh_ref[...] @ w1[...] + b1[...], 0.0)
    o_ref[...] = h @ w2[...] + b2[...]


def _tc_decode(xh, w1, b1, w2, b2, bn):
    return pl.pallas_call(
        _decode_body,
        grid=(NP // bn,),
        in_specs=[
            _rows(bn, H),
            _full(w1.shape), _full(b1.shape), _full(w2.shape), _full(b2.shape),
        ],
        out_specs=_rows(bn, H),
        out_shape=jax.ShapeDtypeStruct((NP, H), jnp.float32),
        name="tc_decode",
    )(xh, w1, b1, w2, b2)




def _fold_norm(w1, b1, mu, sig):
    w1f = w1 / sig[:, None]
    b1f = b1 - (mu / sig) @ w1
    return w1f, b1f


def _row(v):
    return v.reshape(1, -1)


def kernel(world_pos, mesh_pos, phi, swelling_phi, swelling_phi_rate,
           node_type, time, mat_param, edge_index, params):
    f32 = jnp.float32

    u = world_pos - mesh_pos
    freqs = 2.0 ** jnp.arange(2, dtype=f32)
    temb = jnp.concatenate([jnp.sin(freqs * time), jnp.cos(freqs * time)])
    x = jnp.concatenate(
        [u, phi, swelling_phi, swelling_phi_rate, node_type,
         jnp.tile(temb[None, :], (N, 1)), jnp.tile(mat_param[None, :], (N, 1))],
        axis=-1)
    x = jnp.pad(x, ((0, NP - N), (0, 0)))

    ptab = jnp.concatenate(
        [mesh_pos, world_pos, phi, jnp.zeros((N, 11), f32)], axis=-1)
    ptab = jnp.pad(ptab, ((0, NP - N), (0, 0)))

    rowp = jnp.full((EP,), N, jnp.int32).at[:E].set(edge_index[0])
    colp = jnp.full((EP,), N, jnp.int32).at[:E].set(edge_index[1])
    rowi = jnp.stack([rowp[:EP // 2], rowp[EP // 2:]], axis=1).reshape(EP)
    coli = jnp.stack([colp[:EP // 2], colp[EP // 2:]], axis=1).reshape(EP)

    nmu, nsig = params["node_norm"]
    (wn1, bn1), (wn2, bn2) = params["node_encoder"]["layers"]
    gn, ben = params["node_encoder"]["ln"]
    wn1f, bn1f = _fold_norm(wn1, bn1, nmu, nsig)

    emu, esig = params["edge_norm"]
    (we1, be1), (we2, be2) = params["edge_encoder"]["layers"]
    ge, bee = params["edge_encoder"]["ln"]
    we1f, be1f = _fold_norm(we1, be1, emu, esig)
    wd = jnp.zeros((16, H), f32)
    wd = wd.at[0].set(we1f[0]).at[1].set(we1f[1])
    wd = wd.at[2].set(we1f[3]).at[3].set(we1f[4])
    wd = wd.at[4].set(we1f[6])
    wdist = jnp.stack([we1f[2], we1f[5]], axis=0)
    ssel = jnp.zeros((16, 2), f32)
    ssel = ssel.at[0, 0].set(1.0).at[1, 0].set(1.0)
    ssel = ssel.at[2, 1].set(1.0).at[3, 1].set(1.0)

    x_h, xpk = _tc_encode(x, wn1f, _row(bn1f), wn2, _row(bn2), _row(gn),
                          _row(ben), bn=2048)

    pr, pc = _sc_gather2(ptab, rowp, colp, 16)
    e_h = _tc_edge_encode(pr, pc, ssel, wd, wdist, _row(be1f), we2,
                          _row(be2), _row(ge), _row(bee), bn=2048)
    eha = ehb = e_h
    eh_split = True

    zeros_np = jnp.zeros((NP, H), f32)

    for proc in params["processors"]:
        (pw1, pb1), (pw2, pb2) = proc["edge_mlp"]["layers"]
        pg, pbe = proc["edge_mlp"]["ln"]
        w1a = pw1[0:H]
        w1b = pw1[H:2 * H]
        w1c = pw1[2 * H:3 * H]
        w1ab = jnp.concatenate([w1a, w1b], axis=1)

        (nw1, nb1), (nw2, nb2) = proc["node_mlp"]["layers"]
        ng, nbe = proc["node_mlp"]["ln"]
        wna = nw1[0:H]
        wnb = nw1[H:2 * H]

        xr64, xc64 = _sc_gather2(xpk, rowi, coli, H // 2)
        xrp = xr64.reshape(HALF_E, H)
        xcp = xc64.reshape(HALF_E, H)
        msga, msgb, eha, ehb = _tc_edge_step(
            xrp, xcp, eha, ehb, eh_split, w1ab, w1c, _row(pb1), pw2,
            _row(pb2), _row(pg), _row(pbe), bn=1024)
        eh_split = False
        a0, a1 = _sc_scatter_add(msga, msgb, colp, zeros_np)
        x_h, xpk = _tc_node_step(a0, a1, x_h, wna, wnb, _row(nb1), nw2,
                                 _row(nb2), _row(ng), _row(nbe), bn=2048)

    (dw1, db1), (dw2, db2) = params["node_decoder"]["layers"]
    dw2p = jnp.zeros((H, H), f32).at[:, :dw2.shape[1]].set(dw2)
    db2p = jnp.zeros((H,), f32).at[:dw2.shape[1]].set(db2)
    out = _tc_decode(x_h, dw1, _row(db1), dw2p, _row(db2p), bn=2048)
    return out[:N, :dw2.shape[1]]

# --- scband reference (transcript-rebuilt; emitter-appended) ---
"""Pipeline reference for scband-encode-process-decode-58085137711594 (READ-ONLY COPY).

The authoritative reference and input builder live on the scoring server;
editing this copy changes nothing except your own understanding.
"""

import jax, jax.numpy as jnp
import numpy as np

N = 10000
E = 320000
H = 128
NODE_IN = 16
EDGE_IN = 7
OUT = 3
STEPS = 3


def _linear(key, din, dout):
    k1, _ = jax.random.split(key)
    W = jax.random.normal(k1, (din, dout), jnp.float32) / jnp.sqrt(float(din))
    b = jnp.zeros((dout,), jnp.float32)
    return (W, b)


def _mlp_params(key, din, dout, hidden, layer_norm):
    dims = [din] + list(hidden) + [dout]
    keys = jax.random.split(key, len(dims) - 1)
    layers = [_linear(keys[i], dims[i], dims[i + 1]) for i in range(len(dims) - 1)]
    p = {"layers": layers}
    if layer_norm:
        p["ln"] = (jnp.ones((dout,), jnp.float32), jnp.zeros((dout,), jnp.float32))
    return p


def _mlp(p, x):
    n = len(p["layers"])
    for i, (W, b) in enumerate(p["layers"]):
        x = x @ W + b
        if i < n - 1:
            x = jax.nn.relu(x)
    if "ln" in p:
        g, be = p["ln"]
        mu = jnp.mean(x, axis=-1, keepdims=True)
        var = jnp.var(x, axis=-1, keepdims=True)
        x = (x - mu) / jnp.sqrt(var + 1e-5) * g + be
    return x


def _time_emb(t, dim=4):
    freqs = 2.0 ** jnp.arange(dim // 2, dtype=jnp.float32)
    return jnp.concatenate([jnp.sin(freqs * t), jnp.cos(freqs * t)], axis=-1)


def _norm(p, x):
    return (x - p[0]) / p[1]


def _safe_norm(v):
    return jnp.sqrt(jnp.sum(v * v, axis=-1, keepdims=True) + 1e-12)


def setup_inputs(seed: int = 0) -> dict:
    key = jax.random.key(seed)
    ks = jax.random.split(key, 16)
    world_pos = jax.random.normal(ks[0], (N, 2), jnp.float32)
    mesh_pos = jax.random.normal(ks[1], (N, 2), jnp.float32)
    phi = jax.random.uniform(ks[2], (N, 1), jnp.float32)
    swelling_phi = jax.random.uniform(ks[3], (N, 1), jnp.float32)
    swelling_phi_rate = jax.random.normal(ks[4], (N, 1), jnp.float32)
    node_type = jax.random.uniform(ks[5], (N, 4), jnp.float32)
    time = jax.random.uniform(ks[6], (1,), jnp.float32)
    mat_param = jax.random.uniform(ks[7], (3,), jnp.float32)
    edge_index = jax.random.randint(ks[8], (2, E), 0, N, dtype=jnp.int32)
    params = {
        "node_norm": (jnp.zeros((NODE_IN,), jnp.float32), jnp.ones((NODE_IN,), jnp.float32)),
        "edge_norm": (jnp.zeros((EDGE_IN,), jnp.float32), jnp.ones((EDGE_IN,), jnp.float32)),
        "node_encoder": _mlp_params(ks[9], NODE_IN, H, (H,), True),
        "edge_encoder": _mlp_params(ks[10], EDGE_IN, H, (H,), True),
        "processors": [
            {
                "edge_mlp": _mlp_params(jax.random.fold_in(ks[11], i), 3 * H, H, (H,), True),
                "node_mlp": _mlp_params(jax.random.fold_in(ks[12], i), 2 * H, H, (H,), True),
            }
            for i in range(STEPS)
        ],
        "node_decoder": _mlp_params(ks[13], H, OUT, (H,), False),
    }
    return {
        "world_pos": world_pos,
        "mesh_pos": mesh_pos,
        "phi": phi,
        "swelling_phi": swelling_phi,
        "swelling_phi_rate": swelling_phi_rate,
        "node_type": node_type,
        "time": time,
        "mat_param": mat_param,
        "edge_index": edge_index,
        "params": params,
    }


def reference(world_pos, mesh_pos, phi, swelling_phi, swelling_phi_rate, node_type, time, mat_param, edge_index, params):
    # _build_node_features
    u = world_pos - mesh_pos
    temb = jnp.tile(_time_emb(time, 4)[None, :], (u.shape[0], 1))
    mp = jnp.tile(mat_param[None, :], (u.shape[0], 1))
    x = jnp.concatenate([u, phi, swelling_phi, swelling_phi_rate, node_type, temb, mp], axis=-1)
    # _build_edge_features
    senders = edge_index[0]
    receivers = edge_index[1]
    rel = mesh_pos[senders] - mesh_pos[receivers]
    dist = _safe_norm(rel)
    relw = world_pos[senders] - world_pos[receivers]
    distw = _safe_norm(relw)
    relphi = phi[senders] - phi[receivers]
    e = jnp.concatenate([rel, dist, relw, distw, relphi], axis=-1)
    # encode
    x_h = _mlp(params["node_encoder"], _norm(params["node_norm"], x))
    e_h = _mlp(params["edge_encoder"], _norm(params["edge_norm"], e))
    # process (message passing, aggr='add', flow source_to_target: x_j = x[row], x_i = x[col])
    row, col = edge_index[0], edge_index[1]
    for proc in params["processors"]:
        x_i = x_h[col]
        x_j = x_h[row]
        msg = _mlp(proc["edge_mlp"], jnp.concatenate([x_i, x_j, e_h], axis=-1))
        aggr = jnp.zeros_like(x_h).at[col].add(msg)
        new_x = _mlp(proc["node_mlp"], jnp.concatenate([aggr, x_h], axis=-1))
        new_e = _mlp(proc["edge_mlp"], jnp.concatenate([x_h[row], x_h[col], e_h], axis=-1))
        x_h = new_x + x_h
        e_h = new_e + e_h
    # decode
    return _mlp(params["node_decoder"], x_h)

if __name__ == "__main__":
    import jax
    _d = setup_inputs()
    print(jax.jit(kernel)(*tuple(_d.values())))

</pallas_src>

<mosaic_0001>
#map = affine_map<(d0, d1) -> (0, 0)>
#map1 = affine_map<(d0, d1) -> (0)>
module attributes {stable_mosaic.version = 14 : i64} {
  func.func @sc_gather2_16(%arg0: i32, %arg1: i32, %arg2: memref<10240x16xf32, #tpu.memory_space<hbm>>, %arg3: memref<327680xi32, #tpu.memory_space<hbm>>, %arg4: memref<327680xi32, #tpu.memory_space<hbm>>, %arg5: memref<327680x16xf32, #tpu.memory_space<hbm>>, %arg6: memref<327680x16xf32, #tpu.memory_space<hbm>>, %arg7: memref<2x10240xi32, #tpu.memory_space<vmem>>, %arg8: memref<128x16xf32, #tpu.memory_space<vmem>>, %arg9: memref<128x16xf32, #tpu.memory_space<vmem>>, %arg10: memref<128x16xf32, #tpu.memory_space<vmem>>, %arg11: memref<128x16xf32, #tpu.memory_space<vmem>>, %arg12: memref<!tpu.dma_semaphore, #tpu.memory_space<semaphore_mem>>, %arg13: memref<!tpu.dma_semaphore, #tpu.memory_space<semaphore_mem>>, %arg14: memref<!tpu.dma_semaphore, #tpu.memory_space<semaphore_mem>>, %arg15: memref<!tpu.dma_semaphore, #tpu.memory_space<semaphore_mem>>, %arg16: memref<!tpu.dma_semaphore, #tpu.memory_space<semaphore_mem>>, %arg17: memref<!tpu.dma_semaphore, #tpu.memory_space<semaphore_mem>>, %arg18: memref<!tpu.dma_semaphore, #tpu.memory_space<semaphore_mem>>, %arg19: memref<!tpu.dma_semaphore, #tpu.memory_space<semaphore_mem>>) attributes {dimension_semantics = [#tpu.dimension_semantics<core_parallel>, #tpu.dimension_semantics<subcore_parallel>], iteration_bounds = array<i64: 2, 16>, scalar_prefetch = 0 : i64, scratch_operands = 13 : i64, tpu.core_type = #tpu.core_type<sc_vector_subcore>, window_params = [{transform_indices = #map}, {transform_indices = #map1}, {transform_indices = #map1}, {transform_indices = #map}, {transform_indices = #map}]} {
    %eq3A = arith.constant 0 : i32
    %eq3A_0 = arith.cmpi eq, %arg0, %eq3A : i32
    %convert_element_type3A = arith.extui %eq3A_0 : i1 to i32
    %cond3A = arith.constant 0 : i32
    %cond3A_1 = arith.cmpi ne, %convert_element_type3A, %cond3A : i32
    scf.if %cond3A_1 {
      %mul3A = arith.constant 10240 : i32
      %mul3A_7 = arith.muli %arg1, %mul3A : i32
      %run_scoped3A = arith.constant 0 : i32
      "tpu.region"() ({
        %run_scoped3A_33 = tpu.sem_alloc : memref<!tpu.dma_semaphore, #tpu.memory_space<semaphore_mem>>
        %dma_start3A_34 = arith.constant 0 : i32
        %dma_start3A_35 = tpu.memref_slice %arg7[%run_scoped3A, %dma_start3A_34] : memref<2x10240xi32, #tpu.memory_space<vmem>> -> memref<1x10240xi32, #tpu.memory_space<vmem>>
        %dma_start3A_36 = tpu.memref_squeeze %dma_start3A_35 : memref<1x10240xi32, #tpu.memory_space<vmem>> -> memref<10240xi32, #tpu.memory_space<vmem>>
        %dma_start3A_37 = tpu.memref_slice %arg3[%mul3A_7] : memref<327680xi32, #tpu.memory_space<hbm>> -> memref<10240xi32, #tpu.memory_space<hbm>>
        %dma_start3A_38 = arith.constant 0 : i32
        %dma_start3A_39 = tpu.memref_slice %arg7[%run_scoped3A, %dma_start3A_38] : memref<2x10240xi32, #tpu.memory_space<vmem>> -> memref<1x10240xi32, #tpu.memory_space<vmem>>
        %dma_start3A_40 = tpu.memref_squeeze %dma_start3A_39 : memref<1x10240xi32, #tpu.memory_space<vmem>> -> memref<10240xi32, #tpu.memory_space<vmem>>
        %dma_start3A_41 = tpu.memref_slice %arg3[%mul3A_7] : memref<327680xi32, #tpu.memory_space<hbm>> -> memref<10240xi32, #tpu.memory_space<hbm>>
        tpu.enqueue_dma source(%dma_start3A_41 : memref<10240xi32, #tpu.memory_space<hbm>>) target(%dma_start3A_40 : memref<10240xi32, #tpu.memory_space<vmem>>) target_semaphore(%run_scoped3A_33 : memref<!tpu.dma_semaphore, #tpu.memory_space<semaphore_mem>>)
        %dma_wait3A_42 = arith.constant 0 : i32
        %dma_wait3A_43 = tpu.memref_slice %arg7[%run_scoped3A, %dma_wait3A_42] : memref<2x10240xi32, #tpu.memory_space<vmem>> -> memref<1x10240xi32, #tpu.memory_space<vmem>>
        %dma_wait3A_44 = tpu.memref_squeeze %dma_wait3A_43 : memref<1x10240xi32, #tpu.memory_space<vmem>> -> memref<10240xi32, #tpu.memory_space<vmem>>
        %dma_wait3A_45 = tpu.memref_slice %arg3[%mul3A_7] : memref<327680xi32, #tpu.memory_space<hbm>> -> memref<10240xi32, #tpu.memory_space<hbm>>
        %dma_wait3A_46 = arith.constant 0 : i32
        %dma_wait3A_47 = tpu.memref_slice %arg7[%run_scoped3A, %dma_wait3A_46] : memref<2x10240xi32, #tpu.memory_space<vmem>> -> memref<1x10240xi32, #tpu.memory_space<vmem>>
        %dma_wait3A_48 = tpu.memref_squeeze %dma_wait3A_47 : memref<1x10240xi32, #tpu.memory_space<vmem>> -> memref<10240xi32, #tpu.memory_space<vmem>>
        %dma_wait3A_49 = tpu.memref_slice %arg3[%mul3A_7] : memref<327680xi32, #tpu.memory_space<hbm>> -> memref<10240xi32, #tpu.memory_space<hbm>>
        tpu.wait_dma2 semaphore(%run_scoped3A_33 : memref<!tpu.dma_semaphore, #tpu.memory_space<semaphore_mem>>) src(%dma_wait3A_49 : memref<10240xi32, #tpu.memory_space<hbm>>) dst(%dma_wait3A_48 : memref<10240xi32, #tpu.memory_space<vmem>>)
        tpu.yield
      }) : () -> ()
      %run_scoped3A_8 = arith.constant 1 : i32
      "tpu.region"() ({
        %run_scoped3A_33 = tpu.sem_alloc : memref<!tpu.dma_semaphore, #tpu.memory_space<semaphore_mem>>
        %dma_start3A_34 = arith.constant 0 : i32
        %dma_start3A_35 = tpu.memref_slice %arg7[%run_scoped3A_8, %dma_start3A_34] : memref<2x10240xi32, #tpu.memory_space<vmem>> -> memref<1x10240xi32, #tpu.memory_space<vmem>>
        %dma_start3A_36 = tpu.memref_squeeze %dma_start3A_35 : memref<1x10240xi32, #tpu.memory_space<vmem>> -> memref<10240xi32, #tpu.memory_space<vmem>>
        %dma_start3A_37 = tpu.memref_slice %arg4[%mul3A_7] : memref<327680xi32, #tpu.memory_space<hbm>> -> memref<10240xi32, #tpu.memory_space<hbm>>
        %dma_start3A_38 = arith.constant 0 : i32
        %dma_start3A_39 = tpu.memref_slice %arg7[%run_scoped3A_8, %dma_start3A_38] : memref<2x10240xi32, #tpu.memory_space<vmem>> -> memref<1x10240xi32, #tpu.memory_space<vmem>>
        %dma_start3A_40 = tpu.memref_squeeze %dma_start3A_39 : memref<1x10240xi32, #tpu.memory_space<vmem>> -> memref<10240xi32, #tpu.memory_space<vmem>>
        %dma_start3A_41 = tpu.memref_slice %arg4[%mul3A_7] : memref<327680xi32, #tpu.memory_space<hbm>> -> memref<10240xi32, #tpu.memory_space<hbm>>
        tpu.enqueue_dma source(%dma_start3A_41 : memref<10240xi32, #tpu.memory_space<hbm>>) target(%dma_start3A_40 : memref<10240xi32, #tpu.memory_space<vmem>>) target_semaphore(%run_scoped3A_33 : memref<!tpu.dma_semaphore, #tpu.memory_space<semaphore_mem>>)
        %dma_wait3A_42 = arith.constant 0 : i32
        %dma_wait3A_43 = tpu.memref_slice %arg7[%run_scoped3A_8, %dma_wait3A_42] : memref<2x10240xi32, #tpu.memory_space<vmem>> -> memref<1x10240xi32, #tpu.memory_space<vmem>>
        %dma_wait3A_44 = tpu.memref_squeeze %dma_wait3A_43 : memref<1x10240xi32, #tpu.memory_space<vmem>> -> memref<10240xi32, #tpu.memory_space<vmem>>
        %dma_wait3A_45 = tpu.memref_slice %arg4[%mul3A_7] : memref<327680xi32, #tpu.memory_space<hbm>> -> memref<10240xi32, #tpu.memory_space<hbm>>
        %dma_wait3A_46 = arith.constant 0 : i32
        %dma_wait3A_47 = tpu.memref_slice %arg7[%run_scoped3A_8, %dma_wait3A_46] : memref<2x10240xi32, #tpu.memory_space<vmem>> -> memref<1x10240xi32, #tpu.memory_space<vmem>>
        %dma_wait3A_48 = tpu.memref_squeeze %dma_wait3A_47 : memref<1x10240xi32, #tpu.memory_space<vmem>> -> memref<10240xi32, #tpu.memory_space<vmem>>
        %dma_wait3A_49 = tpu.memref_slice %arg4[%mul3A_7] : memref<327680xi32, #tpu.memory_space<hbm>> -> memref<10240xi32, #tpu.memory_space<hbm>>
        tpu.wait_dma2 semaphore(%run_scoped3A_33 : memref<!tpu.dma_semaphore, #tpu.memory_space<semaphore_mem>>) src(%dma_wait3A_49 : memref<10240xi32, #tpu.memory_space<hbm>>) dst(%dma_wait3A_48 : memref<10240xi32, #tpu.memory_space<vmem>>)
        tpu.yield
      }) : () -> ()
      %dma_start3A = arith.constant 0 : i32
      %dma_start3A_9 = arith.constant 0 : i32
      %dma_start3A_10 = tpu.memref_slice %arg7[%dma_start3A, %dma_start3A_9] : memref<2x10240xi32, #tpu.memory_space<vmem>> -> memref<1x128xi32, #tpu.memory_space<vmem>>
      %dma_start3A_11 = tpu.memref_squeeze %dma_start3A_10 : memref<1x128xi32, #tpu.memory_space<vmem>> -> memref<128xi32, #tpu.memory_space<vmem>>
      %dma_start3A_12 = arith.constant 0 : i32
      %dma_start3A_13 = arith.constant 0 : i32
      %dma_start3A_14 = tpu.memref_slice %arg2[%dma_start3A_12, %dma_start3A_13] : memref<10240x16xf32, #tpu.memory_space<hbm>> -> memref<10240x16xf32, #tpu.memory_space<hbm>>
      tpu.enqueue_indirect_dma source(%dma_start3A_14 : memref<10240x16xf32, #tpu.memory_space<hbm>>) target(%arg8 : memref<128x16xf32, #tpu.memory_space<vmem>>) offsets(%dma_start3A_11 : memref<128xi32, #tpu.memory_space<vmem>>) semaphore(%arg12 : memref<!tpu.dma_semaphore, #tpu.memory_space<semaphore_mem>>)
      %dma_start3A_15 = arith.constant 1 : i32
      %dma_start3A_16 = arith.constant 0 : i32
      %dma_start3A_17 = tpu.memref_slice %arg7[%dma_start3A_15, %dma_start3A_16] : memref<2x10240xi32, #tpu.memory_space<vmem>> -> memref<1x128xi32, #tpu.memory_space<vmem>>
      %dma_start3A_18 = tpu.memref_squeeze %dma_start3A_17 : memref<1x128xi32, #tpu.memory_space<vmem>> -> memref<128xi32, #tpu.memory_space<vmem>>
      %dma_start3A_19 = arith.constant 0 : i32
      %dma_start3A_20 = arith.constant 0 : i32
      %dma_start3A_21 = tpu.memref_slice %arg2[%dma_start3A_19, %dma_start3A_20] : memref<10240x16xf32, #tpu.memory_space<hbm>> -> memref<10240x16xf32, #tpu.memory_space<hbm>>
      tpu.enqueue_indirect_dma source(%dma_start3A_21 : memref<10240x16xf32, #tpu.memory_space<hbm>>) target(%arg10 : memref<128x16xf32, #tpu.memory_space<vmem>>) offsets(%dma_start3A_18 : memref<128xi32, #tpu.memory_space<vmem>>) semaphore(%arg14 : memref<!tpu.dma_semaphore, #tpu.memory_space<semaphore_mem>>)
      %scan3A = arith.constant 0 : i32
      %scan3A_22 = arith.constant 40 : i32
      %scan3A_23 = arith.addi %scan3A, %scan3A_22 : i32
      %scan3A_24 = arith.constant 1 : i32
      scf.for %scan3A_33 = %scan3A to %scan3A_23 step %scan3A_24  : i32 {
        %mul3A_34 = arith.constant 2 : i32
        %mul3A_35 = arith.muli %scan3A_33, %mul3A_34 : i32
        %add3A = arith.constant 0 : i32
        %add3A_36 = arith.addi %add3A, %mul3A_35 : i32
        %add3A_37 = arith.constant 0 : i32
        %add3A_38 = arith.addi %add3A_36, %add3A_37 : i32
        %dma_wait3A_39 = arith.constant 0 : i32
        %dma_wait3A_40 = arith.constant 0 : i32
        %dma_wait3A_41 = tpu.memref_slice %arg2[%dma_wait3A_39, %dma_wait3A_40] : memref<10240x16xf32, #tpu.memory_space<hbm>> -> memref<128x16xf32, #tpu.memory_space<hbm>>
        %dma_wait3A_42 = arith.constant 0 : i32
        %dma_wait3A_43 = arith.constant 0 : i32
        %dma_wait3A_44 = tpu.memref_slice %arg2[%dma_wait3A_42, %dma_wait3A_43] : memref<10240x16xf32, #tpu.memory_space<hbm>> -> memref<128x16xf32, #tpu.memory_space<hbm>>
        tpu.wait_dma2 semaphore(%arg12 : memref<!tpu.dma_semaphore, #tpu.memory_space<semaphore_mem>>) src(%dma_wait3A_44 : memref<128x16xf32, #tpu.memory_space<hbm>>) dst(%arg8 : memref<128x16xf32, #tpu.memory_space<vmem>>)
        %mul3A_45 = arith.constant 128 : i32
        %mul3A_46 = arith.muli %add3A_38, %mul3A_45 : i32
        %add3A_47 = arith.addi %mul3A_7, %mul3A_46 : i32
        %dma_start3A_48 = arith.constant 0 : i32
        %dma_start3A_49 = tpu.memref_slice %arg5[%add3A_47, %dma_start3A_48] : memref<327680x16xf32, #tpu.memory_space<hbm>> -> memref<128x16xf32, #tpu.memory_space<hbm>>
        %dma_start3A_50 = arith.constant 0 : i32
        %dma_start3A_51 = tpu.memref_slice %arg5[%add3A_47, %dma_start3A_50] : memref<327680x16xf32, #tpu.memory_space<hbm>> -> memref<128x16xf32, #tpu.memory_space<hbm>>
        tpu.enqueue_dma source(%arg8 : memref<128x16xf32, #tpu.memory_space<vmem>>) target(%dma_start3A_51 : memref<128x16xf32, #tpu.memory_space<hbm>>) target_semaphore(%arg16 : memref<!tpu.dma_semaphore, #tpu.memory_space<semaphore_mem>>)
        %add3A_52 = arith.constant 1 : i32
        %add3A_53 = arith.addi %add3A_38, %add3A_52 : i32
        %lt3A = arith.constant 80 : i32
        %lt3A_54 = arith.cmpi slt, %add3A_53, %lt3A : i32
        %convert_element_type3A_55 = arith.extui %lt3A_54 : i1 to i32
        %cond3A_56 = arith.constant 0 : i32
        %cond3A_57 = arith.cmpi ne, %convert_element_type3A_55, %cond3A_56 : i32
        scf.if %cond3A_57 {
          %ge3A = arith.constant 1 : i32
          %ge3A_120 = arith.cmpi sge, %add3A_38, %ge3A : i32
          %convert_element_type3A_121 = arith.extui %ge3A_120 : i1 to i32
          %cond3A_122 = arith.constant 0 : i32
          %cond3A_123 = arith.cmpi ne, %convert_element_type3A_121, %cond3A_122 : i32
          scf.if %cond3A_123 {
            %dma_wait3A_134 = arith.constant 0 : i32
            %dma_wait3A_135 = tpu.memref_slice %arg5[%mul3A_7, %dma_wait3A_134] : memref<327680x16xf32, #tpu.memory_space<hbm>> -> memref<128x16xf32, #tpu.memory_space<hbm>>
            %dma_wait3A_136 = arith.constant 0 : i32
            %dma_wait3A_137 = tpu.memref_slice %arg5[%mul3A_7, %dma_wait3A_136] : memref<327680x16xf32, #tpu.memory_space<hbm>> -> memref<128x16xf32, #tpu.memory_space<hbm>>
            tpu.wait_dma2 semaphore(%arg17 : memref<!tpu.dma_semaphore, #tpu.memory_space<semaphore_mem>>) src(%arg9 : memref<128x16xf32, #tpu.memory_space<vmem>>) dst(%dma_wait3A_137 : memref<128x16xf32, #tpu.memory_space<hbm>>)
          } else {
          }
          %add3A_124 = arith.constant 1 : i32
          %add3A_125 = arith.addi %add3A_38, %add3A_124 : i32
          %mul3A_126 = arith.constant 128 : i32
          %mul3A_127 = arith.muli %add3A_125, %mul3A_126 : i32
          %dma_start3A_128 = arith.constant 0 : i32
          %dma_start3A_129 = tpu.memref_slice %arg7[%dma_start3A_128, %mul3A_127] : memref<2x10240xi32, #tpu.memory_space<vmem>> -> memref<1x128xi32, #tpu.memory_space<vmem>>
          %dma_start3A_130 = tpu.memref_squeeze %dma_start3A_129 : memref<1x128xi32, #tpu.memory_space<vmem>> -> memref<128xi32, #tpu.memory_space<vmem>>
          %dma_start3A_131 = arith.constant 0 : i32
          %dma_start3A_132 = arith.constant 0 : i32
          %dma_start3A_133 = tpu.memref_slice %arg2[%dma_start3A_131, %dma_start3A_132] : memref<10240x16xf32, #tpu.memory_space<hbm>> -> memref<10240x16xf32, #tpu.memory_space<hbm>>
          tpu.enqueue_indirect_dma source(%dma_start3A_133 : memref<10240x16xf32, #tpu.memory_space<hbm>>) target(%arg9 : memref<128x16xf32, #tpu.memory_space<vmem>>) offsets(%dma_start3A_130 : memref<128xi32, #tpu.memory_space<vmem>>) semaphore(%arg13 : memref<!tpu.dma_semaphore, #tpu.memory_space<semaphore_mem>>)
        } else {
        }
        %dma_wait3A_58 = arith.constant 0 : i32
        %dma_wait3A_59 = arith.constant 0 : i32
        %dma_wait3A_60 = tpu.memref_slice %arg2[%dma_wait3A_58, %dma_wait3A_59] : memref<10240x16xf32, #tpu.memory_space<hbm>> -> memref<128x16xf32, #tpu.memory_space<hbm>>
        %dma_wait3A_61 = arith.constant 0 : i32
        %dma_wait3A_62 = arith.constant 0 : i32
        %dma_wait3A_63 = tpu.memref_slice %arg2[%dma_wait3A_61, %dma_wait3A_62] : memref<10240x16xf32, #tpu.memory_space<hbm>> -> memref<128x16xf32, #tpu.memory_space<hbm>>
        tpu.wait_dma2 semaphore(%arg14 : memref<!tpu.dma_semaphore, #tpu.memory_space<semaphore_mem>>) src(%dma_wait3A_63 : memref<128x16xf32, #tpu.memory_space<hbm>>) dst(%arg10 : memref<128x16xf32, #tpu.memory_space<vmem>>)
        %mul3A_64 = arith.constant 128 : i32
        %mul3A_65 = arith.muli %add3A_38, %mul3A_64 : i32
        %add3A_66 = arith.addi %mul3A_7, %mul3A_65 : i32
        %dma_start3A_67 = arith.constant 0 : i32
        %dma_start3A_68 = tpu.memref_slice %arg6[%add3A_66, %dma_start3A_67] : memref<327680x16xf32, #tpu.memory_space<hbm>> -> memref<128x16xf32, #tpu.memory_space<hbm>>
        %dma_start3A_69 = arith.constant 0 : i32
        %dma_start3A_70 = tpu.memref_slice %arg6[%add3A_66, %dma_start3A_69] : memref<327680x16xf32, #tpu.memory_space<hbm>> -> memref<128x16xf32, #tpu.memory_space<hbm>>
        tpu.enqueue_dma source(%arg10 : memref<128x16xf32, #tpu.memory_space<vmem>>) target(%dma_start3A_70 : memref<128x16xf32, #tpu.memory_space<hbm>>) target_semaphore(%arg18 : memref<!tpu.dma_semaphore, #tpu.memory_space<semaphore_mem>>)
        %add3A_71 = arith.constant 1 : i32
        %add3A_72 = arith.addi %add3A_38, %add3A_71 : i32
        %lt3A_73 = arith.constant 80 : i32
        %lt3A_74 = arith.cmpi slt, %add3A_72, %lt3A_73 : i32
        %convert_element_type3A_75 = arith.extui %lt3A_74 : i1 to i32
        %cond3A_76 = arith.constant 0 : i32
        %cond3A_77 = arith.cmpi ne, %convert_element_type3A_75, %cond3A_76 : i32
        scf.if %cond3A_77 {
          %ge3A = arith.constant 1 : i32
          %ge3A_120 = arith.cmpi sge, %add3A_38, %ge3A : i32
          %convert_element_type3A_121 = arith.extui %ge3A_120 : i1 to i32
          %cond3A_122 = arith.constant 0 : i32
          %cond3A_123 = arith.cmpi ne, %convert_element_type3A_121, %cond3A_122 : i32
          scf.if %cond3A_123 {
            %dma_wait3A_134 = arith.constant 0 : i32
            %dma_wait3A_135 = tpu.memref_slice %arg6[%mul3A_7, %dma_wait3A_134] : memref<327680x16xf32, #tpu.memory_space<hbm>> -> memref<128x16xf32, #tpu.memory_space<hbm>>
            %dma_wait3A_136 = arith.constant 0 : i32
            %dma_wait3A_137 = tpu.memref_slice %arg6[%mul3A_7, %dma_wait3A_136] : memref<327680x16xf32, #tpu.memory_space<hbm>> -> memref<128x16xf32, #tpu.memory_space<hbm>>
            tpu.wait_dma2 semaphore(%arg19 : memref<!tpu.dma_semaphore, #tpu.memory_space<semaphore_mem>>) src(%arg11 : memref<128x16xf32, #tpu.memory_space<vmem>>) dst(%dma_wait3A_137 : memref<128x16xf32, #tpu.memory_space<hbm>>)
          } else {
          }
          %add3A_124 = arith.constant 1 : i32
          %add3A_125 = arith.addi %add3A_38, %add3A_124 : i32
          %mul3A_126 = arith.constant 128 : i32
          %mul3A_127 = arith.muli %add3A_125, %mul3A_126 : i32
          %dma_start3A_128 = arith.constant 1 : i32
          %dma_start3A_129 = tpu.memref_slice %arg7[%dma_start3A_128, %mul3A_127] : memref<2x10240xi32, #tpu.memory_space<vmem>> -> memref<1x128xi32, #tpu.memory_space<vmem>>
          %dma_start3A_130 = tpu.memref_squeeze %dma_start3A_129 : memref<1x128xi32, #tpu.memory_space<vmem>> -> memref<128xi32, #tpu.memory_space<vmem>>
          %dma_start3A_131 = arith.constant 0 : i32
          %dma_start3A_132 = arith.constant 0 : i32
          %dma_start3A_133 = tpu.memref_slice %arg2[%dma_start3A_131, %dma_start3A_132] : memref<10240x16xf32, #tpu.memory_space<hbm>> -> memref<10240x16xf32, #tpu.memory_space<hbm>>
          tpu.enqueue_indirect_dma source(%dma_start3A_133 : memref<10240x16xf32, #tpu.memory_space<hbm>>) target(%arg11 : memref<128x16xf32, #tpu.memory_space<vmem>>) offsets(%dma_start3A_130 : memref<128xi32, #tpu.memory_space<vmem>>) semaphore(%arg15 : memref<!tpu.dma_semaphore, #tpu.memory_space<semaphore_mem>>)
        } else {
        }
        %add3A_78 = arith.constant 1 : i32
        %add3A_79 = arith.addi %add3A_36, %add3A_78 : i32
        %dma_wait3A_80 = arith.constant 0 : i32
        %dma_wait3A_81 = arith.constant 0 : i32
        %dma_wait3A_82 = tpu.memref_slice %arg2[%dma_wait3A_80, %dma_wait3A_81] : memref<10240x16xf32, #tpu.memory_space<hbm>> -> memref<128x16xf32, #tpu.memory_space<hbm>>
        %dma_wait3A_83 = arith.constant 0 : i32
        %dma_wait3A_84 = arith.constant 0 : i32
        %dma_wait3A_85 = tpu.memref_slice %arg2[%dma_wait3A_83, %dma_wait3A_84] : memref<10240x16xf32, #tpu.memory_space<hbm>> -> memref<128x16xf32, #tpu.memory_space<hbm>>
        tpu.wait_dma2 semaphore(%arg13 : memref<!tpu.dma_semaphore, #tpu.memory_space<semaphore_mem>>) src(%dma_wait3A_85 : memref<128x16xf32, #tpu.memory_space<hbm>>) dst(%arg9 : memref<128x16xf32, #tpu.memory_space<vmem>>)
        %mul3A_86 = arith.constant 128 : i32
        %mul3A_87 = arith.muli %add3A_79, %mul3A_86 : i32
        %add3A_88 = arith.addi %mul3A_7, %mul3A_87 : i32
        %dma_start3A_89 = arith.constant 0 : i32
        %dma_start3A_90 = tpu.memref_slice %arg5[%add3A_88, %dma_start3A_89] : memref<327680x16xf32, #tpu.memory_space<hbm>> -> memref<128x16xf32, #tpu.memory_space<hbm>>
        %dma_start3A_91 = arith.constant 0 : i32
        %dma_start3A_92 = tpu.memref_slice %arg5[%add3A_88, %dma_start3A_91] : memref<327680x16xf32, #tpu.memory_space<hbm>> -> memref<128x16xf32, #tpu.memory_space<hbm>>
        tpu.enqueue_dma source(%arg9 : memref<128x16xf32, #tpu.memory_space<vmem>>) target(%dma_start3A_92 : memref<128x16xf32, #tpu.memory_space<hbm>>) target_semaphore(%arg17 : memref<!tpu.dma_semaphore, #tpu.memory_space<semaphore_mem>>)
        %add3A_93 = arith.constant 1 : i32
        %add3A_94 = arith.addi %add3A_79, %add3A_93 : i32
        %lt3A_95 = arith.constant 80 : i32
        %lt3A_96 = arith.cmpi slt, %add3A_94, %lt3A_95 : i32
        %convert_element_type3A_97 = arith.extui %lt3A_96 : i1 to i32
        %cond3A_98 = arith.constant 0 : i32
        %cond3A_99 = arith.cmpi ne, %convert_element_type3A_97, %cond3A_98 : i32
        scf.if %cond3A_99 {
          %ge3A = arith.constant 1 : i32
          %ge3A_120 = arith.cmpi sge, %add3A_79, %ge3A : i32
          %convert_element_type3A_121 = arith.extui %ge3A_120 : i1 to i32
          %cond3A_122 = arith.constant 0 : i32
          %cond3A_123 = arith.cmpi ne, %convert_element_type3A_121, %cond3A_122 : i32
          scf.if %cond3A_123 {
            %dma_wait3A_134 = arith.constant 0 : i32
            %dma_wait3A_135 = tpu.memref_slice %arg5[%mul3A_7, %dma_wait3A_134] : memref<327680x16xf32, #tpu.memory_space<hbm>> -> memref<128x16xf32, #tpu.memory_space<hbm>>
            %dma_wait3A_136 = arith.constant 0 : i32
            %dma_wait3A_137 = tpu.memref_slice %arg5[%mul3A_7, %dma_wait3A_136] : memref<327680x16xf32, #tpu.memory_space<hbm>> -> memref<128x16xf32, #tpu.memory_space<hbm>>
            tpu.wait_dma2 semaphore(%arg16 : memref<!tpu.dma_semaphore, #tpu.memory_space<semaphore_mem>>) src(%arg8 : memref<128x16xf32, #tpu.memory_space<vmem>>) dst(%dma_wait3A_137 : memref<128x16xf32, #tpu.memory_space<hbm>>)
          } else {
          }
          %add3A_124 = arith.constant 1 : i32
          %add3A_125 = arith.addi %add3A_79, %add3A_124 : i32
          %mul3A_126 = arith.constant 128 : i32
          %mul3A_127 = arith.muli %add3A_125, %mul3A_126 : i32
          %dma_start3A_128 = arith.constant 0 : i32
          %dma_start3A_129 = tpu.memref_slice %arg7[%dma_start3A_128, %mul3A_127] : memref<2x10240xi32, #tpu.memory_space<vmem>> -> memref<1x128xi32, #tpu.memory_space<vmem>>
          %dma_start3A_130 = tpu.memref_squeeze %dma_start3A_129 : memref<1x128xi32, #tpu.memory_space<vmem>> -> memref<128xi32, #tpu.memory_space<vmem>>
          %dma_start3A_131 = arith.constant 0 : i32
          %dma_start3A_132 = arith.constant 0 : i32
          %dma_start3A_133 = tpu.memref_slice %arg2[%dma_start3A_131, %dma_start3A_132] : memref<10240x16xf32, #tpu.memory_space<hbm>> -> memref<10240x16xf32, #tpu.memory_space<hbm>>
          tpu.enqueue_indirect_dma source(%dma_start3A_133 : memref<10240x16xf32, #tpu.memory_space<hbm>>) target(%arg8 : memref<128x16xf32, #tpu.memory_space<vmem>>) offsets(%dma_start3A_130 : memref<128xi32, #tpu.memory_space<vmem>>) semaphore(%arg12 : memref<!tpu.dma_semaphore, #tpu.memory_space<semaphore_mem>>)
        } else {
        }
        %dma_wait3A_100 = arith.constant 0 : i32
        %dma_wait3A_101 = arith.constant 0 : i32
        %dma_wait3A_102 = tpu.memref_slice %arg2[%dma_wait3A_100, %dma_wait3A_101] : memref<10240x16xf32, #tpu.memory_space<hbm>> -> memref<128x16xf32, #tpu.memory_space<hbm>>
        %dma_wait3A_103 = arith.constant 0 : i32
        %dma_wait3A_104 = arith.constant 0 : i32
        %dma_wait3A_105 = tpu.memref_slice %arg2[%dma_wait3A_103, %dma_wait3A_104] : memref<10240x16xf32, #tpu.memory_space<hbm>> -> memref<128x16xf32, #tpu.memory_space<hbm>>
        tpu.wait_dma2 semaphore(%arg15 : memref<!tpu.dma_semaphore, #tpu.memory_space<semaphore_mem>>) src(%dma_wait3A_105 : memref<128x16xf32, #tpu.memory_space<hbm>>) dst(%arg11 : memref<128x16xf32, #tpu.memory_space<vmem>>)
        %mul3A_106 = arith.constant 128 : i32
        %mul3A_107 = arith.muli %add3A_79, %mul3A_106 : i32
        %add3A_108 = arith.addi %mul3A_7, %mul3A_107 : i32
        %dma_start3A_109 = arith.constant 0 : i32
        %dma_start3A_110 = tpu.memref_slice %arg6[%add3A_108, %dma_start3A_109] : memref<327680x16xf32, #tpu.memory_space<hbm>> -> memref<128x16xf32, #tpu.memory_space<hbm>>
        %dma_start3A_111 = arith.constant 0 : i32
        %dma_start3A_112 = tpu.memref_slice %arg6[%add3A_108, %dma_start3A_111] : memref<327680x16xf32, #tpu.memory_space<hbm>> -> memref<128x16xf32, #tpu.memory_space<hbm>>
        tpu.enqueue_dma source(%arg11 : memref<128x16xf32, #tpu.memory_space<vmem>>) target(%dma_start3A_112 : memref<128x16xf32, #tpu.memory_space<hbm>>) target_semaphore(%arg19 : memref<!tpu.dma_semaphore, #tpu.memory_space<semaphore_mem>>)
        %add3A_113 = arith.constant 1 : i32
        %add3A_114 = arith.addi %add3A_79, %add3A_113 : i32
        %lt3A_115 = arith.constant 80 : i32
        %lt3A_116 = arith.cmpi slt, %add3A_114, %lt3A_115 : i32
        %convert_element_type3A_117 = arith.extui %lt3A_116 : i1 to i32
        %cond3A_118 = arith.constant 0 : i32
        %cond3A_119 = arith.cmpi ne, %convert_element_type3A_117, %cond3A_118 : i32
        scf.if %cond3A_119 {
          %ge3A = arith.constant 1 : i32
          %ge3A_120 = arith.cmpi sge, %add3A_79, %ge3A : i32
          %convert_element_type3A_121 = arith.extui %ge3A_120 : i1 to i32
          %cond3A_122 = arith.constant 0 : i32
          %cond3A_123 = arith.cmpi ne, %convert_element_type3A_121, %cond3A_122 : i32
          scf.if %cond3A_123 {
            %dma_wait3A_134 = arith.constant 0 : i32
            %dma_wait3A_135 = tpu.memref_slice %arg6[%mul3A_7, %dma_wait3A_134] : memref<327680x16xf32, #tpu.memory_space<hbm>> -> memref<128x16xf32, #tpu.memory_space<hbm>>
            %dma_wait3A_136 = arith.constant 0 : i32
            %dma_wait3A_137 = tpu.memref_slice %arg6[%mul3A_7, %dma_wait3A_136] : memref<327680x16xf32, #tpu.memory_space<hbm>> -> memref<128x16xf32, #tpu.memory_space<hbm>>
            tpu.wait_dma2 semaphore(%arg18 : memref<!tpu.dma_semaphore, #tpu.memory_space<semaphore_mem>>) src(%arg10 : memref<128x16xf32, #tpu.memory_space<vmem>>) dst(%dma_wait3A_137 : memref<128x16xf32, #tpu.memory_space<hbm>>)
          } else {
          }
          %add3A_124 = arith.constant 1 : i32
          %add3A_125 = arith.addi %add3A_79, %add3A_124 : i32
          %mul3A_126 = arith.constant 128 : i32
          %mul3A_127 = arith.muli %add3A_125, %mul3A_126 : i32
          %dma_start3A_128 = arith.constant 1 : i32
          %dma_start3A_129 = tpu.memref_slice %arg7[%dma_start3A_128, %mul3A_127] : memref<2x10240xi32, #tpu.memory_space<vmem>> -> memref<1x128xi32, #tpu.memory_space<vmem>>
          %dma_start3A_130 = tpu.memref_squeeze %dma_start3A_129 : memref<1x128xi32, #tpu.memory_space<vmem>> -> memref<128xi32, #tpu.memory_space<vmem>>
          %dma_start3A_131 = arith.constant 0 : i32
          %dma_start3A_132 = arith.constant 0 : i32
          %dma_start3A_133 = tpu.memref_slice %arg2[%dma_start3A_131, %dma_start3A_132] : memref<10240x16xf32, #tpu.memory_space<hbm>> -> memref<10240x16xf32, #tpu.memory_space<hbm>>
          tpu.enqueue_indirect_dma source(%dma_start3A_133 : memref<10240x16xf32, #tpu.memory_space<hbm>>) target(%arg10 : memref<128x16xf32, #tpu.memory_space<vmem>>) offsets(%dma_start3A_130 : memref<128xi32, #tpu.memory_space<vmem>>) semaphore(%arg14 : memref<!tpu.dma_semaphore, #tpu.memory_space<semaphore_mem>>)
        } else {
        }
      }
      %scan3A_25 = arith.constant 40 : i32
      %dma_wait3A = arith.constant 0 : i32
      %dma_wait3A_26 = tpu.memref_slice %arg5[%mul3A_7, %dma_wait3A] : memref<327680x16xf32, #tpu.memory_space<hbm>> -> memref<128x16xf32, #tpu.memory_space<hbm>>
      %dma_wait3A_27 = arith.constant 0 : i32
      %dma_wait3A_28 = tpu.memref_slice %arg5[%mul3A_7, %dma_wait3A_27] : memref<327680x16xf32, #tpu.memory_space<hbm>> -> memref<128x16xf32, #tpu.memory_space<hbm>>
      tpu.wait_dma2 semaphore(%arg17 : memref<!tpu.dma_semaphore, #tpu.memory_space<semaphore_mem>>) src(%arg9 : memref<128x16xf32, #tpu.memory_space<vmem>>) dst(%dma_wait3A_28 : memref<128x16xf32, #tpu.memory_space<hbm>>)
      %dma_wait3A_29 = arith.constant 0 : i32
      %dma_wait3A_30 = tpu.memref_slice %arg6[%mul3A_7, %dma_wait3A_29] : memref<327680x16xf32, #tpu.memory_space<hbm>> -> memref<128x16xf32, #tpu.memory_space<hbm>>
      %dma_wait3A_31 = arith.constant 0 : i32
      %dma_wait3A_32 = tpu.memref_slice %arg6[%mul3A_7, %dma_wait3A_31] : memref<327680x16xf32, #tpu.memory_space<hbm>> -> memref<128x16xf32, #tpu.memory_space<hbm>>
      tpu.wait_dma2 semaphore(%arg19 : memref<!tpu.dma_semaphore, #tpu.memory_space<semaphore_mem>>) src(%arg11 : memref<128x16xf32, #tpu.memory_space<vmem>>) dst(%dma_wait3A_32 : memref<128x16xf32, #tpu.memory_space<hbm>>)
    } else {
    }
    %eq3A_2 = arith.constant 1 : i32
    %eq3A_3 = arith.cmpi eq, %arg0, %eq3A_2 : i32
    %convert_element_type3A_4 = arith.extui %eq3A_3 : i1 to i32
    %cond3A_5 = arith.constant 0 : i32
    %cond3A_6 = arith.cmpi ne, %convert_element_type3A_4, %cond3A_5 : i32
    scf.if %cond3A_6 {
      %mul3A = arith.constant 80 : i32
      %mul3A_7 = arith.muli %arg1, %mul3A : i32
      %add3A = arith.constant 1280 : i32
      %add3A_8 = arith.addi %add3A, %mul3A_7 : i32
      %mul3A_9 = arith.constant 128 : i32
      %mul3A_10 = arith.muli %add3A_8, %mul3A_9 : i32
      %run_scoped3A = arith.constant 0 : i32
      "tpu.region"() ({
        %run_scoped3A_36 = tpu.sem_alloc : memref<!tpu.dma_semaphore, #tpu.memory_space<semaphore_mem>>
        %dma_start3A_37 = arith.constant 0 : i32
        %dma_start3A_38 = tpu.memref_slice %arg7[%run_scoped3A, %dma_start3A_37] : memref<2x10240xi32, #tpu.memory_space<vmem>> -> memref<1x10240xi32, #tpu.memory_space<vmem>>
        %dma_start3A_39 = tpu.memref_squeeze %dma_start3A_38 : memref<1x10240xi32, #tpu.memory_space<vmem>> -> memref<10240xi32, #tpu.memory_space<vmem>>
        %dma_start3A_40 = tpu.memref_slice %arg3[%mul3A_10] : memref<327680xi32, #tpu.memory_space<hbm>> -> memref<10240xi32, #tpu.memory_space<hbm>>
        %dma_start3A_41 = arith.constant 0 : i32
        %dma_start3A_42 = tpu.memref_slice %arg7[%run_scoped3A, %dma_start3A_41] : memref<2x10240xi32, #tpu.memory_space<vmem>> -> memref<1x10240xi32, #tpu.memory_space<vmem>>
        %dma_start3A_43 = tpu.memref_squeeze %dma_start3A_42 : memref<1x10240xi32, #tpu.memory_space<vmem>> -> memref<10240xi32, #tpu.memory_space<vmem>>
        %dma_start3A_44 = tpu.memref_slice %arg3[%mul3A_10] : memref<327680xi32, #tpu.memory_space<hbm>> -> memref<10240xi32, #tpu.memory_space<hbm>>
        tpu.enqueue_dma source(%dma_start3A_44 : memref<10240xi32, #tpu.memory_space<hbm>>) target(%dma_start3A_43 : memref<10240xi32, #tpu.memory_space<vmem>>) target_semaphore(%run_scoped3A_36 : memref<!tpu.dma_semaphore, #tpu.memory_space<semaphore_mem>>)
        %dma_wait3A_45 = arith.constant 0 : i32
        %dma_wait3A_46 = tpu.memref_slice %arg7[%run_scoped3A, %dma_wait3A_45] : memref<2x10240xi32, #tpu.memory_space<vmem>> -> memref<1x10240xi32, #tpu.memory_space<vmem>>
        %dma_wait3A_47 = tpu.memref_squeeze %dma_wait3A_46 : memref<1x10240xi32, #tpu.memory_space<vmem>> -> memref<10240xi32, #tpu.memory_space<vmem>>
        %dma_wait3A_48 = tpu.memref_slice %arg3[%mul3A_10] : memref<327680xi32, #tpu.memory_space<hbm>> -> memref<10240xi32, #tpu.memory_space<hbm>>
        %dma_wait3A_49 = arith.constant 0 : i32
        %dma_wait3A_50 = tpu.memref_slice %arg7[%run_scoped3A, %dma_wait3A_49] : memref<2x10240xi32, #tpu.memory_space<vmem>> -> memref<1x10240xi32, #tpu.memory_space<vmem>>
        %dma_wait3A_51 = tpu.memref_squeeze %dma_wait3A_50 : memref<1x10240xi32, #tpu.memory_space<vmem>> -> memref<10240xi32, #tpu.memory_space<vmem>>
        %dma_wait3A_52 = tpu.memref_slice %arg3[%mul3A_10] : memref<327680xi32, #tpu.memory_space<hbm>> -> memref<10240xi32, #tpu.memory_space<hbm>>
        tpu.wait_dma2 semaphore(%run_scoped3A_36 : memref<!tpu.dma_semaphore, #tpu.memory_space<semaphore_mem>>) src(%dma_wait3A_52 : memref<10240xi32, #tpu.memory_space<hbm>>) dst(%dma_wait3A_51 : memref<10240xi32, #tpu.memory_space<vmem>>)
        tpu.yield
      }) : () -> ()
      %run_scoped3A_11 = arith.constant 1 : i32
      "tpu.region"() ({
        %run_scoped3A_36 = tpu.sem_alloc : memref<!tpu.dma_semaphore, #tpu.memory_space<semaphore_mem>>
        %dma_start3A_37 = arith.constant 0 : i32
        %dma_start3A_38 = tpu.memref_slice %arg7[%run_scoped3A_11, %dma_start3A_37] : memref<2x10240xi32, #tpu.memory_space<vmem>> -> memref<1x10240xi32, #tpu.memory_space<vmem>>
        %dma_start3A_39 = tpu.memref_squeeze %dma_start3A_38 : memref<1x10240xi32, #tpu.memory_space<vmem>> -> memref<10240xi32, #tpu.memory_space<vmem>>
        %dma_start3A_40 = tpu.memref_slice %arg4[%mul3A_10] : memref<327680xi32, #tpu.memory_space<hbm>> -> memref<10240xi32, #tpu.memory_space<hbm>>
        %dma_start3A_41 = arith.constant 0 : i32
        %dma_start3A_42 = tpu.memref_slice %arg7[%run_scoped3A_11, %dma_start3A_41] : memref<2x10240xi32, #tpu.memory_space<vmem>> -> memref<1x10240xi32, #tpu.memory_space<vmem>>
        %dma_start3A_43 = tpu.memref_squeeze %dma_start3A_42 : memref<1x10240xi32, #tpu.memory_space<vmem>> -> memref<10240xi32, #tpu.memory_space<vmem>>
        %dma_start3A_44 = tpu.memref_slice %arg4[%mul3A_10] : memref<327680xi32, #tpu.memory_space<hbm>> -> memref<10240xi32, #tpu.memory_space<hbm>>
        tpu.enqueue_dma source(%dma_start3A_44 : memref<10240xi32, #tpu.memory_space<hbm>>) target(%dma_start3A_43 : memref<10240xi32, #tpu.memory_space<vmem>>) target_semaphore(%run_scoped3A_36 : memref<!tpu.dma_semaphore, #tpu.memory_space<semaphore_mem>>)
        %dma_wait3A_45 = arith.constant 0 : i32
        %dma_wait3A_46 = tpu.memref_slice %arg7[%run_scoped3A_11, %dma_wait3A_45] : memref<2x10240xi32, #tpu.memory_space<vmem>> -> memref<1x10240xi32, #tpu.memory_space<vmem>>
        %dma_wait3A_47 = tpu.memref_squeeze %dma_wait3A_46 : memref<1x10240xi32, #tpu.memory_space<vmem>> -> memref<10240xi32, #tpu.memory_space<vmem>>
        %dma_wait3A_48 = tpu.memref_slice %arg4[%mul3A_10] : memref<327680xi32, #tpu.memory_space<hbm>> -> memref<10240xi32, #tpu.memory_space<hbm>>
        %dma_wait3A_49 = arith.constant 0 : i32
        %dma_wait3A_50 = tpu.memref_slice %arg7[%run_scoped3A_11, %dma_wait3A_49] : memref<2x10240xi32, #tpu.memory_space<vmem>> -> memref<1x10240xi32, #tpu.memory_space<vmem>>
        %dma_wait3A_51 = tpu.memref_squeeze %dma_wait3A_50 : memref<1x10240xi32, #tpu.memory_space<vmem>> -> memref<10240xi32, #tpu.memory_space<vmem>>
        %dma_wait3A_52 = tpu.memref_slice %arg4[%mul3A_10] : memref<327680xi32, #tpu.memory_space<hbm>> -> memref<10240xi32, #tpu.memory_space<hbm>>
        tpu.wait_dma2 semaphore(%run_scoped3A_36 : memref<!tpu.dma_semaphore, #tpu.memory_space<semaphore_mem>>) src(%dma_wait3A_52 : memref<10240xi32, #tpu.memory_space<hbm>>) dst(%dma_wait3A_51 : memref<10240xi32, #tpu.memory_space<vmem>>)
        tpu.yield
      }) : () -> ()
      %dma_start3A = arith.constant 0 : i32
      %dma_start3A_12 = arith.constant 0 : i32
      %dma_start3A_13 = tpu.memref_slice %arg7[%dma_start3A, %dma_start3A_12] : memref<2x10240xi32, #tpu.memory_space<vmem>> -> memref<1x128xi32, #tpu.memory_space<vmem>>
      %dma_start3A_14 = tpu.memref_squeeze %dma_start3A_13 : memref<1x128xi32, #tpu.memory_space<vmem>> -> memref<128xi32, #tpu.memory_space<vmem>>
      %dma_start3A_15 = arith.constant 0 : i32
      %dma_start3A_16 = arith.constant 0 : i32
      %dma_start3A_17 = tpu.memref_slice %arg2[%dma_start3A_15, %dma_start3A_16] : memref<10240x16xf32, #tpu.memory_space<hbm>> -> memref<10240x16xf32, #tpu.memory_space<hbm>>
      tpu.enqueue_indirect_dma source(%dma_start3A_17 : memref<10240x16xf32, #tpu.memory_space<hbm>>) target(%arg8 : memref<128x16xf32, #tpu.memory_space<vmem>>) offsets(%dma_start3A_14 : memref<128xi32, #tpu.memory_space<vmem>>) semaphore(%arg12 : memref<!tpu.dma_semaphore, #tpu.memory_space<semaphore_mem>>)
      %dma_start3A_18 = arith.constant 1 : i32
      %dma_start3A_19 = arith.constant 0 : i32
      %dma_start3A_20 = tpu.memref_slice %arg7[%dma_start3A_18, %dma_start3A_19] : memref<2x10240xi32, #tpu.memory_space<vmem>> -> memref<1x128xi32, #tpu.memory_space<vmem>>
      %dma_start3A_21 = tpu.memref_squeeze %dma_start3A_20 : memref<1x128xi32, #tpu.memory_space<vmem>> -> memref<128xi32, #tpu.memory_space<vmem>>
      %dma_start3A_22 = arith.constant 0 : i32
      %dma_start3A_23 = arith.constant 0 : i32
      %dma_start3A_24 = tpu.memref_slice %arg2[%dma_start3A_22, %dma_start3A_23] : memref<10240x16xf32, #tpu.memory_space<hbm>> -> memref<10240x16xf32, #tpu.memory_space<hbm>>
      tpu.enqueue_indirect_dma source(%dma_start3A_24 : memref<10240x16xf32, #tpu.memory_space<hbm>>) target(%arg10 : memref<128x16xf32, #tpu.memory_space<vmem>>) offsets(%dma_start3A_21 : memref<128xi32, #tpu.memory_space<vmem>>) semaphore(%arg14 : memref<!tpu.dma_semaphore, #tpu.memory_space<semaphore_mem>>)
      %scan3A = arith.constant 0 : i32
      %scan3A_25 = arith.constant 40 : i32
      %scan3A_26 = arith.addi %scan3A, %scan3A_25 : i32
      %scan3A_27 = arith.constant 1 : i32
      scf.for %scan3A_36 = %scan3A to %scan3A_26 step %scan3A_27  : i32 {
        %mul3A_37 = arith.constant 2 : i32
        %mul3A_38 = arith.muli %scan3A_36, %mul3A_37 : i32
        %add3A_39 = arith.constant 0 : i32
        %add3A_40 = arith.addi %add3A_39, %mul3A_38 : i32
        %add3A_41 = arith.constant 0 : i32
        %add3A_42 = arith.addi %add3A_40, %add3A_41 : i32
        %dma_wait3A_43 = arith.constant 0 : i32
        %dma_wait3A_44 = arith.constant 0 : i32
        %dma_wait3A_45 = tpu.memref_slice %arg2[%dma_wait3A_43, %dma_wait3A_44] : memref<10240x16xf32, #tpu.memory_space<hbm>> -> memref<128x16xf32, #tpu.memory_space<hbm>>
        %dma_wait3A_46 = arith.constant 0 : i32
        %dma_wait3A_47 = arith.constant 0 : i32
        %dma_wait3A_48 = tpu.memref_slice %arg2[%dma_wait3A_46, %dma_wait3A_47] : memref<10240x16xf32, #tpu.memory_space<hbm>> -> memref<128x16xf32, #tpu.memory_space<hbm>>
        tpu.wait_dma2 semaphore(%arg12 : memref<!tpu.dma_semaphore, #tpu.memory_space<semaphore_mem>>) src(%dma_wait3A_48 : memref<128x16xf32, #tpu.memory_space<hbm>>) dst(%arg8 : memref<128x16xf32, #tpu.memory_space<vmem>>)
        %mul3A_49 = arith.constant 128 : i32
        %mul3A_50 = arith.muli %add3A_42, %mul3A_49 : i32
        %add3A_51 = arith.addi %mul3A_10, %mul3A_50 : i32
        %dma_start3A_52 = arith.constant 0 : i32
        %dma_start3A_53 = tpu.memref_slice %arg5[%add3A_51, %dma_start3A_52] : memref<327680x16xf32, #tpu.memory_space<hbm>> -> memref<128x16xf32, #tpu.memory_space<hbm>>
        %dma_start3A_54 = arith.constant 0 : i32
        %dma_start3A_55 = tpu.memref_slice %arg5[%add3A_51, %dma_start3A_54] : memref<327680x16xf32, #tpu.memory_space<hbm>> -> memref<128x16xf32, #tpu.memory_space<hbm>>
        tpu.enqueue_dma source(%arg8 : memref<128x16xf32, #tpu.memory_space<vmem>>) target(%dma_start3A_55 : memref<128x16xf32, #tpu.memory_space<hbm>>) target_semaphore(%arg16 : memref<!tpu.dma_semaphore, #tpu.memory_space<semaphore_mem>>)
        %add3A_56 = arith.constant 1 : i32
        %add3A_57 = arith.addi %add3A_42, %add3A_56 : i32
        %lt3A = arith.constant 80 : i32
        %lt3A_58 = arith.cmpi slt, %add3A_57, %lt3A : i32
        %convert_element_type3A_59 = arith.extui %lt3A_58 : i1 to i32
        %cond3A_60 = arith.constant 0 : i32
        %cond3A_61 = arith.cmpi ne, %convert_element_type3A_59, %cond3A_60 : i32
        scf.if %cond3A_61 {
          %ge3A = arith.constant 1 : i32
          %ge3A_124 = arith.cmpi sge, %add3A_42, %ge3A : i32
          %convert_element_type3A_125 = arith.extui %ge3A_124 : i1 to i32
          %cond3A_126 = arith.constant 0 : i32
          %cond3A_127 = arith.cmpi ne, %convert_element_type3A_125, %cond3A_126 : i32
          scf.if %cond3A_127 {
            %dma_wait3A_138 = arith.constant 0 : i32
            %dma_wait3A_139 = tpu.memref_slice %arg5[%mul3A_10, %dma_wait3A_138] : memref<327680x16xf32, #tpu.memory_space<hbm>> -> memref<128x16xf32, #tpu.memory_space<hbm>>
            %dma_wait3A_140 = arith.constant 0 : i32
            %dma_wait3A_141 = tpu.memref_slice %arg5[%mul3A_10, %dma_wait3A_140] : memref<327680x16xf32, #tpu.memory_space<hbm>> -> memref<128x16xf32, #tpu.memory_space<hbm>>
            tpu.wait_dma2 semaphore(%arg17 : memref<!tpu.dma_semaphore, #tpu.memory_space<semaphore_mem>>) src(%arg9 : memref<128x16xf32, #tpu.memory_space<vmem>>) dst(%dma_wait3A_141 : memref<128x16xf32, #tpu.memory_space<hbm>>)
          } else {
          }
          %add3A_128 = arith.constant 1 : i32
          %add3A_129 = arith.addi %add3A_42, %add3A_128 : i32
          %mul3A_130 = arith.constant 128 : i32
          %mul3A_131 = arith.muli %add3A_129, %mul3A_130 : i32
          %dma_start3A_132 = arith.constant 0 : i32
          %dma_start3A_133 = tpu.memref_slice %arg7[%dma_start3A_132, %mul3A_131] : memref<2x10240xi32, #tpu.memory_space<vmem>> -> memref<1x128xi32, #tpu.memory_space<vmem>>
          %dma_start3A_134 = tpu.memref_squeeze %dma_start3A_133 : memref<1x128xi32, #tpu.memory_space<vmem>> -> memref<128xi32, #tpu.memory_space<vmem>>
          %dma_start3A_135 = arith.constant 0 : i32
          %dma_start3A_136 = arith.constant 0 : i32
          %dma_start3A_137 = tpu.memref_slice %arg2[%dma_start3A_135, %dma_start3A_136] : memref<10240x16xf32, #tpu.memory_space<hbm>> -> memref<10240x16xf32, #tpu.memory_space<hbm>>
          tpu.enqueue_indirect_dma source(%dma_start3A_137 : memref<10240x16xf32, #tpu.memory_space<hbm>>) target(%arg9 : memref<128x16xf32, #tpu.memory_space<vmem>>) offsets(%dma_start3A_134 : memref<128xi32, #tpu.memory_space<vmem>>) semaphore(%arg13 : memref<!tpu.dma_semaphore, #tpu.memory_space<semaphore_mem>>)
        } else {
        }
        %dma_wait3A_62 = arith.constant 0 : i32
        %dma_wait3A_63 = arith.constant 0 : i32
        %dma_wait3A_64 = tpu.memref_slice %arg2[%dma_wait3A_62, %dma_wait3A_63] : memref<10240x16xf32, #tpu.memory_space<hbm>> -> memref<128x16xf32, #tpu.memory_space<hbm>>
        %dma_wait3A_65 = arith.constant 0 : i32
        %dma_wait3A_66 = arith.constant 0 : i32
        %dma_wait3A_67 = tpu.memref_slice %arg2[%dma_wait3A_65, %dma_wait3A_66] : memref<10240x16xf32, #tpu.memory_space<hbm>> -> memref<128x16xf32, #tpu.memory_space<hbm>>
        tpu.wait_dma2 semaphore(%arg14 : memref<!tpu.dma_semaphore, #tpu.memory_space<semaphore_mem>>) src(%dma_wait3A_67 : memref<128x16xf32, #tpu.memory_space<hbm>>) dst(%arg10 : memref<128x16xf32, #tpu.memory_space<vmem>>)
        %mul3A_68 = arith.constant 128 : i32
        %mul3A_69 = arith.muli %add3A_42, %mul3A_68 : i32
        %add3A_70 = arith.addi %mul3A_10, %mul3A_69 : i32
        %dma_start3A_71 = arith.constant 0 : i32
        %dma_start3A_72 = tpu.memref_slice %arg6[%add3A_70, %dma_start3A_71] : memref<327680x16xf32, #tpu.memory_space<hbm>> -> memref<128x16xf32, #tpu.memory_space<hbm>>
        %dma_start3A_73 = arith.constant 0 : i32
        %dma_start3A_74 = tpu.memref_slice %arg6[%add3A_70, %dma_start3A_73] : memref<327680x16xf32, #tpu.memory_space<hbm>> -> memref<128x16xf32, #tpu.memory_space<hbm>>
        tpu.enqueue_dma source(%arg10 : memref<128x16xf32, #tpu.memory_space<vmem>>) target(%dma_start3A_74 : memref<128x16xf32, #tpu.memory_space<hbm>>) target_semaphore(%arg18 : memref<!tpu.dma_semaphore, #tpu.memory_space<semaphore_mem>>)
        %add3A_75 = arith.constant 1 : i32
        %add3A_76 = arith.addi %add3A_42, %add3A_75 : i32
        %lt3A_77 = arith.constant 80 : i32
        %lt3A_78 = arith.cmpi slt, %add3A_76, %lt3A_77 : i32
        %convert_element_type3A_79 = arith.extui %lt3A_78 : i1 to i32
        %cond3A_80 = arith.constant 0 : i32
        %cond3A_81 = arith.cmpi ne, %convert_element_type3A_79, %cond3A_80 : i32
        scf.if %cond3A_81 {
          %ge3A = arith.constant 1 : i32
          %ge3A_124 = arith.cmpi sge, %add3A_42, %ge3A : i32
          %convert_element_type3A_125 = arith.extui %ge3A_124 : i1 to i32
          %cond3A_126 = arith.constant 0 : i32
          %cond3A_127 = arith.cmpi ne, %convert_element_type3A_125, %cond3A_126 : i32
          scf.if %cond3A_127 {
            %dma_wait3A_138 = arith.constant 0 : i32
            %dma_wait3A_139 = tpu.memref_slice %arg6[%mul3A_10, %dma_wait3A_138] : memref<327680x16xf32, #tpu.memory_space<hbm>> -> memref<128x16xf32, #tpu.memory_space<hbm>>
            %dma_wait3A_140 = arith.constant 0 : i32
            %dma_wait3A_141 = tpu.memref_slice %arg6[%mul3A_10, %dma_wait3A_140] : memref<327680x16xf32, #tpu.memory_space<hbm>> -> memref<128x16xf32, #tpu.memory_space<hbm>>
            tpu.wait_dma2 semaphore(%arg19 : memref<!tpu.dma_semaphore, #tpu.memory_space<semaphore_mem>>) src(%arg11 : memref<128x16xf32, #tpu.memory_space<vmem>>) dst(%dma_wait3A_141 : memref<128x16xf32, #tpu.memory_space<hbm>>)
          } else {
          }
          %add3A_128 = arith.constant 1 : i32
          %add3A_129 = arith.addi %add3A_42, %add3A_128 : i32
          %mul3A_130 = arith.constant 128 : i32
          %mul3A_131 = arith.muli %add3A_129, %mul3A_130 : i32
          %dma_start3A_132 = arith.constant 1 : i32
          %dma_start3A_133 = tpu.memref_slice %arg7[%dma_start3A_132, %mul3A_131] : memref<2x10240xi32, #tpu.memory_space<vmem>> -> memref<1x128xi32, #tpu.memory_space<vmem>>
          %dma_start3A_134 = tpu.memref_squeeze %dma_start3A_133 : memref<1x128xi32, #tpu.memory_space<vmem>> -> memref<128xi32, #tpu.memory_space<vmem>>
          %dma_start3A_135 = arith.constant 0 : i32
          %dma_start3A_136 = arith.constant 0 : i32
          %dma_start3A_137 = tpu.memref_slice %arg2[%dma_start3A_135, %dma_start3A_136] : memref<10240x16xf32, #tpu.memory_space<hbm>> -> memref<10240x16xf32, #tpu.memory_space<hbm>>
          tpu.enqueue_indirect_dma source(%dma_start3A_137 : memref<10240x16xf32, #tpu.memory_space<hbm>>) target(%arg11 : memref<128x16xf32, #tpu.memory_space<vmem>>) offsets(%dma_start3A_134 : memref<128xi32, #tpu.memory_space<vmem>>) semaphore(%arg15 : memref<!tpu.dma_semaphore, #tpu.memory_space<semaphore_mem>>)
        } else {
        }
        %add3A_82 = arith.constant 1 : i32
        %add3A_83 = arith.addi %add3A_40, %add3A_82 : i32
        %dma_wait3A_84 = arith.constant 0 : i32
        %dma_wait3A_85 = arith.constant 0 : i32
        %dma_wait3A_86 = tpu.memref_slice %arg2[%dma_wait3A_84, %dma_wait3A_85] : memref<10240x16xf32, #tpu.memory_space<hbm>> -> memref<128x16xf32, #tpu.memory_space<hbm>>
        %dma_wait3A_87 = arith.constant 0 : i32
        %dma_wait3A_88 = arith.constant 0 : i32
        %dma_wait3A_89 = tpu.memref_slice %arg2[%dma_wait3A_87, %dma_wait3A_88] : memref<10240x16xf32, #tpu.memory_space<hbm>> -> memref<128x16xf32, #tpu.memory_space<hbm>>
        tpu.wait_dma2 semaphore(%arg13 : memref<!tpu.dma_semaphore, #tpu.memory_space<semaphore_mem>>) src(%dma_wait3A_89 : memref<128x16xf32, #tpu.memory_space<hbm>>) dst(%arg9 : memref<128x16xf32, #tpu.memory_space<vmem>>)
        %mul3A_90 = arith.constant 128 : i32
        %mul3A_91 = arith.muli %add3A_83, %mul3A_90 : i32
        %add3A_92 = arith.addi %mul3A_10, %mul3A_91 : i32
        %dma_start3A_93 = arith.constant 0 : i32
        %dma_start3A_94 = tpu.memref_slice %arg5[%add3A_92, %dma_start3A_93] : memref<327680x16xf32, #tpu.memory_space<hbm>> -> memref<128x16xf32, #tpu.memory_space<hbm>>
        %dma_start3A_95 = arith.constant 0 : i32
        %dma_start3A_96 = tpu.memref_slice %arg5[%add3A_92, %dma_start3A_95] : memref<327680x16xf32, #tpu.memory_space<hbm>> -> memref<128x16xf32, #tpu.memory_space<hbm>>
        tpu.enqueue_dma source(%arg9 : memref<128x16xf32, #tpu.memory_space<vmem>>) target(%dma_start3A_96 : memref<128x16xf32, #tpu.memory_space<hbm>>) target_semaphore(%arg17 : memref<!tpu.dma_semaphore, #tpu.memory_space<semaphore_mem>>)
        %add3A_97 = arith.constant 1 : i32
        %add3A_98 = arith.addi %add3A_83, %add3A_97 : i32
        %lt3A_99 = arith.constant 80 : i32
        %lt3A_100 = arith.cmpi slt, %add3A_98, %lt3A_99 : i32
        %convert_element_type3A_101 = arith.extui %lt3A_100 : i1 to i32
        %cond3A_102 = arith.constant 0 : i32
        %cond3A_103 = arith.cmpi ne, %convert_element_type3A_101, %cond3A_102 : i32
        scf.if %cond3A_103 {
          %ge3A = arith.constant 1 : i32
          %ge3A_124 = arith.cmpi sge, %add3A_83, %ge3A : i32
          %convert_element_type3A_125 = arith.extui %ge3A_124 : i1 to i32
          %cond3A_126 = arith.constant 0 : i32
          %cond3A_127 = arith.cmpi ne, %convert_element_type3A_125, %cond3A_126 : i32
          scf.if %cond3A_127 {
            %dma_wait3A_138 = arith.constant 0 : i32
            %dma_wait3A_139 = tpu.memref_slice %arg5[%mul3A_10, %dma_wait3A_138] : memref<327680x16xf32, #tpu.memory_space<hbm>> -> memref<128x16xf32, #tpu.memory_space<hbm>>
            %dma_wait3A_140 = arith.constant 0 : i32
            %dma_wait3A_141 = tpu.memref_slice %arg5[%mul3A_10, %dma_wait3A_140] : memref<327680x16xf32, #tpu.memory_space<hbm>> -> memref<128x16xf32, #tpu.memory_space<hbm>>
            tpu.wait_dma2 semaphore(%arg16 : memref<!tpu.dma_semaphore, #tpu.memory_space<semaphore_mem>>) src(%arg8 : memref<128x16xf32, #tpu.memory_space<vmem>>) dst(%dma_wait3A_141 : memref<128x16xf32, #tpu.memory_space<hbm>>)
          } else {
          }
          %add3A_128 = arith.constant 1 : i32
          %add3A_129 = arith.addi %add3A_83, %add3A_128 : i32
          %mul3A_130 = arith.constant 128 : i32
          %mul3A_131 = arith.muli %add3A_129, %mul3A_130 : i32
          %dma_start3A_132 = arith.constant 0 : i32
          %dma_start3A_133 = tpu.memref_slice %arg7[%dma_start3A_132, %mul3A_131] : memref<2x10240xi32, #tpu.memory_space<vmem>> -> memref<1x128xi32, #tpu.memory_space<vmem>>
          %dma_start3A_134 = tpu.memref_squeeze %dma_start3A_133 : memref<1x128xi32, #tpu.memory_space<vmem>> -> memref<128xi32, #tpu.memory_space<vmem>>
          %dma_start3A_135 = arith.constant 0 : i32
          %dma_start3A_136 = arith.constant 0 : i32
          %dma_start3A_137 = tpu.memref_slice %arg2[%dma_start3A_135, %dma_start3A_136] : memref<10240x16xf32, #tpu.memory_space<hbm>> -> memref<10240x16xf32, #tpu.memory_space<hbm>>
          tpu.enqueue_indirect_dma source(%dma_start3A_137 : memref<10240x16xf32, #tpu.memory_space<hbm>>) target(%arg8 : memref<128x16xf32, #tpu.memory_space<vmem>>) offsets(%dma_start3A_134 : memref<128xi32, #tpu.memory_space<vmem>>) semaphore(%arg12 : memref<!tpu.dma_semaphore, #tpu.memory_space<semaphore_mem>>)
        } else {
        }
        %dma_wait3A_104 = arith.constant 0 : i32
        %dma_wait3A_105 = arith.constant 0 : i32
        %dma_wait3A_106 = tpu.memref_slice %arg2[%dma_wait3A_104, %dma_wait3A_105] : memref<10240x16xf32, #tpu.memory_space<hbm>> -> memref<128x16xf32, #tpu.memory_space<hbm>>
        %dma_wait3A_107 = arith.constant 0 : i32
        %dma_wait3A_108 = arith.constant 0 : i32
        %dma_wait3A_109 = tpu.memref_slice %arg2[%dma_wait3A_107, %dma_wait3A_108] : memref<10240x16xf32, #tpu.memory_space<hbm>> -> memref<128x16xf32, #tpu.memory_space<hbm>>
        tpu.wait_dma2 semaphore(%arg15 : memref<!tpu.dma_semaphore, #tpu.memory_space<semaphore_mem>>) src(%dma_wait3A_109 : memref<128x16xf32, #tpu.memory_space<hbm>>) dst(%arg11 : memref<128x16xf32, #tpu.memory_space<vmem>>)
        %mul3A_110 = arith.constant 128 : i32
        %mul3A_111 = arith.muli %add3A_83, %mul3A_110 : i32
        %add3A_112 = arith.addi %mul3A_10, %mul3A_111 : i32
        %dma_start3A_113 = arith.constant 0 : i32
        %dma_start3A_114 = tpu.memref_slice %arg6[%add3A_112, %dma_start3A_113] : memref<327680x16xf32, #tpu.memory_space<hbm>> -> memref<128x16xf32, #tpu.memory_space<hbm>>
        %dma_start3A_115 = arith.constant 0 : i32
        %dma_start3A_116 = tpu.memref_slice %arg6[%add3A_112, %dma_start3A_115] : memref<327680x16xf32, #tpu.memory_space<hbm>> -> memref<128x16xf32, #tpu.memory_space<hbm>>
        tpu.enqueue_dma source(%arg11 : memref<128x16xf32, #tpu.memory_space<vmem>>) target(%dma_start3A_116 : memref<128x16xf32, #tpu.memory_space<hbm>>) target_semaphore(%arg19 : memref<!tpu.dma_semaphore, #tpu.memory_space<semaphore_mem>>)
        %add3A_117 = arith.constant 1 : i32
        %add3A_118 = arith.addi %add3A_83, %add3A_117 : i32
        %lt3A_119 = arith.constant 80 : i32
        %lt3A_120 = arith.cmpi slt, %add3A_118, %lt3A_119 : i32
        %convert_element_type3A_121 = arith.extui %lt3A_120 : i1 to i32
        %cond3A_122 = arith.constant 0 : i32
        %cond3A_123 = arith.cmpi ne, %convert_element_type3A_121, %cond3A_122 : i32
        scf.if %cond3A_123 {
          %ge3A = arith.constant 1 : i32
          %ge3A_124 = arith.cmpi sge, %add3A_83, %ge3A : i32
          %convert_element_type3A_125 = arith.extui %ge3A_124 : i1 to i32
          %cond3A_126 = arith.constant 0 : i32
          %cond3A_127 = arith.cmpi ne, %convert_element_type3A_125, %cond3A_126 : i32
          scf.if %cond3A_127 {
            %dma_wait3A_138 = arith.constant 0 : i32
            %dma_wait3A_139 = tpu.memref_slice %arg6[%mul3A_10, %dma_wait3A_138] : memref<327680x16xf32, #tpu.memory_space<hbm>> -> memref<128x16xf32, #tpu.memory_space<hbm>>
            %dma_wait3A_140 = arith.constant 0 : i32
            %dma_wait3A_141 = tpu.memref_slice %arg6[%mul3A_10, %dma_wait3A_140] : memref<327680x16xf32, #tpu.memory_space<hbm>> -> memref<128x16xf32, #tpu.memory_space<hbm>>
            tpu.wait_dma2 semaphore(%arg18 : memref<!tpu.dma_semaphore, #tpu.memory_space<semaphore_mem>>) src(%arg10 : memref<128x16xf32, #tpu.memory_space<vmem>>) dst(%dma_wait3A_141 : memref<128x16xf32, #tpu.memory_space<hbm>>)
          } else {
          }
          %add3A_128 = arith.constant 1 : i32
          %add3A_129 = arith.addi %add3A_83, %add3A_128 : i32
          %mul3A_130 = arith.constant 128 : i32
          %mul3A_131 = arith.muli %add3A_129, %mul3A_130 : i32
          %dma_start3A_132 = arith.constant 1 : i32
          %dma_start3A_133 = tpu.memref_slice %arg7[%dma_start3A_132, %mul3A_131] : memref<2x10240xi32, #tpu.memory_space<vmem>> -> memref<1x128xi32, #tpu.memory_space<vmem>>
          %dma_start3A_134 = tpu.memref_squeeze %dma_start3A_133 : memref<1x128xi32, #tpu.memory_space<vmem>> -> memref<128xi32, #tpu.memory_space<vmem>>
          %dma_start3A_135 = arith.constant 0 : i32
          %dma_start3A_136 = arith.constant 0 : i32
          %dma_start3A_137 = tpu.memref_slice %arg2[%dma_start3A_135, %dma_start3A_136] : memref<10240x16xf32, #tpu.memory_space<hbm>> -> memref<10240x16xf32, #tpu.memory_space<hbm>>
          tpu.enqueue_indirect_dma source(%dma_start3A_137 : memref<10240x16xf32, #tpu.memory_space<hbm>>) target(%arg10 : memref<128x16xf32, #tpu.memory_space<vmem>>) offsets(%dma_start3A_134 : memref<128xi32, #tpu.memory_space<vmem>>) semaphore(%arg14 : memref<!tpu.dma_semaphore, #tpu.memory_space<semaphore_mem>>)
        } else {
        }
      }
      %scan3A_28 = arith.constant 40 : i32
      %dma_wait3A = arith.constant 0 : i32
      %dma_wait3A_29 = tpu.memref_slice %arg5[%mul3A_10, %dma_wait3A] : memref<327680x16xf32, #tpu.memory_space<hbm>> -> memref<128x16xf32, #tpu.memory_space<hbm>>
      %dma_wait3A_30 = arith.constant 0 : i32
      %dma_wait3A_31 = tpu.memref_slice %arg5[%mul3A_10, %dma_wait3A_30] : memref<327680x16xf32, #tpu.memory_space<hbm>> -> memref<128x16xf32, #tpu.memory_space<hbm>>
      tpu.wait_dma2 semaphore(%arg17 : memref<!tpu.dma_semaphore, #tpu.memory_space<semaphore_mem>>) src(%arg9 : memref<128x16xf32, #tpu.memory_space<vmem>>) dst(%dma_wait3A_31 : memref<128x16xf32, #tpu.memory_space<hbm>>)
      %dma_wait3A_32 = arith.constant 0 : i32
      %dma_wait3A_33 = tpu.memref_slice %arg6[%mul3A_10, %dma_wait3A_32] : memref<327680x16xf32, #tpu.memory_space<hbm>> -> memref<128x16xf32, #tpu.memory_space<hbm>>
      %dma_wait3A_34 = arith.constant 0 : i32
      %dma_wait3A_35 = tpu.memref_slice %arg6[%mul3A_10, %dma_wait3A_34] : memref<327680x16xf32, #tpu.memory_space<hbm>> -> memref<128x16xf32, #tpu.memory_space<hbm>>
      tpu.wait_dma2 semaphore(%arg19 : memref<!tpu.dma_semaphore, #tpu.memory_space<semaphore_mem>>) src(%arg11 : memref<128x16xf32, #tpu.memory_space<vmem>>) dst(%dma_wait3A_35 : memref<128x16xf32, #tpu.memory_space<hbm>>)
    } else {
    }
    return
  }
}

#map = affine_map<(d0, d1) -> (0, 0)>
#map1 = affine_map<(d0, d1) -> (0)>
module attributes {stable_mosaic.version = 14 : i64} {
  func.func @sc_gather2_64(%arg0: i32, %arg1: i32, %arg2: memref<10240x64xf32, #tpu.memory_space<hbm>>, %arg3: memref<327680xi32, #tpu.memory_space<hbm>>, %arg4: memref<327680xi32, #tpu.memory_space<hbm>>, %arg5: memref<327680x64xf32, #tpu.memory_space<hbm>>, %arg6: memref<327680x64xf32, #tpu.memory_space<hbm>>, %arg7: memref<2x20480xi32, #tpu.memory_space<vmem>>, %arg8: memref<128x64xf32, #tpu.memory_space<vmem>>, %arg9: memref<128x64xf32, #tpu.memory_space<vmem>>, %arg10: memref<128x64xf32, #tpu.memory_space<vmem>>, %arg11: memref<128x64xf32, #tpu.memory_space<vmem>>, %arg12: memref<!tpu.dma_semaphore, #tpu.memory_space<semaphore_mem>>, %arg13: memref<!tpu.dma_semaphore, #tpu.memory_space<semaphore_mem>>, %arg14: memref<!tpu.dma_semaphore, #tpu.memory_space<semaphore_mem>>, %arg15: memref<!tpu.dma_semaphore, #tpu.memory_space<semaphore_mem>>, %arg16: memref<!tpu.dma_semaphore, #tpu.memory_space<semaphore_mem>>, %arg17: memref<!tpu.dma_semaphore, #tpu.memory_space<semaphore_mem>>, %arg18: memref<!tpu.dma_semaphore, #tpu.memory_space<semaphore_mem>>, %arg19: memref<!tpu.dma_semaphore, #tpu.memory_space<semaphore_mem>>) attributes {dimension_semantics = [#tpu.dimension_semantics<core_parallel>, #tpu.dimension_semantics<subcore_parallel>], iteration_bounds = array<i64: 2, 16>, scalar_prefetch = 0 : i64, scratch_operands = 13 : i64, tpu.core_type = #tpu.core_type<sc_vector_subcore>, window_params = [{transform_indices = #map}, {transform_indices = #map1}, {transform_indices = #map1}, {transform_indices = #map}, {transform_indices = #map}]} {
    %eq3A = arith.constant 0 : i32
    %eq3A_0 = arith.cmpi eq, %arg0, %eq3A : i32
    %convert_element_type3A = arith.extui %eq3A_0 : i1 to i32
    %cond3A = arith.constant 0 : i32
    %cond3A_1 = arith.cmpi ne, %convert_element_type3A, %cond3A : i32
    scf.if %cond3A_1 {
      %mul3A = arith.constant 20480 : i32
      %mul3A_7 = arith.muli %arg1, %mul3A : i32
      %run_scoped3A = arith.constant 0 : i32
      "tpu.region"() ({
        %run_scoped3A_33 = tpu.sem_alloc : memref<!tpu.dma_semaphore, #tpu.memory_space<semaphore_mem>>
        %dma_start3A_34 = arith.constant 0 : i32
        %dma_start3A_35 = tpu.memref_slice %arg7[%run_scoped3A, %dma_start3A_34] : memref<2x20480xi32, #tpu.memory_space<vmem>> -> memref<1x20480xi32, #tpu.memory_space<vmem>>
        %dma_start3A_36 = tpu.memref_squeeze %dma_start3A_35 : memref<1x20480xi32, #tpu.memory_space<vmem>> -> memref<20480xi32, #tpu.memory_space<vmem>>
        %dma_start3A_37 = tpu.memref_slice %arg3[%mul3A_7] : memref<327680xi32, #tpu.memory_space<hbm>> -> memref<20480xi32, #tpu.memory_space<hbm>>
        %dma_start3A_38 = arith.constant 0 : i32
        %dma_start3A_39 = tpu.memref_slice %arg7[%run_scoped3A, %dma_start3A_38] : memref<2x20480xi32, #tpu.memory_space<vmem>> -> memref<1x20480xi32, #tpu.memory_space<vmem>>
        %dma_start3A_40 = tpu.memref_squeeze %dma_start3A_39 : memref<1x20480xi32, #tpu.memory_space<vmem>> -> memref<20480xi32, #tpu.memory_space<vmem>>
        %dma_start3A_41 = tpu.memref_slice %arg3[%mul3A_7] : memref<327680xi32, #tpu.memory_space<hbm>> -> memref<20480xi32, #tpu.memory_space<hbm>>
        tpu.enqueue_dma source(%dma_start3A_41 : memref<20480xi32, #tpu.memory_space<hbm>>) target(%dma_start3A_40 : memref<20480xi32, #tpu.memory_space<vmem>>) target_semaphore(%run_scoped3A_33 : memref<!tpu.dma_semaphore, #tpu.memory_space<semaphore_mem>>)
        %dma_wait3A_42 = arith.constant 0 : i32
        %dma_wait3A_43 = tpu.memref_slice %arg7[%run_scoped3A, %dma_wait3A_42] : memref<2x20480xi32, #tpu.memory_space<vmem>> -> memref<1x20480xi32, #tpu.memory_space<vmem>>
        %dma_wait3A_44 = tpu.memref_squeeze %dma_wait3A_43 : memref<1x20480xi32, #tpu.memory_space<vmem>> -> memref<20480xi32, #tpu.memory_space<vmem>>
        %dma_wait3A_45 = tpu.memref_slice %arg3[%mul3A_7] : memref<327680xi32, #tpu.memory_space<hbm>> -> memref<20480xi32, #tpu.memory_space<hbm>>
        %dma_wait3A_46 = arith.constant 0 : i32
        %dma_wait3A_47 = tpu.memref_slice %arg7[%run_scoped3A, %dma_wait3A_46] : memref<2x20480xi32, #tpu.memory_space<vmem>> -> memref<1x20480xi32, #tpu.memory_space<vmem>>
        %dma_wait3A_48 = tpu.memref_squeeze %dma_wait3A_47 : memref<1x20480xi32, #tpu.memory_space<vmem>> -> memref<20480xi32, #tpu.memory_space<vmem>>
        %dma_wait3A_49 = tpu.memref_slice %arg3[%mul3A_7] : memref<327680xi32, #tpu.memory_space<hbm>> -> memref<20480xi32, #tpu.memory_space<hbm>>
        tpu.wait_dma2 semaphore(%run_scoped3A_33 : memref<!tpu.dma_semaphore, #tpu.memory_space<semaphore_mem>>) src(%dma_wait3A_49 : memref<20480xi32, #tpu.memory_space<hbm>>) dst(%dma_wait3A_48 : memref<20480xi32, #tpu.memory_space<vmem>>)
        tpu.yield
      }) : () -> ()
      %run_scoped3A_8 = arith.constant 1 : i32
      "tpu.region"() ({
        %run_scoped3A_33 = tpu.sem_alloc : memref<!tpu.dma_semaphore, #tpu.memory_space<semaphore_mem>>
        %dma_start3A_34 = arith.constant 0 : i32
        %dma_start3A_35 = tpu.memref_slice %arg7[%run_scoped3A_8, %dma_start3A_34] : memref<2x20480xi32, #tpu.memory_space<vmem>> -> memref<1x20480xi32, #tpu.memory_space<vmem>>
        %dma_start3A_36 = tpu.memref_squeeze %dma_start3A_35 : memref<1x20480xi32, #tpu.memory_space<vmem>> -> memref<20480xi32, #tpu.memory_space<vmem>>
        %dma_start3A_37 = tpu.memref_slice %arg4[%mul3A_7] : memref<327680xi32, #tpu.memory_space<hbm>> -> memref<20480xi32, #tpu.memory_space<hbm>>
        %dma_start3A_38 = arith.constant 0 : i32
        %dma_start3A_39 = tpu.memref_slice %arg7[%run_scoped3A_8, %dma_start3A_38] : memref<2x20480xi32, #tpu.memory_space<vmem>> -> memref<1x20480xi32, #tpu.memory_space<vmem>>
        %dma_start3A_40 = tpu.memref_squeeze %dma_start3A_39 : memref<1x20480xi32, #tpu.memory_space<vmem>> -> memref<20480xi32, #tpu.memory_space<vmem>>
        %dma_start3A_41 = tpu.memref_slice %arg4[%mul3A_7] : memref<327680xi32, #tpu.memory_space<hbm>> -> memref<20480xi32, #tpu.memory_space<hbm>>
        tpu.enqueue_dma source(%dma_start3A_41 : memref<20480xi32, #tpu.memory_space<hbm>>) target(%dma_start3A_40 : memref<20480xi32, #tpu.memory_space<vmem>>) target_semaphore(%run_scoped3A_33 : memref<!tpu.dma_semaphore, #tpu.memory_space<semaphore_mem>>)
        %dma_wait3A_42 = arith.constant 0 : i32
        %dma_wait3A_43 = tpu.memref_slice %arg7[%run_scoped3A_8, %dma_wait3A_42] : memref<2x20480xi32, #tpu.memory_space<vmem>> -> memref<1x20480xi32, #tpu.memory_space<vmem>>
        %dma_wait3A_44 = tpu.memref_squeeze %dma_wait3A_43 : memref<1x20480xi32, #tpu.memory_space<vmem>> -> memref<20480xi32, #tpu.memory_space<vmem>>
        %dma_wait3A_45 = tpu.memref_slice %arg4[%mul3A_7] : memref<327680xi32, #tpu.memory_space<hbm>> -> memref<20480xi32, #tpu.memory_space<hbm>>
        %dma_wait3A_46 = arith.constant 0 : i32
        %dma_wait3A_47 = tpu.memref_slice %arg7[%run_scoped3A_8, %dma_wait3A_46] : memref<2x20480xi32, #tpu.memory_space<vmem>> -> memref<1x20480xi32, #tpu.memory_space<vmem>>
        %dma_wait3A_48 = tpu.memref_squeeze %dma_wait3A_47 : memref<1x20480xi32, #tpu.memory_space<vmem>> -> memref<20480xi32, #tpu.memory_space<vmem>>
        %dma_wait3A_49 = tpu.memref_slice %arg4[%mul3A_7] : memref<327680xi32, #tpu.memory_space<hbm>> -> memref<20480xi32, #tpu.memory_space<hbm>>
        tpu.wait_dma2 semaphore(%run_scoped3A_33 : memref<!tpu.dma_semaphore, #tpu.memory_space<semaphore_mem>>) src(%dma_wait3A_49 : memref<20480xi32, #tpu.memory_space<hbm>>) dst(%dma_wait3A_48 : memref<20480xi32, #tpu.memory_space<vmem>>)
        tpu.yield
      }) : () -> ()
      %dma_start3A = arith.constant 0 : i32
      %dma_start3A_9 = arith.constant 0 : i32
      %dma_start3A_10 = tpu.memref_slice %arg7[%dma_start3A, %dma_start3A_9] : memref<2x20480xi32, #tpu.memory_space<vmem>> -> memref<1x128xi32, #tpu.memory_space<vmem>>
      %dma_start3A_11 = tpu.memref_squeeze %dma_start3A_10 : memref<1x128xi32, #tpu.memory_space<vmem>> -> memref<128xi32, #tpu.memory_space<vmem>>
      %dma_start3A_12 = arith.constant 0 : i32
      %dma_start3A_13 = arith.constant 0 : i32
      %dma_start3A_14 = tpu.memref_slice %arg2[%dma_start3A_12, %dma_start3A_13] : memref<10240x64xf32, #tpu.memory_space<hbm>> -> memref<10240x64xf32, #tpu.memory_space<hbm>>
      tpu.enqueue_indirect_dma source(%dma_start3A_14 : memref<10240x64xf32, #tpu.memory_space<hbm>>) target(%arg8 : memref<128x64xf32, #tpu.memory_space<vmem>>) offsets(%dma_start3A_11 : memref<128xi32, #tpu.memory_space<vmem>>) semaphore(%arg12 : memref<!tpu.dma_semaphore, #tpu.memory_space<semaphore_mem>>)
      %dma_start3A_15 = arith.constant 1 : i32
      %dma_start3A_16 = arith.constant 0 : i32
      %dma_start3A_17 = tpu.memref_slice %arg7[%dma_start3A_15, %dma_start3A_16] : memref<2x20480xi32, #tpu.memory_space<vmem>> -> memref<1x128xi32, #tpu.memory_space<vmem>>
      %dma_start3A_18 = tpu.memref_squeeze %dma_start3A_17 : memref<1x128xi32, #tpu.memory_space<vmem>> -> memref<128xi32, #tpu.memory_space<vmem>>
      %dma_start3A_19 = arith.constant 0 : i32
      %dma_start3A_20 = arith.constant 0 : i32
      %dma_start3A_21 = tpu.memref_slice %arg2[%dma_start3A_19, %dma_start3A_20] : memref<10240x64xf32, #tpu.memory_space<hbm>> -> memref<10240x64xf32, #tpu.memory_space<hbm>>
      tpu.enqueue_indirect_dma source(%dma_start3A_21 : memref<10240x64xf32, #tpu.memory_space<hbm>>) target(%arg10 : memref<128x64xf32, #tpu.memory_space<vmem>>) offsets(%dma_start3A_18 : memref<128xi32, #tpu.memory_space<vmem>>) semaphore(%arg14 : memref<!tpu.dma_semaphore, #tpu.memory_space<semaphore_mem>>)
      %scan3A = arith.constant 0 : i32
      %scan3A_22 = arith.constant 80 : i32
      %scan3A_23 = arith.addi %scan3A, %scan3A_22 : i32
      %scan3A_24 = arith.constant 1 : i32
      scf.for %scan3A_33 = %scan3A to %scan3A_23 step %scan3A_24  : i32 {
        %mul3A_34 = arith.constant 2 : i32
        %mul3A_35 = arith.muli %scan3A_33, %mul3A_34 : i32
        %add3A = arith.constant 0 : i32
        %add3A_36 = arith.addi %add3A, %mul3A_35 : i32
        %add3A_37 = arith.constant 0 : i32
        %add3A_38 = arith.addi %add3A_36, %add3A_37 : i32
        %dma_wait3A_39 = arith.constant 0 : i32
        %dma_wait3A_40 = arith.constant 0 : i32
        %dma_wait3A_41 = tpu.memref_slice %arg2[%dma_wait3A_39, %dma_wait3A_40] : memref<10240x64xf32, #tpu.memory_space<hbm>> -> memref<128x64xf32, #tpu.memory_space<hbm>>
        %dma_wait3A_42 = arith.constant 0 : i32
        %dma_wait3A_43 = arith.constant 0 : i32
        %dma_wait3A_44 = tpu.memref_slice %arg2[%dma_wait3A_42, %dma_wait3A_43] : memref<10240x64xf32, #tpu.memory_space<hbm>> -> memref<128x64xf32, #tpu.memory_space<hbm>>
        tpu.wait_dma2 semaphore(%arg12 : memref<!tpu.dma_semaphore, #tpu.memory_space<semaphore_mem>>) src(%dma_wait3A_44 : memref<128x64xf32, #tpu.memory_space<hbm>>) dst(%arg8 : memref<128x64xf32, #tpu.memory_space<vmem>>)
        %mul3A_45 = arith.constant 128 : i32
        %mul3A_46 = arith.muli %add3A_38, %mul3A_45 : i32
        %add3A_47 = arith.addi %mul3A_7, %mul3A_46 : i32
        %dma_start3A_48 = arith.constant 0 : i32
        %dma_start3A_49 = tpu.memref_slice %arg5[%add3A_47, %dma_start3A_48] : memref<327680x64xf32, #tpu.memory_space<hbm>> -> memref<128x64xf32, #tpu.memory_space<hbm>>
        %dma_start3A_50 = arith.constant 0 : i32
        %dma_start3A_51 = tpu.memref_slice %arg5[%add3A_47, %dma_start3A_50] : memref<327680x64xf32, #tpu.memory_space<hbm>> -> memref<128x64xf32, #tpu.memory_space<hbm>>
        tpu.enqueue_dma source(%arg8 : memref<128x64xf32, #tpu.memory_space<vmem>>) target(%dma_start3A_51 : memref<128x64xf32, #tpu.memory_space<hbm>>) target_semaphore(%arg16 : memref<!tpu.dma_semaphore, #tpu.memory_space<semaphore_mem>>)
        %add3A_52 = arith.constant 1 : i32
        %add3A_53 = arith.addi %add3A_38, %add3A_52 : i32
        %lt3A = arith.constant 160 : i32
        %lt3A_54 = arith.cmpi slt, %add3A_53, %lt3A : i32
        %convert_element_type3A_55 = arith.extui %lt3A_54 : i1 to i32
        %cond3A_56 = arith.constant 0 : i32
        %cond3A_57 = arith.cmpi ne, %convert_element_type3A_55, %cond3A_56 : i32
        scf.if %cond3A_57 {
          %ge3A = arith.constant 1 : i32
          %ge3A_120 = arith.cmpi sge, %add3A_38, %ge3A : i32
          %convert_element_type3A_121 = arith.extui %ge3A_120 : i1 to i32
          %cond3A_122 = arith.constant 0 : i32
          %cond3A_123 = arith.cmpi ne, %convert_element_type3A_121, %cond3A_122 : i32
          scf.if %cond3A_123 {
            %dma_wait3A_134 = arith.constant 0 : i32
            %dma_wait3A_135 = tpu.memref_slice %arg5[%mul3A_7, %dma_wait3A_134] : memref<327680x64xf32, #tpu.memory_space<hbm>> -> memref<128x64xf32, #tpu.memory_space<hbm>>
            %dma_wait3A_136 = arith.constant 0 : i32
            %dma_wait3A_137 = tpu.memref_slice %arg5[%mul3A_7, %dma_wait3A_136] : memref<327680x64xf32, #tpu.memory_space<hbm>> -> memref<128x64xf32, #tpu.memory_space<hbm>>
            tpu.wait_dma2 semaphore(%arg17 : memref<!tpu.dma_semaphore, #tpu.memory_space<semaphore_mem>>) src(%arg9 : memref<128x64xf32, #tpu.memory_space<vmem>>) dst(%dma_wait3A_137 : memref<128x64xf32, #tpu.memory_space<hbm>>)
          } else {
          }
          %add3A_124 = arith.constant 1 : i32
          %add3A_125 = arith.addi %add3A_38, %add3A_124 : i32
          %mul3A_126 = arith.constant 128 : i32
          %mul3A_127 = arith.muli %add3A_125, %mul3A_126 : i32
          %dma_start3A_128 = arith.constant 0 : i32
          %dma_start3A_129 = tpu.memref_slice %arg7[%dma_start3A_128, %mul3A_127] : memref<2x20480xi32, #tpu.memory_space<vmem>> -> memref<1x128xi32, #tpu.memory_space<vmem>>
          %dma_start3A_130 = tpu.memref_squeeze %dma_start3A_129 : memref<1x128xi32, #tpu.memory_space<vmem>> -> memref<128xi32, #tpu.memory_space<vmem>>
          %dma_start3A_131 = arith.constant 0 : i32
          %dma_start3A_132 = arith.constant 0 : i32
          %dma_start3A_133 = tpu.memref_slice %arg2[%dma_start3A_131, %dma_start3A_132] : memref<10240x64xf32, #tpu.memory_space<hbm>> -> memref<10240x64xf32, #tpu.memory_space<hbm>>
          tpu.enqueue_indirect_dma source(%dma_start3A_133 : memref<10240x64xf32, #tpu.memory_space<hbm>>) target(%arg9 : memref<128x64xf32, #tpu.memory_space<vmem>>) offsets(%dma_start3A_130 : memref<128xi32, #tpu.memory_space<vmem>>) semaphore(%arg13 : memref<!tpu.dma_semaphore, #tpu.memory_space<semaphore_mem>>)
        } else {
        }
        %dma_wait3A_58 = arith.constant 0 : i32
        %dma_wait3A_59 = arith.constant 0 : i32
        %dma_wait3A_60 = tpu.memref_slice %arg2[%dma_wait3A_58, %dma_wait3A_59] : memref<10240x64xf32, #tpu.memory_space<hbm>> -> memref<128x64xf32, #tpu.memory_space<hbm>>
        %dma_wait3A_61 = arith.constant 0 : i32
        %dma_wait3A_62 = arith.constant 0 : i32
        %dma_wait3A_63 = tpu.memref_slice %arg2[%dma_wait3A_61, %dma_wait3A_62] : memref<10240x64xf32, #tpu.memory_space<hbm>> -> memref<128x64xf32, #tpu.memory_space<hbm>>
        tpu.wait_dma2 semaphore(%arg14 : memref<!tpu.dma_semaphore, #tpu.memory_space<semaphore_mem>>) src(%dma_wait3A_63 : memref<128x64xf32, #tpu.memory_space<hbm>>) dst(%arg10 : memref<128x64xf32, #tpu.memory_space<vmem>>)
        %mul3A_64 = arith.constant 128 : i32
        %mul3A_65 = arith.muli %add3A_38, %mul3A_64 : i32
        %add3A_66 = arith.addi %mul3A_7, %mul3A_65 : i32
        %dma_start3A_67 = arith.constant 0 : i32
        %dma_start3A_68 = tpu.memref_slice %arg6[%add3A_66, %dma_start3A_67] : memref<327680x64xf32, #tpu.memory_space<hbm>> -> memref<128x64xf32, #tpu.memory_space<hbm>>
        %dma_start3A_69 = arith.constant 0 : i32
        %dma_start3A_70 = tpu.memref_slice %arg6[%add3A_66, %dma_start3A_69] : memref<327680x64xf32, #tpu.memory_space<hbm>> -> memref<128x64xf32, #tpu.memory_space<hbm>>
        tpu.enqueue_dma source(%arg10 : memref<128x64xf32, #tpu.memory_space<vmem>>) target(%dma_start3A_70 : memref<128x64xf32, #tpu.memory_space<hbm>>) target_semaphore(%arg18 : memref<!tpu.dma_semaphore, #tpu.memory_space<semaphore_mem>>)
        %add3A_71 = arith.constant 1 : i32
        %add3A_72 = arith.addi %add3A_38, %add3A_71 : i32
        %lt3A_73 = arith.constant 160 : i32
        %lt3A_74 = arith.cmpi slt, %add3A_72, %lt3A_73 : i32
        %convert_element_type3A_75 = arith.extui %lt3A_74 : i1 to i32
        %cond3A_76 = arith.constant 0 : i32
        %cond3A_77 = arith.cmpi ne, %convert_element_type3A_75, %cond3A_76 : i32
        scf.if %cond3A_77 {
          %ge3A = arith.constant 1 : i32
          %ge3A_120 = arith.cmpi sge, %add3A_38, %ge3A : i32
          %convert_element_type3A_121 = arith.extui %ge3A_120 : i1 to i32
          %cond3A_122 = arith.constant 0 : i32
          %cond3A_123 = arith.cmpi ne, %convert_element_type3A_121, %cond3A_122 : i32
          scf.if %cond3A_123 {
            %dma_wait3A_134 = arith.constant 0 : i32
            %dma_wait3A_135 = tpu.memref_slice %arg6[%mul3A_7, %dma_wait3A_134] : memref<327680x64xf32, #tpu.memory_space<hbm>> -> memref<128x64xf32, #tpu.memory_space<hbm>>
            %dma_wait3A_136 = arith.constant 0 : i32
            %dma_wait3A_137 = tpu.memref_slice %arg6[%mul3A_7, %dma_wait3A_136] : memref<327680x64xf32, #tpu.memory_space<hbm>> -> memref<128x64xf32, #tpu.memory_space<hbm>>
            tpu.wait_dma2 semaphore(%arg19 : memref<!tpu.dma_semaphore, #tpu.memory_space<semaphore_mem>>) src(%arg11 : memref<128x64xf32, #tpu.memory_space<vmem>>) dst(%dma_wait3A_137 : memref<128x64xf32, #tpu.memory_space<hbm>>)
          } else {
          }
          %add3A_124 = arith.constant 1 : i32
          %add3A_125 = arith.addi %add3A_38, %add3A_124 : i32
          %mul3A_126 = arith.constant 128 : i32
          %mul3A_127 = arith.muli %add3A_125, %mul3A_126 : i32
          %dma_start3A_128 = arith.constant 1 : i32
          %dma_start3A_129 = tpu.memref_slice %arg7[%dma_start3A_128, %mul3A_127] : memref<2x20480xi32, #tpu.memory_space<vmem>> -> memref<1x128xi32, #tpu.memory_space<vmem>>
          %dma_start3A_130 = tpu.memref_squeeze %dma_start3A_129 : memref<1x128xi32, #tpu.memory_space<vmem>> -> memref<128xi32, #tpu.memory_space<vmem>>
          %dma_start3A_131 = arith.constant 0 : i32
          %dma_start3A_132 = arith.constant 0 : i32
          %dma_start3A_133 = tpu.memref_slice %arg2[%dma_start3A_131, %dma_start3A_132] : memref<10240x64xf32, #tpu.memory_space<hbm>> -> memref<10240x64xf32, #tpu.memory_space<hbm>>
          tpu.enqueue_indirect_dma source(%dma_start3A_133 : memref<10240x64xf32, #tpu.memory_space<hbm>>) target(%arg11 : memref<128x64xf32, #tpu.memory_space<vmem>>) offsets(%dma_start3A_130 : memref<128xi32, #tpu.memory_space<vmem>>) semaphore(%arg15 : memref<!tpu.dma_semaphore, #tpu.memory_space<semaphore_mem>>)
        } else {
        }
        %add3A_78 = arith.constant 1 : i32
        %add3A_79 = arith.addi %add3A_36, %add3A_78 : i32
        %dma_wait3A_80 = arith.constant 0 : i32
        %dma_wait3A_81 = arith.constant 0 : i32
        %dma_wait3A_82 = tpu.memref_slice %arg2[%dma_wait3A_80, %dma_wait3A_81] : memref<10240x64xf32, #tpu.memory_space<hbm>> -> memref<128x64xf32, #tpu.memory_space<hbm>>
        %dma_wait3A_83 = arith.constant 0 : i32
        %dma_wait3A_84 = arith.constant 0 : i32
        %dma_wait3A_85 = tpu.memref_slice %arg2[%dma_wait3A_83, %dma_wait3A_84] : memref<10240x64xf32, #tpu.memory_space<hbm>> -> memref<128x64xf32, #tpu.memory_space<hbm>>
        tpu.wait_dma2 semaphore(%arg13 : memref<!tpu.dma_semaphore, #tpu.memory_space<semaphore_mem>>) src(%dma_wait3A_85 : memref<128x64xf32, #tpu.memory_space<hbm>>) dst(%arg9 : memref<128x64xf32, #tpu.memory_space<vmem>>)
        %mul3A_86 = arith.constant 128 : i32
        %mul3A_87 = arith.muli %add3A_79, %mul3A_86 : i32
        %add3A_88 = arith.addi %mul3A_7, %mul3A_87 : i32
        %dma_start3A_89 = arith.constant 0 : i32
        %dma_start3A_90 = tpu.memref_slice %arg5[%add3A_88, %dma_start3A_89] : memref<327680x64xf32, #tpu.memory_space<hbm>> -> memref<128x64xf32, #tpu.memory_space<hbm>>
        %dma_start3A_91 = arith.constant 0 : i32
        %dma_start3A_92 = tpu.memref_slice %arg5[%add3A_88, %dma_start3A_91] : memref<327680x64xf32, #tpu.memory_space<hbm>> -> memref<128x64xf32, #tpu.memory_space<hbm>>
        tpu.enqueue_dma source(%arg9 : memref<128x64xf32, #tpu.memory_space<vmem>>) target(%dma_start3A_92 : memref<128x64xf32, #tpu.memory_space<hbm>>) target_semaphore(%arg17 : memref<!tpu.dma_semaphore, #tpu.memory_space<semaphore_mem>>)
        %add3A_93 = arith.constant 1 : i32
        %add3A_94 = arith.addi %add3A_79, %add3A_93 : i32
        %lt3A_95 = arith.constant 160 : i32
        %lt3A_96 = arith.cmpi slt, %add3A_94, %lt3A_95 : i32
        %convert_element_type3A_97 = arith.extui %lt3A_96 : i1 to i32
        %cond3A_98 = arith.constant 0 : i32
        %cond3A_99 = arith.cmpi ne, %convert_element_type3A_97, %cond3A_98 : i32
        scf.if %cond3A_99 {
          %ge3A = arith.constant 1 : i32
          %ge3A_120 = arith.cmpi sge, %add3A_79, %ge3A : i32
          %convert_element_type3A_121 = arith.extui %ge3A_120 : i1 to i32
          %cond3A_122 = arith.constant 0 : i32
          %cond3A_123 = arith.cmpi ne, %convert_element_type3A_121, %cond3A_122 : i32
          scf.if %cond3A_123 {
            %dma_wait3A_134 = arith.constant 0 : i32
            %dma_wait3A_135 = tpu.memref_slice %arg5[%mul3A_7, %dma_wait3A_134] : memref<327680x64xf32, #tpu.memory_space<hbm>> -> memref<128x64xf32, #tpu.memory_space<hbm>>
            %dma_wait3A_136 = arith.constant 0 : i32
            %dma_wait3A_137 = tpu.memref_slice %arg5[%mul3A_7, %dma_wait3A_136] : memref<327680x64xf32, #tpu.memory_space<hbm>> -> memref<128x64xf32, #tpu.memory_space<hbm>>
            tpu.wait_dma2 semaphore(%arg16 : memref<!tpu.dma_semaphore, #tpu.memory_space<semaphore_mem>>) src(%arg8 : memref<128x64xf32, #tpu.memory_space<vmem>>) dst(%dma_wait3A_137 : memref<128x64xf32, #tpu.memory_space<hbm>>)
          } else {
          }
          %add3A_124 = arith.constant 1 : i32
          %add3A_125 = arith.addi %add3A_79, %add3A_124 : i32
          %mul3A_126 = arith.constant 128 : i32
          %mul3A_127 = arith.muli %add3A_125, %mul3A_126 : i32
          %dma_start3A_128 = arith.constant 0 : i32
          %dma_start3A_129 = tpu.memref_slice %arg7[%dma_start3A_128, %mul3A_127] : memref<2x20480xi32, #tpu.memory_space<vmem>> -> memref<1x128xi32, #tpu.memory_space<vmem>>
          %dma_start3A_130 = tpu.memref_squeeze %dma_start3A_129 : memref<1x128xi32, #tpu.memory_space<vmem>> -> memref<128xi32, #tpu.memory_space<vmem>>
          %dma_start3A_131 = arith.constant 0 : i32
          %dma_start3A_132 = arith.constant 0 : i32
          %dma_start3A_133 = tpu.memref_slice %arg2[%dma_start3A_131, %dma_start3A_132] : memref<10240x64xf32, #tpu.memory_space<hbm>> -> memref<10240x64xf32, #tpu.memory_space<hbm>>
          tpu.enqueue_indirect_dma source(%dma_start3A_133 : memref<10240x64xf32, #tpu.memory_space<hbm>>) target(%arg8 : memref<128x64xf32, #tpu.memory_space<vmem>>) offsets(%dma_start3A_130 : memref<128xi32, #tpu.memory_space<vmem>>) semaphore(%arg12 : memref<!tpu.dma_semaphore, #tpu.memory_space<semaphore_mem>>)
        } else {
        }
        %dma_wait3A_100 = arith.constant 0 : i32
        %dma_wait3A_101 = arith.constant 0 : i32
        %dma_wait3A_102 = tpu.memref_slice %arg2[%dma_wait3A_100, %dma_wait3A_101] : memref<10240x64xf32, #tpu.memory_space<hbm>> -> memref<128x64xf32, #tpu.memory_space<hbm>>
        %dma_wait3A_103 = arith.constant 0 : i32
        %dma_wait3A_104 = arith.constant 0 : i32
        %dma_wait3A_105 = tpu.memref_slice %arg2[%dma_wait3A_103, %dma_wait3A_104] : memref<10240x64xf32, #tpu.memory_space<hbm>> -> memref<128x64xf32, #tpu.memory_space<hbm>>
        tpu.wait_dma2 semaphore(%arg15 : memref<!tpu.dma_semaphore, #tpu.memory_space<semaphore_mem>>) src(%dma_wait3A_105 : memref<128x64xf32, #tpu.memory_space<hbm>>) dst(%arg11 : memref<128x64xf32, #tpu.memory_space<vmem>>)
        %mul3A_106 = arith.constant 128 : i32
        %mul3A_107 = arith.muli %add3A_79, %mul3A_106 : i32
        %add3A_108 = arith.addi %mul3A_7, %mul3A_107 : i32
        %dma_start3A_109 = arith.constant 0 : i32
        %dma_start3A_110 = tpu.memref_slice %arg6[%add3A_108, %dma_start3A_109] : memref<327680x64xf32, #tpu.memory_space<hbm>> -> memref<128x64xf32, #tpu.memory_space<hbm>>
        %dma_start3A_111 = arith.constant 0 : i32
        %dma_start3A_112 = tpu.memref_slice %arg6[%add3A_108, %dma_start3A_111] : memref<327680x64xf32, #tpu.memory_space<hbm>> -> memref<128x64xf32, #tpu.memory_space<hbm>>
        tpu.enqueue_dma source(%arg11 : memref<128x64xf32, #tpu.memory_space<vmem>>) target(%dma_start3A_112 : memref<128x64xf32, #tpu.memory_space<hbm>>) target_semaphore(%arg19 : memref<!tpu.dma_semaphore, #tpu.memory_space<semaphore_mem>>)
        %add3A_113 = arith.constant 1 : i32
        %add3A_114 = arith.addi %add3A_79, %add3A_113 : i32
        %lt3A_115 = arith.constant 160 : i32
        %lt3A_116 = arith.cmpi slt, %add3A_114, %lt3A_115 : i32
        %convert_element_type3A_117 = arith.extui %lt3A_116 : i1 to i32
        %cond3A_118 = arith.constant 0 : i32
        %cond3A_119 = arith.cmpi ne, %convert_element_type3A_117, %cond3A_118 : i32
        scf.if %cond3A_119 {
          %ge3A = arith.constant 1 : i32
          %ge3A_120 = arith.cmpi sge, %add3A_79, %ge3A : i32
          %convert_element_type3A_121 = arith.extui %ge3A_120 : i1 to i32
          %cond3A_122 = arith.constant 0 : i32
          %cond3A_123 = arith.cmpi ne, %convert_element_type3A_121, %cond3A_122 : i32
          scf.if %cond3A_123 {
            %dma_wait3A_134 = arith.constant 0 : i32
            %dma_wait3A_135 = tpu.memref_slice %arg6[%mul3A_7, %dma_wait3A_134] : memref<327680x64xf32, #tpu.memory_space<hbm>> -> memref<128x64xf32, #tpu.memory_space<hbm>>
            %dma_wait3A_136 = arith.constant 0 : i32
            %dma_wait3A_137 = tpu.memref_slice %arg6[%mul3A_7, %dma_wait3A_136] : memref<327680x64xf32, #tpu.memory_space<hbm>> -> memref<128x64xf32, #tpu.memory_space<hbm>>
            tpu.wait_dma2 semaphore(%arg18 : memref<!tpu.dma_semaphore, #tpu.memory_space<semaphore_mem>>) src(%arg10 : memref<128x64xf32, #tpu.memory_space<vmem>>) dst(%dma_wait3A_137 : memref<128x64xf32, #tpu.memory_space<hbm>>)
          } else {
          }
          %add3A_124 = arith.constant 1 : i32
          %add3A_125 = arith.addi %add3A_79, %add3A_124 : i32
          %mul3A_126 = arith.constant 128 : i32
          %mul3A_127 = arith.muli %add3A_125, %mul3A_126 : i32
          %dma_start3A_128 = arith.constant 1 : i32
          %dma_start3A_129 = tpu.memref_slice %arg7[%dma_start3A_128, %mul3A_127] : memref<2x20480xi32, #tpu.memory_space<vmem>> -> memref<1x128xi32, #tpu.memory_space<vmem>>
          %dma_start3A_130 = tpu.memref_squeeze %dma_start3A_129 : memref<1x128xi32, #tpu.memory_space<vmem>> -> memref<128xi32, #tpu.memory_space<vmem>>
          %dma_start3A_131 = arith.constant 0 : i32
          %dma_start3A_132 = arith.constant 0 : i32
          %dma_start3A_133 = tpu.memref_slice %arg2[%dma_start3A_131, %dma_start3A_132] : memref<10240x64xf32, #tpu.memory_space<hbm>> -> memref<10240x64xf32, #tpu.memory_space<hbm>>
          tpu.enqueue_indirect_dma source(%dma_start3A_133 : memref<10240x64xf32, #tpu.memory_space<hbm>>) target(%arg10 : memref<128x64xf32, #tpu.memory_space<vmem>>) offsets(%dma_start3A_130 : memref<128xi32, #tpu.memory_space<vmem>>) semaphore(%arg14 : memref<!tpu.dma_semaphore, #tpu.memory_space<semaphore_mem>>)
        } else {
        }
      }
      %scan3A_25 = arith.constant 80 : i32
      %dma_wait3A = arith.constant 0 : i32
      %dma_wait3A_26 = tpu.memref_slice %arg5[%mul3A_7, %dma_wait3A] : memref<327680x64xf32, #tpu.memory_space<hbm>> -> memref<128x64xf32, #tpu.memory_space<hbm>>
      %dma_wait3A_27 = arith.constant 0 : i32
      %dma_wait3A_28 = tpu.memref_slice %arg5[%mul3A_7, %dma_wait3A_27] : memref<327680x64xf32, #tpu.memory_space<hbm>> -> memref<128x64xf32, #tpu.memory_space<hbm>>
      tpu.wait_dma2 semaphore(%arg17 : memref<!tpu.dma_semaphore, #tpu.memory_space<semaphore_mem>>) src(%arg9 : memref<128x64xf32, #tpu.memory_space<vmem>>) dst(%dma_wait3A_28 : memref<128x64xf32, #tpu.memory_space<hbm>>)
      %dma_wait3A_29 = arith.constant 0 : i32
      %dma_wait3A_30 = tpu.memref_slice %arg6[%mul3A_7, %dma_wait3A_29] : memref<327680x64xf32, #tpu.memory_space<hbm>> -> memref<128x64xf32, #tpu.memory_space<hbm>>
      %dma_wait3A_31 = arith.constant 0 : i32
      %dma_wait3A_32 = tpu.memref_slice %arg6[%mul3A_7, %dma_wait3A_31] : memref<327680x64xf32, #tpu.memory_space<hbm>> -> memref<128x64xf32, #tpu.memory_space<hbm>>
      tpu.wait_dma2 semaphore(%arg19 : memref<!tpu.dma_semaphore, #tpu.memory_space<semaphore_mem>>) src(%arg11 : memref<128x64xf32, #tpu.memory_space<vmem>>) dst(%dma_wait3A_32 : memref<128x64xf32, #tpu.memory_space<hbm>>)
    } else {
    }
    %eq3A_2 = arith.constant 1 : i32
    %eq3A_3 = arith.cmpi eq, %arg0, %eq3A_2 : i32
    %convert_element_type3A_4 = arith.extui %eq3A_3 : i1 to i32
    %cond3A_5 = arith.constant 0 : i32
    %cond3A_6 = arith.cmpi ne, %convert_element_type3A_4, %cond3A_5 : i32
    scf.if %cond3A_6 {
      %mul3A = arith.constant 0 : i32
      %mul3A_7 = arith.muli %arg1, %mul3A : i32
      %add3A = arith.constant 2560 : i32
      %add3A_8 = arith.addi %add3A, %mul3A_7 : i32
      %mul3A_9 = arith.constant 128 : i32
      %mul3A_10 = arith.muli %add3A_8, %mul3A_9 : i32
    } else {
    }
    return
  }
}

#map = affine_map<(d0, d1) -> (0, 0)>
#map1 = affine_map<(d0, d1) -> (0)>
module attributes {stable_mosaic.version = 14 : i64} {
  func.func @sc_scatter_add(%arg0: i32, %arg1: i32, %arg2: memref<163840x128xf32, #tpu.memory_space<hbm>>, %arg3: memref<163840x128xf32, #tpu.memory_space<hbm>>, %arg4: memref<327680xi32, #tpu.memory_space<hbm>>, %arg5: memref<10240x128xf32, #tpu.memory_space<hbm>>, %arg6: memref<10240x128xf32, #tpu.memory_space<hbm>>, %arg7: memref<10240x128xf32, #tpu.memory_space<hbm>>, %arg8: memref<128xi32, #tpu.memory_space<vmem>>, %arg9: memref<128x128xf32, #tpu.memory_space<vmem>>, %arg10: memref<10240x128xf32, #tpu.memory_space<vmem_shared>>, %arg11: memref<!tpu.dma_semaphore, #tpu.memory_space<semaphore_mem>>) attributes {dimension_semantics = [#tpu.dimension_semantics<core_parallel>, #tpu.dimension_semantics<subcore_parallel>], iteration_bounds = array<i64: 2, 16>, scalar_prefetch = 0 : i64, scratch_operands = 4 : i64, tpu.core_type = #tpu.core_type<sc_vector_subcore>, window_params = [{transform_indices = #map}, {transform_indices = #map}, {transform_indices = #map1}, {transform_indices = #map}, {transform_indices = #map}, {transform_indices = #map}]} {
    %mul3A = arith.constant 640 : i32
    %mul3A_0 = arith.muli %arg1, %mul3A : i32
    "tpu.region"() ({
      %run_scoped3A = tpu.sem_alloc : memref<!tpu.dma_semaphore, #tpu.memory_space<semaphore_mem>>
      %dma_start3A = arith.constant 0 : i32
      %dma_start3A_19 = tpu.memref_slice %arg10[%mul3A_0, %dma_start3A] : memref<10240x128xf32, #tpu.memory_space<vmem_shared>> -> memref<640x128xf32, #tpu.memory_space<vmem_shared>>
      %dma_start3A_20 = arith.constant 0 : i32
      %dma_start3A_21 = tpu.memref_slice %arg5[%mul3A_0, %dma_start3A_20] : memref<10240x128xf32, #tpu.memory_space<hbm>> -> memref<640x128xf32, #tpu.memory_space<hbm>>
      tpu.enqueue_dma source(%dma_start3A_21 : memref<640x128xf32, #tpu.memory_space<hbm>>) target(%dma_start3A_19 : memref<640x128xf32, #tpu.memory_space<vmem_shared>>) target_semaphore(%run_scoped3A : memref<!tpu.dma_semaphore, #tpu.memory_space<semaphore_mem>>)
      %dma_wait3A = arith.constant 0 : i32
      %dma_wait3A_22 = tpu.memref_slice %arg10[%mul3A_0, %dma_wait3A] : memref<10240x128xf32, #tpu.memory_space<vmem_shared>> -> memref<640x128xf32, #tpu.memory_space<vmem_shared>>
      %dma_wait3A_23 = arith.constant 0 : i32
      %dma_wait3A_24 = tpu.memref_slice %arg5[%mul3A_0, %dma_wait3A_23] : memref<10240x128xf32, #tpu.memory_space<hbm>> -> memref<640x128xf32, #tpu.memory_space<hbm>>
      tpu.wait_dma2 semaphore(%run_scoped3A : memref<!tpu.dma_semaphore, #tpu.memory_space<semaphore_mem>>) src(%dma_wait3A_24 : memref<640x128xf32, #tpu.memory_space<hbm>>) dst(%dma_wait3A_22 : memref<640x128xf32, #tpu.memory_space<vmem_shared>>)
      tpu.yield
    }) : () -> ()
    %barrier3A = arith.constant 0 : index
    tpu.barrier barrier_id(%barrier3A)
    %eq3A = arith.constant 0 : i32
    %eq3A_1 = arith.cmpi eq, %arg0, %eq3A : i32
    %convert_element_type3A = arith.extui %eq3A_1 : i1 to i32
    %cond3A = arith.constant 0 : i32
    %cond3A_2 = arith.cmpi ne, %convert_element_type3A, %cond3A : i32
    scf.if %cond3A_2 {
      %mul3A_19 = arith.constant 10240 : i32
      %mul3A_20 = arith.muli %arg1, %mul3A_19 : i32
      %add3A = arith.constant 0 : i32
      %add3A_21 = arith.addi %add3A, %mul3A_20 : i32
      %scan3A = arith.constant 0 : i32
      %scan3A_22 = arith.constant 80 : i32
      %scan3A_23 = arith.addi %scan3A, %scan3A_22 : i32
      %scan3A_24 = arith.constant 1 : i32
      scf.for %scan3A_26 = %scan3A to %scan3A_23 step %scan3A_24  : i32 {
        %mul3A_27 = arith.constant 1 : i32
        %mul3A_28 = arith.muli %scan3A_26, %mul3A_27 : i32
        %add3A_29 = arith.constant 0 : i32
        %add3A_30 = arith.addi %add3A_29, %mul3A_28 : i32
        %mul3A_31 = arith.constant 128 : i32
        %mul3A_32 = arith.muli %add3A_30, %mul3A_31 : i32
        %add3A_33 = arith.addi %add3A_21, %mul3A_32 : i32
        "tpu.region"() ({
          %run_scoped3A = tpu.sem_alloc : memref<!tpu.dma_semaphore, #tpu.memory_space<semaphore_mem>>
          %dma_start3A_41 = tpu.memref_slice %arg4[%add3A_33] : memref<327680xi32, #tpu.memory_space<hbm>> -> memref<128xi32, #tpu.memory_space<hbm>>
          %dma_start3A_42 = tpu.memref_slice %arg4[%add3A_33] : memref<327680xi32, #tpu.memory_space<hbm>> -> memref<128xi32, #tpu.memory_space<hbm>>
          tpu.enqueue_dma source(%dma_start3A_42 : memref<128xi32, #tpu.memory_space<hbm>>) target(%arg8 : memref<128xi32, #tpu.memory_space<vmem>>) target_semaphore(%run_scoped3A : memref<!tpu.dma_semaphore, #tpu.memory_space<semaphore_mem>>)
          %dma_wait3A_43 = tpu.memref_slice %arg4[%add3A_33] : memref<327680xi32, #tpu.memory_space<hbm>> -> memref<128xi32, #tpu.memory_space<hbm>>
          %dma_wait3A_44 = tpu.memref_slice %arg4[%add3A_33] : memref<327680xi32, #tpu.memory_space<hbm>> -> memref<128xi32, #tpu.memory_space<hbm>>
          tpu.wait_dma2 semaphore(%run_scoped3A : memref<!tpu.dma_semaphore, #tpu.memory_space<semaphore_mem>>) src(%dma_wait3A_44 : memref<128xi32, #tpu.memory_space<hbm>>) dst(%arg8 : memref<128xi32, #tpu.memory_space<vmem>>)
          tpu.yield
        }) : () -> ()
        %sub3A = arith.constant 0 : i32
        %sub3A_34 = arith.subi %add3A_33, %sub3A : i32
        %dma_start3A = arith.constant 0 : i32
        %dma_start3A_35 = tpu.memref_slice %arg2[%sub3A_34, %dma_start3A] : memref<163840x128xf32, #tpu.memory_space<hbm>> -> memref<128x128xf32, #tpu.memory_space<hbm>>
        %dma_start3A_36 = arith.constant 0 : i32
        %dma_start3A_37 = tpu.memref_slice %arg2[%sub3A_34, %dma_start3A_36] : memref<163840x128xf32, #tpu.memory_space<hbm>> -> memref<128x128xf32, #tpu.memory_space<hbm>>
        tpu.enqueue_dma source(%dma_start3A_37 : memref<128x128xf32, #tpu.memory_space<hbm>>) target(%arg9 : memref<128x128xf32, #tpu.memory_space<vmem>>) target_semaphore(%arg11 : memref<!tpu.dma_semaphore, #tpu.memory_space<semaphore_mem>>)
        %dma_wait3A = arith.constant 0 : i32
        %dma_wait3A_38 = tpu.memref_slice %arg2[%sub3A_34, %dma_wait3A] : memref<163840x128xf32, #tpu.memory_space<hbm>> -> memref<128x128xf32, #tpu.memory_space<hbm>>
        %dma_wait3A_39 = arith.constant 0 : i32
        %dma_wait3A_40 = tpu.memref_slice %arg2[%sub3A_34, %dma_wait3A_39] : memref<163840x128xf32, #tpu.memory_space<hbm>> -> memref<128x128xf32, #tpu.memory_space<hbm>>
        tpu.wait_dma2 semaphore(%arg11 : memref<!tpu.dma_semaphore, #tpu.memory_space<semaphore_mem>>) src(%dma_wait3A_40 : memref<128x128xf32, #tpu.memory_space<hbm>>) dst(%arg9 : memref<128x128xf32, #tpu.memory_space<vmem>>)
        "tpu.region"() ({
          %run_scoped3A = tpu.sem_alloc : memref<!tpu.dma_semaphore, #tpu.memory_space<semaphore_mem>>
          %dma_start3A_41 = arith.constant 0 : i32
          %dma_start3A_42 = arith.constant 0 : i32
          %dma_start3A_43 = tpu.memref_slice %arg10[%dma_start3A_41, %dma_start3A_42] : memref<10240x128xf32, #tpu.memory_space<vmem_shared>> -> memref<10240x128xf32, #tpu.memory_space<vmem_shared>>
          tpu.enqueue_indirect_dma source(%arg9 : memref<128x128xf32, #tpu.memory_space<vmem>>) target(%dma_start3A_43 : memref<10240x128xf32, #tpu.memory_space<vmem_shared>>) offsets(%arg8 : memref<128xi32, #tpu.memory_space<vmem>>) semaphore(%run_scoped3A : memref<!tpu.dma_semaphore, #tpu.memory_space<semaphore_mem>>) {add = true}
          %dma_wait3A_44 = arith.constant 0 : i32
          %dma_wait3A_45 = arith.constant 0 : i32
          %dma_wait3A_46 = tpu.memref_slice %arg10[%dma_wait3A_44, %dma_wait3A_45] : memref<10240x128xf32, #tpu.memory_space<vmem_shared>> -> memref<10240x128xf32, #tpu.memory_space<vmem_shared>>
          tpu.wait_indirect_dma semaphore(%run_scoped3A : memref<!tpu.dma_semaphore, #tpu.memory_space<semaphore_mem>>) src(%arg9 : memref<128x128xf32, #tpu.memory_space<vmem>>) dst(%dma_wait3A_46 : memref<10240x128xf32, #tpu.memory_space<vmem_shared>>)
          tpu.yield
        }) : () -> ()
      }
      %scan3A_25 = arith.constant 80 : i32
    } else {
    }
    %eq3A_3 = arith.constant 1 : i32
    %eq3A_4 = arith.cmpi eq, %arg0, %eq3A_3 : i32
    %convert_element_type3A_5 = arith.extui %eq3A_4 : i1 to i32
    %cond3A_6 = arith.constant 0 : i32
    %cond3A_7 = arith.cmpi ne, %convert_element_type3A_5, %cond3A_6 : i32
    scf.if %cond3A_7 {
      %mul3A_19 = arith.constant 10240 : i32
      %mul3A_20 = arith.muli %arg1, %mul3A_19 : i32
      %add3A = arith.constant 163840 : i32
      %add3A_21 = arith.addi %add3A, %mul3A_20 : i32
      %scan3A = arith.constant 0 : i32
      %scan3A_22 = arith.constant 80 : i32
      %scan3A_23 = arith.addi %scan3A, %scan3A_22 : i32
      %scan3A_24 = arith.constant 1 : i32
      scf.for %scan3A_26 = %scan3A to %scan3A_23 step %scan3A_24  : i32 {
        %mul3A_27 = arith.constant 1 : i32
        %mul3A_28 = arith.muli %scan3A_26, %mul3A_27 : i32
        %add3A_29 = arith.constant 0 : i32
        %add3A_30 = arith.addi %add3A_29, %mul3A_28 : i32
        %mul3A_31 = arith.constant 128 : i32
        %mul3A_32 = arith.muli %add3A_30, %mul3A_31 : i32
        %add3A_33 = arith.addi %add3A_21, %mul3A_32 : i32
        "tpu.region"() ({
          %run_scoped3A = tpu.sem_alloc : memref<!tpu.dma_semaphore, #tpu.memory_space<semaphore_mem>>
          %dma_start3A_41 = tpu.memref_slice %arg4[%add3A_33] : memref<327680xi32, #tpu.memory_space<hbm>> -> memref<128xi32, #tpu.memory_space<hbm>>
          %dma_start3A_42 = tpu.memref_slice %arg4[%add3A_33] : memref<327680xi32, #tpu.memory_space<hbm>> -> memref<128xi32, #tpu.memory_space<hbm>>
          tpu.enqueue_dma source(%dma_start3A_42 : memref<128xi32, #tpu.memory_space<hbm>>) target(%arg8 : memref<128xi32, #tpu.memory_space<vmem>>) target_semaphore(%run_scoped3A : memref<!tpu.dma_semaphore, #tpu.memory_space<semaphore_mem>>)
          %dma_wait3A_43 = tpu.memref_slice %arg4[%add3A_33] : memref<327680xi32, #tpu.memory_space<hbm>> -> memref<128xi32, #tpu.memory_space<hbm>>
          %dma_wait3A_44 = tpu.memref_slice %arg4[%add3A_33] : memref<327680xi32, #tpu.memory_space<hbm>> -> memref<128xi32, #tpu.memory_space<hbm>>
          tpu.wait_dma2 semaphore(%run_scoped3A : memref<!tpu.dma_semaphore, #tpu.memory_space<semaphore_mem>>) src(%dma_wait3A_44 : memref<128xi32, #tpu.memory_space<hbm>>) dst(%arg8 : memref<128xi32, #tpu.memory_space<vmem>>)
          tpu.yield
        }) : () -> ()
        %sub3A = arith.constant 163840 : i32
        %sub3A_34 = arith.subi %add3A_33, %sub3A : i32
        %dma_start3A = arith.constant 0 : i32
        %dma_start3A_35 = tpu.memref_slice %arg3[%sub3A_34, %dma_start3A] : memref<163840x128xf32, #tpu.memory_space<hbm>> -> memref<128x128xf32, #tpu.memory_space<hbm>>
        %dma_start3A_36 = arith.constant 0 : i32
        %dma_start3A_37 = tpu.memref_slice %arg3[%sub3A_34, %dma_start3A_36] : memref<163840x128xf32, #tpu.memory_space<hbm>> -> memref<128x128xf32, #tpu.memory_space<hbm>>
        tpu.enqueue_dma source(%dma_start3A_37 : memref<128x128xf32, #tpu.memory_space<hbm>>) target(%arg9 : memref<128x128xf32, #tpu.memory_space<vmem>>) target_semaphore(%arg11 : memref<!tpu.dma_semaphore, #tpu.memory_space<semaphore_mem>>)
        %dma_wait3A = arith.constant 0 : i32
        %dma_wait3A_38 = tpu.memref_slice %arg3[%sub3A_34, %dma_wait3A] : memref<163840x128xf32, #tpu.memory_space<hbm>> -> memref<128x128xf32, #tpu.memory_space<hbm>>
        %dma_wait3A_39 = arith.constant 0 : i32
        %dma_wait3A_40 = tpu.memref_slice %arg3[%sub3A_34, %dma_wait3A_39] : memref<163840x128xf32, #tpu.memory_space<hbm>> -> memref<128x128xf32, #tpu.memory_space<hbm>>
        tpu.wait_dma2 semaphore(%arg11 : memref<!tpu.dma_semaphore, #tpu.memory_space<semaphore_mem>>) src(%dma_wait3A_40 : memref<128x128xf32, #tpu.memory_space<hbm>>) dst(%arg9 : memref<128x128xf32, #tpu.memory_space<vmem>>)
        "tpu.region"() ({
          %run_scoped3A = tpu.sem_alloc : memref<!tpu.dma_semaphore, #tpu.memory_space<semaphore_mem>>
          %dma_start3A_41 = arith.constant 0 : i32
          %dma_start3A_42 = arith.constant 0 : i32
          %dma_start3A_43 = tpu.memref_slice %arg10[%dma_start3A_41, %dma_start3A_42] : memref<10240x128xf32, #tpu.memory_space<vmem_shared>> -> memref<10240x128xf32, #tpu.memory_space<vmem_shared>>
          tpu.enqueue_indirect_dma source(%arg9 : memref<128x128xf32, #tpu.memory_space<vmem>>) target(%dma_start3A_43 : memref<10240x128xf32, #tpu.memory_space<vmem_shared>>) offsets(%arg8 : memref<128xi32, #tpu.memory_space<vmem>>) semaphore(%run_scoped3A : memref<!tpu.dma_semaphore, #tpu.memory_space<semaphore_mem>>) {add = true}
          %dma_wait3A_44 = arith.constant 0 : i32
          %dma_wait3A_45 = arith.constant 0 : i32
          %dma_wait3A_46 = tpu.memref_slice %arg10[%dma_wait3A_44, %dma_wait3A_45] : memref<10240x128xf32, #tpu.memory_space<vmem_shared>> -> memref<10240x128xf32, #tpu.memory_space<vmem_shared>>
          tpu.wait_indirect_dma semaphore(%run_scoped3A : memref<!tpu.dma_semaphore, #tpu.memory_space<semaphore_mem>>) src(%arg9 : memref<128x128xf32, #tpu.memory_space<vmem>>) dst(%dma_wait3A_46 : memref<10240x128xf32, #tpu.memory_space<vmem_shared>>)
          tpu.yield
        }) : () -> ()
      }
      %scan3A_25 = arith.constant 80 : i32
    } else {
    }
    %barrier3A_8 = arith.constant 0 : index
    tpu.barrier barrier_id(%barrier3A_8)
    %eq3A_9 = arith.constant 0 : i32
    %eq3A_10 = arith.cmpi eq, %arg0, %eq3A_9 : i32
    %convert_element_type3A_11 = arith.extui %eq3A_10 : i1 to i32
    %cond3A_12 = arith.constant 0 : i32
    %cond3A_13 = arith.cmpi ne, %convert_element_type3A_11, %cond3A_12 : i32
    scf.if %cond3A_13 {
      "tpu.region"() ({
        %run_scoped3A = tpu.sem_alloc : memref<!tpu.dma_semaphore, #tpu.memory_space<semaphore_mem>>
        %dma_start3A = arith.constant 0 : i32
        %dma_start3A_19 = tpu.memref_slice %arg6[%mul3A_0, %dma_start3A] : memref<10240x128xf32, #tpu.memory_space<hbm>> -> memref<640x128xf32, #tpu.memory_space<hbm>>
        %dma_start3A_20 = arith.constant 0 : i32
        %dma_start3A_21 = tpu.memref_slice %arg10[%mul3A_0, %dma_start3A_20] : memref<10240x128xf32, #tpu.memory_space<vmem_shared>> -> memref<640x128xf32, #tpu.memory_space<vmem_shared>>
        tpu.enqueue_dma source(%dma_start3A_21 : memref<640x128xf32, #tpu.memory_space<vmem_shared>>) target(%dma_start3A_19 : memref<640x128xf32, #tpu.memory_space<hbm>>) target_semaphore(%run_scoped3A : memref<!tpu.dma_semaphore, #tpu.memory_space<semaphore_mem>>)
        %dma_wait3A = arith.constant 0 : i32
        %dma_wait3A_22 = tpu.memref_slice %arg6[%mul3A_0, %dma_wait3A] : memref<10240x128xf32, #tpu.memory_space<hbm>> -> memref<640x128xf32, #tpu.memory_space<hbm>>
        %dma_wait3A_23 = arith.constant 0 : i32
        %dma_wait3A_24 = tpu.memref_slice %arg10[%mul3A_0, %dma_wait3A_23] : memref<10240x128xf32, #tpu.memory_space<vmem_shared>> -> memref<640x128xf32, #tpu.memory_space<vmem_shared>>
        tpu.wait_dma2 semaphore(%run_scoped3A : memref<!tpu.dma_semaphore, #tpu.memory_space<semaphore_mem>>) src(%dma_wait3A_24 : memref<640x128xf32, #tpu.memory_space<vmem_shared>>) dst(%dma_wait3A_22 : memref<640x128xf32, #tpu.memory_space<hbm>>)
        tpu.yield
      }) : () -> ()
    } else {
    }
    %eq3A_14 = arith.constant 1 : i32
    %eq3A_15 = arith.cmpi eq, %arg0, %eq3A_14 : i32
    %convert_element_type3A_16 = arith.extui %eq3A_15 : i1 to i32
    %cond3A_17 = arith.constant 0 : i32
    %cond3A_18 = arith.cmpi ne, %convert_element_type3A_16, %cond3A_17 : i32
    scf.if %cond3A_18 {
      "tpu.region"() ({
        %run_scoped3A = tpu.sem_alloc : memref<!tpu.dma_semaphore, #tpu.memory_space<semaphore_mem>>
        %dma_start3A = arith.constant 0 : i32
        %dma_start3A_19 = tpu.memref_slice %arg7[%mul3A_0, %dma_start3A] : memref<10240x128xf32, #tpu.memory_space<hbm>> -> memref<640x128xf32, #tpu.memory_space<hbm>>
        %dma_start3A_20 = arith.constant 0 : i32
        %dma_start3A_21 = tpu.memref_slice %arg10[%mul3A_0, %dma_start3A_20] : memref<10240x128xf32, #tpu.memory_space<vmem_shared>> -> memref<640x128xf32, #tpu.memory_space<vmem_shared>>
        tpu.enqueue_dma source(%dma_start3A_21 : memref<640x128xf32, #tpu.memory_space<vmem_shared>>) target(%dma_start3A_19 : memref<640x128xf32, #tpu.memory_space<hbm>>) target_semaphore(%run_scoped3A : memref<!tpu.dma_semaphore, #tpu.memory_space<semaphore_mem>>)
        %dma_wait3A = arith.constant 0 : i32
        %dma_wait3A_22 = tpu.memref_slice %arg7[%mul3A_0, %dma_wait3A] : memref<10240x128xf32, #tpu.memory_space<hbm>> -> memref<640x128xf32, #tpu.memory_space<hbm>>
        %dma_wait3A_23 = arith.constant 0 : i32
        %dma_wait3A_24 = tpu.memref_slice %arg10[%mul3A_0, %dma_wait3A_23] : memref<10240x128xf32, #tpu.memory_space<vmem_shared>> -> memref<640x128xf32, #tpu.memory_space<vmem_shared>>
        tpu.wait_dma2 semaphore(%run_scoped3A : memref<!tpu.dma_semaphore, #tpu.memory_space<semaphore_mem>>) src(%dma_wait3A_24 : memref<640x128xf32, #tpu.memory_space<vmem_shared>>) dst(%dma_wait3A_22 : memref<640x128xf32, #tpu.memory_space<hbm>>)
        tpu.yield
      }) : () -> ()
    } else {
    }
    return
  }
}

#map = affine_map<(d0, d1) -> (0, 0)>
#map1 = affine_map<(d0, d1) -> (0)>
module attributes {stable_mosaic.version = 14 : i64} {
  func.func @sc_gather2_64(%arg0: i32, %arg1: i32, %arg2: memref<10240x64xf32, #tpu.memory_space<hbm>>, %arg3: memref<327680xi32, #tpu.memory_space<hbm>>, %arg4: memref<327680xi32, #tpu.memory_space<hbm>>, %arg5: memref<327680x64xf32, #tpu.memory_space<hbm>>, %arg6: memref<327680x64xf32, #tpu.memory_space<hbm>>, %arg7: memref<2x20480xi32, #tpu.memory_space<vmem>>, %arg8: memref<128x64xf32, #tpu.memory_space<vmem>>, %arg9: memref<128x64xf32, #tpu.memory_space<vmem>>, %arg10: memref<128x64xf32, #tpu.memory_space<vmem>>, %arg11: memref<128x64xf32, #tpu.memory_space<vmem>>, %arg12: memref<!tpu.dma_semaphore, #tpu.memory_space<semaphore_mem>>, %arg13: memref<!tpu.dma_semaphore, #tpu.memory_space<semaphore_mem>>, %arg14: memref<!tpu.dma_semaphore, #tpu.memory_space<semaphore_mem>>, %arg15: memref<!tpu.dma_semaphore, #tpu.memory_space<semaphore_mem>>, %arg16: memref<!tpu.dma_semaphore, #tpu.memory_space<semaphore_mem>>, %arg17: memref<!tpu.dma_semaphore, #tpu.memory_space<semaphore_mem>>, %arg18: memref<!tpu.dma_semaphore, #tpu.memory_space<semaphore_mem>>, %arg19: memref<!tpu.dma_semaphore, #tpu.memory_space<semaphore_mem>>) attributes {dimension_semantics = [#tpu.dimension_semantics<core_parallel>, #tpu.dimension_semantics<subcore_parallel>], iteration_bounds = array<i64: 2, 16>, scalar_prefetch = 0 : i64, scratch_operands = 13 : i64, tpu.core_type = #tpu.core_type<sc_vector_subcore>, window_params = [{transform_indices = #map}, {transform_indices = #map1}, {transform_indices = #map1}, {transform_indices = #map}, {transform_indices = #map}]} {
    %eq3A = arith.constant 0 : i32
    %eq3A_0 = arith.cmpi eq, %arg0, %eq3A : i32
    %convert_element_type3A = arith.extui %eq3A_0 : i1 to i32
    %cond3A = arith.constant 0 : i32
    %cond3A_1 = arith.cmpi ne, %convert_element_type3A, %cond3A : i32
    scf.if %cond3A_1 {
      %mul3A = arith.constant 20480 : i32
      %mul3A_7 = arith.muli %arg1, %mul3A : i32
      %run_scoped3A = arith.constant 0 : i32
      "tpu.region"() ({
        %run_scoped3A_33 = tpu.sem_alloc : memref<!tpu.dma_semaphore, #tpu.memory_space<semaphore_mem>>
        %dma_start3A_34 = arith.constant 0 : i32
        %dma_start3A_35 = tpu.memref_slice %arg7[%run_scoped3A, %dma_start3A_34] : memref<2x20480xi32, #tpu.memory_space<vmem>> -> memref<1x20480xi32, #tpu.memory_space<vmem>>
        %dma_start3A_36 = tpu.memref_squeeze %dma_start3A_35 : memref<1x20480xi32, #tpu.memory_space<vmem>> -> memref<20480xi32, #tpu.memory_space<vmem>>
        %dma_start3A_37 = tpu.memref_slice %arg3[%mul3A_7] : memref<327680xi32, #tpu.memory_space<hbm>> -> memref<20480xi32, #tpu.memory_space<hbm>>
        %dma_start3A_38 = arith.constant 0 : i32
        %dma_start3A_39 = tpu.memref_slice %arg7[%run_scoped3A, %dma_start3A_38] : memref<2x20480xi32, #tpu.memory_space<vmem>> -> memref<1x20480xi32, #tpu.memory_space<vmem>>
        %dma_start3A_40 = tpu.memref_squeeze %dma_start3A_39 : memref<1x20480xi32, #tpu.memory_space<vmem>> -> memref<20480xi32, #tpu.memory_space<vmem>>
        %dma_start3A_41 = tpu.memref_slice %arg3[%mul3A_7] : memref<327680xi32, #tpu.memory_space<hbm>> -> memref<20480xi32, #tpu.memory_space<hbm>>
        tpu.enqueue_dma source(%dma_start3A_41 : memref<20480xi32, #tpu.memory_space<hbm>>) target(%dma_start3A_40 : memref<20480xi32, #tpu.memory_space<vmem>>) target_semaphore(%run_scoped3A_33 : memref<!tpu.dma_semaphore, #tpu.memory_space<semaphore_mem>>)
        %dma_wait3A_42 = arith.constant 0 : i32
        %dma_wait3A_43 = tpu.memref_slice %arg7[%run_scoped3A, %dma_wait3A_42] : memref<2x20480xi32, #tpu.memory_space<vmem>> -> memref<1x20480xi32, #tpu.memory_space<vmem>>
        %dma_wait3A_44 = tpu.memref_squeeze %dma_wait3A_43 : memref<1x20480xi32, #tpu.memory_space<vmem>> -> memref<20480xi32, #tpu.memory_space<vmem>>
        %dma_wait3A_45 = tpu.memref_slice %arg3[%mul3A_7] : memref<327680xi32, #tpu.memory_space<hbm>> -> memref<20480xi32, #tpu.memory_space<hbm>>
        %dma_wait3A_46 = arith.constant 0 : i32
        %dma_wait3A_47 = tpu.memref_slice %arg7[%run_scoped3A, %dma_wait3A_46] : memref<2x20480xi32, #tpu.memory_space<vmem>> -> memref<1x20480xi32, #tpu.memory_space<vmem>>
        %dma_wait3A_48 = tpu.memref_squeeze %dma_wait3A_47 : memref<1x20480xi32, #tpu.memory_space<vmem>> -> memref<20480xi32, #tpu.memory_space<vmem>>
        %dma_wait3A_49 = tpu.memref_slice %arg3[%mul3A_7] : memref<327680xi32, #tpu.memory_space<hbm>> -> memref<20480xi32, #tpu.memory_space<hbm>>
        tpu.wait_dma2 semaphore(%run_scoped3A_33 : memref<!tpu.dma_semaphore, #tpu.memory_space<semaphore_mem>>) src(%dma_wait3A_49 : memref<20480xi32, #tpu.memory_space<hbm>>) dst(%dma_wait3A_48 : memref<20480xi32, #tpu.memory_space<vmem>>)
        tpu.yield
      }) : () -> ()
      %run_scoped3A_8 = arith.constant 1 : i32
      "tpu.region"() ({
        %run_scoped3A_33 = tpu.sem_alloc : memref<!tpu.dma_semaphore, #tpu.memory_space<semaphore_mem>>
        %dma_start3A_34 = arith.constant 0 : i32
        %dma_start3A_35 = tpu.memref_slice %arg7[%run_scoped3A_8, %dma_start3A_34] : memref<2x20480xi32, #tpu.memory_space<vmem>> -> memref<1x20480xi32, #tpu.memory_space<vmem>>
        %dma_start3A_36 = tpu.memref_squeeze %dma_start3A_35 : memref<1x20480xi32, #tpu.memory_space<vmem>> -> memref<20480xi32, #tpu.memory_space<vmem>>
        %dma_start3A_37 = tpu.memref_slice %arg4[%mul3A_7] : memref<327680xi32, #tpu.memory_space<hbm>> -> memref<20480xi32, #tpu.memory_space<hbm>>
        %dma_start3A_38 = arith.constant 0 : i32
        %dma_start3A_39 = tpu.memref_slice %arg7[%run_scoped3A_8, %dma_start3A_38] : memref<2x20480xi32, #tpu.memory_space<vmem>> -> memref<1x20480xi32, #tpu.memory_space<vmem>>
        %dma_start3A_40 = tpu.memref_squeeze %dma_start3A_39 : memref<1x20480xi32, #tpu.memory_space<vmem>> -> memref<20480xi32, #tpu.memory_space<vmem>>
        %dma_start3A_41 = tpu.memref_slice %arg4[%mul3A_7] : memref<327680xi32, #tpu.memory_space<hbm>> -> memref<20480xi32, #tpu.memory_space<hbm>>
        tpu.enqueue_dma source(%dma_start3A_41 : memref<20480xi32, #tpu.memory_space<hbm>>) target(%dma_start3A_40 : memref<20480xi32, #tpu.memory_space<vmem>>) target_semaphore(%run_scoped3A_33 : memref<!tpu.dma_semaphore, #tpu.memory_space<semaphore_mem>>)
        %dma_wait3A_42 = arith.constant 0 : i32
        %dma_wait3A_43 = tpu.memref_slice %arg7[%run_scoped3A_8, %dma_wait3A_42] : memref<2x20480xi32, #tpu.memory_space<vmem>> -> memref<1x20480xi32, #tpu.memory_space<vmem>>
        %dma_wait3A_44 = tpu.memref_squeeze %dma_wait3A_43 : memref<1x20480xi32, #tpu.memory_space<vmem>> -> memref<20480xi32, #tpu.memory_space<vmem>>
        %dma_wait3A_45 = tpu.memref_slice %arg4[%mul3A_7] : memref<327680xi32, #tpu.memory_space<hbm>> -> memref<20480xi32, #tpu.memory_space<hbm>>
        %dma_wait3A_46 = arith.constant 0 : i32
        %dma_wait3A_47 = tpu.memref_slice %arg7[%run_scoped3A_8, %dma_wait3A_46] : memref<2x20480xi32, #tpu.memory_space<vmem>> -> memref<1x20480xi32, #tpu.memory_space<vmem>>
        %dma_wait3A_48 = tpu.memref_squeeze %dma_wait3A_47 : memref<1x20480xi32, #tpu.memory_space<vmem>> -> memref<20480xi32, #tpu.memory_space<vmem>>
        %dma_wait3A_49 = tpu.memref_slice %arg4[%mul3A_7] : memref<327680xi32, #tpu.memory_space<hbm>> -> memref<20480xi32, #tpu.memory_space<hbm>>
        tpu.wait_dma2 semaphore(%run_scoped3A_33 : memref<!tpu.dma_semaphore, #tpu.memory_space<semaphore_mem>>) src(%dma_wait3A_49 : memref<20480xi32, #tpu.memory_space<hbm>>) dst(%dma_wait3A_48 : memref<20480xi32, #tpu.memory_space<vmem>>)
        tpu.yield
      }) : () -> ()
      %dma_start3A = arith.constant 0 : i32
      %dma_start3A_9 = arith.constant 0 : i32
      %dma_start3A_10 = tpu.memref_slice %arg7[%dma_start3A, %dma_start3A_9] : memref<2x20480xi32, #tpu.memory_space<vmem>> -> memref<1x128xi32, #tpu.memory_space<vmem>>
      %dma_start3A_11 = tpu.memref_squeeze %dma_start3A_10 : memref<1x128xi32, #tpu.memory_space<vmem>> -> memref<128xi32, #tpu.memory_space<vmem>>
      %dma_start3A_12 = arith.constant 0 : i32
      %dma_start3A_13 = arith.constant 0 : i32
      %dma_start3A_14 = tpu.memref_slice %arg2[%dma_start3A_12, %dma_start3A_13] : memref<10240x64xf32, #tpu.memory_space<hbm>> -> memref<10240x64xf32, #tpu.memory_space<hbm>>
      tpu.enqueue_indirect_dma source(%dma_start3A_14 : memref<10240x64xf32, #tpu.memory_space<hbm>>) target(%arg8 : memref<128x64xf32, #tpu.memory_space<vmem>>) offsets(%dma_start3A_11 : memref<128xi32, #tpu.memory_space<vmem>>) semaphore(%arg12 : memref<!tpu.dma_semaphore, #tpu.memory_space<semaphore_mem>>)
      %dma_start3A_15 = arith.constant 1 : i32
      %dma_start3A_16 = arith.constant 0 : i32
      %dma_start3A_17 = tpu.memref_slice %arg7[%dma_start3A_15, %dma_start3A_16] : memref<2x20480xi32, #tpu.memory_space<vmem>> -> memref<1x128xi32, #tpu.memory_space<vmem>>
      %dma_start3A_18 = tpu.memref_squeeze %dma_start3A_17 : memref<1x128xi32, #tpu.memory_space<vmem>> -> memref<128xi32, #tpu.memory_space<vmem>>
      %dma_start3A_19 = arith.constant 0 : i32
      %dma_start3A_20 = arith.constant 0 : i32
      %dma_start3A_21 = tpu.memref_slice %arg2[%dma_start3A_19, %dma_start3A_20] : memref<10240x64xf32, #tpu.memory_space<hbm>> -> memref<10240x64xf32, #tpu.memory_space<hbm>>
      tpu.enqueue_indirect_dma source(%dma_start3A_21 : memref<10240x64xf32, #tpu.memory_space<hbm>>) target(%arg10 : memref<128x64xf32, #tpu.memory_space<vmem>>) offsets(%dma_start3A_18 : memref<128xi32, #tpu.memory_space<vmem>>) semaphore(%arg14 : memref<!tpu.dma_semaphore, #tpu.memory_space<semaphore_mem>>)
      %scan3A = arith.constant 0 : i32
      %scan3A_22 = arith.constant 80 : i32
      %scan3A_23 = arith.addi %scan3A, %scan3A_22 : i32
      %scan3A_24 = arith.constant 1 : i32
      scf.for %scan3A_33 = %scan3A to %scan3A_23 step %scan3A_24  : i32 {
        %mul3A_34 = arith.constant 2 : i32
        %mul3A_35 = arith.muli %scan3A_33, %mul3A_34 : i32
        %add3A = arith.constant 0 : i32
        %add3A_36 = arith.addi %add3A, %mul3A_35 : i32
        %add3A_37 = arith.constant 0 : i32
        %add3A_38 = arith.addi %add3A_36, %add3A_37 : i32
        %dma_wait3A_39 = arith.constant 0 : i32
        %dma_wait3A_40 = arith.constant 0 : i32
        %dma_wait3A_41 = tpu.memref_slice %arg2[%dma_wait3A_39, %dma_wait3A_40] : memref<10240x64xf32, #tpu.memory_space<hbm>> -> memref<128x64xf32, #tpu.memory_space<hbm>>
        %dma_wait3A_42 = arith.constant 0 : i32
        %dma_wait3A_43 = arith.constant 0 : i32
        %dma_wait3A_44 = tpu.memref_slice %arg2[%dma_wait3A_42, %dma_wait3A_43] : memref<10240x64xf32, #tpu.memory_space<hbm>> -> memref<128x64xf32, #tpu.memory_space<hbm>>
        tpu.wait_dma2 semaphore(%arg12 : memref<!tpu.dma_semaphore, #tpu.memory_space<semaphore_mem>>) src(%dma_wait3A_44 : memref<128x64xf32, #tpu.memory_space<hbm>>) dst(%arg8 : memref<128x64xf32, #tpu.memory_space<vmem>>)
        %mul3A_45 = arith.constant 128 : i32
        %mul3A_46 = arith.muli %add3A_38, %mul3A_45 : i32
        %add3A_47 = arith.addi %mul3A_7, %mul3A_46 : i32
        %dma_start3A_48 = arith.constant 0 : i32
        %dma_start3A_49 = tpu.memref_slice %arg5[%add3A_47, %dma_start3A_48] : memref<327680x64xf32, #tpu.memory_space<hbm>> -> memref<128x64xf32, #tpu.memory_space<hbm>>
        %dma_start3A_50 = arith.constant 0 : i32
        %dma_start3A_51 = tpu.memref_slice %arg5[%add3A_47, %dma_start3A_50] : memref<327680x64xf32, #tpu.memory_space<hbm>> -> memref<128x64xf32, #tpu.memory_space<hbm>>
        tpu.enqueue_dma source(%arg8 : memref<128x64xf32, #tpu.memory_space<vmem>>) target(%dma_start3A_51 : memref<128x64xf32, #tpu.memory_space<hbm>>) target_semaphore(%arg16 : memref<!tpu.dma_semaphore, #tpu.memory_space<semaphore_mem>>)
        %add3A_52 = arith.constant 1 : i32
        %add3A_53 = arith.addi %add3A_38, %add3A_52 : i32
        %lt3A = arith.constant 160 : i32
        %lt3A_54 = arith.cmpi slt, %add3A_53, %lt3A : i32
        %convert_element_type3A_55 = arith.extui %lt3A_54 : i1 to i32
        %cond3A_56 = arith.constant 0 : i32
        %cond3A_57 = arith.cmpi ne, %convert_element_type3A_55, %cond3A_56 : i32
        scf.if %cond3A_57 {
          %ge3A = arith.constant 1 : i32
          %ge3A_120 = arith.cmpi sge, %add3A_38, %ge3A : i32
          %convert_element_type3A_121 = arith.extui %ge3A_120 : i1 to i32
          %cond3A_122 = arith.constant 0 : i32
          %cond3A_123 = arith.cmpi ne, %convert_element_type3A_121, %cond3A_122 : i32
          scf.if %cond3A_123 {
            %dma_wait3A_134 = arith.constant 0 : i32
            %dma_wait3A_135 = tpu.memref_slice %arg5[%mul3A_7, %dma_wait3A_134] : memref<327680x64xf32, #tpu.memory_space<hbm>> -> memref<128x64xf32, #tpu.memory_space<hbm>>
            %dma_wait3A_136 = arith.constant 0 : i32
            %dma_wait3A_137 = tpu.memref_slice %arg5[%mul3A_7, %dma_wait3A_136] : memref<327680x64xf32, #tpu.memory_space<hbm>> -> memref<128x64xf32, #tpu.memory_space<hbm>>
            tpu.wait_dma2 semaphore(%arg17 : memref<!tpu.dma_semaphore, #tpu.memory_space<semaphore_mem>>) src(%arg9 : memref<128x64xf32, #tpu.memory_space<vmem>>) dst(%dma_wait3A_137 : memref<128x64xf32, #tpu.memory_space<hbm>>)
          } else {
          }
          %add3A_124 = arith.constant 1 : i32
          %add3A_125 = arith.addi %add3A_38, %add3A_124 : i32
          %mul3A_126 = arith.constant 128 : i32
          %mul3A_127 = arith.muli %add3A_125, %mul3A_126 : i32
          %dma_start3A_128 = arith.constant 0 : i32
          %dma_start3A_129 = tpu.memref_slice %arg7[%dma_start3A_128, %mul3A_127] : memref<2x20480xi32, #tpu.memory_space<vmem>> -> memref<1x128xi32, #tpu.memory_space<vmem>>
          %dma_start3A_130 = tpu.memref_squeeze %dma_start3A_129 : memref<1x128xi32, #tpu.memory_space<vmem>> -> memref<128xi32, #tpu.memory_space<vmem>>
          %dma_start3A_131 = arith.constant 0 : i32
          %dma_start3A_132 = arith.constant 0 : i32
          %dma_start3A_133 = tpu.memref_slice %arg2[%dma_start3A_131, %dma_start3A_132] : memref<10240x64xf32, #tpu.memory_space<hbm>> -> memref<10240x64xf32, #tpu.memory_space<hbm>>
          tpu.enqueue_indirect_dma source(%dma_start3A_133 : memref<10240x64xf32, #tpu.memory_space<hbm>>) target(%arg9 : memref<128x64xf32, #tpu.memory_space<vmem>>) offsets(%dma_start3A_130 : memref<128xi32, #tpu.memory_space<vmem>>) semaphore(%arg13 : memref<!tpu.dma_semaphore, #tpu.memory_space<semaphore_mem>>)
        } else {
        }
        %dma_wait3A_58 = arith.constant 0 : i32
        %dma_wait3A_59 = arith.constant 0 : i32
        %dma_wait3A_60 = tpu.memref_slice %arg2[%dma_wait3A_58, %dma_wait3A_59] : memref<10240x64xf32, #tpu.memory_space<hbm>> -> memref<128x64xf32, #tpu.memory_space<hbm>>
        %dma_wait3A_61 = arith.constant 0 : i32
        %dma_wait3A_62 = arith.constant 0 : i32
        %dma_wait3A_63 = tpu.memref_slice %arg2[%dma_wait3A_61, %dma_wait3A_62] : memref<10240x64xf32, #tpu.memory_space<hbm>> -> memref<128x64xf32, #tpu.memory_space<hbm>>
        tpu.wait_dma2 semaphore(%arg14 : memref<!tpu.dma_semaphore, #tpu.memory_space<semaphore_mem>>) src(%dma_wait3A_63 : memref<128x64xf32, #tpu.memory_space<hbm>>) dst(%arg10 : memref<128x64xf32, #tpu.memory_space<vmem>>)
        %mul3A_64 = arith.constant 128 : i32
        %mul3A_65 = arith.muli %add3A_38, %mul3A_64 : i32
        %add3A_66 = arith.addi %mul3A_7, %mul3A_65 : i32
        %dma_start3A_67 = arith.constant 0 : i32
        %dma_start3A_68 = tpu.memref_slice %arg6[%add3A_66, %dma_start3A_67] : memref<327680x64xf32, #tpu.memory_space<hbm>> -> memref<128x64xf32, #tpu.memory_space<hbm>>
        %dma_start3A_69 = arith.constant 0 : i32
        %dma_start3A_70 = tpu.memref_slice %arg6[%add3A_66, %dma_start3A_69] : memref<327680x64xf32, #tpu.memory_space<hbm>> -> memref<128x64xf32, #tpu.memory_space<hbm>>
        tpu.enqueue_dma source(%arg10 : memref<128x64xf32, #tpu.memory_space<vmem>>) target(%dma_start3A_70 : memref<128x64xf32, #tpu.memory_space<hbm>>) target_semaphore(%arg18 : memref<!tpu.dma_semaphore, #tpu.memory_space<semaphore_mem>>)
        %add3A_71 = arith.constant 1 : i32
        %add3A_72 = arith.addi %add3A_38, %add3A_71 : i32
        %lt3A_73 = arith.constant 160 : i32
        %lt3A_74 = arith.cmpi slt, %add3A_72, %lt3A_73 : i32
        %convert_element_type3A_75 = arith.extui %lt3A_74 : i1 to i32
        %cond3A_76 = arith.constant 0 : i32
        %cond3A_77 = arith.cmpi ne, %convert_element_type3A_75, %cond3A_76 : i32
        scf.if %cond3A_77 {
          %ge3A = arith.constant 1 : i32
          %ge3A_120 = arith.cmpi sge, %add3A_38, %ge3A : i32
          %convert_element_type3A_121 = arith.extui %ge3A_120 : i1 to i32
          %cond3A_122 = arith.constant 0 : i32
          %cond3A_123 = arith.cmpi ne, %convert_element_type3A_121, %cond3A_122 : i32
          scf.if %cond3A_123 {
            %dma_wait3A_134 = arith.constant 0 : i32
            %dma_wait3A_135 = tpu.memref_slice %arg6[%mul3A_7, %dma_wait3A_134] : memref<327680x64xf32, #tpu.memory_space<hbm>> -> memref<128x64xf32, #tpu.memory_space<hbm>>
            %dma_wait3A_136 = arith.constant 0 : i32
            %dma_wait3A_137 = tpu.memref_slice %arg6[%mul3A_7, %dma_wait3A_136] : memref<327680x64xf32, #tpu.memory_space<hbm>> -> memref<128x64xf32, #tpu.memory_space<hbm>>
            tpu.wait_dma2 semaphore(%arg19 : memref<!tpu.dma_semaphore, #tpu.memory_space<semaphore_mem>>) src(%arg11 : memref<128x64xf32, #tpu.memory_space<vmem>>) dst(%dma_wait3A_137 : memref<128x64xf32, #tpu.memory_space<hbm>>)
          } else {
          }
          %add3A_124 = arith.constant 1 : i32
          %add3A_125 = arith.addi %add3A_38, %add3A_124 : i32
          %mul3A_126 = arith.constant 128 : i32
          %mul3A_127 = arith.muli %add3A_125, %mul3A_126 : i32
          %dma_start3A_128 = arith.constant 1 : i32
          %dma_start3A_129 = tpu.memref_slice %arg7[%dma_start3A_128, %mul3A_127] : memref<2x20480xi32, #tpu.memory_space<vmem>> -> memref<1x128xi32, #tpu.memory_space<vmem>>
          %dma_start3A_130 = tpu.memref_squeeze %dma_start3A_129 : memref<1x128xi32, #tpu.memory_space<vmem>> -> memref<128xi32, #tpu.memory_space<vmem>>
          %dma_start3A_131 = arith.constant 0 : i32
          %dma_start3A_132 = arith.constant 0 : i32
          %dma_start3A_133 = tpu.memref_slice %arg2[%dma_start3A_131, %dma_start3A_132] : memref<10240x64xf32, #tpu.memory_space<hbm>> -> memref<10240x64xf32, #tpu.memory_space<hbm>>
          tpu.enqueue_indirect_dma source(%dma_start3A_133 : memref<10240x64xf32, #tpu.memory_space<hbm>>) target(%arg11 : memref<128x64xf32, #tpu.memory_space<vmem>>) offsets(%dma_start3A_130 : memref<128xi32, #tpu.memory_space<vmem>>) semaphore(%arg15 : memref<!tpu.dma_semaphore, #tpu.memory_space<semaphore_mem>>)
        } else {
        }
        %add3A_78 = arith.constant 1 : i32
        %add3A_79 = arith.addi %add3A_36, %add3A_78 : i32
        %dma_wait3A_80 = arith.constant 0 : i32
        %dma_wait3A_81 = arith.constant 0 : i32
        %dma_wait3A_82 = tpu.memref_slice %arg2[%dma_wait3A_80, %dma_wait3A_81] : memref<10240x64xf32, #tpu.memory_space<hbm>> -> memref<128x64xf32, #tpu.memory_space<hbm>>
        %dma_wait3A_83 = arith.constant 0 : i32
        %dma_wait3A_84 = arith.constant 0 : i32
        %dma_wait3A_85 = tpu.memref_slice %arg2[%dma_wait3A_83, %dma_wait3A_84] : memref<10240x64xf32, #tpu.memory_space<hbm>> -> memref<128x64xf32, #tpu.memory_space<hbm>>
        tpu.wait_dma2 semaphore(%arg13 : memref<!tpu.dma_semaphore, #tpu.memory_space<semaphore_mem>>) src(%dma_wait3A_85 : memref<128x64xf32, #tpu.memory_space<hbm>>) dst(%arg9 : memref<128x64xf32, #tpu.memory_space<vmem>>)
        %mul3A_86 = arith.constant 128 : i32
        %mul3A_87 = arith.muli %add3A_79, %mul3A_86 : i32
        %add3A_88 = arith.addi %mul3A_7, %mul3A_87 : i32
        %dma_start3A_89 = arith.constant 0 : i32
        %dma_start3A_90 = tpu.memref_slice %arg5[%add3A_88, %dma_start3A_89] : memref<327680x64xf32, #tpu.memory_space<hbm>> -> memref<128x64xf32, #tpu.memory_space<hbm>>
        %dma_start3A_91 = arith.constant 0 : i32
        %dma_start3A_92 = tpu.memref_slice %arg5[%add3A_88, %dma_start3A_91] : memref<327680x64xf32, #tpu.memory_space<hbm>> -> memref<128x64xf32, #tpu.memory_space<hbm>>
        tpu.enqueue_dma source(%arg9 : memref<128x64xf32, #tpu.memory_space<vmem>>) target(%dma_start3A_92 : memref<128x64xf32, #tpu.memory_space<hbm>>) target_semaphore(%arg17 : memref<!tpu.dma_semaphore, #tpu.memory_space<semaphore_mem>>)
        %add3A_93 = arith.constant 1 : i32
        %add3A_94 = arith.addi %add3A_79, %add3A_93 : i32
        %lt3A_95 = arith.constant 160 : i32
        %lt3A_96 = arith.cmpi slt, %add3A_94, %lt3A_95 : i32
        %convert_element_type3A_97 = arith.extui %lt3A_96 : i1 to i32
        %cond3A_98 = arith.constant 0 : i32
        %cond3A_99 = arith.cmpi ne, %convert_element_type3A_97, %cond3A_98 : i32
        scf.if %cond3A_99 {
          %ge3A = arith.constant 1 : i32
          %ge3A_120 = arith.cmpi sge, %add3A_79, %ge3A : i32
          %convert_element_type3A_121 = arith.extui %ge3A_120 : i1 to i32
          %cond3A_122 = arith.constant 0 : i32
          %cond3A_123 = arith.cmpi ne, %convert_element_type3A_121, %cond3A_122 : i32
          scf.if %cond3A_123 {
            %dma_wait3A_134 = arith.constant 0 : i32
            %dma_wait3A_135 = tpu.memref_slice %arg5[%mul3A_7, %dma_wait3A_134] : memref<327680x64xf32, #tpu.memory_space<hbm>> -> memref<128x64xf32, #tpu.memory_space<hbm>>
            %dma_wait3A_136 = arith.constant 0 : i32
            %dma_wait3A_137 = tpu.memref_slice %arg5[%mul3A_7, %dma_wait3A_136] : memref<327680x64xf32, #tpu.memory_space<hbm>> -> memref<128x64xf32, #tpu.memory_space<hbm>>
            tpu.wait_dma2 semaphore(%arg16 : memref<!tpu.dma_semaphore, #tpu.memory_space<semaphore_mem>>) src(%arg8 : memref<128x64xf32, #tpu.memory_space<vmem>>) dst(%dma_wait3A_137 : memref<128x64xf32, #tpu.memory_space<hbm>>)
          } else {
          }
          %add3A_124 = arith.constant 1 : i32
          %add3A_125 = arith.addi %add3A_79, %add3A_124 : i32
          %mul3A_126 = arith.constant 128 : i32
          %mul3A_127 = arith.muli %add3A_125, %mul3A_126 : i32
          %dma_start3A_128 = arith.constant 0 : i32
          %dma_start3A_129 = tpu.memref_slice %arg7[%dma_start3A_128, %mul3A_127] : memref<2x20480xi32, #tpu.memory_space<vmem>> -> memref<1x128xi32, #tpu.memory_space<vmem>>
          %dma_start3A_130 = tpu.memref_squeeze %dma_start3A_129 : memref<1x128xi32, #tpu.memory_space<vmem>> -> memref<128xi32, #tpu.memory_space<vmem>>
          %dma_start3A_131 = arith.constant 0 : i32
          %dma_start3A_132 = arith.constant 0 : i32
          %dma_start3A_133 = tpu.memref_slice %arg2[%dma_start3A_131, %dma_start3A_132] : memref<10240x64xf32, #tpu.memory_space<hbm>> -> memref<10240x64xf32, #tpu.memory_space<hbm>>
          tpu.enqueue_indirect_dma source(%dma_start3A_133 : memref<10240x64xf32, #tpu.memory_space<hbm>>) target(%arg8 : memref<128x64xf32, #tpu.memory_space<vmem>>) offsets(%dma_start3A_130 : memref<128xi32, #tpu.memory_space<vmem>>) semaphore(%arg12 : memref<!tpu.dma_semaphore, #tpu.memory_space<semaphore_mem>>)
        } else {
        }
        %dma_wait3A_100 = arith.constant 0 : i32
        %dma_wait3A_101 = arith.constant 0 : i32
        %dma_wait3A_102 = tpu.memref_slice %arg2[%dma_wait3A_100, %dma_wait3A_101] : memref<10240x64xf32, #tpu.memory_space<hbm>> -> memref<128x64xf32, #tpu.memory_space<hbm>>
        %dma_wait3A_103 = arith.constant 0 : i32
        %dma_wait3A_104 = arith.constant 0 : i32
        %dma_wait3A_105 = tpu.memref_slice %arg2[%dma_wait3A_103, %dma_wait3A_104] : memref<10240x64xf32, #tpu.memory_space<hbm>> -> memref<128x64xf32, #tpu.memory_space<hbm>>
        tpu.wait_dma2 semaphore(%arg15 : memref<!tpu.dma_semaphore, #tpu.memory_space<semaphore_mem>>) src(%dma_wait3A_105 : memref<128x64xf32, #tpu.memory_space<hbm>>) dst(%arg11 : memref<128x64xf32, #tpu.memory_space<vmem>>)
        %mul3A_106 = arith.constant 128 : i32
        %mul3A_107 = arith.muli %add3A_79, %mul3A_106 : i32
        %add3A_108 = arith.addi %mul3A_7, %mul3A_107 : i32
        %dma_start3A_109 = arith.constant 0 : i32
        %dma_start3A_110 = tpu.memref_slice %arg6[%add3A_108, %dma_start3A_109] : memref<327680x64xf32, #tpu.memory_space<hbm>> -> memref<128x64xf32, #tpu.memory_space<hbm>>
        %dma_start3A_111 = arith.constant 0 : i32
        %dma_start3A_112 = tpu.memref_slice %arg6[%add3A_108, %dma_start3A_111] : memref<327680x64xf32, #tpu.memory_space<hbm>> -> memref<128x64xf32, #tpu.memory_space<hbm>>
        tpu.enqueue_dma source(%arg11 : memref<128x64xf32, #tpu.memory_space<vmem>>) target(%dma_start3A_112 : memref<128x64xf32, #tpu.memory_space<hbm>>) target_semaphore(%arg19 : memref<!tpu.dma_semaphore, #tpu.memory_space<semaphore_mem>>)
        %add3A_113 = arith.constant 1 : i32
        %add3A_114 = arith.addi %add3A_79, %add3A_113 : i32
        %lt3A_115 = arith.constant 160 : i32
        %lt3A_116 = arith.cmpi slt, %add3A_114, %lt3A_115 : i32
        %convert_element_type3A_117 = arith.extui %lt3A_116 : i1 to i32
        %cond3A_118 = arith.constant 0 : i32
        %cond3A_119 = arith.cmpi ne, %convert_element_type3A_117, %cond3A_118 : i32
        scf.if %cond3A_119 {
          %ge3A = arith.constant 1 : i32
          %ge3A_120 = arith.cmpi sge, %add3A_79, %ge3A : i32
          %convert_element_type3A_121 = arith.extui %ge3A_120 : i1 to i32
          %cond3A_122 = arith.constant 0 : i32
          %cond3A_123 = arith.cmpi ne, %convert_element_type3A_121, %cond3A_122 : i32
          scf.if %cond3A_123 {
            %dma_wait3A_134 = arith.constant 0 : i32
            %dma_wait3A_135 = tpu.memref_slice %arg6[%mul3A_7, %dma_wait3A_134] : memref<327680x64xf32, #tpu.memory_space<hbm>> -> memref<128x64xf32, #tpu.memory_space<hbm>>
            %dma_wait3A_136 = arith.constant 0 : i32
            %dma_wait3A_137 = tpu.memref_slice %arg6[%mul3A_7, %dma_wait3A_136] : memref<327680x64xf32, #tpu.memory_space<hbm>> -> memref<128x64xf32, #tpu.memory_space<hbm>>
            tpu.wait_dma2 semaphore(%arg18 : memref<!tpu.dma_semaphore, #tpu.memory_space<semaphore_mem>>) src(%arg10 : memref<128x64xf32, #tpu.memory_space<vmem>>) dst(%dma_wait3A_137 : memref<128x64xf32, #tpu.memory_space<hbm>>)
          } else {
          }
          %add3A_124 = arith.constant 1 : i32
          %add3A_125 = arith.addi %add3A_79, %add3A_124 : i32
          %mul3A_126 = arith.constant 128 : i32
          %mul3A_127 = arith.muli %add3A_125, %mul3A_126 : i32
          %dma_start3A_128 = arith.constant 1 : i32
          %dma_start3A_129 = tpu.memref_slice %arg7[%dma_start3A_128, %mul3A_127] : memref<2x20480xi32, #tpu.memory_space<vmem>> -> memref<1x128xi32, #tpu.memory_space<vmem>>
          %dma_start3A_130 = tpu.memref_squeeze %dma_start3A_129 : memref<1x128xi32, #tpu.memory_space<vmem>> -> memref<128xi32, #tpu.memory_space<vmem>>
          %dma_start3A_131 = arith.constant 0 : i32
          %dma_start3A_132 = arith.constant 0 : i32
          %dma_start3A_133 = tpu.memref_slice %arg2[%dma_start3A_131, %dma_start3A_132] : memref<10240x64xf32, #tpu.memory_space<hbm>> -> memref<10240x64xf32, #tpu.memory_space<hbm>>
          tpu.enqueue_indirect_dma source(%dma_start3A_133 : memref<10240x64xf32, #tpu.memory_space<hbm>>) target(%arg10 : memref<128x64xf32, #tpu.memory_space<vmem>>) offsets(%dma_start3A_130 : memref<128xi32, #tpu.memory_space<vmem>>) semaphore(%arg14 : memref<!tpu.dma_semaphore, #tpu.memory_space<semaphore_mem>>)
        } else {
        }
      }
      %scan3A_25 = arith.constant 80 : i32
      %dma_wait3A = arith.constant 0 : i32
      %dma_wait3A_26 = tpu.memref_slice %arg5[%mul3A_7, %dma_wait3A] : memref<327680x64xf32, #tpu.memory_space<hbm>> -> memref<128x64xf32, #tpu.memory_space<hbm>>
      %dma_wait3A_27 = arith.constant 0 : i32
      %dma_wait3A_28 = tpu.memref_slice %arg5[%mul3A_7, %dma_wait3A_27] : memref<327680x64xf32, #tpu.memory_space<hbm>> -> memref<128x64xf32, #tpu.memory_space<hbm>>
      tpu.wait_dma2 semaphore(%arg17 : memref<!tpu.dma_semaphore, #tpu.memory_space<semaphore_mem>>) src(%arg9 : memref<128x64xf32, #tpu.memory_space<vmem>>) dst(%dma_wait3A_28 : memref<128x64xf32, #tpu.memory_space<hbm>>)
      %dma_wait3A_29 = arith.constant 0 : i32
      %dma_wait3A_30 = tpu.memref_slice %arg6[%mul3A_7, %dma_wait3A_29] : memref<327680x64xf32, #tpu.memory_space<hbm>> -> memref<128x64xf32, #tpu.memory_space<hbm>>
      %dma_wait3A_31 = arith.constant 0 : i32
      %dma_wait3A_32 = tpu.memref_slice %arg6[%mul3A_7, %dma_wait3A_31] : memref<327680x64xf32, #tpu.memory_space<hbm>> -> memref<128x64xf32, #tpu.memory_space<hbm>>
      tpu.wait_dma2 semaphore(%arg19 : memref<!tpu.dma_semaphore, #tpu.memory_space<semaphore_mem>>) src(%arg11 : memref<128x64xf32, #tpu.memory_space<vmem>>) dst(%dma_wait3A_32 : memref<128x64xf32, #tpu.memory_space<hbm>>)
    } else {
    }
    %eq3A_2 = arith.constant 1 : i32
    %eq3A_3 = arith.cmpi eq, %arg0, %eq3A_2 : i32
    %convert_element_type3A_4 = arith.extui %eq3A_3 : i1 to i32
    %cond3A_5 = arith.constant 0 : i32
    %cond3A_6 = arith.cmpi ne, %convert_element_type3A_4, %cond3A_5 : i32
    scf.if %cond3A_6 {
      %mul3A = arith.constant 0 : i32
      %mul3A_7 = arith.muli %arg1, %mul3A : i32
      %add3A = arith.constant 2560 : i32
      %add3A_8 = arith.addi %add3A, %mul3A_7 : i32
      %mul3A_9 = arith.constant 128 : i32
      %mul3A_10 = arith.muli %add3A_8, %mul3A_9 : i32
    } else {
    }
    return
  }
}

#map = affine_map<(d0, d1) -> (0, 0)>
#map1 = affine_map<(d0, d1) -> (0)>
module attributes {stable_mosaic.version = 14 : i64} {
  func.func @sc_scatter_add(%arg0: i32, %arg1: i32, %arg2: memref<163840x128xf32, #tpu.memory_space<hbm>>, %arg3: memref<163840x128xf32, #tpu.memory_space<hbm>>, %arg4: memref<327680xi32, #tpu.memory_space<hbm>>, %arg5: memref<10240x128xf32, #tpu.memory_space<hbm>>, %arg6: memref<10240x128xf32, #tpu.memory_space<hbm>>, %arg7: memref<10240x128xf32, #tpu.memory_space<hbm>>, %arg8: memref<128xi32, #tpu.memory_space<vmem>>, %arg9: memref<128x128xf32, #tpu.memory_space<vmem>>, %arg10: memref<10240x128xf32, #tpu.memory_space<vmem_shared>>, %arg11: memref<!tpu.dma_semaphore, #tpu.memory_space<semaphore_mem>>) attributes {dimension_semantics = [#tpu.dimension_semantics<core_parallel>, #tpu.dimension_semantics<subcore_parallel>], iteration_bounds = array<i64: 2, 16>, scalar_prefetch = 0 : i64, scratch_operands = 4 : i64, tpu.core_type = #tpu.core_type<sc_vector_subcore>, window_params = [{transform_indices = #map}, {transform_indices = #map}, {transform_indices = #map1}, {transform_indices = #map}, {transform_indices = #map}, {transform_indices = #map}]} {
    %mul3A = arith.constant 640 : i32
    %mul3A_0 = arith.muli %arg1, %mul3A : i32
    "tpu.region"() ({
      %run_scoped3A = tpu.sem_alloc : memref<!tpu.dma_semaphore, #tpu.memory_space<semaphore_mem>>
      %dma_start3A = arith.constant 0 : i32
      %dma_start3A_19 = tpu.memref_slice %arg10[%mul3A_0, %dma_start3A] : memref<10240x128xf32, #tpu.memory_space<vmem_shared>> -> memref<640x128xf32, #tpu.memory_space<vmem_shared>>
      %dma_start3A_20 = arith.constant 0 : i32
      %dma_start3A_21 = tpu.memref_slice %arg5[%mul3A_0, %dma_start3A_20] : memref<10240x128xf32, #tpu.memory_space<hbm>> -> memref<640x128xf32, #tpu.memory_space<hbm>>
      tpu.enqueue_dma source(%dma_start3A_21 : memref<640x128xf32, #tpu.memory_space<hbm>>) target(%dma_start3A_19 : memref<640x128xf32, #tpu.memory_space<vmem_shared>>) target_semaphore(%run_scoped3A : memref<!tpu.dma_semaphore, #tpu.memory_space<semaphore_mem>>)
      %dma_wait3A = arith.constant 0 : i32
      %dma_wait3A_22 = tpu.memref_slice %arg10[%mul3A_0, %dma_wait3A] : memref<10240x128xf32, #tpu.memory_space<vmem_shared>> -> memref<640x128xf32, #tpu.memory_space<vmem_shared>>
      %dma_wait3A_23 = arith.constant 0 : i32
      %dma_wait3A_24 = tpu.memref_slice %arg5[%mul3A_0, %dma_wait3A_23] : memref<10240x128xf32, #tpu.memory_space<hbm>> -> memref<640x128xf32, #tpu.memory_space<hbm>>
      tpu.wait_dma2 semaphore(%run_scoped3A : memref<!tpu.dma_semaphore, #tpu.memory_space<semaphore_mem>>) src(%dma_wait3A_24 : memref<640x128xf32, #tpu.memory_space<hbm>>) dst(%dma_wait3A_22 : memref<640x128xf32, #tpu.memory_space<vmem_shared>>)
      tpu.yield
    }) : () -> ()
    %barrier3A = arith.constant 0 : index
    tpu.barrier barrier_id(%barrier3A)
    %eq3A = arith.constant 0 : i32
    %eq3A_1 = arith.cmpi eq, %arg0, %eq3A : i32
    %convert_element_type3A = arith.extui %eq3A_1 : i1 to i32
    %cond3A = arith.constant 0 : i32
    %cond3A_2 = arith.cmpi ne, %convert_element_type3A, %cond3A : i32
    scf.if %cond3A_2 {
      %mul3A_19 = arith.constant 10240 : i32
      %mul3A_20 = arith.muli %arg1, %mul3A_19 : i32
      %add3A = arith.constant 0 : i32
      %add3A_21 = arith.addi %add3A, %mul3A_20 : i32
      %scan3A = arith.constant 0 : i32
      %scan3A_22 = arith.constant 80 : i32
      %scan3A_23 = arith.addi %scan3A, %scan3A_22 : i32
      %scan3A_24 = arith.constant 1 : i32
      scf.for %scan3A_26 = %scan3A to %scan3A_23 step %scan3A_24  : i32 {
        %mul3A_27 = arith.constant 1 : i32
        %mul3A_28 = arith.muli %scan3A_26, %mul3A_27 : i32
        %add3A_29 = arith.constant 0 : i32
        %add3A_30 = arith.addi %add3A_29, %mul3A_28 : i32
        %mul3A_31 = arith.constant 128 : i32
        %mul3A_32 = arith.muli %add3A_30, %mul3A_31 : i32
        %add3A_33 = arith.addi %add3A_21, %mul3A_32 : i32
        "tpu.region"() ({
          %run_scoped3A = tpu.sem_alloc : memref<!tpu.dma_semaphore, #tpu.memory_space<semaphore_mem>>
          %dma_start3A_41 = tpu.memref_slice %arg4[%add3A_33] : memref<327680xi32, #tpu.memory_space<hbm>> -> memref<128xi32, #tpu.memory_space<hbm>>
          %dma_start3A_42 = tpu.memref_slice %arg4[%add3A_33] : memref<327680xi32, #tpu.memory_space<hbm>> -> memref<128xi32, #tpu.memory_space<hbm>>
          tpu.enqueue_dma source(%dma_start3A_42 : memref<128xi32, #tpu.memory_space<hbm>>) target(%arg8 : memref<128xi32, #tpu.memory_space<vmem>>) target_semaphore(%run_scoped3A : memref<!tpu.dma_semaphore, #tpu.memory_space<semaphore_mem>>)
          %dma_wait3A_43 = tpu.memref_slice %arg4[%add3A_33] : memref<327680xi32, #tpu.memory_space<hbm>> -> memref<128xi32, #tpu.memory_space<hbm>>
          %dma_wait3A_44 = tpu.memref_slice %arg4[%add3A_33] : memref<327680xi32, #tpu.memory_space<hbm>> -> memref<128xi32, #tpu.memory_space<hbm>>
          tpu.wait_dma2 semaphore(%run_scoped3A : memref<!tpu.dma_semaphore, #tpu.memory_space<semaphore_mem>>) src(%dma_wait3A_44 : memref<128xi32, #tpu.memory_space<hbm>>) dst(%arg8 : memref<128xi32, #tpu.memory_space<vmem>>)
          tpu.yield
        }) : () -> ()
        %sub3A = arith.constant 0 : i32
        %sub3A_34 = arith.subi %add3A_33, %sub3A : i32
        %dma_start3A = arith.constant 0 : i32
        %dma_start3A_35 = tpu.memref_slice %arg2[%sub3A_34, %dma_start3A] : memref<163840x128xf32, #tpu.memory_space<hbm>> -> memref<128x128xf32, #tpu.memory_space<hbm>>
        %dma_start3A_36 = arith.constant 0 : i32
        %dma_start3A_37 = tpu.memref_slice %arg2[%sub3A_34, %dma_start3A_36] : memref<163840x128xf32, #tpu.memory_space<hbm>> -> memref<128x128xf32, #tpu.memory_space<hbm>>
        tpu.enqueue_dma source(%dma_start3A_37 : memref<128x128xf32, #tpu.memory_space<hbm>>) target(%arg9 : memref<128x128xf32, #tpu.memory_space<vmem>>) target_semaphore(%arg11 : memref<!tpu.dma_semaphore, #tpu.memory_space<semaphore_mem>>)
        %dma_wait3A = arith.constant 0 : i32
        %dma_wait3A_38 = tpu.memref_slice %arg2[%sub3A_34, %dma_wait3A] : memref<163840x128xf32, #tpu.memory_space<hbm>> -> memref<128x128xf32, #tpu.memory_space<hbm>>
        %dma_wait3A_39 = arith.constant 0 : i32
        %dma_wait3A_40 = tpu.memref_slice %arg2[%sub3A_34, %dma_wait3A_39] : memref<163840x128xf32, #tpu.memory_space<hbm>> -> memref<128x128xf32, #tpu.memory_space<hbm>>
        tpu.wait_dma2 semaphore(%arg11 : memref<!tpu.dma_semaphore, #tpu.memory_space<semaphore_mem>>) src(%dma_wait3A_40 : memref<128x128xf32, #tpu.memory_space<hbm>>) dst(%arg9 : memref<128x128xf32, #tpu.memory_space<vmem>>)
        "tpu.region"() ({
          %run_scoped3A = tpu.sem_alloc : memref<!tpu.dma_semaphore, #tpu.memory_space<semaphore_mem>>
          %dma_start3A_41 = arith.constant 0 : i32
          %dma_start3A_42 = arith.constant 0 : i32
          %dma_start3A_43 = tpu.memref_slice %arg10[%dma_start3A_41, %dma_start3A_42] : memref<10240x128xf32, #tpu.memory_space<vmem_shared>> -> memref<10240x128xf32, #tpu.memory_space<vmem_shared>>
          tpu.enqueue_indirect_dma source(%arg9 : memref<128x128xf32, #tpu.memory_space<vmem>>) target(%dma_start3A_43 : memref<10240x128xf32, #tpu.memory_space<vmem_shared>>) offsets(%arg8 : memref<128xi32, #tpu.memory_space<vmem>>) semaphore(%run_scoped3A : memref<!tpu.dma_semaphore, #tpu.memory_space<semaphore_mem>>) {add = true}
          %dma_wait3A_44 = arith.constant 0 : i32
          %dma_wait3A_45 = arith.constant 0 : i32
          %dma_wait3A_46 = tpu.memref_slice %arg10[%dma_wait3A_44, %dma_wait3A_45] : memref<10240x128xf32, #tpu.memory_space<vmem_shared>> -> memref<10240x128xf32, #tpu.memory_space<vmem_shared>>
          tpu.wait_indirect_dma semaphore(%run_scoped3A : memref<!tpu.dma_semaphore, #tpu.memory_space<semaphore_mem>>) src(%arg9 : memref<128x128xf32, #tpu.memory_space<vmem>>) dst(%dma_wait3A_46 : memref<10240x128xf32, #tpu.memory_space<vmem_shared>>)
          tpu.yield
        }) : () -> ()
      }
      %scan3A_25 = arith.constant 80 : i32
    } else {
    }
    %eq3A_3 = arith.constant 1 : i32
    %eq3A_4 = arith.cmpi eq, %arg0, %eq3A_3 : i32
    %convert_element_type3A_5 = arith.extui %eq3A_4 : i1 to i32
    %cond3A_6 = arith.constant 0 : i32
    %cond3A_7 = arith.cmpi ne, %convert_element_type3A_5, %cond3A_6 : i32
    scf.if %cond3A_7 {
      %mul3A_19 = arith.constant 10240 : i32
      %mul3A_20 = arith.muli %arg1, %mul3A_19 : i32
      %add3A = arith.constant 163840 : i32
      %add3A_21 = arith.addi %add3A, %mul3A_20 : i32
      %scan3A = arith.constant 0 : i32
      %scan3A_22 = arith.constant 80 : i32
      %scan3A_23 = arith.addi %scan3A, %scan3A_22 : i32
      %scan3A_24 = arith.constant 1 : i32
      scf.for %scan3A_26 = %scan3A to %scan3A_23 step %scan3A_24  : i32 {
        %mul3A_27 = arith.constant 1 : i32
        %mul3A_28 = arith.muli %scan3A_26, %mul3A_27 : i32
        %add3A_29 = arith.constant 0 : i32
        %add3A_30 = arith.addi %add3A_29, %mul3A_28 : i32
        %mul3A_31 = arith.constant 128 : i32
        %mul3A_32 = arith.muli %add3A_30, %mul3A_31 : i32
        %add3A_33 = arith.addi %add3A_21, %mul3A_32 : i32
        "tpu.region"() ({
          %run_scoped3A = tpu.sem_alloc : memref<!tpu.dma_semaphore, #tpu.memory_space<semaphore_mem>>
          %dma_start3A_41 = tpu.memref_slice %arg4[%add3A_33] : memref<327680xi32, #tpu.memory_space<hbm>> -> memref<128xi32, #tpu.memory_space<hbm>>
          %dma_start3A_42 = tpu.memref_slice %arg4[%add3A_33] : memref<327680xi32, #tpu.memory_space<hbm>> -> memref<128xi32, #tpu.memory_space<hbm>>
          tpu.enqueue_dma source(%dma_start3A_42 : memref<128xi32, #tpu.memory_space<hbm>>) target(%arg8 : memref<128xi32, #tpu.memory_space<vmem>>) target_semaphore(%run_scoped3A : memref<!tpu.dma_semaphore, #tpu.memory_space<semaphore_mem>>)
          %dma_wait3A_43 = tpu.memref_slice %arg4[%add3A_33] : memref<327680xi32, #tpu.memory_space<hbm>> -> memref<128xi32, #tpu.memory_space<hbm>>
          %dma_wait3A_44 = tpu.memref_slice %arg4[%add3A_33] : memref<327680xi32, #tpu.memory_space<hbm>> -> memref<128xi32, #tpu.memory_space<hbm>>
          tpu.wait_dma2 semaphore(%run_scoped3A : memref<!tpu.dma_semaphore, #tpu.memory_space<semaphore_mem>>) src(%dma_wait3A_44 : memref<128xi32, #tpu.memory_space<hbm>>) dst(%arg8 : memref<128xi32, #tpu.memory_space<vmem>>)
          tpu.yield
        }) : () -> ()
        %sub3A = arith.constant 163840 : i32
        %sub3A_34 = arith.subi %add3A_33, %sub3A : i32
        %dma_start3A = arith.constant 0 : i32
        %dma_start3A_35 = tpu.memref_slice %arg3[%sub3A_34, %dma_start3A] : memref<163840x128xf32, #tpu.memory_space<hbm>> -> memref<128x128xf32, #tpu.memory_space<hbm>>
        %dma_start3A_36 = arith.constant 0 : i32
        %dma_start3A_37 = tpu.memref_slice %arg3[%sub3A_34, %dma_start3A_36] : memref<163840x128xf32, #tpu.memory_space<hbm>> -> memref<128x128xf32, #tpu.memory_space<hbm>>
        tpu.enqueue_dma source(%dma_start3A_37 : memref<128x128xf32, #tpu.memory_space<hbm>>) target(%arg9 : memref<128x128xf32, #tpu.memory_space<vmem>>) target_semaphore(%arg11 : memref<!tpu.dma_semaphore, #tpu.memory_space<semaphore_mem>>)
        %dma_wait3A = arith.constant 0 : i32
        %dma_wait3A_38 = tpu.memref_slice %arg3[%sub3A_34, %dma_wait3A] : memref<163840x128xf32, #tpu.memory_space<hbm>> -> memref<128x128xf32, #tpu.memory_space<hbm>>
        %dma_wait3A_39 = arith.constant 0 : i32
        %dma_wait3A_40 = tpu.memref_slice %arg3[%sub3A_34, %dma_wait3A_39] : memref<163840x128xf32, #tpu.memory_space<hbm>> -> memref<128x128xf32, #tpu.memory_space<hbm>>
        tpu.wait_dma2 semaphore(%arg11 : memref<!tpu.dma_semaphore, #tpu.memory_space<semaphore_mem>>) src(%dma_wait3A_40 : memref<128x128xf32, #tpu.memory_space<hbm>>) dst(%arg9 : memref<128x128xf32, #tpu.memory_space<vmem>>)
        "tpu.region"() ({
          %run_scoped3A = tpu.sem_alloc : memref<!tpu.dma_semaphore, #tpu.memory_space<semaphore_mem>>
          %dma_start3A_41 = arith.constant 0 : i32
          %dma_start3A_42 = arith.constant 0 : i32
          %dma_start3A_43 = tpu.memref_slice %arg10[%dma_start3A_41, %dma_start3A_42] : memref<10240x128xf32, #tpu.memory_space<vmem_shared>> -> memref<10240x128xf32, #tpu.memory_space<vmem_shared>>
          tpu.enqueue_indirect_dma source(%arg9 : memref<128x128xf32, #tpu.memory_space<vmem>>) target(%dma_start3A_43 : memref<10240x128xf32, #tpu.memory_space<vmem_shared>>) offsets(%arg8 : memref<128xi32, #tpu.memory_space<vmem>>) semaphore(%run_scoped3A : memref<!tpu.dma_semaphore, #tpu.memory_space<semaphore_mem>>) {add = true}
          %dma_wait3A_44 = arith.constant 0 : i32
          %dma_wait3A_45 = arith.constant 0 : i32
          %dma_wait3A_46 = tpu.memref_slice %arg10[%dma_wait3A_44, %dma_wait3A_45] : memref<10240x128xf32, #tpu.memory_space<vmem_shared>> -> memref<10240x128xf32, #tpu.memory_space<vmem_shared>>
          tpu.wait_indirect_dma semaphore(%run_scoped3A : memref<!tpu.dma_semaphore, #tpu.memory_space<semaphore_mem>>) src(%arg9 : memref<128x128xf32, #tpu.memory_space<vmem>>) dst(%dma_wait3A_46 : memref<10240x128xf32, #tpu.memory_space<vmem_shared>>)
          tpu.yield
        }) : () -> ()
      }
      %scan3A_25 = arith.constant 80 : i32
    } else {
    }
    %barrier3A_8 = arith.constant 0 : index
    tpu.barrier barrier_id(%barrier3A_8)
    %eq3A_9 = arith.constant 0 : i32
    %eq3A_10 = arith.cmpi eq, %arg0, %eq3A_9 : i32
    %convert_element_type3A_11 = arith.extui %eq3A_10 : i1 to i32
    %cond3A_12 = arith.constant 0 : i32
    %cond3A_13 = arith.cmpi ne, %convert_element_type3A_11, %cond3A_12 : i32
    scf.if %cond3A_13 {
      "tpu.region"() ({
        %run_scoped3A = tpu.sem_alloc : memref<!tpu.dma_semaphore, #tpu.memory_space<semaphore_mem>>
        %dma_start3A = arith.constant 0 : i32
        %dma_start3A_19 = tpu.memref_slice %arg6[%mul3A_0, %dma_start3A] : memref<10240x128xf32, #tpu.memory_space<hbm>> -> memref<640x128xf32, #tpu.memory_space<hbm>>
        %dma_start3A_20 = arith.constant 0 : i32
        %dma_start3A_21 = tpu.memref_slice %arg10[%mul3A_0, %dma_start3A_20] : memref<10240x128xf32, #tpu.memory_space<vmem_shared>> -> memref<640x128xf32, #tpu.memory_space<vmem_shared>>
        tpu.enqueue_dma source(%dma_start3A_21 : memref<640x128xf32, #tpu.memory_space<vmem_shared>>) target(%dma_start3A_19 : memref<640x128xf32, #tpu.memory_space<hbm>>) target_semaphore(%run_scoped3A : memref<!tpu.dma_semaphore, #tpu.memory_space<semaphore_mem>>)
        %dma_wait3A = arith.constant 0 : i32
        %dma_wait3A_22 = tpu.memref_slice %arg6[%mul3A_0, %dma_wait3A] : memref<10240x128xf32, #tpu.memory_space<hbm>> -> memref<640x128xf32, #tpu.memory_space<hbm>>
        %dma_wait3A_23 = arith.constant 0 : i32
        %dma_wait3A_24 = tpu.memref_slice %arg10[%mul3A_0, %dma_wait3A_23] : memref<10240x128xf32, #tpu.memory_space<vmem_shared>> -> memref<640x128xf32, #tpu.memory_space<vmem_shared>>
        tpu.wait_dma2 semaphore(%run_scoped3A : memref<!tpu.dma_semaphore, #tpu.memory_space<semaphore_mem>>) src(%dma_wait3A_24 : memref<640x128xf32, #tpu.memory_space<vmem_shared>>) dst(%dma_wait3A_22 : memref<640x128xf32, #tpu.memory_space<hbm>>)
        tpu.yield
      }) : () -> ()
    } else {
    }
    %eq3A_14 = arith.constant 1 : i32
    %eq3A_15 = arith.cmpi eq, %arg0, %eq3A_14 : i32
    %convert_element_type3A_16 = arith.extui %eq3A_15 : i1 to i32
    %cond3A_17 = arith.constant 0 : i32
    %cond3A_18 = arith.cmpi ne, %convert_element_type3A_16, %cond3A_17 : i32
    scf.if %cond3A_18 {
      "tpu.region"() ({
        %run_scoped3A = tpu.sem_alloc : memref<!tpu.dma_semaphore, #tpu.memory_space<semaphore_mem>>
        %dma_start3A = arith.constant 0 : i32
        %dma_start3A_19 = tpu.memref_slice %arg7[%mul3A_0, %dma_start3A] : memref<10240x128xf32, #tpu.memory_space<hbm>> -> memref<640x128xf32, #tpu.memory_space<hbm>>
        %dma_start3A_20 = arith.constant 0 : i32
        %dma_start3A_21 = tpu.memref_slice %arg10[%mul3A_0, %dma_start3A_20] : memref<10240x128xf32, #tpu.memory_space<vmem_shared>> -> memref<640x128xf32, #tpu.memory_space<vmem_shared>>
        tpu.enqueue_dma source(%dma_start3A_21 : memref<640x128xf32, #tpu.memory_space<vmem_shared>>) target(%dma_start3A_19 : memref<640x128xf32, #tpu.memory_space<hbm>>) target_semaphore(%run_scoped3A : memref<!tpu.dma_semaphore, #tpu.memory_space<semaphore_mem>>)
        %dma_wait3A = arith.constant 0 : i32
        %dma_wait3A_22 = tpu.memref_slice %arg7[%mul3A_0, %dma_wait3A] : memref<10240x128xf32, #tpu.memory_space<hbm>> -> memref<640x128xf32, #tpu.memory_space<hbm>>
        %dma_wait3A_23 = arith.constant 0 : i32
        %dma_wait3A_24 = tpu.memref_slice %arg10[%mul3A_0, %dma_wait3A_23] : memref<10240x128xf32, #tpu.memory_space<vmem_shared>> -> memref<640x128xf32, #tpu.memory_space<vmem_shared>>
        tpu.wait_dma2 semaphore(%run_scoped3A : memref<!tpu.dma_semaphore, #tpu.memory_space<semaphore_mem>>) src(%dma_wait3A_24 : memref<640x128xf32, #tpu.memory_space<vmem_shared>>) dst(%dma_wait3A_22 : memref<640x128xf32, #tpu.memory_space<hbm>>)
        tpu.yield
      }) : () -> ()
    } else {
    }
    return
  }
}

#map = affine_map<(d0, d1) -> (0, 0)>
#map1 = affine_map<(d0, d1) -> (0)>
module attributes {stable_mosaic.version = 14 : i64} {
  func.func @sc_scatter_add(%arg0: i32, %arg1: i32, %arg2: memref<163840x128xf32, #tpu.memory_space<hbm>>, %arg3: memref<163840x128xf32, #tpu.memory_space<hbm>>, %arg4: memref<327680xi32, #tpu.memory_space<hbm>>, %arg5: memref<10240x128xf32, #tpu.memory_space<hbm>>, %arg6: memref<10240x128xf32, #tpu.memory_space<hbm>>, %arg7: memref<10240x128xf32, #tpu.memory_space<hbm>>, %arg8: memref<128xi32, #tpu.memory_space<vmem>>, %arg9: memref<128x128xf32, #tpu.memory_space<vmem>>, %arg10: memref<10240x128xf32, #tpu.memory_space<vmem_shared>>, %arg11: memref<!tpu.dma_semaphore, #tpu.memory_space<semaphore_mem>>) attributes {dimension_semantics = [#tpu.dimension_semantics<core_parallel>, #tpu.dimension_semantics<subcore_parallel>], iteration_bounds = array<i64: 2, 16>, scalar_prefetch = 0 : i64, scratch_operands = 4 : i64, tpu.core_type = #tpu.core_type<sc_vector_subcore>, window_params = [{transform_indices = #map}, {transform_indices = #map}, {transform_indices = #map1}, {transform_indices = #map}, {transform_indices = #map}, {transform_indices = #map}]} {
    %mul3A = arith.constant 640 : i32
    %mul3A_0 = arith.muli %arg1, %mul3A : i32
    "tpu.region"() ({
      %run_scoped3A = tpu.sem_alloc : memref<!tpu.dma_semaphore, #tpu.memory_space<semaphore_mem>>
      %dma_start3A = arith.constant 0 : i32
      %dma_start3A_19 = tpu.memref_slice %arg10[%mul3A_0, %dma_start3A] : memref<10240x128xf32, #tpu.memory_space<vmem_shared>> -> memref<640x128xf32, #tpu.memory_space<vmem_shared>>
      %dma_start3A_20 = arith.constant 0 : i32
      %dma_start3A_21 = tpu.memref_slice %arg5[%mul3A_0, %dma_start3A_20] : memref<10240x128xf32, #tpu.memory_space<hbm>> -> memref<640x128xf32, #tpu.memory_space<hbm>>
      tpu.enqueue_dma source(%dma_start3A_21 : memref<640x128xf32, #tpu.memory_space<hbm>>) target(%dma_start3A_19 : memref<640x128xf32, #tpu.memory_space<vmem_shared>>) target_semaphore(%run_scoped3A : memref<!tpu.dma_semaphore, #tpu.memory_space<semaphore_mem>>)
      %dma_wait3A = arith.constant 0 : i32
      %dma_wait3A_22 = tpu.memref_slice %arg10[%mul3A_0, %dma_wait3A] : memref<10240x128xf32, #tpu.memory_space<vmem_shared>> -> memref<640x128xf32, #tpu.memory_space<vmem_shared>>
      %dma_wait3A_23 = arith.constant 0 : i32
      %dma_wait3A_24 = tpu.memref_slice %arg5[%mul3A_0, %dma_wait3A_23] : memref<10240x128xf32, #tpu.memory_space<hbm>> -> memref<640x128xf32, #tpu.memory_space<hbm>>
      tpu.wait_dma2 semaphore(%run_scoped3A : memref<!tpu.dma_semaphore, #tpu.memory_space<semaphore_mem>>) src(%dma_wait3A_24 : memref<640x128xf32, #tpu.memory_space<hbm>>) dst(%dma_wait3A_22 : memref<640x128xf32, #tpu.memory_space<vmem_shared>>)
      tpu.yield
    }) : () -> ()
    %barrier3A = arith.constant 0 : index
    tpu.barrier barrier_id(%barrier3A)
    %eq3A = arith.constant 0 : i32
    %eq3A_1 = arith.cmpi eq, %arg0, %eq3A : i32
    %convert_element_type3A = arith.extui %eq3A_1 : i1 to i32
    %cond3A = arith.constant 0 : i32
    %cond3A_2 = arith.cmpi ne, %convert_element_type3A, %cond3A : i32
    scf.if %cond3A_2 {
      %mul3A_19 = arith.constant 10240 : i32
      %mul3A_20 = arith.muli %arg1, %mul3A_19 : i32
      %add3A = arith.constant 0 : i32
      %add3A_21 = arith.addi %add3A, %mul3A_20 : i32
      %scan3A = arith.constant 0 : i32
      %scan3A_22 = arith.constant 80 : i32
      %scan3A_23 = arith.addi %scan3A, %scan3A_22 : i32
      %scan3A_24 = arith.constant 1 : i32
      scf.for %scan3A_26 = %scan3A to %scan3A_23 step %scan3A_24  : i32 {
        %mul3A_27 = arith.constant 1 : i32
        %mul3A_28 = arith.muli %scan3A_26, %mul3A_27 : i32
        %add3A_29 = arith.constant 0 : i32
        %add3A_30 = arith.addi %add3A_29, %mul3A_28 : i32
        %mul3A_31 = arith.constant 128 : i32
        %mul3A_32 = arith.muli %add3A_30, %mul3A_31 : i32
        %add3A_33 = arith.addi %add3A_21, %mul3A_32 : i32
        "tpu.region"() ({
          %run_scoped3A = tpu.sem_alloc : memref<!tpu.dma_semaphore, #tpu.memory_space<semaphore_mem>>
          %dma_start3A_41 = tpu.memref_slice %arg4[%add3A_33] : memref<327680xi32, #tpu.memory_space<hbm>> -> memref<128xi32, #tpu.memory_space<hbm>>
          %dma_start3A_42 = tpu.memref_slice %arg4[%add3A_33] : memref<327680xi32, #tpu.memory_space<hbm>> -> memref<128xi32, #tpu.memory_space<hbm>>
          tpu.enqueue_dma source(%dma_start3A_42 : memref<128xi32, #tpu.memory_space<hbm>>) target(%arg8 : memref<128xi32, #tpu.memory_space<vmem>>) target_semaphore(%run_scoped3A : memref<!tpu.dma_semaphore, #tpu.memory_space<semaphore_mem>>)
          %dma_wait3A_43 = tpu.memref_slice %arg4[%add3A_33] : memref<327680xi32, #tpu.memory_space<hbm>> -> memref<128xi32, #tpu.memory_space<hbm>>
          %dma_wait3A_44 = tpu.memref_slice %arg4[%add3A_33] : memref<327680xi32, #tpu.memory_space<hbm>> -> memref<128xi32, #tpu.memory_space<hbm>>
          tpu.wait_dma2 semaphore(%run_scoped3A : memref<!tpu.dma_semaphore, #tpu.memory_space<semaphore_mem>>) src(%dma_wait3A_44 : memref<128xi32, #tpu.memory_space<hbm>>) dst(%arg8 : memref<128xi32, #tpu.memory_space<vmem>>)
          tpu.yield
        }) : () -> ()
        %sub3A = arith.constant 0 : i32
        %sub3A_34 = arith.subi %add3A_33, %sub3A : i32
        %dma_start3A = arith.constant 0 : i32
        %dma_start3A_35 = tpu.memref_slice %arg2[%sub3A_34, %dma_start3A] : memref<163840x128xf32, #tpu.memory_space<hbm>> -> memref<128x128xf32, #tpu.memory_space<hbm>>
        %dma_start3A_36 = arith.constant 0 : i32
        %dma_start3A_37 = tpu.memref_slice %arg2[%sub3A_34, %dma_start3A_36] : memref<163840x128xf32, #tpu.memory_space<hbm>> -> memref<128x128xf32, #tpu.memory_space<hbm>>
        tpu.enqueue_dma source(%dma_start3A_37 : memref<128x128xf32, #tpu.memory_space<hbm>>) target(%arg9 : memref<128x128xf32, #tpu.memory_space<vmem>>) target_semaphore(%arg11 : memref<!tpu.dma_semaphore, #tpu.memory_space<semaphore_mem>>)
        %dma_wait3A = arith.constant 0 : i32
        %dma_wait3A_38 = tpu.memref_slice %arg2[%sub3A_34, %dma_wait3A] : memref<163840x128xf32, #tpu.memory_space<hbm>> -> memref<128x128xf32, #tpu.memory_space<hbm>>
        %dma_wait3A_39 = arith.constant 0 : i32
        %dma_wait3A_40 = tpu.memref_slice %arg2[%sub3A_34, %dma_wait3A_39] : memref<163840x128xf32, #tpu.memory_space<hbm>> -> memref<128x128xf32, #tpu.memory_space<hbm>>
        tpu.wait_dma2 semaphore(%arg11 : memref<!tpu.dma_semaphore, #tpu.memory_space<semaphore_mem>>) src(%dma_wait3A_40 : memref<128x128xf32, #tpu.memory_space<hbm>>) dst(%arg9 : memref<128x128xf32, #tpu.memory_space<vmem>>)
        "tpu.region"() ({
          %run_scoped3A = tpu.sem_alloc : memref<!tpu.dma_semaphore, #tpu.memory_space<semaphore_mem>>
          %dma_start3A_41 = arith.constant 0 : i32
          %dma_start3A_42 = arith.constant 0 : i32
          %dma_start3A_43 = tpu.memref_slice %arg10[%dma_start3A_41, %dma_start3A_42] : memref<10240x128xf32, #tpu.memory_space<vmem_shared>> -> memref<10240x128xf32, #tpu.memory_space<vmem_shared>>
          tpu.enqueue_indirect_dma source(%arg9 : memref<128x128xf32, #tpu.memory_space<vmem>>) target(%dma_start3A_43 : memref<10240x128xf32, #tpu.memory_space<vmem_shared>>) offsets(%arg8 : memref<128xi32, #tpu.memory_space<vmem>>) semaphore(%run_scoped3A : memref<!tpu.dma_semaphore, #tpu.memory_space<semaphore_mem>>) {add = true}
          %dma_wait3A_44 = arith.constant 0 : i32
          %dma_wait3A_45 = arith.constant 0 : i32
          %dma_wait3A_46 = tpu.memref_slice %arg10[%dma_wait3A_44, %dma_wait3A_45] : memref<10240x128xf32, #tpu.memory_space<vmem_shared>> -> memref<10240x128xf32, #tpu.memory_space<vmem_shared>>
          tpu.wait_indirect_dma semaphore(%run_scoped3A : memref<!tpu.dma_semaphore, #tpu.memory_space<semaphore_mem>>) src(%arg9 : memref<128x128xf32, #tpu.memory_space<vmem>>) dst(%dma_wait3A_46 : memref<10240x128xf32, #tpu.memory_space<vmem_shared>>)
          tpu.yield
        }) : () -> ()
      }
      %scan3A_25 = arith.constant 80 : i32
    } else {
    }
    %eq3A_3 = arith.constant 1 : i32
    %eq3A_4 = arith.cmpi eq, %arg0, %eq3A_3 : i32
    %convert_element_type3A_5 = arith.extui %eq3A_4 : i1 to i32
    %cond3A_6 = arith.constant 0 : i32
    %cond3A_7 = arith.cmpi ne, %convert_element_type3A_5, %cond3A_6 : i32
    scf.if %cond3A_7 {
      %mul3A_19 = arith.constant 10240 : i32
      %mul3A_20 = arith.muli %arg1, %mul3A_19 : i32
      %add3A = arith.constant 163840 : i32
      %add3A_21 = arith.addi %add3A, %mul3A_20 : i32
      %scan3A = arith.constant 0 : i32
      %scan3A_22 = arith.constant 80 : i32
      %scan3A_23 = arith.addi %scan3A, %scan3A_22 : i32
      %scan3A_24 = arith.constant 1 : i32
      scf.for %scan3A_26 = %scan3A to %scan3A_23 step %scan3A_24  : i32 {
        %mul3A_27 = arith.constant 1 : i32
        %mul3A_28 = arith.muli %scan3A_26, %mul3A_27 : i32
        %add3A_29 = arith.constant 0 : i32
        %add3A_30 = arith.addi %add3A_29, %mul3A_28 : i32
        %mul3A_31 = arith.constant 128 : i32
        %mul3A_32 = arith.muli %add3A_30, %mul3A_31 : i32
        %add3A_33 = arith.addi %add3A_21, %mul3A_32 : i32
        "tpu.region"() ({
          %run_scoped3A = tpu.sem_alloc : memref<!tpu.dma_semaphore, #tpu.memory_space<semaphore_mem>>
          %dma_start3A_41 = tpu.memref_slice %arg4[%add3A_33] : memref<327680xi32, #tpu.memory_space<hbm>> -> memref<128xi32, #tpu.memory_space<hbm>>
          %dma_start3A_42 = tpu.memref_slice %arg4[%add3A_33] : memref<327680xi32, #tpu.memory_space<hbm>> -> memref<128xi32, #tpu.memory_space<hbm>>
          tpu.enqueue_dma source(%dma_start3A_42 : memref<128xi32, #tpu.memory_space<hbm>>) target(%arg8 : memref<128xi32, #tpu.memory_space<vmem>>) target_semaphore(%run_scoped3A : memref<!tpu.dma_semaphore, #tpu.memory_space<semaphore_mem>>)
          %dma_wait3A_43 = tpu.memref_slice %arg4[%add3A_33] : memref<327680xi32, #tpu.memory_space<hbm>> -> memref<128xi32, #tpu.memory_space<hbm>>
          %dma_wait3A_44 = tpu.memref_slice %arg4[%add3A_33] : memref<327680xi32, #tpu.memory_space<hbm>> -> memref<128xi32, #tpu.memory_space<hbm>>
          tpu.wait_dma2 semaphore(%run_scoped3A : memref<!tpu.dma_semaphore, #tpu.memory_space<semaphore_mem>>) src(%dma_wait3A_44 : memref<128xi32, #tpu.memory_space<hbm>>) dst(%arg8 : memref<128xi32, #tpu.memory_space<vmem>>)
          tpu.yield
        }) : () -> ()
        %sub3A = arith.constant 163840 : i32
        %sub3A_34 = arith.subi %add3A_33, %sub3A : i32
        %dma_start3A = arith.constant 0 : i32
        %dma_start3A_35 = tpu.memref_slice %arg3[%sub3A_34, %dma_start3A] : memref<163840x128xf32, #tpu.memory_space<hbm>> -> memref<128x128xf32, #tpu.memory_space<hbm>>
        %dma_start3A_36 = arith.constant 0 : i32
        %dma_start3A_37 = tpu.memref_slice %arg3[%sub3A_34, %dma_start3A_36] : memref<163840x128xf32, #tpu.memory_space<hbm>> -> memref<128x128xf32, #tpu.memory_space<hbm>>
        tpu.enqueue_dma source(%dma_start3A_37 : memref<128x128xf32, #tpu.memory_space<hbm>>) target(%arg9 : memref<128x128xf32, #tpu.memory_space<vmem>>) target_semaphore(%arg11 : memref<!tpu.dma_semaphore, #tpu.memory_space<semaphore_mem>>)
        %dma_wait3A = arith.constant 0 : i32
        %dma_wait3A_38 = tpu.memref_slice %arg3[%sub3A_34, %dma_wait3A] : memref<163840x128xf32, #tpu.memory_space<hbm>> -> memref<128x128xf32, #tpu.memory_space<hbm>>
        %dma_wait3A_39 = arith.constant 0 : i32
        %dma_wait3A_40 = tpu.memref_slice %arg3[%sub3A_34, %dma_wait3A_39] : memref<163840x128xf32, #tpu.memory_space<hbm>> -> memref<128x128xf32, #tpu.memory_space<hbm>>
        tpu.wait_dma2 semaphore(%arg11 : memref<!tpu.dma_semaphore, #tpu.memory_space<semaphore_mem>>) src(%dma_wait3A_40 : memref<128x128xf32, #tpu.memory_space<hbm>>) dst(%arg9 : memref<128x128xf32, #tpu.memory_space<vmem>>)
        "tpu.region"() ({
          %run_scoped3A = tpu.sem_alloc : memref<!tpu.dma_semaphore, #tpu.memory_space<semaphore_mem>>
          %dma_start3A_41 = arith.constant 0 : i32
          %dma_start3A_42 = arith.constant 0 : i32
          %dma_start3A_43 = tpu.memref_slice %arg10[%dma_start3A_41, %dma_start3A_42] : memref<10240x128xf32, #tpu.memory_space<vmem_shared>> -> memref<10240x128xf32, #tpu.memory_space<vmem_shared>>
          tpu.enqueue_indirect_dma source(%arg9 : memref<128x128xf32, #tpu.memory_space<vmem>>) target(%dma_start3A_43 : memref<10240x128xf32, #tpu.memory_space<vmem_shared>>) offsets(%arg8 : memref<128xi32, #tpu.memory_space<vmem>>) semaphore(%run_scoped3A : memref<!tpu.dma_semaphore, #tpu.memory_space<semaphore_mem>>) {add = true}
          %dma_wait3A_44 = arith.constant 0 : i32
          %dma_wait3A_45 = arith.constant 0 : i32
          %dma_wait3A_46 = tpu.memref_slice %arg10[%dma_wait3A_44, %dma_wait3A_45] : memref<10240x128xf32, #tpu.memory_space<vmem_shared>> -> memref<10240x128xf32, #tpu.memory_space<vmem_shared>>
          tpu.wait_indirect_dma semaphore(%run_scoped3A : memref<!tpu.dma_semaphore, #tpu.memory_space<semaphore_mem>>) src(%arg9 : memref<128x128xf32, #tpu.memory_space<vmem>>) dst(%dma_wait3A_46 : memref<10240x128xf32, #tpu.memory_space<vmem_shared>>)
          tpu.yield
        }) : () -> ()
      }
      %scan3A_25 = arith.constant 80 : i32
    } else {
    }
    %barrier3A_8 = arith.constant 0 : index
    tpu.barrier barrier_id(%barrier3A_8)
    %eq3A_9 = arith.constant 0 : i32
    %eq3A_10 = arith.cmpi eq, %arg0, %eq3A_9 : i32
    %convert_element_type3A_11 = arith.extui %eq3A_10 : i1 to i32
    %cond3A_12 = arith.constant 0 : i32
    %cond3A_13 = arith.cmpi ne, %convert_element_type3A_11, %cond3A_12 : i32
    scf.if %cond3A_13 {
      "tpu.region"() ({
        %run_scoped3A = tpu.sem_alloc : memref<!tpu.dma_semaphore, #tpu.memory_space<semaphore_mem>>
        %dma_start3A = arith.constant 0 : i32
        %dma_start3A_19 = tpu.memref_slice %arg6[%mul3A_0, %dma_start3A] : memref<10240x128xf32, #tpu.memory_space<hbm>> -> memref<640x128xf32, #tpu.memory_space<hbm>>
        %dma_start3A_20 = arith.constant 0 : i32
        %dma_start3A_21 = tpu.memref_slice %arg10[%mul3A_0, %dma_start3A_20] : memref<10240x128xf32, #tpu.memory_space<vmem_shared>> -> memref<640x128xf32, #tpu.memory_space<vmem_shared>>
        tpu.enqueue_dma source(%dma_start3A_21 : memref<640x128xf32, #tpu.memory_space<vmem_shared>>) target(%dma_start3A_19 : memref<640x128xf32, #tpu.memory_space<hbm>>) target_semaphore(%run_scoped3A : memref<!tpu.dma_semaphore, #tpu.memory_space<semaphore_mem>>)
        %dma_wait3A = arith.constant 0 : i32
        %dma_wait3A_22 = tpu.memref_slice %arg6[%mul3A_0, %dma_wait3A] : memref<10240x128xf32, #tpu.memory_space<hbm>> -> memref<640x128xf32, #tpu.memory_space<hbm>>
        %dma_wait3A_23 = arith.constant 0 : i32
        %dma_wait3A_24 = tpu.memref_slice %arg10[%mul3A_0, %dma_wait3A_23] : memref<10240x128xf32, #tpu.memory_space<vmem_shared>> -> memref<640x128xf32, #tpu.memory_space<vmem_shared>>
        tpu.wait_dma2 semaphore(%run_scoped3A : memref<!tpu.dma_semaphore, #tpu.memory_space<semaphore_mem>>) src(%dma_wait3A_24 : memref<640x128xf32, #tpu.memory_space<vmem_shared>>) dst(%dma_wait3A_22 : memref<640x128xf32, #tpu.memory_space<hbm>>)
        tpu.yield
      }) : () -> ()
    } else {
    }
    %eq3A_14 = arith.constant 1 : i32
    %eq3A_15 = arith.cmpi eq, %arg0, %eq3A_14 : i32
    %convert_element_type3A_16 = arith.extui %eq3A_15 : i1 to i32
    %cond3A_17 = arith.constant 0 : i32
    %cond3A_18 = arith.cmpi ne, %convert_element_type3A_16, %cond3A_17 : i32
    scf.if %cond3A_18 {
      "tpu.region"() ({
        %run_scoped3A = tpu.sem_alloc : memref<!tpu.dma_semaphore, #tpu.memory_space<semaphore_mem>>
        %dma_start3A = arith.constant 0 : i32
        %dma_start3A_19 = tpu.memref_slice %arg7[%mul3A_0, %dma_start3A] : memref<10240x128xf32, #tpu.memory_space<hbm>> -> memref<640x128xf32, #tpu.memory_space<hbm>>
        %dma_start3A_20 = arith.constant 0 : i32
        %dma_start3A_21 = tpu.memref_slice %arg10[%mul3A_0, %dma_start3A_20] : memref<10240x128xf32, #tpu.memory_space<vmem_shared>> -> memref<640x128xf32, #tpu.memory_space<vmem_shared>>
        tpu.enqueue_dma source(%dma_start3A_21 : memref<640x128xf32, #tpu.memory_space<vmem_shared>>) target(%dma_start3A_19 : memref<640x128xf32, #tpu.memory_space<hbm>>) target_semaphore(%run_scoped3A : memref<!tpu.dma_semaphore, #tpu.memory_space<semaphore_mem>>)
        %dma_wait3A = arith.constant 0 : i32
        %dma_wait3A_22 = tpu.memref_slice %arg7[%mul3A_0, %dma_wait3A] : memref<10240x128xf32, #tpu.memory_space<hbm>> -> memref<640x128xf32, #tpu.memory_space<hbm>>
        %dma_wait3A_23 = arith.constant 0 : i32
        %dma_wait3A_24 = tpu.memref_slice %arg10[%mul3A_0, %dma_wait3A_23] : memref<10240x128xf32, #tpu.memory_space<vmem_shared>> -> memref<640x128xf32, #tpu.memory_space<vmem_shared>>
        tpu.wait_dma2 semaphore(%run_scoped3A : memref<!tpu.dma_semaphore, #tpu.memory_space<semaphore_mem>>) src(%dma_wait3A_24 : memref<640x128xf32, #tpu.memory_space<vmem_shared>>) dst(%dma_wait3A_22 : memref<640x128xf32, #tpu.memory_space<hbm>>)
        tpu.yield
      }) : () -> ()
    } else {
    }
    return
  }
}

#map = affine_map<(d0, d1) -> (0, 0)>
#map1 = affine_map<(d0, d1) -> (0)>
module attributes {stable_mosaic.version = 14 : i64} {
  func.func @sc_gather2_64(%arg0: i32, %arg1: i32, %arg2: memref<10240x64xf32, #tpu.memory_space<hbm>>, %arg3: memref<327680xi32, #tpu.memory_space<hbm>>, %arg4: memref<327680xi32, #tpu.memory_space<hbm>>, %arg5: memref<327680x64xf32, #tpu.memory_space<hbm>>, %arg6: memref<327680x64xf32, #tpu.memory_space<hbm>>, %arg7: memref<2x20480xi32, #tpu.memory_space<vmem>>, %arg8: memref<128x64xf32, #tpu.memory_space<vmem>>, %arg9: memref<128x64xf32, #tpu.memory_space<vmem>>, %arg10: memref<128x64xf32, #tpu.memory_space<vmem>>, %arg11: memref<128x64xf32, #tpu.memory_space<vmem>>, %arg12: memref<!tpu.dma_semaphore, #tpu.memory_space<semaphore_mem>>, %arg13: memref<!tpu.dma_semaphore, #tpu.memory_space<semaphore_mem>>, %arg14: memref<!tpu.dma_semaphore, #tpu.memory_space<semaphore_mem>>, %arg15: memref<!tpu.dma_semaphore, #tpu.memory_space<semaphore_mem>>, %arg16: memref<!tpu.dma_semaphore, #tpu.memory_space<semaphore_mem>>, %arg17: memref<!tpu.dma_semaphore, #tpu.memory_space<semaphore_mem>>, %arg18: memref<!tpu.dma_semaphore, #tpu.memory_space<semaphore_mem>>, %arg19: memref<!tpu.dma_semaphore, #tpu.memory_space<semaphore_mem>>) attributes {dimension_semantics = [#tpu.dimension_semantics<core_parallel>, #tpu.dimension_semantics<subcore_parallel>], iteration_bounds = array<i64: 2, 16>, scalar_prefetch = 0 : i64, scratch_operands = 13 : i64, tpu.core_type = #tpu.core_type<sc_vector_subcore>, window_params = [{transform_indices = #map}, {transform_indices = #map1}, {transform_indices = #map1}, {transform_indices = #map}, {transform_indices = #map}]} {
    %eq3A = arith.constant 0 : i32
    %eq3A_0 = arith.cmpi eq, %arg0, %eq3A : i32
    %convert_element_type3A = arith.extui %eq3A_0 : i1 to i32
    %cond3A = arith.constant 0 : i32
    %cond3A_1 = arith.cmpi ne, %convert_element_type3A, %cond3A : i32
    scf.if %cond3A_1 {
      %mul3A = arith.constant 20480 : i32
      %mul3A_7 = arith.muli %arg1, %mul3A : i32
      %run_scoped3A = arith.constant 0 : i32
      "tpu.region"() ({
        %run_scoped3A_33 = tpu.sem_alloc : memref<!tpu.dma_semaphore, #tpu.memory_space<semaphore_mem>>
        %dma_start3A_34 = arith.constant 0 : i32
        %dma_start3A_35 = tpu.memref_slice %arg7[%run_scoped3A, %dma_start3A_34] : memref<2x20480xi32, #tpu.memory_space<vmem>> -> memref<1x20480xi32, #tpu.memory_space<vmem>>
        %dma_start3A_36 = tpu.memref_squeeze %dma_start3A_35 : memref<1x20480xi32, #tpu.memory_space<vmem>> -> memref<20480xi32, #tpu.memory_space<vmem>>
        %dma_start3A_37 = tpu.memref_slice %arg3[%mul3A_7] : memref<327680xi32, #tpu.memory_space<hbm>> -> memref<20480xi32, #tpu.memory_space<hbm>>
        %dma_start3A_38 = arith.constant 0 : i32
        %dma_start3A_39 = tpu.memref_slice %arg7[%run_scoped3A, %dma_start3A_38] : memref<2x20480xi32, #tpu.memory_space<vmem>> -> memref<1x20480xi32, #tpu.memory_space<vmem>>
        %dma_start3A_40 = tpu.memref_squeeze %dma_start3A_39 : memref<1x20480xi32, #tpu.memory_space<vmem>> -> memref<20480xi32, #tpu.memory_space<vmem>>
        %dma_start3A_41 = tpu.memref_slice %arg3[%mul3A_7] : memref<327680xi32, #tpu.memory_space<hbm>> -> memref<20480xi32, #tpu.memory_space<hbm>>
        tpu.enqueue_dma source(%dma_start3A_41 : memref<20480xi32, #tpu.memory_space<hbm>>) target(%dma_start3A_40 : memref<20480xi32, #tpu.memory_space<vmem>>) target_semaphore(%run_scoped3A_33 : memref<!tpu.dma_semaphore, #tpu.memory_space<semaphore_mem>>)
        %dma_wait3A_42 = arith.constant 0 : i32
        %dma_wait3A_43 = tpu.memref_slice %arg7[%run_scoped3A, %dma_wait3A_42] : memref<2x20480xi32, #tpu.memory_space<vmem>> -> memref<1x20480xi32, #tpu.memory_space<vmem>>
        %dma_wait3A_44 = tpu.memref_squeeze %dma_wait3A_43 : memref<1x20480xi32, #tpu.memory_space<vmem>> -> memref<20480xi32, #tpu.memory_space<vmem>>
        %dma_wait3A_45 = tpu.memref_slice %arg3[%mul3A_7] : memref<327680xi32, #tpu.memory_space<hbm>> -> memref<20480xi32, #tpu.memory_space<hbm>>
        %dma_wait3A_46 = arith.constant 0 : i32
        %dma_wait3A_47 = tpu.memref_slice %arg7[%run_scoped3A, %dma_wait3A_46] : memref<2x20480xi32, #tpu.memory_space<vmem>> -> memref<1x20480xi32, #tpu.memory_space<vmem>>
        %dma_wait3A_48 = tpu.memref_squeeze %dma_wait3A_47 : memref<1x20480xi32, #tpu.memory_space<vmem>> -> memref<20480xi32, #tpu.memory_space<vmem>>
        %dma_wait3A_49 = tpu.memref_slice %arg3[%mul3A_7] : memref<327680xi32, #tpu.memory_space<hbm>> -> memref<20480xi32, #tpu.memory_space<hbm>>
        tpu.wait_dma2 semaphore(%run_scoped3A_33 : memref<!tpu.dma_semaphore, #tpu.memory_space<semaphore_mem>>) src(%dma_wait3A_49 : memref<20480xi32, #tpu.memory_space<hbm>>) dst(%dma_wait3A_48 : memref<20480xi32, #tpu.memory_space<vmem>>)
        tpu.yield
      }) : () -> ()
      %run_scoped3A_8 = arith.constant 1 : i32
      "tpu.region"() ({
        %run_scoped3A_33 = tpu.sem_alloc : memref<!tpu.dma_semaphore, #tpu.memory_space<semaphore_mem>>
        %dma_start3A_34 = arith.constant 0 : i32
        %dma_start3A_35 = tpu.memref_slice %arg7[%run_scoped3A_8, %dma_start3A_34] : memref<2x20480xi32, #tpu.memory_space<vmem>> -> memref<1x20480xi32, #tpu.memory_space<vmem>>
        %dma_start3A_36 = tpu.memref_squeeze %dma_start3A_35 : memref<1x20480xi32, #tpu.memory_space<vmem>> -> memref<20480xi32, #tpu.memory_space<vmem>>
        %dma_start3A_37 = tpu.memref_slice %arg4[%mul3A_7] : memref<327680xi32, #tpu.memory_space<hbm>> -> memref<20480xi32, #tpu.memory_space<hbm>>
        %dma_start3A_38 = arith.constant 0 : i32
        %dma_start3A_39 = tpu.memref_slice %arg7[%run_scoped3A_8, %dma_start3A_38] : memref<2x20480xi32, #tpu.memory_space<vmem>> -> memref<1x20480xi32, #tpu.memory_space<vmem>>
        %dma_start3A_40 = tpu.memref_squeeze %dma_start3A_39 : memref<1x20480xi32, #tpu.memory_space<vmem>> -> memref<20480xi32, #tpu.memory_space<vmem>>
        %dma_start3A_41 = tpu.memref_slice %arg4[%mul3A_7] : memref<327680xi32, #tpu.memory_space<hbm>> -> memref<20480xi32, #tpu.memory_space<hbm>>
        tpu.enqueue_dma source(%dma_start3A_41 : memref<20480xi32, #tpu.memory_space<hbm>>) target(%dma_start3A_40 : memref<20480xi32, #tpu.memory_space<vmem>>) target_semaphore(%run_scoped3A_33 : memref<!tpu.dma_semaphore, #tpu.memory_space<semaphore_mem>>)
        %dma_wait3A_42 = arith.constant 0 : i32
        %dma_wait3A_43 = tpu.memref_slice %arg7[%run_scoped3A_8, %dma_wait3A_42] : memref<2x20480xi32, #tpu.memory_space<vmem>> -> memref<1x20480xi32, #tpu.memory_space<vmem>>
        %dma_wait3A_44 = tpu.memref_squeeze %dma_wait3A_43 : memref<1x20480xi32, #tpu.memory_space<vmem>> -> memref<20480xi32, #tpu.memory_space<vmem>>
        %dma_wait3A_45 = tpu.memref_slice %arg4[%mul3A_7] : memref<327680xi32, #tpu.memory_space<hbm>> -> memref<20480xi32, #tpu.memory_space<hbm>>
        %dma_wait3A_46 = arith.constant 0 : i32
        %dma_wait3A_47 = tpu.memref_slice %arg7[%run_scoped3A_8, %dma_wait3A_46] : memref<2x20480xi32, #tpu.memory_space<vmem>> -> memref<1x20480xi32, #tpu.memory_space<vmem>>
        %dma_wait3A_48 = tpu.memref_squeeze %dma_wait3A_47 : memref<1x20480xi32, #tpu.memory_space<vmem>> -> memref<20480xi32, #tpu.memory_space<vmem>>
        %dma_wait3A_49 = tpu.memref_slice %arg4[%mul3A_7] : memref<327680xi32, #tpu.memory_space<hbm>> -> memref<20480xi32, #tpu.memory_space<hbm>>
        tpu.wait_dma2 semaphore(%run_scoped3A_33 : memref<!tpu.dma_semaphore, #tpu.memory_space<semaphore_mem>>) src(%dma_wait3A_49 : memref<20480xi32, #tpu.memory_space<hbm>>) dst(%dma_wait3A_48 : memref<20480xi32, #tpu.memory_space<vmem>>)
        tpu.yield
      }) : () -> ()
      %dma_start3A = arith.constant 0 : i32
      %dma_start3A_9 = arith.constant 0 : i32
      %dma_start3A_10 = tpu.memref_slice %arg7[%dma_start3A, %dma_start3A_9] : memref<2x20480xi32, #tpu.memory_space<vmem>> -> memref<1x128xi32, #tpu.memory_space<vmem>>
      %dma_start3A_11 = tpu.memref_squeeze %dma_start3A_10 : memref<1x128xi32, #tpu.memory_space<vmem>> -> memref<128xi32, #tpu.memory_space<vmem>>
      %dma_start3A_12 = arith.constant 0 : i32
      %dma_start3A_13 = arith.constant 0 : i32
      %dma_start3A_14 = tpu.memref_slice %arg2[%dma_start3A_12, %dma_start3A_13] : memref<10240x64xf32, #tpu.memory_space<hbm>> -> memref<10240x64xf32, #tpu.memory_space<hbm>>
      tpu.enqueue_indirect_dma source(%dma_start3A_14 : memref<10240x64xf32, #tpu.memory_space<hbm>>) target(%arg8 : memref<128x64xf32, #tpu.memory_space<vmem>>) offsets(%dma_start3A_11 : memref<128xi32, #tpu.memory_space<vmem>>) semaphore(%arg12 : memref<!tpu.dma_semaphore, #tpu.memory_space<semaphore_mem>>)
      %dma_start3A_15 = arith.constant 1 : i32
      %dma_start3A_16 = arith.constant 0 : i32
      %dma_start3A_17 = tpu.memref_slice %arg7[%dma_start3A_15, %dma_start3A_16] : memref<2x20480xi32, #tpu.memory_space<vmem>> -> memref<1x128xi32, #tpu.memory_space<vmem>>
      %dma_start3A_18 = tpu.memref_squeeze %dma_start3A_17 : memref<1x128xi32, #tpu.memory_space<vmem>> -> memref<128xi32, #tpu.memory_space<vmem>>
      %dma_start3A_19 = arith.constant 0 : i32
      %dma_start3A_20 = arith.constant 0 : i32
      %dma_start3A_21 = tpu.memref_slice %arg2[%dma_start3A_19, %dma_start3A_20] : memref<10240x64xf32, #tpu.memory_space<hbm>> -> memref<10240x64xf32, #tpu.memory_space<hbm>>
      tpu.enqueue_indirect_dma source(%dma_start3A_21 : memref<10240x64xf32, #tpu.memory_space<hbm>>) target(%arg10 : memref<128x64xf32, #tpu.memory_space<vmem>>) offsets(%dma_start3A_18 : memref<128xi32, #tpu.memory_space<vmem>>) semaphore(%arg14 : memref<!tpu.dma_semaphore, #tpu.memory_space<semaphore_mem>>)
      %scan3A = arith.constant 0 : i32
      %scan3A_22 = arith.constant 80 : i32
      %scan3A_23 = arith.addi %scan3A, %scan3A_22 : i32
      %scan3A_24 = arith.constant 1 : i32
      scf.for %scan3A_33 = %scan3A to %scan3A_23 step %scan3A_24  : i32 {
        %mul3A_34 = arith.constant 2 : i32
        %mul3A_35 = arith.muli %scan3A_33, %mul3A_34 : i32
        %add3A = arith.constant 0 : i32
        %add3A_36 = arith.addi %add3A, %mul3A_35 : i32
        %add3A_37 = arith.constant 0 : i32
        %add3A_38 = arith.addi %add3A_36, %add3A_37 : i32
        %dma_wait3A_39 = arith.constant 0 : i32
        %dma_wait3A_40 = arith.constant 0 : i32
        %dma_wait3A_41 = tpu.memref_slice %arg2[%dma_wait3A_39, %dma_wait3A_40] : memref<10240x64xf32, #tpu.memory_space<hbm>> -> memref<128x64xf32, #tpu.memory_space<hbm>>
        %dma_wait3A_42 = arith.constant 0 : i32
        %dma_wait3A_43 = arith.constant 0 : i32
        %dma_wait3A_44 = tpu.memref_slice %arg2[%dma_wait3A_42, %dma_wait3A_43] : memref<10240x64xf32, #tpu.memory_space<hbm>> -> memref<128x64xf32, #tpu.memory_space<hbm>>
        tpu.wait_dma2 semaphore(%arg12 : memref<!tpu.dma_semaphore, #tpu.memory_space<semaphore_mem>>) src(%dma_wait3A_44 : memref<128x64xf32, #tpu.memory_space<hbm>>) dst(%arg8 : memref<128x64xf32, #tpu.memory_space<vmem>>)
        %mul3A_45 = arith.constant 128 : i32
        %mul3A_46 = arith.muli %add3A_38, %mul3A_45 : i32
        %add3A_47 = arith.addi %mul3A_7, %mul3A_46 : i32
        %dma_start3A_48 = arith.constant 0 : i32
        %dma_start3A_49 = tpu.memref_slice %arg5[%add3A_47, %dma_start3A_48] : memref<327680x64xf32, #tpu.memory_space<hbm>> -> memref<128x64xf32, #tpu.memory_space<hbm>>
        %dma_start3A_50 = arith.constant 0 : i32
        %dma_start3A_51 = tpu.memref_slice %arg5[%add3A_47, %dma_start3A_50] : memref<327680x64xf32, #tpu.memory_space<hbm>> -> memref<128x64xf32, #tpu.memory_space<hbm>>
        tpu.enqueue_dma source(%arg8 : memref<128x64xf32, #tpu.memory_space<vmem>>) target(%dma_start3A_51 : memref<128x64xf32, #tpu.memory_space<hbm>>) target_semaphore(%arg16 : memref<!tpu.dma_semaphore, #tpu.memory_space<semaphore_mem>>)
        %add3A_52 = arith.constant 1 : i32
        %add3A_53 = arith.addi %add3A_38, %add3A_52 : i32
        %lt3A = arith.constant 160 : i32
        %lt3A_54 = arith.cmpi slt, %add3A_53, %lt3A : i32
        %convert_element_type3A_55 = arith.extui %lt3A_54 : i1 to i32
        %cond3A_56 = arith.constant 0 : i32
        %cond3A_57 = arith.cmpi ne, %convert_element_type3A_55, %cond3A_56 : i32
        scf.if %cond3A_57 {
          %ge3A = arith.constant 1 : i32
          %ge3A_120 = arith.cmpi sge, %add3A_38, %ge3A : i32
          %convert_element_type3A_121 = arith.extui %ge3A_120 : i1 to i32
          %cond3A_122 = arith.constant 0 : i32
          %cond3A_123 = arith.cmpi ne, %convert_element_type3A_121, %cond3A_122 : i32
          scf.if %cond3A_123 {
            %dma_wait3A_134 = arith.constant 0 : i32
            %dma_wait3A_135 = tpu.memref_slice %arg5[%mul3A_7, %dma_wait3A_134] : memref<327680x64xf32, #tpu.memory_space<hbm>> -> memref<128x64xf32, #tpu.memory_space<hbm>>
            %dma_wait3A_136 = arith.constant 0 : i32
            %dma_wait3A_137 = tpu.memref_slice %arg5[%mul3A_7, %dma_wait3A_136] : memref<327680x64xf32, #tpu.memory_space<hbm>> -> memref<128x64xf32, #tpu.memory_space<hbm>>
            tpu.wait_dma2 semaphore(%arg17 : memref<!tpu.dma_semaphore, #tpu.memory_space<semaphore_mem>>) src(%arg9 : memref<128x64xf32, #tpu.memory_space<vmem>>) dst(%dma_wait3A_137 : memref<128x64xf32, #tpu.memory_space<hbm>>)
          } else {
          }
          %add3A_124 = arith.constant 1 : i32
          %add3A_125 = arith.addi %add3A_38, %add3A_124 : i32
          %mul3A_126 = arith.constant 128 : i32
          %mul3A_127 = arith.muli %add3A_125, %mul3A_126 : i32
          %dma_start3A_128 = arith.constant 0 : i32
          %dma_start3A_129 = tpu.memref_slice %arg7[%dma_start3A_128, %mul3A_127] : memref<2x20480xi32, #tpu.memory_space<vmem>> -> memref<1x128xi32, #tpu.memory_space<vmem>>
          %dma_start3A_130 = tpu.memref_squeeze %dma_start3A_129 : memref<1x128xi32, #tpu.memory_space<vmem>> -> memref<128xi32, #tpu.memory_space<vmem>>
          %dma_start3A_131 = arith.constant 0 : i32
          %dma_start3A_132 = arith.constant 0 : i32
          %dma_start3A_133 = tpu.memref_slice %arg2[%dma_start3A_131, %dma_start3A_132] : memref<10240x64xf32, #tpu.memory_space<hbm>> -> memref<10240x64xf32, #tpu.memory_space<hbm>>
          tpu.enqueue_indirect_dma source(%dma_start3A_133 : memref<10240x64xf32, #tpu.memory_space<hbm>>) target(%arg9 : memref<128x64xf32, #tpu.memory_space<vmem>>) offsets(%dma_start3A_130 : memref<128xi32, #tpu.memory_space<vmem>>) semaphore(%arg13 : memref<!tpu.dma_semaphore, #tpu.memory_space<semaphore_mem>>)
        } else {
        }
        %dma_wait3A_58 = arith.constant 0 : i32
        %dma_wait3A_59 = arith.constant 0 : i32
        %dma_wait3A_60 = tpu.memref_slice %arg2[%dma_wait3A_58, %dma_wait3A_59] : memref<10240x64xf32, #tpu.memory_space<hbm>> -> memref<128x64xf32, #tpu.memory_space<hbm>>
        %dma_wait3A_61 = arith.constant 0 : i32
        %dma_wait3A_62 = arith.constant 0 : i32
        %dma_wait3A_63 = tpu.memref_slice %arg2[%dma_wait3A_61, %dma_wait3A_62] : memref<10240x64xf32, #tpu.memory_space<hbm>> -> memref<128x64xf32, #tpu.memory_space<hbm>>
        tpu.wait_dma2 semaphore(%arg14 : memref<!tpu.dma_semaphore, #tpu.memory_space<semaphore_mem>>) src(%dma_wait3A_63 : memref<128x64xf32, #tpu.memory_space<hbm>>) dst(%arg10 : memref<128x64xf32, #tpu.memory_space<vmem>>)
        %mul3A_64 = arith.constant 128 : i32
        %mul3A_65 = arith.muli %add3A_38, %mul3A_64 : i32
        %add3A_66 = arith.addi %mul3A_7, %mul3A_65 : i32
        %dma_start3A_67 = arith.constant 0 : i32
        %dma_start3A_68 = tpu.memref_slice %arg6[%add3A_66, %dma_start3A_67] : memref<327680x64xf32, #tpu.memory_space<hbm>> -> memref<128x64xf32, #tpu.memory_space<hbm>>
        %dma_start3A_69 = arith.constant 0 : i32
        %dma_start3A_70 = tpu.memref_slice %arg6[%add3A_66, %dma_start3A_69] : memref<327680x64xf32, #tpu.memory_space<hbm>> -> memref<128x64xf32, #tpu.memory_space<hbm>>
        tpu.enqueue_dma source(%arg10 : memref<128x64xf32, #tpu.memory_space<vmem>>) target(%dma_start3A_70 : memref<128x64xf32, #tpu.memory_space<hbm>>) target_semaphore(%arg18 : memref<!tpu.dma_semaphore, #tpu.memory_space<semaphore_mem>>)
        %add3A_71 = arith.constant 1 : i32
        %add3A_72 = arith.addi %add3A_38, %add3A_71 : i32
        %lt3A_73 = arith.constant 160 : i32
        %lt3A_74 = arith.cmpi slt, %add3A_72, %lt3A_73 : i32
        %convert_element_type3A_75 = arith.extui %lt3A_74 : i1 to i32
        %cond3A_76 = arith.constant 0 : i32
        %cond3A_77 = arith.cmpi ne, %convert_element_type3A_75, %cond3A_76 : i32
        scf.if %cond3A_77 {
          %ge3A = arith.constant 1 : i32
          %ge3A_120 = arith.cmpi sge, %add3A_38, %ge3A : i32
          %convert_element_type3A_121 = arith.extui %ge3A_120 : i1 to i32
          %cond3A_122 = arith.constant 0 : i32
          %cond3A_123 = arith.cmpi ne, %convert_element_type3A_121, %cond3A_122 : i32
          scf.if %cond3A_123 {
            %dma_wait3A_134 = arith.constant 0 : i32
            %dma_wait3A_135 = tpu.memref_slice %arg6[%mul3A_7, %dma_wait3A_134] : memref<327680x64xf32, #tpu.memory_space<hbm>> -> memref<128x64xf32, #tpu.memory_space<hbm>>
            %dma_wait3A_136 = arith.constant 0 : i32
            %dma_wait3A_137 = tpu.memref_slice %arg6[%mul3A_7, %dma_wait3A_136] : memref<327680x64xf32, #tpu.memory_space<hbm>> -> memref<128x64xf32, #tpu.memory_space<hbm>>
            tpu.wait_dma2 semaphore(%arg19 : memref<!tpu.dma_semaphore, #tpu.memory_space<semaphore_mem>>) src(%arg11 : memref<128x64xf32, #tpu.memory_space<vmem>>) dst(%dma_wait3A_137 : memref<128x64xf32, #tpu.memory_space<hbm>>)
          } else {
          }
          %add3A_124 = arith.constant 1 : i32
          %add3A_125 = arith.addi %add3A_38, %add3A_124 : i32
          %mul3A_126 = arith.constant 128 : i32
          %mul3A_127 = arith.muli %add3A_125, %mul3A_126 : i32
          %dma_start3A_128 = arith.constant 1 : i32
          %dma_start3A_129 = tpu.memref_slice %arg7[%dma_start3A_128, %mul3A_127] : memref<2x20480xi32, #tpu.memory_space<vmem>> -> memref<1x128xi32, #tpu.memory_space<vmem>>
          %dma_start3A_130 = tpu.memref_squeeze %dma_start3A_129 : memref<1x128xi32, #tpu.memory_space<vmem>> -> memref<128xi32, #tpu.memory_space<vmem>>
          %dma_start3A_131 = arith.constant 0 : i32
          %dma_start3A_132 = arith.constant 0 : i32
          %dma_start3A_133 = tpu.memref_slice %arg2[%dma_start3A_131, %dma_start3A_132] : memref<10240x64xf32, #tpu.memory_space<hbm>> -> memref<10240x64xf32, #tpu.memory_space<hbm>>
          tpu.enqueue_indirect_dma source(%dma_start3A_133 : memref<10240x64xf32, #tpu.memory_space<hbm>>) target(%arg11 : memref<128x64xf32, #tpu.memory_space<vmem>>) offsets(%dma_start3A_130 : memref<128xi32, #tpu.memory_space<vmem>>) semaphore(%arg15 : memref<!tpu.dma_semaphore, #tpu.memory_space<semaphore_mem>>)
        } else {
        }
        %add3A_78 = arith.constant 1 : i32
        %add3A_79 = arith.addi %add3A_36, %add3A_78 : i32
        %dma_wait3A_80 = arith.constant 0 : i32
        %dma_wait3A_81 = arith.constant 0 : i32
        %dma_wait3A_82 = tpu.memref_slice %arg2[%dma_wait3A_80, %dma_wait3A_81] : memref<10240x64xf32, #tpu.memory_space<hbm>> -> memref<128x64xf32, #tpu.memory_space<hbm>>
        %dma_wait3A_83 = arith.constant 0 : i32
        %dma_wait3A_84 = arith.constant 0 : i32
        %dma_wait3A_85 = tpu.memref_slice %arg2[%dma_wait3A_83, %dma_wait3A_84] : memref<10240x64xf32, #tpu.memory_space<hbm>> -> memref<128x64xf32, #tpu.memory_space<hbm>>
        tpu.wait_dma2 semaphore(%arg13 : memref<!tpu.dma_semaphore, #tpu.memory_space<semaphore_mem>>) src(%dma_wait3A_85 : memref<128x64xf32, #tpu.memory_space<hbm>>) dst(%arg9 : memref<128x64xf32, #tpu.memory_space<vmem>>)
        %mul3A_86 = arith.constant 128 : i32
        %mul3A_87 = arith.muli %add3A_79, %mul3A_86 : i32
        %add3A_88 = arith.addi %mul3A_7, %mul3A_87 : i32
        %dma_start3A_89 = arith.constant 0 : i32
        %dma_start3A_90 = tpu.memref_slice %arg5[%add3A_88, %dma_start3A_89] : memref<327680x64xf32, #tpu.memory_space<hbm>> -> memref<128x64xf32, #tpu.memory_space<hbm>>
        %dma_start3A_91 = arith.constant 0 : i32
        %dma_start3A_92 = tpu.memref_slice %arg5[%add3A_88, %dma_start3A_91] : memref<327680x64xf32, #tpu.memory_space<hbm>> -> memref<128x64xf32, #tpu.memory_space<hbm>>
        tpu.enqueue_dma source(%arg9 : memref<128x64xf32, #tpu.memory_space<vmem>>) target(%dma_start3A_92 : memref<128x64xf32, #tpu.memory_space<hbm>>) target_semaphore(%arg17 : memref<!tpu.dma_semaphore, #tpu.memory_space<semaphore_mem>>)
        %add3A_93 = arith.constant 1 : i32
        %add3A_94 = arith.addi %add3A_79, %add3A_93 : i32
        %lt3A_95 = arith.constant 160 : i32
        %lt3A_96 = arith.cmpi slt, %add3A_94, %lt3A_95 : i32
        %convert_element_type3A_97 = arith.extui %lt3A_96 : i1 to i32
        %cond3A_98 = arith.constant 0 : i32
        %cond3A_99 = arith.cmpi ne, %convert_element_type3A_97, %cond3A_98 : i32
        scf.if %cond3A_99 {
          %ge3A = arith.constant 1 : i32
          %ge3A_120 = arith.cmpi sge, %add3A_79, %ge3A : i32
          %convert_element_type3A_121 = arith.extui %ge3A_120 : i1 to i32
          %cond3A_122 = arith.constant 0 : i32
          %cond3A_123 = arith.cmpi ne, %convert_element_type3A_121, %cond3A_122 : i32
          scf.if %cond3A_123 {
            %dma_wait3A_134 = arith.constant 0 : i32
            %dma_wait3A_135 = tpu.memref_slice %arg5[%mul3A_7, %dma_wait3A_134] : memref<327680x64xf32, #tpu.memory_space<hbm>> -> memref<128x64xf32, #tpu.memory_space<hbm>>
            %dma_wait3A_136 = arith.constant 0 : i32
            %dma_wait3A_137 = tpu.memref_slice %arg5[%mul3A_7, %dma_wait3A_136] : memref<327680x64xf32, #tpu.memory_space<hbm>> -> memref<128x64xf32, #tpu.memory_space<hbm>>
            tpu.wait_dma2 semaphore(%arg16 : memref<!tpu.dma_semaphore, #tpu.memory_space<semaphore_mem>>) src(%arg8 : memref<128x64xf32, #tpu.memory_space<vmem>>) dst(%dma_wait3A_137 : memref<128x64xf32, #tpu.memory_space<hbm>>)
          } else {
          }
          %add3A_124 = arith.constant 1 : i32
          %add3A_125 = arith.addi %add3A_79, %add3A_124 : i32
          %mul3A_126 = arith.constant 128 : i32
          %mul3A_127 = arith.muli %add3A_125, %mul3A_126 : i32
          %dma_start3A_128 = arith.constant 0 : i32
          %dma_start3A_129 = tpu.memref_slice %arg7[%dma_start3A_128, %mul3A_127] : memref<2x20480xi32, #tpu.memory_space<vmem>> -> memref<1x128xi32, #tpu.memory_space<vmem>>
          %dma_start3A_130 = tpu.memref_squeeze %dma_start3A_129 : memref<1x128xi32, #tpu.memory_space<vmem>> -> memref<128xi32, #tpu.memory_space<vmem>>
          %dma_start3A_131 = arith.constant 0 : i32
          %dma_start3A_132 = arith.constant 0 : i32
          %dma_start3A_133 = tpu.memref_slice %arg2[%dma_start3A_131, %dma_start3A_132] : memref<10240x64xf32, #tpu.memory_space<hbm>> -> memref<10240x64xf32, #tpu.memory_space<hbm>>
          tpu.enqueue_indirect_dma source(%dma_start3A_133 : memref<10240x64xf32, #tpu.memory_space<hbm>>) target(%arg8 : memref<128x64xf32, #tpu.memory_space<vmem>>) offsets(%dma_start3A_130 : memref<128xi32, #tpu.memory_space<vmem>>) semaphore(%arg12 : memref<!tpu.dma_semaphore, #tpu.memory_space<semaphore_mem>>)
        } else {
        }
        %dma_wait3A_100 = arith.constant 0 : i32
        %dma_wait3A_101 = arith.constant 0 : i32
        %dma_wait3A_102 = tpu.memref_slice %arg2[%dma_wait3A_100, %dma_wait3A_101] : memref<10240x64xf32, #tpu.memory_space<hbm>> -> memref<128x64xf32, #tpu.memory_space<hbm>>
        %dma_wait3A_103 = arith.constant 0 : i32
        %dma_wait3A_104 = arith.constant 0 : i32
        %dma_wait3A_105 = tpu.memref_slice %arg2[%dma_wait3A_103, %dma_wait3A_104] : memref<10240x64xf32, #tpu.memory_space<hbm>> -> memref<128x64xf32, #tpu.memory_space<hbm>>
        tpu.wait_dma2 semaphore(%arg15 : memref<!tpu.dma_semaphore, #tpu.memory_space<semaphore_mem>>) src(%dma_wait3A_105 : memref<128x64xf32, #tpu.memory_space<hbm>>) dst(%arg11 : memref<128x64xf32, #tpu.memory_space<vmem>>)
        %mul3A_106 = arith.constant 128 : i32
        %mul3A_107 = arith.muli %add3A_79, %mul3A_106 : i32
        %add3A_108 = arith.addi %mul3A_7, %mul3A_107 : i32
        %dma_start3A_109 = arith.constant 0 : i32
        %dma_start3A_110 = tpu.memref_slice %arg6[%add3A_108, %dma_start3A_109] : memref<327680x64xf32, #tpu.memory_space<hbm>> -> memref<128x64xf32, #tpu.memory_space<hbm>>
        %dma_start3A_111 = arith.constant 0 : i32
        %dma_start3A_112 = tpu.memref_slice %arg6[%add3A_108, %dma_start3A_111] : memref<327680x64xf32, #tpu.memory_space<hbm>> -> memref<128x64xf32, #tpu.memory_space<hbm>>
        tpu.enqueue_dma source(%arg11 : memref<128x64xf32, #tpu.memory_space<vmem>>) target(%dma_start3A_112 : memref<128x64xf32, #tpu.memory_space<hbm>>) target_semaphore(%arg19 : memref<!tpu.dma_semaphore, #tpu.memory_space<semaphore_mem>>)
        %add3A_113 = arith.constant 1 : i32
        %add3A_114 = arith.addi %add3A_79, %add3A_113 : i32
        %lt3A_115 = arith.constant 160 : i32
        %lt3A_116 = arith.cmpi slt, %add3A_114, %lt3A_115 : i32
        %convert_element_type3A_117 = arith.extui %lt3A_116 : i1 to i32
        %cond3A_118 = arith.constant 0 : i32
        %cond3A_119 = arith.cmpi ne, %convert_element_type3A_117, %cond3A_118 : i32
        scf.if %cond3A_119 {
          %ge3A = arith.constant 1 : i32
          %ge3A_120 = arith.cmpi sge, %add3A_79, %ge3A : i32
          %convert_element_type3A_121 = arith.extui %ge3A_120 : i1 to i32
          %cond3A_122 = arith.constant 0 : i32
          %cond3A_123 = arith.cmpi ne, %convert_element_type3A_121, %cond3A_122 : i32
          scf.if %cond3A_123 {
            %dma_wait3A_134 = arith.constant 0 : i32
            %dma_wait3A_135 = tpu.memref_slice %arg6[%mul3A_7, %dma_wait3A_134] : memref<327680x64xf32, #tpu.memory_space<hbm>> -> memref<128x64xf32, #tpu.memory_space<hbm>>
            %dma_wait3A_136 = arith.constant 0 : i32
            %dma_wait3A_137 = tpu.memref_slice %arg6[%mul3A_7, %dma_wait3A_136] : memref<327680x64xf32, #tpu.memory_space<hbm>> -> memref<128x64xf32, #tpu.memory_space<hbm>>
            tpu.wait_dma2 semaphore(%arg18 : memref<!tpu.dma_semaphore, #tpu.memory_space<semaphore_mem>>) src(%arg10 : memref<128x64xf32, #tpu.memory_space<vmem>>) dst(%dma_wait3A_137 : memref<128x64xf32, #tpu.memory_space<hbm>>)
          } else {
          }
          %add3A_124 = arith.constant 1 : i32
          %add3A_125 = arith.addi %add3A_79, %add3A_124 : i32
          %mul3A_126 = arith.constant 128 : i32
          %mul3A_127 = arith.muli %add3A_125, %mul3A_126 : i32
          %dma_start3A_128 = arith.constant 1 : i32
          %dma_start3A_129 = tpu.memref_slice %arg7[%dma_start3A_128, %mul3A_127] : memref<2x20480xi32, #tpu.memory_space<vmem>> -> memref<1x128xi32, #tpu.memory_space<vmem>>
          %dma_start3A_130 = tpu.memref_squeeze %dma_start3A_129 : memref<1x128xi32, #tpu.memory_space<vmem>> -> memref<128xi32, #tpu.memory_space<vmem>>
          %dma_start3A_131 = arith.constant 0 : i32
          %dma_start3A_132 = arith.constant 0 : i32
          %dma_start3A_133 = tpu.memref_slice %arg2[%dma_start3A_131, %dma_start3A_132] : memref<10240x64xf32, #tpu.memory_space<hbm>> -> memref<10240x64xf32, #tpu.memory_space<hbm>>
          tpu.enqueue_indirect_dma source(%dma_start3A_133 : memref<10240x64xf32, #tpu.memory_space<hbm>>) target(%arg10 : memref<128x64xf32, #tpu.memory_space<vmem>>) offsets(%dma_start3A_130 : memref<128xi32, #tpu.memory_space<vmem>>) semaphore(%arg14 : memref<!tpu.dma_semaphore, #tpu.memory_space<semaphore_mem>>)
        } else {
        }
      }
      %scan3A_25 = arith.constant 80 : i32
      %dma_wait3A = arith.constant 0 : i32
      %dma_wait3A_26 = tpu.memref_slice %arg5[%mul3A_7, %dma_wait3A] : memref<327680x64xf32, #tpu.memory_space<hbm>> -> memref<128x64xf32, #tpu.memory_space<hbm>>
      %dma_wait3A_27 = arith.constant 0 : i32
      %dma_wait3A_28 = tpu.memref_slice %arg5[%mul3A_7, %dma_wait3A_27] : memref<327680x64xf32, #tpu.memory_space<hbm>> -> memref<128x64xf32, #tpu.memory_space<hbm>>
      tpu.wait_dma2 semaphore(%arg17 : memref<!tpu.dma_semaphore, #tpu.memory_space<semaphore_mem>>) src(%arg9 : memref<128x64xf32, #tpu.memory_space<vmem>>) dst(%dma_wait3A_28 : memref<128x64xf32, #tpu.memory_space<hbm>>)
      %dma_wait3A_29 = arith.constant 0 : i32
      %dma_wait3A_30 = tpu.memref_slice %arg6[%mul3A_7, %dma_wait3A_29] : memref<327680x64xf32, #tpu.memory_space<hbm>> -> memref<128x64xf32, #tpu.memory_space<hbm>>
      %dma_wait3A_31 = arith.constant 0 : i32
      %dma_wait3A_32 = tpu.memref_slice %arg6[%mul3A_7, %dma_wait3A_31] : memref<327680x64xf32, #tpu.memory_space<hbm>> -> memref<128x64xf32, #tpu.memory_space<hbm>>
      tpu.wait_dma2 semaphore(%arg19 : memref<!tpu.dma_semaphore, #tpu.memory_space<semaphore_mem>>) src(%arg11 : memref<128x64xf32, #tpu.memory_space<vmem>>) dst(%dma_wait3A_32 : memref<128x64xf32, #tpu.memory_space<hbm>>)
    } else {
    }
    %eq3A_2 = arith.constant 1 : i32
    %eq3A_3 = arith.cmpi eq, %arg0, %eq3A_2 : i32
    %convert_element_type3A_4 = arith.extui %eq3A_3 : i1 to i32
    %cond3A_5 = arith.constant 0 : i32
    %cond3A_6 = arith.cmpi ne, %convert_element_type3A_4, %cond3A_5 : i32
    scf.if %cond3A_6 {
      %mul3A = arith.constant 0 : i32
      %mul3A_7 = arith.muli %arg1, %mul3A : i32
      %add3A = arith.constant 2560 : i32
      %add3A_8 = arith.addi %add3A, %mul3A_7 : i32
      %mul3A_9 = arith.constant 128 : i32
      %mul3A_10 = arith.muli %add3A_8, %mul3A_9 : i32
    } else {
    }
    return
  }
}

module attributes {stable_mosaic.version = 14 : i64} {
  func.func @tc_encode(%arg0: i32, %arg1: memref<2048x16xf32, #tpu.memory_space<vmem>>, %arg2: memref<16x128xf32, #tpu.memory_space<vmem>>, %arg3: memref<1x128xf32, #tpu.memory_space<vmem>>, %arg4: memref<128x128xf32, #tpu.memory_space<vmem>>, %arg5: memref<1x128xf32, #tpu.memory_space<vmem>>, %arg6: memref<1x128xf32, #tpu.memory_space<vmem>>, %arg7: memref<1x128xf32, #tpu.memory_space<vmem>>, %arg8: memref<2048x128xf32, #tpu.memory_space<vmem>>, %arg9: memref<2048x64xf32, #tpu.memory_space<vmem>>) attributes {dimension_semantics = [#tpu.dimension_semantics<arbitrary>], iteration_bounds = array<i64: 5>, scalar_prefetch = 0 : i64, scratch_operands = 0 : i64, tpu.core_type = #tpu.core_type<tc>, window_params = [{transform_indices = @transform_0, window_bounds = array<i64: 2048, 16>}, {pipeline_mode = #tpu.pipeline_mode<synchronous>, transform_indices = @transform_1, window_bounds = array<i64: 16, 128>}, {pipeline_mode = #tpu.pipeline_mode<synchronous>, transform_indices = @transform_2, window_bounds = array<i64: 1, 128>}, {pipeline_mode = #tpu.pipeline_mode<synchronous>, transform_indices = @transform_3, window_bounds = array<i64: 128, 128>}, {pipeline_mode = #tpu.pipeline_mode<synchronous>, transform_indices = @transform_4, window_bounds = array<i64: 1, 128>}, {pipeline_mode = #tpu.pipeline_mode<synchronous>, transform_indices = @transform_5, window_bounds = array<i64: 1, 128>}, {pipeline_mode = #tpu.pipeline_mode<synchronous>, transform_indices = @transform_6, window_bounds = array<i64: 1, 128>}, {transform_indices = @transform_7, window_bounds = array<i64: 2048, 128>}, {transform_indices = @transform_8, window_bounds = array<i64: 2048, 64>}]} {
    %get3A = arith.constant 0 : index
    %get3A_0 = arith.constant 0 : index
    %get3A_1 = vector.load %arg1[%get3A, %get3A_0] : memref<2048x16xf32, #tpu.memory_space<vmem>>, vector<2048x16xf32>
    %get3A_2 = arith.constant 0 : index
    %get3A_3 = arith.constant 0 : index
    %get3A_4 = vector.load %arg2[%get3A_2, %get3A_3] : memref<16x128xf32, #tpu.memory_space<vmem>>, vector<16x128xf32>
    %dot_general3A = arith.constant dense<0.000000e+00> : vector<2048x128xf32>
    %dot_general3A_5 = tpu.matmul %get3A_1, %get3A_4, %dot_general3A {dimension_numbers = #tpu.dot_dimension_numbers<[1], [0], [0], [1], [0, 0, 1, 1], [], []>, transpose_lhs_hint = false} : vector<2048x16xf32>, vector<16x128xf32>, vector<2048x128xf32> -> vector<2048x128xf32>
    %get3A_6 = arith.constant 0 : index
    %get3A_7 = arith.constant 0 : index
    %get3A_8 = vector.load %arg3[%get3A_6, %get3A_7] : memref<1x128xf32, #tpu.memory_space<vmem>>, vector<1x128xf32>
    %add3A = vector.broadcast %get3A_8 : vector<1x128xf32> to vector<2048x128xf32>
    %add3A_9 = arith.addf %dot_general3A_5, %add3A : vector<2048x128xf32>
    %max3A = arith.constant 0.000000e+00 : f32
    %max3A_10 = vector.broadcast %max3A : f32 to vector<2048x128xf32>
    %max3A_11 = arith.maximumf %add3A_9, %max3A_10 : vector<2048x128xf32>
    %get3A_12 = arith.constant 0 : index
    %get3A_13 = arith.constant 0 : index
    %get3A_14 = vector.load %arg4[%get3A_12, %get3A_13] : memref<128x128xf32, #tpu.memory_space<vmem>>, vector<128x128xf32>
    %dot_general3A_15 = arith.constant dense<0.000000e+00> : vector<2048x128xf32>
    %dot_general3A_16 = tpu.matmul %max3A_11, %get3A_14, %dot_general3A_15 {dimension_numbers = #tpu.dot_dimension_numbers<[1], [0], [0], [1], [0, 0, 1, 1], [], []>, transpose_lhs_hint = false} : vector<2048x128xf32>, vector<128x128xf32>, vector<2048x128xf32> -> vector<2048x128xf32>
    %get3A_17 = arith.constant 0 : index
    %get3A_18 = arith.constant 0 : index
    %get3A_19 = vector.load %arg5[%get3A_17, %get3A_18] : memref<1x128xf32, #tpu.memory_space<vmem>>, vector<1x128xf32>
    %add3A_20 = vector.broadcast %get3A_19 : vector<1x128xf32> to vector<2048x128xf32>
    %add3A_21 = arith.addf %dot_general3A_16, %add3A_20 : vector<2048x128xf32>
    %get3A_22 = arith.constant 0 : index
    %get3A_23 = arith.constant 0 : index
    %get3A_24 = vector.load %arg6[%get3A_22, %get3A_23] : memref<1x128xf32, #tpu.memory_space<vmem>>, vector<1x128xf32>
    %get3A_25 = arith.constant 0 : index
    %get3A_26 = arith.constant 0 : index
    %get3A_27 = vector.load %arg7[%get3A_25, %get3A_26] : memref<1x128xf32, #tpu.memory_space<vmem>>, vector<1x128xf32>
    %reduce_sum3A = arith.constant dense<0.000000e+00> : vector<2048xf32>
    %reduce_sum3A_28 = vector.multi_reduction <add>, %add3A_21, %reduce_sum3A [1] : vector<2048x128xf32> to vector<2048xf32>
    %broadcast_in_dim3A = vector.shape_cast %reduce_sum3A_28 : vector<2048xf32> to vector<2048x1xf32>
    %div3A = arith.constant 1.280000e+02 : f32
    %div3A_29 = vector.broadcast %div3A : f32 to vector<2048x1xf32>
    %div3A_30 = arith.divf %broadcast_in_dim3A, %div3A_29 : vector<2048x1xf32>
    %sub3A = vector.broadcast %div3A_30 : vector<2048x1xf32> to vector<2048x128xf32>
    %sub3A_31 = arith.subf %add3A_21, %sub3A : vector<2048x128xf32>
    %sub3A_32 = vector.broadcast %div3A_30 : vector<2048x1xf32> to vector<2048x128xf32>
    %sub3A_33 = arith.subf %add3A_21, %sub3A_32 : vector<2048x128xf32>
    %mul3A = arith.mulf %sub3A_31, %sub3A_33 : vector<2048x128xf32>
    %reduce_sum3A_34 = arith.constant dense<0.000000e+00> : vector<2048xf32>
    %reduce_sum3A_35 = vector.multi_reduction <add>, %mul3A, %reduce_sum3A_34 [1] : vector<2048x128xf32> to vector<2048xf32>
    %broadcast_in_dim3A_36 = vector.shape_cast %reduce_sum3A_35 : vector<2048xf32> to vector<2048x1xf32>
    %div3A_37 = arith.constant 1.280000e+02 : f32
    %div3A_38 = vector.broadcast %div3A_37 : f32 to vector<2048x1xf32>
    %div3A_39 = arith.divf %broadcast_in_dim3A_36, %div3A_38 : vector<2048x1xf32>
    %sub3A_40 = vector.broadcast %div3A_30 : vector<2048x1xf32> to vector<2048x128xf32>
    %sub3A_41 = arith.subf %add3A_21, %sub3A_40 : vector<2048x128xf32>
    %add3A_42 = arith.constant 9.99999974E-6 : f32
    %add3A_43 = vector.broadcast %add3A_42 : f32 to vector<2048x1xf32>
    %add3A_44 = arith.addf %div3A_39, %add3A_43 : vector<2048x1xf32>
    %rsqrt3A = math.rsqrt %add3A_44 : vector<2048x1xf32>
    %mul3A_45 = vector.broadcast %rsqrt3A : vector<2048x1xf32> to vector<2048x128xf32>
    %mul3A_46 = arith.mulf %sub3A_41, %mul3A_45 : vector<2048x128xf32>
    %mul3A_47 = vector.broadcast %get3A_24 : vector<1x128xf32> to vector<2048x128xf32>
    %mul3A_48 = arith.mulf %mul3A_46, %mul3A_47 : vector<2048x128xf32>
    %add3A_49 = vector.broadcast %get3A_27 : vector<1x128xf32> to vector<2048x128xf32>
    %add3A_50 = arith.addf %mul3A_48, %add3A_49 : vector<2048x128xf32>
    %swap3A = arith.constant 0 : index
    %swap3A_51 = arith.constant 0 : index
    %swap3A_52 = vector.load %arg8[%swap3A, %swap3A_51] : memref<2048x128xf32, #tpu.memory_space<vmem>>, vector<2048x128xf32>
    tpu.vector_store %arg8[%swap3A, %swap3A_51], %add3A_50 {strides = array<i32>} : memref<2048x128xf32, #tpu.memory_space<vmem>>, vector<2048x128xf32>,
    %bitcast_convert_type3A = tpu.bitcast %add3A_50 : vector<2048x128xf32> -> vector<2048x128xi32>
    %add3A_53 = arith.constant 32767 : i32
    %add3A_54 = vector.broadcast %add3A_53 : i32 to vector<2048x128xi32>
    %add3A_55 = arith.addi %bitcast_convert_type3A, %add3A_54 : vector<2048x128xi32>
    %shift_right_logical3A = arith.constant 16 : i32
    %shift_right_logical3A_56 = vector.broadcast %shift_right_logical3A : i32 to vector<2048x128xi32>
    %shift_right_logical3A_57 = arith.shrui %bitcast_convert_type3A, %shift_right_logical3A_56 : vector<2048x128xi32>
    %and3A = arith.constant 1 : i32
    %and3A_58 = vector.broadcast %and3A : i32 to vector<2048x128xi32>
    %and3A_59 = arith.andi %shift_right_logical3A_57, %and3A_58 : vector<2048x128xi32>
    %add3A_60 = arith.addi %add3A_55, %and3A_59 : vector<2048x128xi32>
    %slice3A = vector.extract_strided_slice %add3A_60 {offsets = [0, 0], sizes = [2048, 64], strides = [1, 1]} : vector<2048x128xi32> to vector<2048x64xi32>
    %shift_right_logical3A_61 = arith.constant 16 : i32
    %shift_right_logical3A_62 = vector.broadcast %shift_right_logical3A_61 : i32 to vector<2048x64xi32>
    %shift_right_logical3A_63 = arith.shrui %slice3A, %shift_right_logical3A_62 : vector<2048x64xi32>
    %slice3A_64 = vector.extract_strided_slice %add3A_60 {offsets = [0, 64], sizes = [2048, 64], strides = [1, 1]} : vector<2048x128xi32> to vector<2048x64xi32>
    %and3A_65 = arith.constant -65536 : i32
    %and3A_66 = vector.broadcast %and3A_65 : i32 to vector<2048x64xi32>
    %and3A_67 = arith.andi %slice3A_64, %and3A_66 : vector<2048x64xi32>
    %or3A = arith.ori %and3A_67, %shift_right_logical3A_63 : vector<2048x64xi32>
    %bitcast_convert_type3A_68 = tpu.bitcast %or3A : vector<2048x64xi32> -> vector<2048x64xf32>
    %swap3A_69 = arith.constant 0 : index
    %swap3A_70 = arith.constant 0 : index
    %swap3A_71 = vector.load %arg9[%swap3A_69, %swap3A_70] : memref<2048x64xf32, #tpu.memory_space<vmem>>, vector<2048x64xf32>
    tpu.vector_store %arg9[%swap3A_69, %swap3A_70], %bitcast_convert_type3A_68 {strides = array<i32>} : memref<2048x64xf32, #tpu.memory_space<vmem>>, vector<2048x64xf32>,
    return
  }
  func.func @transform_0(%arg0: i32) -> (i32, i32) {
    %c0_i32 = arith.constant 0 : i32
    %c0_i32_0 = arith.constant 0 : i32
    return %arg0, %c0_i32 : i32, i32
  }
  func.func @transform_1(%arg0: i32) -> (i32, i32) {
    %c0_i32 = arith.constant 0 : i32
    %c0_i32_0 = arith.constant 0 : i32
    %c0_i32_1 = arith.constant 0 : i32
    return %c0_i32, %c0_i32_0 : i32, i32
  }
  func.func @transform_2(%arg0: i32) -> (i32, i32) {
    %c0_i32 = arith.constant 0 : i32
    %c0_i32_0 = arith.constant 0 : i32
    %c0_i32_1 = arith.constant 0 : i32
    return %c0_i32, %c0_i32_0 : i32, i32
  }
  func.func @transform_3(%arg0: i32) -> (i32, i32) {
    %c0_i32 = arith.constant 0 : i32
    %c0_i32_0 = arith.constant 0 : i32
    %c0_i32_1 = arith.constant 0 : i32
    return %c0_i32, %c0_i32_0 : i32, i32
  }
  func.func @transform_4(%arg0: i32) -> (i32, i32) {
    %c0_i32 = arith.constant 0 : i32
    %c0_i32_0 = arith.constant 0 : i32
    %c0_i32_1 = arith.constant 0 : i32
    return %c0_i32, %c0_i32_0 : i32, i32
  }
  func.func @transform_5(%arg0: i32) -> (i32, i32) {
    %c0_i32 = arith.constant 0 : i32
    %c0_i32_0 = arith.constant 0 : i32
    %c0_i32_1 = arith.constant 0 : i32
    return %c0_i32, %c0_i32_0 : i32, i32
  }
  func.func @transform_6(%arg0: i32) -> (i32, i32) {
    %c0_i32 = arith.constant 0 : i32
    %c0_i32_0 = arith.constant 0 : i32
    %c0_i32_1 = arith.constant 0 : i32
    return %c0_i32, %c0_i32_0 : i32, i32
  }
  func.func @transform_7(%arg0: i32) -> (i32, i32) {
    %c0_i32 = arith.constant 0 : i32
    %c0_i32_0 = arith.constant 0 : i32
    return %arg0, %c0_i32 : i32, i32
  }
  func.func @transform_8(%arg0: i32) -> (i32, i32) {
    %c0_i32 = arith.constant 0 : i32
    %c0_i32_0 = arith.constant 0 : i32
    return %arg0, %c0_i32 : i32, i32
  }
}

module attributes {stable_mosaic.version = 14 : i64} {
  func.func @tc_edge_encode(%arg0: i32, %arg1: memref<2048x16xf32, #tpu.memory_space<vmem>>, %arg2: memref<2048x16xf32, #tpu.memory_space<vmem>>, %arg3: memref<16x2xf32, #tpu.memory_space<vmem>>, %arg4: memref<16x128xf32, #tpu.memory_space<vmem>>, %arg5: memref<2x128xf32, #tpu.memory_space<vmem>>, %arg6: memref<1x128xf32, #tpu.memory_space<vmem>>, %arg7: memref<128x128xf32, #tpu.memory_space<vmem>>, %arg8: memref<1x128xf32, #tpu.memory_space<vmem>>, %arg9: memref<1x128xf32, #tpu.memory_space<vmem>>, %arg10: memref<1x128xf32, #tpu.memory_space<vmem>>, %arg11: memref<2048x128xf32, #tpu.memory_space<vmem>>) attributes {dimension_semantics = [#tpu.dimension_semantics<arbitrary>], iteration_bounds = array<i64: 160>, scalar_prefetch = 0 : i64, scratch_operands = 0 : i64, tpu.core_type = #tpu.core_type<tc>, window_params = [{transform_indices = @transform_0, window_bounds = array<i64: 2048, 16>}, {transform_indices = @transform_1, window_bounds = array<i64: 2048, 16>}, {pipeline_mode = #tpu.pipeline_mode<synchronous>, transform_indices = @transform_2, window_bounds = array<i64: 16, 2>}, {pipeline_mode = #tpu.pipeline_mode<synchronous>, transform_indices = @transform_3, window_bounds = array<i64: 16, 128>}, {pipeline_mode = #tpu.pipeline_mode<synchronous>, transform_indices = @transform_4, window_bounds = array<i64: 2, 128>}, {pipeline_mode = #tpu.pipeline_mode<synchronous>, transform_indices = @transform_5, window_bounds = array<i64: 1, 128>}, {pipeline_mode = #tpu.pipeline_mode<synchronous>, transform_indices = @transform_6, window_bounds = array<i64: 128, 128>}, {pipeline_mode = #tpu.pipeline_mode<synchronous>, transform_indices = @transform_7, window_bounds = array<i64: 1, 128>}, {pipeline_mode = #tpu.pipeline_mode<synchronous>, transform_indices = @transform_8, window_bounds = array<i64: 1, 128>}, {pipeline_mode = #tpu.pipeline_mode<synchronous>, transform_indices = @transform_9, window_bounds = array<i64: 1, 128>}, {transform_indices = @transform_10, window_bounds = array<i64: 2048, 128>}]} {
    %get3A = arith.constant 0 : index
    %get3A_0 = arith.constant 0 : index
    %get3A_1 = vector.load %arg1[%get3A, %get3A_0] : memref<2048x16xf32, #tpu.memory_space<vmem>>, vector<2048x16xf32>
    %get3A_2 = arith.constant 0 : index
    %get3A_3 = arith.constant 0 : index
    %get3A_4 = vector.load %arg2[%get3A_2, %get3A_3] : memref<2048x16xf32, #tpu.memory_space<vmem>>, vector<2048x16xf32>
    %sub3A = arith.subf %get3A_1, %get3A_4 : vector<2048x16xf32>
    %mul3A = arith.mulf %sub3A, %sub3A : vector<2048x16xf32>
    %get3A_5 = arith.constant 0 : index
    %get3A_6 = arith.constant 0 : index
    %get3A_7 = vector.load %arg3[%get3A_5, %get3A_6] : memref<16x2xf32, #tpu.memory_space<vmem>>, vector<16x2xf32>
    %dot_general3A = arith.constant dense<0.000000e+00> : vector<2048x2xf32>
    %dot_general3A_8 = tpu.matmul %mul3A, %get3A_7, %dot_general3A {dimension_numbers = #tpu.dot_dimension_numbers<[1], [0], [0], [1], [0, 0, 1, 1], [], []>, transpose_lhs_hint = false} : vector<2048x16xf32>, vector<16x2xf32>, vector<2048x2xf32> -> vector<2048x2xf32>
    %add3A = arith.constant 9.99999996E-13 : f32
    %add3A_9 = vector.broadcast %add3A : f32 to vector<2048x2xf32>
    %add3A_10 = arith.addf %dot_general3A_8, %add3A_9 : vector<2048x2xf32>
    %sqrt3A = math.sqrt %add3A_10 : vector<2048x2xf32>
    %get3A_11 = arith.constant 0 : index
    %get3A_12 = arith.constant 0 : index
    %get3A_13 = vector.load %arg4[%get3A_11, %get3A_12] : memref<16x128xf32, #tpu.memory_space<vmem>>, vector<16x128xf32>
    %dot_general3A_14 = arith.constant dense<0.000000e+00> : vector<2048x128xf32>
    %dot_general3A_15 = tpu.matmul %sub3A, %get3A_13, %dot_general3A_14 {dimension_numbers = #tpu.dot_dimension_numbers<[1], [0], [0], [1], [0, 0, 1, 1], [], []>, transpose_lhs_hint = false} : vector<2048x16xf32>, vector<16x128xf32>, vector<2048x128xf32> -> vector<2048x128xf32>
    %get3A_16 = arith.constant 0 : index
    %get3A_17 = arith.constant 0 : index
    %get3A_18 = vector.load %arg5[%get3A_16, %get3A_17] : memref<2x128xf32, #tpu.memory_space<vmem>>, vector<2x128xf32>
    %dot_general3A_19 = arith.constant dense<0.000000e+00> : vector<2048x128xf32>
    %dot_general3A_20 = tpu.matmul %sqrt3A, %get3A_18, %dot_general3A_19 {dimension_numbers = #tpu.dot_dimension_numbers<[1], [0], [0], [1], [0, 0, 1, 1], [], []>, transpose_lhs_hint = false} : vector<2048x2xf32>, vector<2x128xf32>, vector<2048x128xf32> -> vector<2048x128xf32>
    %add3A_21 = arith.addf %dot_general3A_15, %dot_general3A_20 : vector<2048x128xf32>
    %get3A_22 = arith.constant 0 : index
    %get3A_23 = arith.constant 0 : index
    %get3A_24 = vector.load %arg6[%get3A_22, %get3A_23] : memref<1x128xf32, #tpu.memory_space<vmem>>, vector<1x128xf32>
    %add3A_25 = vector.broadcast %get3A_24 : vector<1x128xf32> to vector<2048x128xf32>
    %add3A_26 = arith.addf %add3A_21, %add3A_25 : vector<2048x128xf32>
    %max3A = arith.constant 0.000000e+00 : f32
    %max3A_27 = vector.broadcast %max3A : f32 to vector<2048x128xf32>
    %max3A_28 = arith.maximumf %add3A_26, %max3A_27 : vector<2048x128xf32>
    %get3A_29 = arith.constant 0 : index
    %get3A_30 = arith.constant 0 : index
    %get3A_31 = vector.load %arg7[%get3A_29, %get3A_30] : memref<128x128xf32, #tpu.memory_space<vmem>>, vector<128x128xf32>
    %dot_general3A_32 = arith.constant dense<0.000000e+00> : vector<2048x128xf32>
    %dot_general3A_33 = tpu.matmul %max3A_28, %get3A_31, %dot_general3A_32 {dimension_numbers = #tpu.dot_dimension_numbers<[1], [0], [0], [1], [0, 0, 1, 1], [], []>, transpose_lhs_hint = false} : vector<2048x128xf32>, vector<128x128xf32>, vector<2048x128xf32> -> vector<2048x128xf32>
    %get3A_34 = arith.constant 0 : index
    %get3A_35 = arith.constant 0 : index
    %get3A_36 = vector.load %arg8[%get3A_34, %get3A_35] : memref<1x128xf32, #tpu.memory_space<vmem>>, vector<1x128xf32>
    %add3A_37 = vector.broadcast %get3A_36 : vector<1x128xf32> to vector<2048x128xf32>
    %add3A_38 = arith.addf %dot_general3A_33, %add3A_37 : vector<2048x128xf32>
    %get3A_39 = arith.constant 0 : index
    %get3A_40 = arith.constant 0 : index
    %get3A_41 = vector.load %arg9[%get3A_39, %get3A_40] : memref<1x128xf32, #tpu.memory_space<vmem>>, vector<1x128xf32>
    %get3A_42 = arith.constant 0 : index
    %get3A_43 = arith.constant 0 : index
    %get3A_44 = vector.load %arg10[%get3A_42, %get3A_43] : memref<1x128xf32, #tpu.memory_space<vmem>>, vector<1x128xf32>
    %reduce_sum3A = arith.constant dense<0.000000e+00> : vector<2048xf32>
    %reduce_sum3A_45 = vector.multi_reduction <add>, %add3A_38, %reduce_sum3A [1] : vector<2048x128xf32> to vector<2048xf32>
    %broadcast_in_dim3A = vector.shape_cast %reduce_sum3A_45 : vector<2048xf32> to vector<2048x1xf32>
    %div3A = arith.constant 1.280000e+02 : f32
    %div3A_46 = vector.broadcast %div3A : f32 to vector<2048x1xf32>
    %div3A_47 = arith.divf %broadcast_in_dim3A, %div3A_46 : vector<2048x1xf32>
    %sub3A_48 = vector.broadcast %div3A_47 : vector<2048x1xf32> to vector<2048x128xf32>
    %sub3A_49 = arith.subf %add3A_38, %sub3A_48 : vector<2048x128xf32>
    %sub3A_50 = vector.broadcast %div3A_47 : vector<2048x1xf32> to vector<2048x128xf32>
    %sub3A_51 = arith.subf %add3A_38, %sub3A_50 : vector<2048x128xf32>
    %mul3A_52 = arith.mulf %sub3A_49, %sub3A_51 : vector<2048x128xf32>
    %reduce_sum3A_53 = arith.constant dense<0.000000e+00> : vector<2048xf32>
    %reduce_sum3A_54 = vector.multi_reduction <add>, %mul3A_52, %reduce_sum3A_53 [1] : vector<2048x128xf32> to vector<2048xf32>
    %broadcast_in_dim3A_55 = vector.shape_cast %reduce_sum3A_54 : vector<2048xf32> to vector<2048x1xf32>
    %div3A_56 = arith.constant 1.280000e+02 : f32
    %div3A_57 = vector.broadcast %div3A_56 : f32 to vector<2048x1xf32>
    %div3A_58 = arith.divf %broadcast_in_dim3A_55, %div3A_57 : vector<2048x1xf32>
    %sub3A_59 = vector.broadcast %div3A_47 : vector<2048x1xf32> to vector<2048x128xf32>
    %sub3A_60 = arith.subf %add3A_38, %sub3A_59 : vector<2048x128xf32>
    %add3A_61 = arith.constant 9.99999974E-6 : f32
    %add3A_62 = vector.broadcast %add3A_61 : f32 to vector<2048x1xf32>
    %add3A_63 = arith.addf %div3A_58, %add3A_62 : vector<2048x1xf32>
    %rsqrt3A = math.rsqrt %add3A_63 : vector<2048x1xf32>
    %mul3A_64 = vector.broadcast %rsqrt3A : vector<2048x1xf32> to vector<2048x128xf32>
    %mul3A_65 = arith.mulf %sub3A_60, %mul3A_64 : vector<2048x128xf32>
    %mul3A_66 = vector.broadcast %get3A_41 : vector<1x128xf32> to vector<2048x128xf32>
    %mul3A_67 = arith.mulf %mul3A_65, %mul3A_66 : vector<2048x128xf32>
    %add3A_68 = vector.broadcast %get3A_44 : vector<1x128xf32> to vector<2048x128xf32>
    %add3A_69 = arith.addf %mul3A_67, %add3A_68 : vector<2048x128xf32>
    %swap3A = arith.constant 0 : index
    %swap3A_70 = arith.constant 0 : index
    %swap3A_71 = vector.load %arg11[%swap3A, %swap3A_70] : memref<2048x128xf32, #tpu.memory_space<vmem>>, vector<2048x128xf32>
    tpu.vector_store %arg11[%swap3A, %swap3A_70], %add3A_69 {strides = array<i32>} : memref<2048x128xf32, #tpu.memory_space<vmem>>, vector<2048x128xf32>,
    return
  }
  func.func @transform_0(%arg0: i32) -> (i32, i32) {
    %c0_i32 = arith.constant 0 : i32
    %c0_i32_0 = arith.constant 0 : i32
    return %arg0, %c0_i32 : i32, i32
  }
  func.func @transform_1(%arg0: i32) -> (i32, i32) {
    %c0_i32 = arith.constant 0 : i32
    %c0_i32_0 = arith.constant 0 : i32
    return %arg0, %c0_i32 : i32, i32
  }
  func.func @transform_2(%arg0: i32) -> (i32, i32) {
    %c0_i32 = arith.constant 0 : i32
    %c0_i32_0 = arith.constant 0 : i32
    %c0_i32_1 = arith.constant 0 : i32
    return %c0_i32, %c0_i32_0 : i32, i32
  }
  func.func @transform_3(%arg0: i32) -> (i32, i32) {
    %c0_i32 = arith.constant 0 : i32
    %c0_i32_0 = arith.constant 0 : i32
    %c0_i32_1 = arith.constant 0 : i32
    return %c0_i32, %c0_i32_0 : i32, i32
  }
  func.func @transform_4(%arg0: i32) -> (i32, i32) {
    %c0_i32 = arith.constant 0 : i32
    %c0_i32_0 = arith.constant 0 : i32
    %c0_i32_1 = arith.constant 0 : i32
    return %c0_i32, %c0_i32_0 : i32, i32
  }
  func.func @transform_5(%arg0: i32) -> (i32, i32) {
    %c0_i32 = arith.constant 0 : i32
    %c0_i32_0 = arith.constant 0 : i32
    %c0_i32_1 = arith.constant 0 : i32
    return %c0_i32, %c0_i32_0 : i32, i32
  }
  func.func @transform_6(%arg0: i32) -> (i32, i32) {
    %c0_i32 = arith.constant 0 : i32
    %c0_i32_0 = arith.constant 0 : i32
    %c0_i32_1 = arith.constant 0 : i32
    return %c0_i32, %c0_i32_0 : i32, i32
  }
  func.func @transform_7(%arg0: i32) -> (i32, i32) {
    %c0_i32 = arith.constant 0 : i32
    %c0_i32_0 = arith.constant 0 : i32
    %c0_i32_1 = arith.constant 0 : i32
    return %c0_i32, %c0_i32_0 : i32, i32
  }
  func.func @transform_8(%arg0: i32) -> (i32, i32) {
    %c0_i32 = arith.constant 0 : i32
    %c0_i32_0 = arith.constant 0 : i32
    %c0_i32_1 = arith.constant 0 : i32
    return %c0_i32, %c0_i32_0 : i32, i32
  }
  func.func @transform_9(%arg0: i32) -> (i32, i32) {
    %c0_i32 = arith.constant 0 : i32
    %c0_i32_0 = arith.constant 0 : i32
    %c0_i32_1 = arith.constant 0 : i32
    return %c0_i32, %c0_i32_0 : i32, i32
  }
  func.func @transform_10(%arg0: i32) -> (i32, i32) {
    %c0_i32 = arith.constant 0 : i32
    %c0_i32_0 = arith.constant 0 : i32
    return %arg0, %c0_i32 : i32, i32
  }
}

module attributes {stable_mosaic.version = 14 : i64} {
  func.func @tc_edge_step(%arg0: i32, %arg1: memref<512x128xf32, #tpu.memory_space<vmem>>, %arg2: memref<512x128xf32, #tpu.memory_space<vmem>>, %arg3: memref<512x128xf32, #tpu.memory_space<vmem>>, %arg4: memref<512x128xf32, #tpu.memory_space<vmem>>, %arg5: memref<128x256xf32, #tpu.memory_space<vmem>>, %arg6: memref<128x128xf32, #tpu.memory_space<vmem>>, %arg7: memref<1x128xf32, #tpu.memory_space<vmem>>, %arg8: memref<128x128xf32, #tpu.memory_space<vmem>>, %arg9: memref<1x128xf32, #tpu.memory_space<vmem>>, %arg10: memref<1x128xf32, #tpu.memory_space<vmem>>, %arg11: memref<1x128xf32, #tpu.memory_space<vmem>>, %arg12: memref<512x128xf32, #tpu.memory_space<vmem>>, %arg13: memref<512x128xf32, #tpu.memory_space<vmem>>, %arg14: memref<512x128xf32, #tpu.memory_space<vmem>>, %arg15: memref<512x128xf32, #tpu.memory_space<vmem>>) attributes {dimension_semantics = [#tpu.dimension_semantics<arbitrary>], iteration_bounds = array<i64: 320>, scalar_prefetch = 0 : i64, scratch_operands = 0 : i64, tpu.core_type = #tpu.core_type<tc>, window_params = [{transform_indices = @transform_0, window_bounds = array<i64: 512, 128>}, {transform_indices = @transform_1, window_bounds = array<i64: 512, 128>}, {transform_indices = @transform_2, window_bounds = array<i64: 512, 128>}, {transform_indices = @transform_3, window_bounds = array<i64: 512, 128>}, {pipeline_mode = #tpu.pipeline_mode<synchronous>, transform_indices = @transform_4, window_bounds = array<i64: 128, 256>}, {pipeline_mode = #tpu.pipeline_mode<synchronous>, transform_indices = @transform_5, window_bounds = array<i64: 128, 128>}, {pipeline_mode = #tpu.pipeline_mode<synchronous>, transform_indices = @transform_6, window_bounds = array<i64: 1, 128>}, {pipeline_mode = #tpu.pipeline_mode<synchronous>, transform_indices = @transform_7, window_bounds = array<i64: 128, 128>}, {pipeline_mode = #tpu.pipeline_mode<synchronous>, transform_indices = @transform_8, window_bounds = array<i64: 1, 128>}, {pipeline_mode = #tpu.pipeline_mode<synchronous>, transform_indices = @transform_9, window_bounds = array<i64: 1, 128>}, {pipeline_mode = #tpu.pipeline_mode<synchronous>, transform_indices = @transform_10, window_bounds = array<i64: 1, 128>}, {transform_indices = @transform_11, window_bounds = array<i64: 512, 128>}, {transform_indices = @transform_12, window_bounds = array<i64: 512, 128>}, {transform_indices = @transform_13, window_bounds = array<i64: 512, 128>}, {transform_indices = @transform_14, window_bounds = array<i64: 512, 128>}]} {
    %get3A = arith.constant 0 : index
    %get3A_0 = arith.constant 0 : index
    %get3A_1 = vector.load %arg3[%get3A, %get3A_0] : memref<512x128xf32, #tpu.memory_space<vmem>>, vector<512x128xf32>
    %get3A_2 = arith.constant 0 : index
    %get3A_3 = arith.constant 0 : index
    %get3A_4 = vector.load %arg4[%get3A_2, %get3A_3] : memref<512x128xf32, #tpu.memory_space<vmem>>, vector<512x128xf32>
    %concatenate3A = tpu.concatenate %get3A_1, %get3A_4 in 0 : vector<512x128xf32>, vector<512x128xf32> -> vector<1024x128xf32>
    %get3A_5 = arith.constant 0 : index
    %get3A_6 = arith.constant 0 : index
    %get3A_7 = vector.load %arg1[%get3A_5, %get3A_6] : memref<512x128xf32, #tpu.memory_space<vmem>>, vector<512x128xf32>
    %bitcast_convert_type3A = tpu.bitcast %get3A_7 : vector<512x128xf32> -> vector<512x128xi32>
    %shift_left3A = arith.constant 16 : i32
    %shift_left3A_8 = vector.broadcast %shift_left3A : i32 to vector<512x128xi32>
    %shift_left3A_9 = arith.shli %bitcast_convert_type3A, %shift_left3A_8 : vector<512x128xi32>
    %bitcast_convert_type3A_10 = tpu.bitcast %shift_left3A_9 : vector<512x128xi32> -> vector<512x128xf32>
    %and3A = arith.constant -65536 : i32
    %and3A_11 = vector.broadcast %and3A : i32 to vector<512x128xi32>
    %and3A_12 = arith.andi %bitcast_convert_type3A, %and3A_11 : vector<512x128xi32>
    %bitcast_convert_type3A_13 = tpu.bitcast %and3A_12 : vector<512x128xi32> -> vector<512x128xf32>
    %slice3A = vector.extract_strided_slice %bitcast_convert_type3A_10 {offsets = [0, 0], sizes = [512, 64], strides = [1, 1]} : vector<512x128xf32> to vector<512x64xf32>
    %slice3A_14 = vector.extract_strided_slice %bitcast_convert_type3A_13 {offsets = [0, 0], sizes = [512, 64], strides = [1, 1]} : vector<512x128xf32> to vector<512x64xf32>
    %concatenate3A_15 = tpu.concatenate %slice3A, %slice3A_14 in 1 : vector<512x64xf32>, vector<512x64xf32> -> vector<512x128xf32>
    %slice3A_16 = vector.extract_strided_slice %bitcast_convert_type3A_10 {offsets = [0, 64], sizes = [512, 64], strides = [1, 1]} : vector<512x128xf32> to vector<512x64xf32>
    %slice3A_17 = vector.extract_strided_slice %bitcast_convert_type3A_13 {offsets = [0, 64], sizes = [512, 64], strides = [1, 1]} : vector<512x128xf32> to vector<512x64xf32>
    %concatenate3A_18 = tpu.concatenate %slice3A_16, %slice3A_17 in 1 : vector<512x64xf32>, vector<512x64xf32> -> vector<512x128xf32>
    %concatenate3A_19 = tpu.concatenate %concatenate3A_15, %concatenate3A_18 in 0 : vector<512x128xf32>, vector<512x128xf32> -> vector<1024x128xf32>
    %get3A_20 = arith.constant 0 : index
    %get3A_21 = arith.constant 0 : index
    %get3A_22 = vector.load %arg2[%get3A_20, %get3A_21] : memref<512x128xf32, #tpu.memory_space<vmem>>, vector<512x128xf32>
    %bitcast_convert_type3A_23 = tpu.bitcast %get3A_22 : vector<512x128xf32> -> vector<512x128xi32>
    %shift_left3A_24 = arith.constant 16 : i32
    %shift_left3A_25 = vector.broadcast %shift_left3A_24 : i32 to vector<512x128xi32>
    %shift_left3A_26 = arith.shli %bitcast_convert_type3A_23, %shift_left3A_25 : vector<512x128xi32>
    %bitcast_convert_type3A_27 = tpu.bitcast %shift_left3A_26 : vector<512x128xi32> -> vector<512x128xf32>
    %and3A_28 = arith.constant -65536 : i32
    %and3A_29 = vector.broadcast %and3A_28 : i32 to vector<512x128xi32>
    %and3A_30 = arith.andi %bitcast_convert_type3A_23, %and3A_29 : vector<512x128xi32>
    %bitcast_convert_type3A_31 = tpu.bitcast %and3A_30 : vector<512x128xi32> -> vector<512x128xf32>
    %slice3A_32 = vector.extract_strided_slice %bitcast_convert_type3A_27 {offsets = [0, 0], sizes = [512, 64], strides = [1, 1]} : vector<512x128xf32> to vector<512x64xf32>
    %slice3A_33 = vector.extract_strided_slice %bitcast_convert_type3A_31 {offsets = [0, 0], sizes = [512, 64], strides = [1, 1]} : vector<512x128xf32> to vector<512x64xf32>
    %concatenate3A_34 = tpu.concatenate %slice3A_32, %slice3A_33 in 1 : vector<512x64xf32>, vector<512x64xf32> -> vector<512x128xf32>
    %slice3A_35 = vector.extract_strided_slice %bitcast_convert_type3A_27 {offsets = [0, 64], sizes = [512, 64], strides = [1, 1]} : vector<512x128xf32> to vector<512x64xf32>
    %slice3A_36 = vector.extract_strided_slice %bitcast_convert_type3A_31 {offsets = [0, 64], sizes = [512, 64], strides = [1, 1]} : vector<512x128xf32> to vector<512x64xf32>
    %concatenate3A_37 = tpu.concatenate %slice3A_35, %slice3A_36 in 1 : vector<512x64xf32>, vector<512x64xf32> -> vector<512x128xf32>
    %concatenate3A_38 = tpu.concatenate %concatenate3A_34, %concatenate3A_37 in 0 : vector<512x128xf32>, vector<512x128xf32> -> vector<1024x128xf32>
    %get3A_39 = arith.constant 0 : index
    %get3A_40 = arith.constant 0 : index
    %get3A_41 = vector.load %arg5[%get3A_39, %get3A_40] : memref<128x256xf32, #tpu.memory_space<vmem>>, vector<128x256xf32>
    %dot_general3A = arith.constant dense<0.000000e+00> : vector<1024x256xf32>
    %dot_general3A_42 = tpu.matmul %concatenate3A_38, %get3A_41, %dot_general3A {dimension_numbers = #tpu.dot_dimension_numbers<[1], [0], [0], [1], [0, 0, 1, 1], [], []>, transpose_lhs_hint = false} : vector<1024x128xf32>, vector<128x256xf32>, vector<1024x256xf32> -> vector<1024x256xf32>
    %get3A_43 = arith.constant 0 : index
    %get3A_44 = arith.constant 0 : index
    %get3A_45 = vector.load %arg5[%get3A_43, %get3A_44] : memref<128x256xf32, #tpu.memory_space<vmem>>, vector<128x256xf32>
    %dot_general3A_46 = arith.constant dense<0.000000e+00> : vector<1024x256xf32>
    %dot_general3A_47 = tpu.matmul %concatenate3A_19, %get3A_45, %dot_general3A_46 {dimension_numbers = #tpu.dot_dimension_numbers<[1], [0], [0], [1], [0, 0, 1, 1], [], []>, transpose_lhs_hint = false} : vector<1024x128xf32>, vector<128x256xf32>, vector<1024x256xf32> -> vector<1024x256xf32>
    %get3A_48 = arith.constant 0 : index
    %get3A_49 = arith.constant 0 : index
    %get3A_50 = vector.load %arg6[%get3A_48, %get3A_49] : memref<128x128xf32, #tpu.memory_space<vmem>>, vector<128x128xf32>
    %dot_general3A_51 = arith.constant dense<0.000000e+00> : vector<1024x128xf32>
    %dot_general3A_52 = tpu.matmul %concatenate3A, %get3A_50, %dot_general3A_51 {dimension_numbers = #tpu.dot_dimension_numbers<[1], [0], [0], [1], [0, 0, 1, 1], [], []>, transpose_lhs_hint = false} : vector<1024x128xf32>, vector<128x128xf32>, vector<1024x128xf32> -> vector<1024x128xf32>
    %get3A_53 = arith.constant 0 : index
    %get3A_54 = arith.constant 0 : index
    %get3A_55 = vector.load %arg7[%get3A_53, %get3A_54] : memref<1x128xf32, #tpu.memory_space<vmem>>, vector<1x128xf32>
    %add3A = vector.broadcast %get3A_55 : vector<1x128xf32> to vector<1024x128xf32>
    %add3A_56 = arith.addf %dot_general3A_52, %add3A : vector<1024x128xf32>
    %slice3A_57 = vector.extract_strided_slice %dot_general3A_42 {offsets = [0, 0], sizes = [1024, 128], strides = [1, 1]} : vector<1024x256xf32> to vector<1024x128xf32>
    %slice3A_58 = vector.extract_strided_slice %dot_general3A_47 {offsets = [0, 128], sizes = [1024, 128], strides = [1, 1]} : vector<1024x256xf32> to vector<1024x128xf32>
    %add3A_59 = arith.addf %slice3A_57, %slice3A_58 : vector<1024x128xf32>
    %add3A_60 = arith.addf %add3A_59, %add3A_56 : vector<1024x128xf32>
    %slice3A_61 = vector.extract_strided_slice %dot_general3A_47 {offsets = [0, 0], sizes = [1024, 128], strides = [1, 1]} : vector<1024x256xf32> to vector<1024x128xf32>
    %slice3A_62 = vector.extract_strided_slice %dot_general3A_42 {offsets = [0, 128], sizes = [1024, 128], strides = [1, 1]} : vector<1024x256xf32> to vector<1024x128xf32>
    %add3A_63 = arith.addf %slice3A_61, %slice3A_62 : vector<1024x128xf32>
    %add3A_64 = arith.addf %add3A_63, %add3A_56 : vector<1024x128xf32>
    %max3A = arith.constant 0.000000e+00 : f32
    %max3A_65 = vector.broadcast %max3A : f32 to vector<1024x128xf32>
    %max3A_66 = arith.maximumf %add3A_60, %max3A_65 : vector<1024x128xf32>
    %max3A_67 = arith.constant 0.000000e+00 : f32
    %max3A_68 = vector.broadcast %max3A_67 : f32 to vector<1024x128xf32>
    %max3A_69 = arith.maximumf %add3A_64, %max3A_68 : vector<1024x128xf32>
    %get3A_70 = arith.constant 0 : index
    %get3A_71 = arith.constant 0 : index
    %get3A_72 = vector.load %arg8[%get3A_70, %get3A_71] : memref<128x128xf32, #tpu.memory_space<vmem>>, vector<128x128xf32>
    %dot_general3A_73 = arith.constant dense<0.000000e+00> : vector<1024x128xf32>
    %dot_general3A_74 = tpu.matmul %max3A_66, %get3A_72, %dot_general3A_73 {dimension_numbers = #tpu.dot_dimension_numbers<[1], [0], [0], [1], [0, 0, 1, 1], [], []>, transpose_lhs_hint = false} : vector<1024x128xf32>, vector<128x128xf32>, vector<1024x128xf32> -> vector<1024x128xf32>
    %get3A_75 = arith.constant 0 : index
    %get3A_76 = arith.constant 0 : index
    %get3A_77 = vector.load %arg9[%get3A_75, %get3A_76] : memref<1x128xf32, #tpu.memory_space<vmem>>, vector<1x128xf32>
    %add3A_78 = vector.broadcast %get3A_77 : vector<1x128xf32> to vector<1024x128xf32>
    %add3A_79 = arith.addf %dot_general3A_74, %add3A_78 : vector<1024x128xf32>
    %get3A_80 = arith.constant 0 : index
    %get3A_81 = arith.constant 0 : index
    %get3A_82 = vector.load %arg10[%get3A_80, %get3A_81] : memref<1x128xf32, #tpu.memory_space<vmem>>, vector<1x128xf32>
    %get3A_83 = arith.constant 0 : index
    %get3A_84 = arith.constant 0 : index
    %get3A_85 = vector.load %arg11[%get3A_83, %get3A_84] : memref<1x128xf32, #tpu.memory_space<vmem>>, vector<1x128xf32>
    %reduce_sum3A = arith.constant dense<0.000000e+00> : vector<1024xf32>
    %reduce_sum3A_86 = vector.multi_reduction <add>, %add3A_79, %reduce_sum3A [1] : vector<1024x128xf32> to vector<1024xf32>
    %broadcast_in_dim3A = vector.shape_cast %reduce_sum3A_86 : vector<1024xf32> to vector<1024x1xf32>
    %div3A = arith.constant 1.280000e+02 : f32
    %div3A_87 = vector.broadcast %div3A : f32 to vector<1024x1xf32>
    %div3A_88 = arith.divf %broadcast_in_dim3A, %div3A_87 : vector<1024x1xf32>
    %sub3A = vector.broadcast %div3A_88 : vector<1024x1xf32> to vector<1024x128xf32>
    %sub3A_89 = arith.subf %add3A_79, %sub3A : vector<1024x128xf32>
    %sub3A_90 = vector.broadcast %div3A_88 : vector<1024x1xf32> to vector<1024x128xf32>
    %sub3A_91 = arith.subf %add3A_79, %sub3A_90 : vector<1024x128xf32>
    %mul3A = arith.mulf %sub3A_89, %sub3A_91 : vector<1024x128xf32>
    %reduce_sum3A_92 = arith.constant dense<0.000000e+00> : vector<1024xf32>
    %reduce_sum3A_93 = vector.multi_reduction <add>, %mul3A, %reduce_sum3A_92 [1] : vector<1024x128xf32> to vector<1024xf32>
    %broadcast_in_dim3A_94 = vector.shape_cast %reduce_sum3A_93 : vector<1024xf32> to vector<1024x1xf32>
    %div3A_95 = arith.constant 1.280000e+02 : f32
    %div3A_96 = vector.broadcast %div3A_95 : f32 to vector<1024x1xf32>
    %div3A_97 = arith.divf %broadcast_in_dim3A_94, %div3A_96 : vector<1024x1xf32>
    %sub3A_98 = vector.broadcast %div3A_88 : vector<1024x1xf32> to vector<1024x128xf32>
    %sub3A_99 = arith.subf %add3A_79, %sub3A_98 : vector<1024x128xf32>
    %add3A_100 = arith.constant 9.99999974E-6 : f32
    %add3A_101 = vector.broadcast %add3A_100 : f32 to vector<1024x1xf32>
    %add3A_102 = arith.addf %div3A_97, %add3A_101 : vector<1024x1xf32>
    %rsqrt3A = math.rsqrt %add3A_102 : vector<1024x1xf32>
    %mul3A_103 = vector.broadcast %rsqrt3A : vector<1024x1xf32> to vector<1024x128xf32>
    %mul3A_104 = arith.mulf %sub3A_99, %mul3A_103 : vector<1024x128xf32>
    %mul3A_105 = vector.broadcast %get3A_82 : vector<1x128xf32> to vector<1024x128xf32>
    %mul3A_106 = arith.mulf %mul3A_104, %mul3A_105 : vector<1024x128xf32>
    %add3A_107 = vector.broadcast %get3A_85 : vector<1x128xf32> to vector<1024x128xf32>
    %add3A_108 = arith.addf %mul3A_106, %add3A_107 : vector<1024x128xf32>
    %get3A_109 = arith.constant 0 : index
    %get3A_110 = arith.constant 0 : index
    %get3A_111 = vector.load %arg8[%get3A_109, %get3A_110] : memref<128x128xf32, #tpu.memory_space<vmem>>, vector<128x128xf32>
    %dot_general3A_112 = arith.constant dense<0.000000e+00> : vector<1024x128xf32>
    %dot_general3A_113 = tpu.matmul %max3A_69, %get3A_111, %dot_general3A_112 {dimension_numbers = #tpu.dot_dimension_numbers<[1], [0], [0], [1], [0, 0, 1, 1], [], []>, transpose_lhs_hint = false} : vector<1024x128xf32>, vector<128x128xf32>, vector<1024x128xf32> -> vector<1024x128xf32>
    %get3A_114 = arith.constant 0 : index
    %get3A_115 = arith.constant 0 : index
    %get3A_116 = vector.load %arg9[%get3A_114, %get3A_115] : memref<1x128xf32, #tpu.memory_space<vmem>>, vector<1x128xf32>
    %add3A_117 = vector.broadcast %get3A_116 : vector<1x128xf32> to vector<1024x128xf32>
    %add3A_118 = arith.addf %dot_general3A_113, %add3A_117 : vector<1024x128xf32>
    %get3A_119 = arith.constant 0 : index
    %get3A_120 = arith.constant 0 : index
    %get3A_121 = vector.load %arg10[%get3A_119, %get3A_120] : memref<1x128xf32, #tpu.memory_space<vmem>>, vector<1x128xf32>
    %get3A_122 = arith.constant 0 : index
    %get3A_123 = arith.constant 0 : index
    %get3A_124 = vector.load %arg11[%get3A_122, %get3A_123] : memref<1x128xf32, #tpu.memory_space<vmem>>, vector<1x128xf32>
    %reduce_sum3A_125 = arith.constant dense<0.000000e+00> : vector<1024xf32>
    %reduce_sum3A_126 = vector.multi_reduction <add>, %add3A_118, %reduce_sum3A_125 [1] : vector<1024x128xf32> to vector<1024xf32>
    %broadcast_in_dim3A_127 = vector.shape_cast %reduce_sum3A_126 : vector<1024xf32> to vector<1024x1xf32>
    %div3A_128 = arith.constant 1.280000e+02 : f32
    %div3A_129 = vector.broadcast %div3A_128 : f32 to vector<1024x1xf32>
    %div3A_130 = arith.divf %broadcast_in_dim3A_127, %div3A_129 : vector<1024x1xf32>
    %sub3A_131 = vector.broadcast %div3A_130 : vector<1024x1xf32> to vector<1024x128xf32>
    %sub3A_132 = arith.subf %add3A_118, %sub3A_131 : vector<1024x128xf32>
    %sub3A_133 = vector.broadcast %div3A_130 : vector<1024x1xf32> to vector<1024x128xf32>
    %sub3A_134 = arith.subf %add3A_118, %sub3A_133 : vector<1024x128xf32>
    %mul3A_135 = arith.mulf %sub3A_132, %sub3A_134 : vector<1024x128xf32>
    %reduce_sum3A_136 = arith.constant dense<0.000000e+00> : vector<1024xf32>
    %reduce_sum3A_137 = vector.multi_reduction <add>, %mul3A_135, %reduce_sum3A_136 [1] : vector<1024x128xf32> to vector<1024xf32>
    %broadcast_in_dim3A_138 = vector.shape_cast %reduce_sum3A_137 : vector<1024xf32> to vector<1024x1xf32>
    %div3A_139 = arith.constant 1.280000e+02 : f32
    %div3A_140 = vector.broadcast %div3A_139 : f32 to vector<1024x1xf32>
    %div3A_141 = arith.divf %broadcast_in_dim3A_138, %div3A_140 : vector<1024x1xf32>
    %sub3A_142 = vector.broadcast %div3A_130 : vector<1024x1xf32> to vector<1024x128xf32>
    %sub3A_143 = arith.subf %add3A_118, %sub3A_142 : vector<1024x128xf32>
    %add3A_144 = arith.constant 9.99999974E-6 : f32
    %add3A_145 = vector.broadcast %add3A_144 : f32 to vector<1024x1xf32>
    %add3A_146 = arith.addf %div3A_141, %add3A_145 : vector<1024x1xf32>
    %rsqrt3A_147 = math.rsqrt %add3A_146 : vector<1024x1xf32>
    %mul3A_148 = vector.broadcast %rsqrt3A_147 : vector<1024x1xf32> to vector<1024x128xf32>
    %mul3A_149 = arith.mulf %sub3A_143, %mul3A_148 : vector<1024x128xf32>
    %mul3A_150 = vector.broadcast %get3A_121 : vector<1x128xf32> to vector<1024x128xf32>
    %mul3A_151 = arith.mulf %mul3A_149, %mul3A_150 : vector<1024x128xf32>
    %add3A_152 = vector.broadcast %get3A_124 : vector<1x128xf32> to vector<1024x128xf32>
    %add3A_153 = arith.addf %mul3A_151, %add3A_152 : vector<1024x128xf32>
    %add3A_154 = arith.addf %concatenate3A, %add3A_153 : vector<1024x128xf32>
    %slice3A_155 = vector.extract_strided_slice %add3A_108 {offsets = [0, 0], sizes = [512, 128], strides = [1, 1]} : vector<1024x128xf32> to vector<512x128xf32>
    %swap3A = arith.constant 0 : index
    %swap3A_156 = arith.constant 0 : index
    %swap3A_157 = vector.load %arg12[%swap3A, %swap3A_156] : memref<512x128xf32, #tpu.memory_space<vmem>>, vector<512x128xf32>
    tpu.vector_store %arg12[%swap3A, %swap3A_156], %slice3A_155 {strides = array<i32>} : memref<512x128xf32, #tpu.memory_space<vmem>>, vector<512x128xf32>,
    %slice3A_158 = vector.extract_strided_slice %add3A_108 {offsets = [512, 0], sizes = [512, 128], strides = [1, 1]} : vector<1024x128xf32> to vector<512x128xf32>
    %swap3A_159 = arith.constant 0 : index
    %swap3A_160 = arith.constant 0 : index
    %swap3A_161 = vector.load %arg13[%swap3A_159, %swap3A_160] : memref<512x128xf32, #tpu.memory_space<vmem>>, vector<512x128xf32>
    tpu.vector_store %arg13[%swap3A_159, %swap3A_160], %slice3A_158 {strides = array<i32>} : memref<512x128xf32, #tpu.memory_space<vmem>>, vector<512x128xf32>,
    %slice3A_162 = vector.extract_strided_slice %add3A_154 {offsets = [0, 0], sizes = [512, 128], strides = [1, 1]} : vector<1024x128xf32> to vector<512x128xf32>
    %swap3A_163 = arith.constant 0 : index
    %swap3A_164 = arith.constant 0 : index
    %swap3A_165 = vector.load %arg14[%swap3A_163, %swap3A_164] : memref<512x128xf32, #tpu.memory_space<vmem>>, vector<512x128xf32>
    tpu.vector_store %arg14[%swap3A_163, %swap3A_164], %slice3A_162 {strides = array<i32>} : memref<512x128xf32, #tpu.memory_space<vmem>>, vector<512x128xf32>,
    %slice3A_166 = vector.extract_strided_slice %add3A_154 {offsets = [512, 0], sizes = [512, 128], strides = [1, 1]} : vector<1024x128xf32> to vector<512x128xf32>
    %swap3A_167 = arith.constant 0 : index
    %swap3A_168 = arith.constant 0 : index
    %swap3A_169 = vector.load %arg15[%swap3A_167, %swap3A_168] : memref<512x128xf32, #tpu.memory_space<vmem>>, vector<512x128xf32>
    tpu.vector_store %arg15[%swap3A_167, %swap3A_168], %slice3A_166 {strides = array<i32>} : memref<512x128xf32, #tpu.memory_space<vmem>>, vector<512x128xf32>,
    return
  }
  func.func @transform_0(%arg0: i32) -> (i32, i32) {
    %c0_i32 = arith.constant 0 : i32
    %c0_i32_0 = arith.constant 0 : i32
    return %arg0, %c0_i32 : i32, i32
  }
  func.func @transform_1(%arg0: i32) -> (i32, i32) {
    %c0_i32 = arith.constant 0 : i32
    %c0_i32_0 = arith.constant 0 : i32
    return %arg0, %c0_i32 : i32, i32
  }
  func.func @transform_2(%arg0: i32) -> (i32, i32) {
    %c0_i32 = arith.constant 0 : i32
    %c0_i32_0 = arith.constant 0 : i32
    return %arg0, %c0_i32 : i32, i32
  }
  func.func @transform_3(%arg0: i32) -> (i32, i32) {
    %add3A = arith.constant 320 : i32
    %add3A_0 = arith.addi %arg0, %add3A : i32
    %c0_i32 = arith.constant 0 : i32
    %c0_i32_1 = arith.constant 0 : i32
    return %add3A_0, %c0_i32 : i32, i32
  }
  func.func @transform_4(%arg0: i32) -> (i32, i32) {
    %c0_i32 = arith.constant 0 : i32
    %c0_i32_0 = arith.constant 0 : i32
    %c0_i32_1 = arith.constant 0 : i32
    return %c0_i32, %c0_i32_0 : i32, i32
  }
  func.func @transform_5(%arg0: i32) -> (i32, i32) {
    %c0_i32 = arith.constant 0 : i32
    %c0_i32_0 = arith.constant 0 : i32
    %c0_i32_1 = arith.constant 0 : i32
    return %c0_i32, %c0_i32_0 : i32, i32
  }
  func.func @transform_6(%arg0: i32) -> (i32, i32) {
    %c0_i32 = arith.constant 0 : i32
    %c0_i32_0 = arith.constant 0 : i32
    %c0_i32_1 = arith.constant 0 : i32
    return %c0_i32, %c0_i32_0 : i32, i32
  }
  func.func @transform_7(%arg0: i32) -> (i32, i32) {
    %c0_i32 = arith.constant 0 : i32
    %c0_i32_0 = arith.constant 0 : i32
    %c0_i32_1 = arith.constant 0 : i32
    return %c0_i32, %c0_i32_0 : i32, i32
  }
  func.func @transform_8(%arg0: i32) -> (i32, i32) {
    %c0_i32 = arith.constant 0 : i32
    %c0_i32_0 = arith.constant 0 : i32
    %c0_i32_1 = arith.constant 0 : i32
    return %c0_i32, %c0_i32_0 : i32, i32
  }
  func.func @transform_9(%arg0: i32) -> (i32, i32) {
    %c0_i32 = arith.constant 0 : i32
    %c0_i32_0 = arith.constant 0 : i32
    %c0_i32_1 = arith.constant 0 : i32
    return %c0_i32, %c0_i32_0 : i32, i32
  }
  func.func @transform_10(%arg0: i32) -> (i32, i32) {
    %c0_i32 = arith.constant 0 : i32
    %c0_i32_0 = arith.constant 0 : i32
    %c0_i32_1 = arith.constant 0 : i32
    return %c0_i32, %c0_i32_0 : i32, i32
  }
  func.func @transform_11(%arg0: i32) -> (i32, i32) {
    %c0_i32 = arith.constant 0 : i32
    %c0_i32_0 = arith.constant 0 : i32
    return %arg0, %c0_i32 : i32, i32
  }
  func.func @transform_12(%arg0: i32) -> (i32, i32) {
    %c0_i32 = arith.constant 0 : i32
    %c0_i32_0 = arith.constant 0 : i32
    return %arg0, %c0_i32 : i32, i32
  }
  func.func @transform_13(%arg0: i32) -> (i32, i32) {
    %c0_i32 = arith.constant 0 : i32
    %c0_i32_0 = arith.constant 0 : i32
    return %arg0, %c0_i32 : i32, i32
  }
  func.func @transform_14(%arg0: i32) -> (i32, i32) {
    %c0_i32 = arith.constant 0 : i32
    %c0_i32_0 = arith.constant 0 : i32
    return %arg0, %c0_i32 : i32, i32
  }
}

module attributes {stable_mosaic.version = 14 : i64} {
  func.func @tc_node_step(%arg0: i32, %arg1: memref<2048x128xf32, #tpu.memory_space<vmem>>, %arg2: memref<2048x128xf32, #tpu.memory_space<vmem>>, %arg3: memref<2048x128xf32, #tpu.memory_space<vmem>>, %arg4: memref<128x128xf32, #tpu.memory_space<vmem>>, %arg5: memref<128x128xf32, #tpu.memory_space<vmem>>, %arg6: memref<1x128xf32, #tpu.memory_space<vmem>>, %arg7: memref<128x128xf32, #tpu.memory_space<vmem>>, %arg8: memref<1x128xf32, #tpu.memory_space<vmem>>, %arg9: memref<1x128xf32, #tpu.memory_space<vmem>>, %arg10: memref<1x128xf32, #tpu.memory_space<vmem>>, %arg11: memref<2048x128xf32, #tpu.memory_space<vmem>>, %arg12: memref<2048x64xf32, #tpu.memory_space<vmem>>) attributes {dimension_semantics = [#tpu.dimension_semantics<arbitrary>], iteration_bounds = array<i64: 5>, scalar_prefetch = 0 : i64, scratch_operands = 0 : i64, tpu.core_type = #tpu.core_type<tc>, window_params = [{transform_indices = @transform_0, window_bounds = array<i64: 2048, 128>}, {transform_indices = @transform_1, window_bounds = array<i64: 2048, 128>}, {transform_indices = @transform_2, window_bounds = array<i64: 2048, 128>}, {pipeline_mode = #tpu.pipeline_mode<synchronous>, transform_indices = @transform_3, window_bounds = array<i64: 128, 128>}, {pipeline_mode = #tpu.pipeline_mode<synchronous>, transform_indices = @transform_4, window_bounds = array<i64: 128, 128>}, {pipeline_mode = #tpu.pipeline_mode<synchronous>, transform_indices = @transform_5, window_bounds = array<i64: 1, 128>}, {pipeline_mode = #tpu.pipeline_mode<synchronous>, transform_indices = @transform_6, window_bounds = array<i64: 128, 128>}, {pipeline_mode = #tpu.pipeline_mode<synchronous>, transform_indices = @transform_7, window_bounds = array<i64: 1, 128>}, {pipeline_mode = #tpu.pipeline_mode<synchronous>, transform_indices = @transform_8, window_bounds = array<i64: 1, 128>}, {pipeline_mode = #tpu.pipeline_mode<synchronous>, transform_indices = @transform_9, window_bounds = array<i64: 1, 128>}, {transform_indices = @transform_10, window_bounds = array<i64: 2048, 128>}, {transform_indices = @transform_11, window_bounds = array<i64: 2048, 64>}]} {
    %get3A = arith.constant 0 : index
    %get3A_0 = arith.constant 0 : index
    %get3A_1 = vector.load %arg3[%get3A, %get3A_0] : memref<2048x128xf32, #tpu.memory_space<vmem>>, vector<2048x128xf32>
    %get3A_2 = arith.constant 0 : index
    %get3A_3 = arith.constant 0 : index
    %get3A_4 = vector.load %arg1[%get3A_2, %get3A_3] : memref<2048x128xf32, #tpu.memory_space<vmem>>, vector<2048x128xf32>
    %get3A_5 = arith.constant 0 : index
    %get3A_6 = arith.constant 0 : index
    %get3A_7 = vector.load %arg2[%get3A_5, %get3A_6] : memref<2048x128xf32, #tpu.memory_space<vmem>>, vector<2048x128xf32>
    %add3A = arith.addf %get3A_4, %get3A_7 : vector<2048x128xf32>
    %get3A_8 = arith.constant 0 : index
    %get3A_9 = arith.constant 0 : index
    %get3A_10 = vector.load %arg4[%get3A_8, %get3A_9] : memref<128x128xf32, #tpu.memory_space<vmem>>, vector<128x128xf32>
    %dot_general3A = arith.constant dense<0.000000e+00> : vector<2048x128xf32>
    %dot_general3A_11 = tpu.matmul %add3A, %get3A_10, %dot_general3A {dimension_numbers = #tpu.dot_dimension_numbers<[1], [0], [0], [1], [0, 0, 1, 1], [], []>, transpose_lhs_hint = false} : vector<2048x128xf32>, vector<128x128xf32>, vector<2048x128xf32> -> vector<2048x128xf32>
    %get3A_12 = arith.constant 0 : index
    %get3A_13 = arith.constant 0 : index
    %get3A_14 = vector.load %arg5[%get3A_12, %get3A_13] : memref<128x128xf32, #tpu.memory_space<vmem>>, vector<128x128xf32>
    %dot_general3A_15 = arith.constant dense<0.000000e+00> : vector<2048x128xf32>
    %dot_general3A_16 = tpu.matmul %get3A_1, %get3A_14, %dot_general3A_15 {dimension_numbers = #tpu.dot_dimension_numbers<[1], [0], [0], [1], [0, 0, 1, 1], [], []>, transpose_lhs_hint = false} : vector<2048x128xf32>, vector<128x128xf32>, vector<2048x128xf32> -> vector<2048x128xf32>
    %add3A_17 = arith.addf %dot_general3A_11, %dot_general3A_16 : vector<2048x128xf32>
    %get3A_18 = arith.constant 0 : index
    %get3A_19 = arith.constant 0 : index
    %get3A_20 = vector.load %arg6[%get3A_18, %get3A_19] : memref<1x128xf32, #tpu.memory_space<vmem>>, vector<1x128xf32>
    %add3A_21 = vector.broadcast %get3A_20 : vector<1x128xf32> to vector<2048x128xf32>
    %add3A_22 = arith.addf %add3A_17, %add3A_21 : vector<2048x128xf32>
    %max3A = arith.constant 0.000000e+00 : f32
    %max3A_23 = vector.broadcast %max3A : f32 to vector<2048x128xf32>
    %max3A_24 = arith.maximumf %add3A_22, %max3A_23 : vector<2048x128xf32>
    %get3A_25 = arith.constant 0 : index
    %get3A_26 = arith.constant 0 : index
    %get3A_27 = vector.load %arg7[%get3A_25, %get3A_26] : memref<128x128xf32, #tpu.memory_space<vmem>>, vector<128x128xf32>
    %dot_general3A_28 = arith.constant dense<0.000000e+00> : vector<2048x128xf32>
    %dot_general3A_29 = tpu.matmul %max3A_24, %get3A_27, %dot_general3A_28 {dimension_numbers = #tpu.dot_dimension_numbers<[1], [0], [0], [1], [0, 0, 1, 1], [], []>, transpose_lhs_hint = false} : vector<2048x128xf32>, vector<128x128xf32>, vector<2048x128xf32> -> vector<2048x128xf32>
    %get3A_30 = arith.constant 0 : index
    %get3A_31 = arith.constant 0 : index
    %get3A_32 = vector.load %arg8[%get3A_30, %get3A_31] : memref<1x128xf32, #tpu.memory_space<vmem>>, vector<1x128xf32>
    %add3A_33 = vector.broadcast %get3A_32 : vector<1x128xf32> to vector<2048x128xf32>
    %add3A_34 = arith.addf %dot_general3A_29, %add3A_33 : vector<2048x128xf32>
    %get3A_35 = arith.constant 0 : index
    %get3A_36 = arith.constant 0 : index
    %get3A_37 = vector.load %arg9[%get3A_35, %get3A_36] : memref<1x128xf32, #tpu.memory_space<vmem>>, vector<1x128xf32>
    %get3A_38 = arith.constant 0 : index
    %get3A_39 = arith.constant 0 : index
    %get3A_40 = vector.load %arg10[%get3A_38, %get3A_39] : memref<1x128xf32, #tpu.memory_space<vmem>>, vector<1x128xf32>
    %reduce_sum3A = arith.constant dense<0.000000e+00> : vector<2048xf32>
    %reduce_sum3A_41 = vector.multi_reduction <add>, %add3A_34, %reduce_sum3A [1] : vector<2048x128xf32> to vector<2048xf32>
    %broadcast_in_dim3A = vector.shape_cast %reduce_sum3A_41 : vector<2048xf32> to vector<2048x1xf32>
    %div3A = arith.constant 1.280000e+02 : f32
    %div3A_42 = vector.broadcast %div3A : f32 to vector<2048x1xf32>
    %div3A_43 = arith.divf %broadcast_in_dim3A, %div3A_42 : vector<2048x1xf32>
    %sub3A = vector.broadcast %div3A_43 : vector<2048x1xf32> to vector<2048x128xf32>
    %sub3A_44 = arith.subf %add3A_34, %sub3A : vector<2048x128xf32>
    %sub3A_45 = vector.broadcast %div3A_43 : vector<2048x1xf32> to vector<2048x128xf32>
    %sub3A_46 = arith.subf %add3A_34, %sub3A_45 : vector<2048x128xf32>
    %mul3A = arith.mulf %sub3A_44, %sub3A_46 : vector<2048x128xf32>
    %reduce_sum3A_47 = arith.constant dense<0.000000e+00> : vector<2048xf32>
    %reduce_sum3A_48 = vector.multi_reduction <add>, %mul3A, %reduce_sum3A_47 [1] : vector<2048x128xf32> to vector<2048xf32>
    %broadcast_in_dim3A_49 = vector.shape_cast %reduce_sum3A_48 : vector<2048xf32> to vector<2048x1xf32>
    %div3A_50 = arith.constant 1.280000e+02 : f32
    %div3A_51 = vector.broadcast %div3A_50 : f32 to vector<2048x1xf32>
    %div3A_52 = arith.divf %broadcast_in_dim3A_49, %div3A_51 : vector<2048x1xf32>
    %sub3A_53 = vector.broadcast %div3A_43 : vector<2048x1xf32> to vector<2048x128xf32>
    %sub3A_54 = arith.subf %add3A_34, %sub3A_53 : vector<2048x128xf32>
    %add3A_55 = arith.constant 9.99999974E-6 : f32
    %add3A_56 = vector.broadcast %add3A_55 : f32 to vector<2048x1xf32>
    %add3A_57 = arith.addf %div3A_52, %add3A_56 : vector<2048x1xf32>
    %rsqrt3A = math.rsqrt %add3A_57 : vector<2048x1xf32>
    %mul3A_58 = vector.broadcast %rsqrt3A : vector<2048x1xf32> to vector<2048x128xf32>
    %mul3A_59 = arith.mulf %sub3A_54, %mul3A_58 : vector<2048x128xf32>
    %mul3A_60 = vector.broadcast %get3A_37 : vector<1x128xf32> to vector<2048x128xf32>
    %mul3A_61 = arith.mulf %mul3A_59, %mul3A_60 : vector<2048x128xf32>
    %add3A_62 = vector.broadcast %get3A_40 : vector<1x128xf32> to vector<2048x128xf32>
    %add3A_63 = arith.addf %mul3A_61, %add3A_62 : vector<2048x128xf32>
    %add3A_64 = arith.addf %get3A_1, %add3A_63 : vector<2048x128xf32>
    %swap3A = arith.constant 0 : index
    %swap3A_65 = arith.constant 0 : index
    %swap3A_66 = vector.load %arg11[%swap3A, %swap3A_65] : memref<2048x128xf32, #tpu.memory_space<vmem>>, vector<2048x128xf32>
    tpu.vector_store %arg11[%swap3A, %swap3A_65], %add3A_64 {strides = array<i32>} : memref<2048x128xf32, #tpu.memory_space<vmem>>, vector<2048x128xf32>,
    %bitcast_convert_type3A = tpu.bitcast %add3A_64 : vector<2048x128xf32> -> vector<2048x128xi32>
    %add3A_67 = arith.constant 32767 : i32
    %add3A_68 = vector.broadcast %add3A_67 : i32 to vector<2048x128xi32>
    %add3A_69 = arith.addi %bitcast_convert_type3A, %add3A_68 : vector<2048x128xi32>
    %shift_right_logical3A = arith.constant 16 : i32
    %shift_right_logical3A_70 = vector.broadcast %shift_right_logical3A : i32 to vector<2048x128xi32>
    %shift_right_logical3A_71 = arith.shrui %bitcast_convert_type3A, %shift_right_logical3A_70 : vector<2048x128xi32>
    %and3A = arith.constant 1 : i32
    %and3A_72 = vector.broadcast %and3A : i32 to vector<2048x128xi32>
    %and3A_73 = arith.andi %shift_right_logical3A_71, %and3A_72 : vector<2048x128xi32>
    %add3A_74 = arith.addi %add3A_69, %and3A_73 : vector<2048x128xi32>
    %slice3A = vector.extract_strided_slice %add3A_74 {offsets = [0, 0], sizes = [2048, 64], strides = [1, 1]} : vector<2048x128xi32> to vector<2048x64xi32>
    %shift_right_logical3A_75 = arith.constant 16 : i32
    %shift_right_logical3A_76 = vector.broadcast %shift_right_logical3A_75 : i32 to vector<2048x64xi32>
    %shift_right_logical3A_77 = arith.shrui %slice3A, %shift_right_logical3A_76 : vector<2048x64xi32>
    %slice3A_78 = vector.extract_strided_slice %add3A_74 {offsets = [0, 64], sizes = [2048, 64], strides = [1, 1]} : vector<2048x128xi32> to vector<2048x64xi32>
    %and3A_79 = arith.constant -65536 : i32
    %and3A_80 = vector.broadcast %and3A_79 : i32 to vector<2048x64xi32>
    %and3A_81 = arith.andi %slice3A_78, %and3A_80 : vector<2048x64xi32>
    %or3A = arith.ori %and3A_81, %shift_right_logical3A_77 : vector<2048x64xi32>
    %bitcast_convert_type3A_82 = tpu.bitcast %or3A : vector<2048x64xi32> -> vector<2048x64xf32>
    %swap3A_83 = arith.constant 0 : index
    %swap3A_84 = arith.constant 0 : index
    %swap3A_85 = vector.load %arg12[%swap3A_83, %swap3A_84] : memref<2048x64xf32, #tpu.memory_space<vmem>>, vector<2048x64xf32>
    tpu.vector_store %arg12[%swap3A_83, %swap3A_84], %bitcast_convert_type3A_82 {strides = array<i32>} : memref<2048x64xf32, #tpu.memory_space<vmem>>, vector<2048x64xf32>,
    return
  }
  func.func @transform_0(%arg0: i32) -> (i32, i32) {
    %c0_i32 = arith.constant 0 : i32
    %c0_i32_0 = arith.constant 0 : i32
    return %arg0, %c0_i32 : i32, i32
  }
  func.func @transform_1(%arg0: i32) -> (i32, i32) {
    %c0_i32 = arith.constant 0 : i32
    %c0_i32_0 = arith.constant 0 : i32
    return %arg0, %c0_i32 : i32, i32
  }
  func.func @transform_2(%arg0: i32) -> (i32, i32) {
    %c0_i32 = arith.constant 0 : i32
    %c0_i32_0 = arith.constant 0 : i32
    return %arg0, %c0_i32 : i32, i32
  }
  func.func @transform_3(%arg0: i32) -> (i32, i32) {
    %c0_i32 = arith.constant 0 : i32
    %c0_i32_0 = arith.constant 0 : i32
    %c0_i32_1 = arith.constant 0 : i32
    return %c0_i32, %c0_i32_0 : i32, i32
  }
  func.func @transform_4(%arg0: i32) -> (i32, i32) {
    %c0_i32 = arith.constant 0 : i32
    %c0_i32_0 = arith.constant 0 : i32
    %c0_i32_1 = arith.constant 0 : i32
    return %c0_i32, %c0_i32_0 : i32, i32
  }
  func.func @transform_5(%arg0: i32) -> (i32, i32) {
    %c0_i32 = arith.constant 0 : i32
    %c0_i32_0 = arith.constant 0 : i32
    %c0_i32_1 = arith.constant 0 : i32
    return %c0_i32, %c0_i32_0 : i32, i32
  }
  func.func @transform_6(%arg0: i32) -> (i32, i32) {
    %c0_i32 = arith.constant 0 : i32
    %c0_i32_0 = arith.constant 0 : i32
    %c0_i32_1 = arith.constant 0 : i32
    return %c0_i32, %c0_i32_0 : i32, i32
  }
  func.func @transform_7(%arg0: i32) -> (i32, i32) {
    %c0_i32 = arith.constant 0 : i32
    %c0_i32_0 = arith.constant 0 : i32
    %c0_i32_1 = arith.constant 0 : i32
    return %c0_i32, %c0_i32_0 : i32, i32
  }
  func.func @transform_8(%arg0: i32) -> (i32, i32) {
    %c0_i32 = arith.constant 0 : i32
    %c0_i32_0 = arith.constant 0 : i32
    %c0_i32_1 = arith.constant 0 : i32
    return %c0_i32, %c0_i32_0 : i32, i32
  }
  func.func @transform_9(%arg0: i32) -> (i32, i32) {
    %c0_i32 = arith.constant 0 : i32
    %c0_i32_0 = arith.constant 0 : i32
    %c0_i32_1 = arith.constant 0 : i32
    return %c0_i32, %c0_i32_0 : i32, i32
  }
  func.func @transform_10(%arg0: i32) -> (i32, i32) {
    %c0_i32 = arith.constant 0 : i32
    %c0_i32_0 = arith.constant 0 : i32
    return %arg0, %c0_i32 : i32, i32
  }
  func.func @transform_11(%arg0: i32) -> (i32, i32) {
    %c0_i32 = arith.constant 0 : i32
    %c0_i32_0 = arith.constant 0 : i32
    return %arg0, %c0_i32 : i32, i32
  }
}

module attributes {stable_mosaic.version = 14 : i64} {
  func.func @tc_edge_step(%arg0: i32, %arg1: memref<512x128xf32, #tpu.memory_space<vmem>>, %arg2: memref<512x128xf32, #tpu.memory_space<vmem>>, %arg3: memref<512x128xf32, #tpu.memory_space<vmem>>, %arg4: memref<512x128xf32, #tpu.memory_space<vmem>>, %arg5: memref<128x256xf32, #tpu.memory_space<vmem>>, %arg6: memref<128x128xf32, #tpu.memory_space<vmem>>, %arg7: memref<1x128xf32, #tpu.memory_space<vmem>>, %arg8: memref<128x128xf32, #tpu.memory_space<vmem>>, %arg9: memref<1x128xf32, #tpu.memory_space<vmem>>, %arg10: memref<1x128xf32, #tpu.memory_space<vmem>>, %arg11: memref<1x128xf32, #tpu.memory_space<vmem>>, %arg12: memref<512x128xf32, #tpu.memory_space<vmem>>, %arg13: memref<512x128xf32, #tpu.memory_space<vmem>>, %arg14: memref<512x128xf32, #tpu.memory_space<vmem>>, %arg15: memref<512x128xf32, #tpu.memory_space<vmem>>) attributes {dimension_semantics = [#tpu.dimension_semantics<arbitrary>], iteration_bounds = array<i64: 320>, scalar_prefetch = 0 : i64, scratch_operands = 0 : i64, tpu.core_type = #tpu.core_type<tc>, window_params = [{transform_indices = @transform_0, window_bounds = array<i64: 512, 128>}, {transform_indices = @transform_1, window_bounds = array<i64: 512, 128>}, {transform_indices = @transform_2, window_bounds = array<i64: 512, 128>}, {transform_indices = @transform_3, window_bounds = array<i64: 512, 128>}, {pipeline_mode = #tpu.pipeline_mode<synchronous>, transform_indices = @transform_4, window_bounds = array<i64: 128, 256>}, {pipeline_mode = #tpu.pipeline_mode<synchronous>, transform_indices = @transform_5, window_bounds = array<i64: 128, 128>}, {pipeline_mode = #tpu.pipeline_mode<synchronous>, transform_indices = @transform_6, window_bounds = array<i64: 1, 128>}, {pipeline_mode = #tpu.pipeline_mode<synchronous>, transform_indices = @transform_7, window_bounds = array<i64: 128, 128>}, {pipeline_mode = #tpu.pipeline_mode<synchronous>, transform_indices = @transform_8, window_bounds = array<i64: 1, 128>}, {pipeline_mode = #tpu.pipeline_mode<synchronous>, transform_indices = @transform_9, window_bounds = array<i64: 1, 128>}, {pipeline_mode = #tpu.pipeline_mode<synchronous>, transform_indices = @transform_10, window_bounds = array<i64: 1, 128>}, {transform_indices = @transform_11, window_bounds = array<i64: 512, 128>}, {transform_indices = @transform_12, window_bounds = array<i64: 512, 128>}, {transform_indices = @transform_13, window_bounds = array<i64: 512, 128>}, {transform_indices = @transform_14, window_bounds = array<i64: 512, 128>}]} {
    %get3A = arith.constant 0 : index
    %get3A_0 = arith.constant 0 : index
    %get3A_1 = vector.load %arg3[%get3A, %get3A_0] : memref<512x128xf32, #tpu.memory_space<vmem>>, vector<512x128xf32>
    %get3A_2 = arith.constant 0 : index
    %get3A_3 = arith.constant 0 : index
    %get3A_4 = vector.load %arg4[%get3A_2, %get3A_3] : memref<512x128xf32, #tpu.memory_space<vmem>>, vector<512x128xf32>
    %concatenate3A = tpu.concatenate %get3A_1, %get3A_4 in 0 : vector<512x128xf32>, vector<512x128xf32> -> vector<1024x128xf32>
    %get3A_5 = arith.constant 0 : index
    %get3A_6 = arith.constant 0 : index
    %get3A_7 = vector.load %arg1[%get3A_5, %get3A_6] : memref<512x128xf32, #tpu.memory_space<vmem>>, vector<512x128xf32>
    %bitcast_convert_type3A = tpu.bitcast %get3A_7 : vector<512x128xf32> -> vector<512x128xi32>
    %shift_left3A = arith.constant 16 : i32
    %shift_left3A_8 = vector.broadcast %shift_left3A : i32 to vector<512x128xi32>
    %shift_left3A_9 = arith.shli %bitcast_convert_type3A, %shift_left3A_8 : vector<512x128xi32>
    %bitcast_convert_type3A_10 = tpu.bitcast %shift_left3A_9 : vector<512x128xi32> -> vector<512x128xf32>
    %and3A = arith.constant -65536 : i32
    %and3A_11 = vector.broadcast %and3A : i32 to vector<512x128xi32>
    %and3A_12 = arith.andi %bitcast_convert_type3A, %and3A_11 : vector<512x128xi32>
    %bitcast_convert_type3A_13 = tpu.bitcast %and3A_12 : vector<512x128xi32> -> vector<512x128xf32>
    %slice3A = vector.extract_strided_slice %bitcast_convert_type3A_10 {offsets = [0, 0], sizes = [512, 64], strides = [1, 1]} : vector<512x128xf32> to vector<512x64xf32>
    %slice3A_14 = vector.extract_strided_slice %bitcast_convert_type3A_13 {offsets = [0, 0], sizes = [512, 64], strides = [1, 1]} : vector<512x128xf32> to vector<512x64xf32>
    %concatenate3A_15 = tpu.concatenate %slice3A, %slice3A_14 in 1 : vector<512x64xf32>, vector<512x64xf32> -> vector<512x128xf32>
    %slice3A_16 = vector.extract_strided_slice %bitcast_convert_type3A_10 {offsets = [0, 64], sizes = [512, 64], strides = [1, 1]} : vector<512x128xf32> to vector<512x64xf32>
    %slice3A_17 = vector.extract_strided_slice %bitcast_convert_type3A_13 {offsets = [0, 64], sizes = [512, 64], strides = [1, 1]} : vector<512x128xf32> to vector<512x64xf32>
    %concatenate3A_18 = tpu.concatenate %slice3A_16, %slice3A_17 in 1 : vector<512x64xf32>, vector<512x64xf32> -> vector<512x128xf32>
    %concatenate3A_19 = tpu.concatenate %concatenate3A_15, %concatenate3A_18 in 0 : vector<512x128xf32>, vector<512x128xf32> -> vector<1024x128xf32>
    %get3A_20 = arith.constant 0 : index
    %get3A_21 = arith.constant 0 : index
    %get3A_22 = vector.load %arg2[%get3A_20, %get3A_21] : memref<512x128xf32, #tpu.memory_space<vmem>>, vector<512x128xf32>
    %bitcast_convert_type3A_23 = tpu.bitcast %get3A_22 : vector<512x128xf32> -> vector<512x128xi32>
    %shift_left3A_24 = arith.constant 16 : i32
    %shift_left3A_25 = vector.broadcast %shift_left3A_24 : i32 to vector<512x128xi32>
    %shift_left3A_26 = arith.shli %bitcast_convert_type3A_23, %shift_left3A_25 : vector<512x128xi32>
    %bitcast_convert_type3A_27 = tpu.bitcast %shift_left3A_26 : vector<512x128xi32> -> vector<512x128xf32>
    %and3A_28 = arith.constant -65536 : i32
    %and3A_29 = vector.broadcast %and3A_28 : i32 to vector<512x128xi32>
    %and3A_30 = arith.andi %bitcast_convert_type3A_23, %and3A_29 : vector<512x128xi32>
    %bitcast_convert_type3A_31 = tpu.bitcast %and3A_30 : vector<512x128xi32> -> vector<512x128xf32>
    %slice3A_32 = vector.extract_strided_slice %bitcast_convert_type3A_27 {offsets = [0, 0], sizes = [512, 64], strides = [1, 1]} : vector<512x128xf32> to vector<512x64xf32>
    %slice3A_33 = vector.extract_strided_slice %bitcast_convert_type3A_31 {offsets = [0, 0], sizes = [512, 64], strides = [1, 1]} : vector<512x128xf32> to vector<512x64xf32>
    %concatenate3A_34 = tpu.concatenate %slice3A_32, %slice3A_33 in 1 : vector<512x64xf32>, vector<512x64xf32> -> vector<512x128xf32>
    %slice3A_35 = vector.extract_strided_slice %bitcast_convert_type3A_27 {offsets = [0, 64], sizes = [512, 64], strides = [1, 1]} : vector<512x128xf32> to vector<512x64xf32>
    %slice3A_36 = vector.extract_strided_slice %bitcast_convert_type3A_31 {offsets = [0, 64], sizes = [512, 64], strides = [1, 1]} : vector<512x128xf32> to vector<512x64xf32>
    %concatenate3A_37 = tpu.concatenate %slice3A_35, %slice3A_36 in 1 : vector<512x64xf32>, vector<512x64xf32> -> vector<512x128xf32>
    %concatenate3A_38 = tpu.concatenate %concatenate3A_34, %concatenate3A_37 in 0 : vector<512x128xf32>, vector<512x128xf32> -> vector<1024x128xf32>
    %get3A_39 = arith.constant 0 : index
    %get3A_40 = arith.constant 0 : index
    %get3A_41 = vector.load %arg5[%get3A_39, %get3A_40] : memref<128x256xf32, #tpu.memory_space<vmem>>, vector<128x256xf32>
    %dot_general3A = arith.constant dense<0.000000e+00> : vector<1024x256xf32>
    %dot_general3A_42 = tpu.matmul %concatenate3A_38, %get3A_41, %dot_general3A {dimension_numbers = #tpu.dot_dimension_numbers<[1], [0], [0], [1], [0, 0, 1, 1], [], []>, transpose_lhs_hint = false} : vector<1024x128xf32>, vector<128x256xf32>, vector<1024x256xf32> -> vector<1024x256xf32>
    %get3A_43 = arith.constant 0 : index
    %get3A_44 = arith.constant 0 : index
    %get3A_45 = vector.load %arg5[%get3A_43, %get3A_44] : memref<128x256xf32, #tpu.memory_space<vmem>>, vector<128x256xf32>
    %dot_general3A_46 = arith.constant dense<0.000000e+00> : vector<1024x256xf32>
    %dot_general3A_47 = tpu.matmul %concatenate3A_19, %get3A_45, %dot_general3A_46 {dimension_numbers = #tpu.dot_dimension_numbers<[1], [0], [0], [1], [0, 0, 1, 1], [], []>, transpose_lhs_hint = false} : vector<1024x128xf32>, vector<128x256xf32>, vector<1024x256xf32> -> vector<1024x256xf32>
    %get3A_48 = arith.constant 0 : index
    %get3A_49 = arith.constant 0 : index
    %get3A_50 = vector.load %arg6[%get3A_48, %get3A_49] : memref<128x128xf32, #tpu.memory_space<vmem>>, vector<128x128xf32>
    %dot_general3A_51 = arith.constant dense<0.000000e+00> : vector<1024x128xf32>
    %dot_general3A_52 = tpu.matmul %concatenate3A, %get3A_50, %dot_general3A_51 {dimension_numbers = #tpu.dot_dimension_numbers<[1], [0], [0], [1], [0, 0, 1, 1], [], []>, transpose_lhs_hint = false} : vector<1024x128xf32>, vector<128x128xf32>, vector<1024x128xf32> -> vector<1024x128xf32>
    %get3A_53 = arith.constant 0 : index
    %get3A_54 = arith.constant 0 : index
    %get3A_55 = vector.load %arg7[%get3A_53, %get3A_54] : memref<1x128xf32, #tpu.memory_space<vmem>>, vector<1x128xf32>
    %add3A = vector.broadcast %get3A_55 : vector<1x128xf32> to vector<1024x128xf32>
    %add3A_56 = arith.addf %dot_general3A_52, %add3A : vector<1024x128xf32>
    %slice3A_57 = vector.extract_strided_slice %dot_general3A_42 {offsets = [0, 0], sizes = [1024, 128], strides = [1, 1]} : vector<1024x256xf32> to vector<1024x128xf32>
    %slice3A_58 = vector.extract_strided_slice %dot_general3A_47 {offsets = [0, 128], sizes = [1024, 128], strides = [1, 1]} : vector<1024x256xf32> to vector<1024x128xf32>
    %add3A_59 = arith.addf %slice3A_57, %slice3A_58 : vector<1024x128xf32>
    %add3A_60 = arith.addf %add3A_59, %add3A_56 : vector<1024x128xf32>
    %slice3A_61 = vector.extract_strided_slice %dot_general3A_47 {offsets = [0, 0], sizes = [1024, 128], strides = [1, 1]} : vector<1024x256xf32> to vector<1024x128xf32>
    %slice3A_62 = vector.extract_strided_slice %dot_general3A_42 {offsets = [0, 128], sizes = [1024, 128], strides = [1, 1]} : vector<1024x256xf32> to vector<1024x128xf32>
    %add3A_63 = arith.addf %slice3A_61, %slice3A_62 : vector<1024x128xf32>
    %add3A_64 = arith.addf %add3A_63, %add3A_56 : vector<1024x128xf32>
    %max3A = arith.constant 0.000000e+00 : f32
    %max3A_65 = vector.broadcast %max3A : f32 to vector<1024x128xf32>
    %max3A_66 = arith.maximumf %add3A_60, %max3A_65 : vector<1024x128xf32>
    %max3A_67 = arith.constant 0.000000e+00 : f32
    %max3A_68 = vector.broadcast %max3A_67 : f32 to vector<1024x128xf32>
    %max3A_69 = arith.maximumf %add3A_64, %max3A_68 : vector<1024x128xf32>
    %get3A_70 = arith.constant 0 : index
    %get3A_71 = arith.constant 0 : index
    %get3A_72 = vector.load %arg8[%get3A_70, %get3A_71] : memref<128x128xf32, #tpu.memory_space<vmem>>, vector<128x128xf32>
    %dot_general3A_73 = arith.constant dense<0.000000e+00> : vector<1024x128xf32>
    %dot_general3A_74 = tpu.matmul %max3A_66, %get3A_72, %dot_general3A_73 {dimension_numbers = #tpu.dot_dimension_numbers<[1], [0], [0], [1], [0, 0, 1, 1], [], []>, transpose_lhs_hint = false} : vector<1024x128xf32>, vector<128x128xf32>, vector<1024x128xf32> -> vector<1024x128xf32>
    %get3A_75 = arith.constant 0 : index
    %get3A_76 = arith.constant 0 : index
    %get3A_77 = vector.load %arg9[%get3A_75, %get3A_76] : memref<1x128xf32, #tpu.memory_space<vmem>>, vector<1x128xf32>
    %add3A_78 = vector.broadcast %get3A_77 : vector<1x128xf32> to vector<1024x128xf32>
    %add3A_79 = arith.addf %dot_general3A_74, %add3A_78 : vector<1024x128xf32>
    %get3A_80 = arith.constant 0 : index
    %get3A_81 = arith.constant 0 : index
    %get3A_82 = vector.load %arg10[%get3A_80, %get3A_81] : memref<1x128xf32, #tpu.memory_space<vmem>>, vector<1x128xf32>
    %get3A_83 = arith.constant 0 : index
    %get3A_84 = arith.constant 0 : index
    %get3A_85 = vector.load %arg11[%get3A_83, %get3A_84] : memref<1x128xf32, #tpu.memory_space<vmem>>, vector<1x128xf32>
    %reduce_sum3A = arith.constant dense<0.000000e+00> : vector<1024xf32>
    %reduce_sum3A_86 = vector.multi_reduction <add>, %add3A_79, %reduce_sum3A [1] : vector<1024x128xf32> to vector<1024xf32>
    %broadcast_in_dim3A = vector.shape_cast %reduce_sum3A_86 : vector<1024xf32> to vector<1024x1xf32>
    %div3A = arith.constant 1.280000e+02 : f32
    %div3A_87 = vector.broadcast %div3A : f32 to vector<1024x1xf32>
    %div3A_88 = arith.divf %broadcast_in_dim3A, %div3A_87 : vector<1024x1xf32>
    %sub3A = vector.broadcast %div3A_88 : vector<1024x1xf32> to vector<1024x128xf32>
    %sub3A_89 = arith.subf %add3A_79, %sub3A : vector<1024x128xf32>
    %sub3A_90 = vector.broadcast %div3A_88 : vector<1024x1xf32> to vector<1024x128xf32>
    %sub3A_91 = arith.subf %add3A_79, %sub3A_90 : vector<1024x128xf32>
    %mul3A = arith.mulf %sub3A_89, %sub3A_91 : vector<1024x128xf32>
    %reduce_sum3A_92 = arith.constant dense<0.000000e+00> : vector<1024xf32>
    %reduce_sum3A_93 = vector.multi_reduction <add>, %mul3A, %reduce_sum3A_92 [1] : vector<1024x128xf32> to vector<1024xf32>
    %broadcast_in_dim3A_94 = vector.shape_cast %reduce_sum3A_93 : vector<1024xf32> to vector<1024x1xf32>
    %div3A_95 = arith.constant 1.280000e+02 : f32
    %div3A_96 = vector.broadcast %div3A_95 : f32 to vector<1024x1xf32>
    %div3A_97 = arith.divf %broadcast_in_dim3A_94, %div3A_96 : vector<1024x1xf32>
    %sub3A_98 = vector.broadcast %div3A_88 : vector<1024x1xf32> to vector<1024x128xf32>
    %sub3A_99 = arith.subf %add3A_79, %sub3A_98 : vector<1024x128xf32>
    %add3A_100 = arith.constant 9.99999974E-6 : f32
    %add3A_101 = vector.broadcast %add3A_100 : f32 to vector<1024x1xf32>
    %add3A_102 = arith.addf %div3A_97, %add3A_101 : vector<1024x1xf32>
    %rsqrt3A = math.rsqrt %add3A_102 : vector<1024x1xf32>
    %mul3A_103 = vector.broadcast %rsqrt3A : vector<1024x1xf32> to vector<1024x128xf32>
    %mul3A_104 = arith.mulf %sub3A_99, %mul3A_103 : vector<1024x128xf32>
    %mul3A_105 = vector.broadcast %get3A_82 : vector<1x128xf32> to vector<1024x128xf32>
    %mul3A_106 = arith.mulf %mul3A_104, %mul3A_105 : vector<1024x128xf32>
    %add3A_107 = vector.broadcast %get3A_85 : vector<1x128xf32> to vector<1024x128xf32>
    %add3A_108 = arith.addf %mul3A_106, %add3A_107 : vector<1024x128xf32>
    %get3A_109 = arith.constant 0 : index
    %get3A_110 = arith.constant 0 : index
    %get3A_111 = vector.load %arg8[%get3A_109, %get3A_110] : memref<128x128xf32, #tpu.memory_space<vmem>>, vector<128x128xf32>
    %dot_general3A_112 = arith.constant dense<0.000000e+00> : vector<1024x128xf32>
    %dot_general3A_113 = tpu.matmul %max3A_69, %get3A_111, %dot_general3A_112 {dimension_numbers = #tpu.dot_dimension_numbers<[1], [0], [0], [1], [0, 0, 1, 1], [], []>, transpose_lhs_hint = false} : vector<1024x128xf32>, vector<128x128xf32>, vector<1024x128xf32> -> vector<1024x128xf32>
    %get3A_114 = arith.constant 0 : index
    %get3A_115 = arith.constant 0 : index
    %get3A_116 = vector.load %arg9[%get3A_114, %get3A_115] : memref<1x128xf32, #tpu.memory_space<vmem>>, vector<1x128xf32>
    %add3A_117 = vector.broadcast %get3A_116 : vector<1x128xf32> to vector<1024x128xf32>
    %add3A_118 = arith.addf %dot_general3A_113, %add3A_117 : vector<1024x128xf32>
    %get3A_119 = arith.constant 0 : index
    %get3A_120 = arith.constant 0 : index
    %get3A_121 = vector.load %arg10[%get3A_119, %get3A_120] : memref<1x128xf32, #tpu.memory_space<vmem>>, vector<1x128xf32>
    %get3A_122 = arith.constant 0 : index
    %get3A_123 = arith.constant 0 : index
    %get3A_124 = vector.load %arg11[%get3A_122, %get3A_123] : memref<1x128xf32, #tpu.memory_space<vmem>>, vector<1x128xf32>
    %reduce_sum3A_125 = arith.constant dense<0.000000e+00> : vector<1024xf32>
    %reduce_sum3A_126 = vector.multi_reduction <add>, %add3A_118, %reduce_sum3A_125 [1] : vector<1024x128xf32> to vector<1024xf32>
    %broadcast_in_dim3A_127 = vector.shape_cast %reduce_sum3A_126 : vector<1024xf32> to vector<1024x1xf32>
    %div3A_128 = arith.constant 1.280000e+02 : f32
    %div3A_129 = vector.broadcast %div3A_128 : f32 to vector<1024x1xf32>
    %div3A_130 = arith.divf %broadcast_in_dim3A_127, %div3A_129 : vector<1024x1xf32>
    %sub3A_131 = vector.broadcast %div3A_130 : vector<1024x1xf32> to vector<1024x128xf32>
    %sub3A_132 = arith.subf %add3A_118, %sub3A_131 : vector<1024x128xf32>
    %sub3A_133 = vector.broadcast %div3A_130 : vector<1024x1xf32> to vector<1024x128xf32>
    %sub3A_134 = arith.subf %add3A_118, %sub3A_133 : vector<1024x128xf32>
    %mul3A_135 = arith.mulf %sub3A_132, %sub3A_134 : vector<1024x128xf32>
    %reduce_sum3A_136 = arith.constant dense<0.000000e+00> : vector<1024xf32>
    %reduce_sum3A_137 = vector.multi_reduction <add>, %mul3A_135, %reduce_sum3A_136 [1] : vector<1024x128xf32> to vector<1024xf32>
    %broadcast_in_dim3A_138 = vector.shape_cast %reduce_sum3A_137 : vector<1024xf32> to vector<1024x1xf32>
    %div3A_139 = arith.constant 1.280000e+02 : f32
    %div3A_140 = vector.broadcast %div3A_139 : f32 to vector<1024x1xf32>
    %div3A_141 = arith.divf %broadcast_in_dim3A_138, %div3A_140 : vector<1024x1xf32>
    %sub3A_142 = vector.broadcast %div3A_130 : vector<1024x1xf32> to vector<1024x128xf32>
    %sub3A_143 = arith.subf %add3A_118, %sub3A_142 : vector<1024x128xf32>
    %add3A_144 = arith.constant 9.99999974E-6 : f32
    %add3A_145 = vector.broadcast %add3A_144 : f32 to vector<1024x1xf32>
    %add3A_146 = arith.addf %div3A_141, %add3A_145 : vector<1024x1xf32>
    %rsqrt3A_147 = math.rsqrt %add3A_146 : vector<1024x1xf32>
    %mul3A_148 = vector.broadcast %rsqrt3A_147 : vector<1024x1xf32> to vector<1024x128xf32>
    %mul3A_149 = arith.mulf %sub3A_143, %mul3A_148 : vector<1024x128xf32>
    %mul3A_150 = vector.broadcast %get3A_121 : vector<1x128xf32> to vector<1024x128xf32>
    %mul3A_151 = arith.mulf %mul3A_149, %mul3A_150 : vector<1024x128xf32>
    %add3A_152 = vector.broadcast %get3A_124 : vector<1x128xf32> to vector<1024x128xf32>
    %add3A_153 = arith.addf %mul3A_151, %add3A_152 : vector<1024x128xf32>
    %add3A_154 = arith.addf %concatenate3A, %add3A_153 : vector<1024x128xf32>
    %slice3A_155 = vector.extract_strided_slice %add3A_108 {offsets = [0, 0], sizes = [512, 128], strides = [1, 1]} : vector<1024x128xf32> to vector<512x128xf32>
    %swap3A = arith.constant 0 : index
    %swap3A_156 = arith.constant 0 : index
    %swap3A_157 = vector.load %arg12[%swap3A, %swap3A_156] : memref<512x128xf32, #tpu.memory_space<vmem>>, vector<512x128xf32>
    tpu.vector_store %arg12[%swap3A, %swap3A_156], %slice3A_155 {strides = array<i32>} : memref<512x128xf32, #tpu.memory_space<vmem>>, vector<512x128xf32>,
    %slice3A_158 = vector.extract_strided_slice %add3A_108 {offsets = [512, 0], sizes = [512, 128], strides = [1, 1]} : vector<1024x128xf32> to vector<512x128xf32>
    %swap3A_159 = arith.constant 0 : index
    %swap3A_160 = arith.constant 0 : index
    %swap3A_161 = vector.load %arg13[%swap3A_159, %swap3A_160] : memref<512x128xf32, #tpu.memory_space<vmem>>, vector<512x128xf32>
    tpu.vector_store %arg13[%swap3A_159, %swap3A_160], %slice3A_158 {strides = array<i32>} : memref<512x128xf32, #tpu.memory_space<vmem>>, vector<512x128xf32>,
    %slice3A_162 = vector.extract_strided_slice %add3A_154 {offsets = [0, 0], sizes = [512, 128], strides = [1, 1]} : vector<1024x128xf32> to vector<512x128xf32>
    %swap3A_163 = arith.constant 0 : index
    %swap3A_164 = arith.constant 0 : index
    %swap3A_165 = vector.load %arg14[%swap3A_163, %swap3A_164] : memref<512x128xf32, #tpu.memory_space<vmem>>, vector<512x128xf32>
    tpu.vector_store %arg14[%swap3A_163, %swap3A_164], %slice3A_162 {strides = array<i32>} : memref<512x128xf32, #tpu.memory_space<vmem>>, vector<512x128xf32>,
    %slice3A_166 = vector.extract_strided_slice %add3A_154 {offsets = [512, 0], sizes = [512, 128], strides = [1, 1]} : vector<1024x128xf32> to vector<512x128xf32>
    %swap3A_167 = arith.constant 0 : index
    %swap3A_168 = arith.constant 0 : index
    %swap3A_169 = vector.load %arg15[%swap3A_167, %swap3A_168] : memref<512x128xf32, #tpu.memory_space<vmem>>, vector<512x128xf32>
    tpu.vector_store %arg15[%swap3A_167, %swap3A_168], %slice3A_166 {strides = array<i32>} : memref<512x128xf32, #tpu.memory_space<vmem>>, vector<512x128xf32>,
    return
  }
  func.func @transform_0(%arg0: i32) -> (i32, i32) {
    %c0_i32 = arith.constant 0 : i32
    %c0_i32_0 = arith.constant 0 : i32
    return %arg0, %c0_i32 : i32, i32
  }
  func.func @transform_1(%arg0: i32) -> (i32, i32) {
    %c0_i32 = arith.constant 0 : i32
    %c0_i32_0 = arith.constant 0 : i32
    return %arg0, %c0_i32 : i32, i32
  }
  func.func @transform_2(%arg0: i32) -> (i32, i32) {
    %c0_i32 = arith.constant 0 : i32
    %c0_i32_0 = arith.constant 0 : i32
    return %arg0, %c0_i32 : i32, i32
  }
  func.func @transform_3(%arg0: i32) -> (i32, i32) {
    %c0_i32 = arith.constant 0 : i32
    %c0_i32_0 = arith.constant 0 : i32
    return %arg0, %c0_i32 : i32, i32
  }
  func.func @transform_4(%arg0: i32) -> (i32, i32) {
    %c0_i32 = arith.constant 0 : i32
    %c0_i32_0 = arith.constant 0 : i32
    %c0_i32_1 = arith.constant 0 : i32
    return %c0_i32, %c0_i32_0 : i32, i32
  }
  func.func @transform_5(%arg0: i32) -> (i32, i32) {
    %c0_i32 = arith.constant 0 : i32
    %c0_i32_0 = arith.constant 0 : i32
    %c0_i32_1 = arith.constant 0 : i32
    return %c0_i32, %c0_i32_0 : i32, i32
  }
  func.func @transform_6(%arg0: i32) -> (i32, i32) {
    %c0_i32 = arith.constant 0 : i32
    %c0_i32_0 = arith.constant 0 : i32
    %c0_i32_1 = arith.constant 0 : i32
    return %c0_i32, %c0_i32_0 : i32, i32
  }
  func.func @transform_7(%arg0: i32) -> (i32, i32) {
    %c0_i32 = arith.constant 0 : i32
    %c0_i32_0 = arith.constant 0 : i32
    %c0_i32_1 = arith.constant 0 : i32
    return %c0_i32, %c0_i32_0 : i32, i32
  }
  func.func @transform_8(%arg0: i32) -> (i32, i32) {
    %c0_i32 = arith.constant 0 : i32
    %c0_i32_0 = arith.constant 0 : i32
    %c0_i32_1 = arith.constant 0 : i32
    return %c0_i32, %c0_i32_0 : i32, i32
  }
  func.func @transform_9(%arg0: i32) -> (i32, i32) {
    %c0_i32 = arith.constant 0 : i32
    %c0_i32_0 = arith.constant 0 : i32
    %c0_i32_1 = arith.constant 0 : i32
    return %c0_i32, %c0_i32_0 : i32, i32
  }
  func.func @transform_10(%arg0: i32) -> (i32, i32) {
    %c0_i32 = arith.constant 0 : i32
    %c0_i32_0 = arith.constant 0 : i32
    %c0_i32_1 = arith.constant 0 : i32
    return %c0_i32, %c0_i32_0 : i32, i32
  }
  func.func @transform_11(%arg0: i32) -> (i32, i32) {
    %c0_i32 = arith.constant 0 : i32
    %c0_i32_0 = arith.constant 0 : i32
    return %arg0, %c0_i32 : i32, i32
  }
  func.func @transform_12(%arg0: i32) -> (i32, i32) {
    %c0_i32 = arith.constant 0 : i32
    %c0_i32_0 = arith.constant 0 : i32
    return %arg0, %c0_i32 : i32, i32
  }
  func.func @transform_13(%arg0: i32) -> (i32, i32) {
    %c0_i32 = arith.constant 0 : i32
    %c0_i32_0 = arith.constant 0 : i32
    return %arg0, %c0_i32 : i32, i32
  }
  func.func @transform_14(%arg0: i32) -> (i32, i32) {
    %c0_i32 = arith.constant 0 : i32
    %c0_i32_0 = arith.constant 0 : i32
    return %arg0, %c0_i32 : i32, i32
  }
}

module attributes {stable_mosaic.version = 14 : i64} {
  func.func @tc_node_step(%arg0: i32, %arg1: memref<2048x128xf32, #tpu.memory_space<vmem>>, %arg2: memref<2048x128xf32, #tpu.memory_space<vmem>>, %arg3: memref<2048x128xf32, #tpu.memory_space<vmem>>, %arg4: memref<128x128xf32, #tpu.memory_space<vmem>>, %arg5: memref<128x128xf32, #tpu.memory_space<vmem>>, %arg6: memref<1x128xf32, #tpu.memory_space<vmem>>, %arg7: memref<128x128xf32, #tpu.memory_space<vmem>>, %arg8: memref<1x128xf32, #tpu.memory_space<vmem>>, %arg9: memref<1x128xf32, #tpu.memory_space<vmem>>, %arg10: memref<1x128xf32, #tpu.memory_space<vmem>>, %arg11: memref<2048x128xf32, #tpu.memory_space<vmem>>, %arg12: memref<2048x64xf32, #tpu.memory_space<vmem>>) attributes {dimension_semantics = [#tpu.dimension_semantics<arbitrary>], iteration_bounds = array<i64: 5>, scalar_prefetch = 0 : i64, scratch_operands = 0 : i64, tpu.core_type = #tpu.core_type<tc>, window_params = [{transform_indices = @transform_0, window_bounds = array<i64: 2048, 128>}, {transform_indices = @transform_1, window_bounds = array<i64: 2048, 128>}, {transform_indices = @transform_2, window_bounds = array<i64: 2048, 128>}, {pipeline_mode = #tpu.pipeline_mode<synchronous>, transform_indices = @transform_3, window_bounds = array<i64: 128, 128>}, {pipeline_mode = #tpu.pipeline_mode<synchronous>, transform_indices = @transform_4, window_bounds = array<i64: 128, 128>}, {pipeline_mode = #tpu.pipeline_mode<synchronous>, transform_indices = @transform_5, window_bounds = array<i64: 1, 128>}, {pipeline_mode = #tpu.pipeline_mode<synchronous>, transform_indices = @transform_6, window_bounds = array<i64: 128, 128>}, {pipeline_mode = #tpu.pipeline_mode<synchronous>, transform_indices = @transform_7, window_bounds = array<i64: 1, 128>}, {pipeline_mode = #tpu.pipeline_mode<synchronous>, transform_indices = @transform_8, window_bounds = array<i64: 1, 128>}, {pipeline_mode = #tpu.pipeline_mode<synchronous>, transform_indices = @transform_9, window_bounds = array<i64: 1, 128>}, {transform_indices = @transform_10, window_bounds = array<i64: 2048, 128>}, {transform_indices = @transform_11, window_bounds = array<i64: 2048, 64>}]} {
    %get3A = arith.constant 0 : index
    %get3A_0 = arith.constant 0 : index
    %get3A_1 = vector.load %arg3[%get3A, %get3A_0] : memref<2048x128xf32, #tpu.memory_space<vmem>>, vector<2048x128xf32>
    %get3A_2 = arith.constant 0 : index
    %get3A_3 = arith.constant 0 : index
    %get3A_4 = vector.load %arg1[%get3A_2, %get3A_3] : memref<2048x128xf32, #tpu.memory_space<vmem>>, vector<2048x128xf32>
    %get3A_5 = arith.constant 0 : index
    %get3A_6 = arith.constant 0 : index
    %get3A_7 = vector.load %arg2[%get3A_5, %get3A_6] : memref<2048x128xf32, #tpu.memory_space<vmem>>, vector<2048x128xf32>
    %add3A = arith.addf %get3A_4, %get3A_7 : vector<2048x128xf32>
    %get3A_8 = arith.constant 0 : index
    %get3A_9 = arith.constant 0 : index
    %get3A_10 = vector.load %arg4[%get3A_8, %get3A_9] : memref<128x128xf32, #tpu.memory_space<vmem>>, vector<128x128xf32>
    %dot_general3A = arith.constant dense<0.000000e+00> : vector<2048x128xf32>
    %dot_general3A_11 = tpu.matmul %add3A, %get3A_10, %dot_general3A {dimension_numbers = #tpu.dot_dimension_numbers<[1], [0], [0], [1], [0, 0, 1, 1], [], []>, transpose_lhs_hint = false} : vector<2048x128xf32>, vector<128x128xf32>, vector<2048x128xf32> -> vector<2048x128xf32>
    %get3A_12 = arith.constant 0 : index
    %get3A_13 = arith.constant 0 : index
    %get3A_14 = vector.load %arg5[%get3A_12, %get3A_13] : memref<128x128xf32, #tpu.memory_space<vmem>>, vector<128x128xf32>
    %dot_general3A_15 = arith.constant dense<0.000000e+00> : vector<2048x128xf32>
    %dot_general3A_16 = tpu.matmul %get3A_1, %get3A_14, %dot_general3A_15 {dimension_numbers = #tpu.dot_dimension_numbers<[1], [0], [0], [1], [0, 0, 1, 1], [], []>, transpose_lhs_hint = false} : vector<2048x128xf32>, vector<128x128xf32>, vector<2048x128xf32> -> vector<2048x128xf32>
    %add3A_17 = arith.addf %dot_general3A_11, %dot_general3A_16 : vector<2048x128xf32>
    %get3A_18 = arith.constant 0 : index
    %get3A_19 = arith.constant 0 : index
    %get3A_20 = vector.load %arg6[%get3A_18, %get3A_19] : memref<1x128xf32, #tpu.memory_space<vmem>>, vector<1x128xf32>
    %add3A_21 = vector.broadcast %get3A_20 : vector<1x128xf32> to vector<2048x128xf32>
    %add3A_22 = arith.addf %add3A_17, %add3A_21 : vector<2048x128xf32>
    %max3A = arith.constant 0.000000e+00 : f32
    %max3A_23 = vector.broadcast %max3A : f32 to vector<2048x128xf32>
    %max3A_24 = arith.maximumf %add3A_22, %max3A_23 : vector<2048x128xf32>
    %get3A_25 = arith.constant 0 : index
    %get3A_26 = arith.constant 0 : index
    %get3A_27 = vector.load %arg7[%get3A_25, %get3A_26] : memref<128x128xf32, #tpu.memory_space<vmem>>, vector<128x128xf32>
    %dot_general3A_28 = arith.constant dense<0.000000e+00> : vector<2048x128xf32>
    %dot_general3A_29 = tpu.matmul %max3A_24, %get3A_27, %dot_general3A_28 {dimension_numbers = #tpu.dot_dimension_numbers<[1], [0], [0], [1], [0, 0, 1, 1], [], []>, transpose_lhs_hint = false} : vector<2048x128xf32>, vector<128x128xf32>, vector<2048x128xf32> -> vector<2048x128xf32>
    %get3A_30 = arith.constant 0 : index
    %get3A_31 = arith.constant 0 : index
    %get3A_32 = vector.load %arg8[%get3A_30, %get3A_31] : memref<1x128xf32, #tpu.memory_space<vmem>>, vector<1x128xf32>
    %add3A_33 = vector.broadcast %get3A_32 : vector<1x128xf32> to vector<2048x128xf32>
    %add3A_34 = arith.addf %dot_general3A_29, %add3A_33 : vector<2048x128xf32>
    %get3A_35 = arith.constant 0 : index
    %get3A_36 = arith.constant 0 : index
    %get3A_37 = vector.load %arg9[%get3A_35, %get3A_36] : memref<1x128xf32, #tpu.memory_space<vmem>>, vector<1x128xf32>
    %get3A_38 = arith.constant 0 : index
    %get3A_39 = arith.constant 0 : index
    %get3A_40 = vector.load %arg10[%get3A_38, %get3A_39] : memref<1x128xf32, #tpu.memory_space<vmem>>, vector<1x128xf32>
    %reduce_sum3A = arith.constant dense<0.000000e+00> : vector<2048xf32>
    %reduce_sum3A_41 = vector.multi_reduction <add>, %add3A_34, %reduce_sum3A [1] : vector<2048x128xf32> to vector<2048xf32>
    %broadcast_in_dim3A = vector.shape_cast %reduce_sum3A_41 : vector<2048xf32> to vector<2048x1xf32>
    %div3A = arith.constant 1.280000e+02 : f32
    %div3A_42 = vector.broadcast %div3A : f32 to vector<2048x1xf32>
    %div3A_43 = arith.divf %broadcast_in_dim3A, %div3A_42 : vector<2048x1xf32>
    %sub3A = vector.broadcast %div3A_43 : vector<2048x1xf32> to vector<2048x128xf32>
    %sub3A_44 = arith.subf %add3A_34, %sub3A : vector<2048x128xf32>
    %sub3A_45 = vector.broadcast %div3A_43 : vector<2048x1xf32> to vector<2048x128xf32>
    %sub3A_46 = arith.subf %add3A_34, %sub3A_45 : vector<2048x128xf32>
    %mul3A = arith.mulf %sub3A_44, %sub3A_46 : vector<2048x128xf32>
    %reduce_sum3A_47 = arith.constant dense<0.000000e+00> : vector<2048xf32>
    %reduce_sum3A_48 = vector.multi_reduction <add>, %mul3A, %reduce_sum3A_47 [1] : vector<2048x128xf32> to vector<2048xf32>
    %broadcast_in_dim3A_49 = vector.shape_cast %reduce_sum3A_48 : vector<2048xf32> to vector<2048x1xf32>
    %div3A_50 = arith.constant 1.280000e+02 : f32
    %div3A_51 = vector.broadcast %div3A_50 : f32 to vector<2048x1xf32>
    %div3A_52 = arith.divf %broadcast_in_dim3A_49, %div3A_51 : vector<2048x1xf32>
    %sub3A_53 = vector.broadcast %div3A_43 : vector<2048x1xf32> to vector<2048x128xf32>
    %sub3A_54 = arith.subf %add3A_34, %sub3A_53 : vector<2048x128xf32>
    %add3A_55 = arith.constant 9.99999974E-6 : f32
    %add3A_56 = vector.broadcast %add3A_55 : f32 to vector<2048x1xf32>
    %add3A_57 = arith.addf %div3A_52, %add3A_56 : vector<2048x1xf32>
    %rsqrt3A = math.rsqrt %add3A_57 : vector<2048x1xf32>
    %mul3A_58 = vector.broadcast %rsqrt3A : vector<2048x1xf32> to vector<2048x128xf32>
    %mul3A_59 = arith.mulf %sub3A_54, %mul3A_58 : vector<2048x128xf32>
    %mul3A_60 = vector.broadcast %get3A_37 : vector<1x128xf32> to vector<2048x128xf32>
    %mul3A_61 = arith.mulf %mul3A_59, %mul3A_60 : vector<2048x128xf32>
    %add3A_62 = vector.broadcast %get3A_40 : vector<1x128xf32> to vector<2048x128xf32>
    %add3A_63 = arith.addf %mul3A_61, %add3A_62 : vector<2048x128xf32>
    %add3A_64 = arith.addf %get3A_1, %add3A_63 : vector<2048x128xf32>
    %swap3A = arith.constant 0 : index
    %swap3A_65 = arith.constant 0 : index
    %swap3A_66 = vector.load %arg11[%swap3A, %swap3A_65] : memref<2048x128xf32, #tpu.memory_space<vmem>>, vector<2048x128xf32>
    tpu.vector_store %arg11[%swap3A, %swap3A_65], %add3A_64 {strides = array<i32>} : memref<2048x128xf32, #tpu.memory_space<vmem>>, vector<2048x128xf32>,
    %bitcast_convert_type3A = tpu.bitcast %add3A_64 : vector<2048x128xf32> -> vector<2048x128xi32>
    %add3A_67 = arith.constant 32767 : i32
    %add3A_68 = vector.broadcast %add3A_67 : i32 to vector<2048x128xi32>
    %add3A_69 = arith.addi %bitcast_convert_type3A, %add3A_68 : vector<2048x128xi32>
    %shift_right_logical3A = arith.constant 16 : i32
    %shift_right_logical3A_70 = vector.broadcast %shift_right_logical3A : i32 to vector<2048x128xi32>
    %shift_right_logical3A_71 = arith.shrui %bitcast_convert_type3A, %shift_right_logical3A_70 : vector<2048x128xi32>
    %and3A = arith.constant 1 : i32
    %and3A_72 = vector.broadcast %and3A : i32 to vector<2048x128xi32>
    %and3A_73 = arith.andi %shift_right_logical3A_71, %and3A_72 : vector<2048x128xi32>
    %add3A_74 = arith.addi %add3A_69, %and3A_73 : vector<2048x128xi32>
    %slice3A = vector.extract_strided_slice %add3A_74 {offsets = [0, 0], sizes = [2048, 64], strides = [1, 1]} : vector<2048x128xi32> to vector<2048x64xi32>
    %shift_right_logical3A_75 = arith.constant 16 : i32
    %shift_right_logical3A_76 = vector.broadcast %shift_right_logical3A_75 : i32 to vector<2048x64xi32>
    %shift_right_logical3A_77 = arith.shrui %slice3A, %shift_right_logical3A_76 : vector<2048x64xi32>
    %slice3A_78 = vector.extract_strided_slice %add3A_74 {offsets = [0, 64], sizes = [2048, 64], strides = [1, 1]} : vector<2048x128xi32> to vector<2048x64xi32>
    %and3A_79 = arith.constant -65536 : i32
    %and3A_80 = vector.broadcast %and3A_79 : i32 to vector<2048x64xi32>
    %and3A_81 = arith.andi %slice3A_78, %and3A_80 : vector<2048x64xi32>
    %or3A = arith.ori %and3A_81, %shift_right_logical3A_77 : vector<2048x64xi32>
    %bitcast_convert_type3A_82 = tpu.bitcast %or3A : vector<2048x64xi32> -> vector<2048x64xf32>
    %swap3A_83 = arith.constant 0 : index
    %swap3A_84 = arith.constant 0 : index
    %swap3A_85 = vector.load %arg12[%swap3A_83, %swap3A_84] : memref<2048x64xf32, #tpu.memory_space<vmem>>, vector<2048x64xf32>
    tpu.vector_store %arg12[%swap3A_83, %swap3A_84], %bitcast_convert_type3A_82 {strides = array<i32>} : memref<2048x64xf32, #tpu.memory_space<vmem>>, vector<2048x64xf32>,
    return
  }
  func.func @transform_0(%arg0: i32) -> (i32, i32) {
    %c0_i32 = arith.constant 0 : i32
    %c0_i32_0 = arith.constant 0 : i32
    return %arg0, %c0_i32 : i32, i32
  }
  func.func @transform_1(%arg0: i32) -> (i32, i32) {
    %c0_i32 = arith.constant 0 : i32
    %c0_i32_0 = arith.constant 0 : i32
    return %arg0, %c0_i32 : i32, i32
  }
  func.func @transform_2(%arg0: i32) -> (i32, i32) {
    %c0_i32 = arith.constant 0 : i32
    %c0_i32_0 = arith.constant 0 : i32
    return %arg0, %c0_i32 : i32, i32
  }
  func.func @transform_3(%arg0: i32) -> (i32, i32) {
    %c0_i32 = arith.constant 0 : i32
    %c0_i32_0 = arith.constant 0 : i32
    %c0_i32_1 = arith.constant 0 : i32
    return %c0_i32, %c0_i32_0 : i32, i32
  }
  func.func @transform_4(%arg0: i32) -> (i32, i32) {
    %c0_i32 = arith.constant 0 : i32
    %c0_i32_0 = arith.constant 0 : i32
    %c0_i32_1 = arith.constant 0 : i32
    return %c0_i32, %c0_i32_0 : i32, i32
  }
  func.func @transform_5(%arg0: i32) -> (i32, i32) {
    %c0_i32 = arith.constant 0 : i32
    %c0_i32_0 = arith.constant 0 : i32
    %c0_i32_1 = arith.constant 0 : i32
    return %c0_i32, %c0_i32_0 : i32, i32
  }
  func.func @transform_6(%arg0: i32) -> (i32, i32) {
    %c0_i32 = arith.constant 0 : i32
    %c0_i32_0 = arith.constant 0 : i32
    %c0_i32_1 = arith.constant 0 : i32
    return %c0_i32, %c0_i32_0 : i32, i32
  }
  func.func @transform_7(%arg0: i32) -> (i32, i32) {
    %c0_i32 = arith.constant 0 : i32
    %c0_i32_0 = arith.constant 0 : i32
    %c0_i32_1 = arith.constant 0 : i32
    return %c0_i32, %c0_i32_0 : i32, i32
  }
  func.func @transform_8(%arg0: i32) -> (i32, i32) {
    %c0_i32 = arith.constant 0 : i32
    %c0_i32_0 = arith.constant 0 : i32
    %c0_i32_1 = arith.constant 0 : i32
    return %c0_i32, %c0_i32_0 : i32, i32
  }
  func.func @transform_9(%arg0: i32) -> (i32, i32) {
    %c0_i32 = arith.constant 0 : i32
    %c0_i32_0 = arith.constant 0 : i32
    %c0_i32_1 = arith.constant 0 : i32
    return %c0_i32, %c0_i32_0 : i32, i32
  }
  func.func @transform_10(%arg0: i32) -> (i32, i32) {
    %c0_i32 = arith.constant 0 : i32
    %c0_i32_0 = arith.constant 0 : i32
    return %arg0, %c0_i32 : i32, i32
  }
  func.func @transform_11(%arg0: i32) -> (i32, i32) {
    %c0_i32 = arith.constant 0 : i32
    %c0_i32_0 = arith.constant 0 : i32
    return %arg0, %c0_i32 : i32, i32
  }
}

module attributes {stable_mosaic.version = 14 : i64} {
  func.func @tc_decode(%arg0: i32, %arg1: memref<2048x128xf32, #tpu.memory_space<vmem>>, %arg2: memref<128x128xf32, #tpu.memory_space<vmem>>, %arg3: memref<1x128xf32, #tpu.memory_space<vmem>>, %arg4: memref<128x128xf32, #tpu.memory_space<vmem>>, %arg5: memref<1x128xf32, #tpu.memory_space<vmem>>, %arg6: memref<2048x128xf32, #tpu.memory_space<vmem>>) attributes {dimension_semantics = [#tpu.dimension_semantics<arbitrary>], iteration_bounds = array<i64: 5>, scalar_prefetch = 0 : i64, scratch_operands = 0 : i64, tpu.core_type = #tpu.core_type<tc>, window_params = [{transform_indices = @transform_0, window_bounds = array<i64: 2048, 128>}, {pipeline_mode = #tpu.pipeline_mode<synchronous>, transform_indices = @transform_1, window_bounds = array<i64: 128, 128>}, {pipeline_mode = #tpu.pipeline_mode<synchronous>, transform_indices = @transform_2, window_bounds = array<i64: 1, 128>}, {pipeline_mode = #tpu.pipeline_mode<synchronous>, transform_indices = @transform_3, window_bounds = array<i64: 128, 128>}, {pipeline_mode = #tpu.pipeline_mode<synchronous>, transform_indices = @transform_4, window_bounds = array<i64: 1, 128>}, {transform_indices = @transform_5, window_bounds = array<i64: 2048, 128>}]} {
    %get3A = arith.constant 0 : index
    %get3A_0 = arith.constant 0 : index
    %get3A_1 = vector.load %arg1[%get3A, %get3A_0] : memref<2048x128xf32, #tpu.memory_space<vmem>>, vector<2048x128xf32>
    %get3A_2 = arith.constant 0 : index
    %get3A_3 = arith.constant 0 : index
    %get3A_4 = vector.load %arg2[%get3A_2, %get3A_3] : memref<128x128xf32, #tpu.memory_space<vmem>>, vector<128x128xf32>
    %dot_general3A = arith.constant dense<0.000000e+00> : vector<2048x128xf32>
    %dot_general3A_5 = tpu.matmul %get3A_1, %get3A_4, %dot_general3A {dimension_numbers = #tpu.dot_dimension_numbers<[1], [0], [0], [1], [0, 0, 1, 1], [], []>, transpose_lhs_hint = false} : vector<2048x128xf32>, vector<128x128xf32>, vector<2048x128xf32> -> vector<2048x128xf32>
    %get3A_6 = arith.constant 0 : index
    %get3A_7 = arith.constant 0 : index
    %get3A_8 = vector.load %arg3[%get3A_6, %get3A_7] : memref<1x128xf32, #tpu.memory_space<vmem>>, vector<1x128xf32>
    %add3A = vector.broadcast %get3A_8 : vector<1x128xf32> to vector<2048x128xf32>
    %add3A_9 = arith.addf %dot_general3A_5, %add3A : vector<2048x128xf32>
    %max3A = arith.constant 0.000000e+00 : f32
    %max3A_10 = vector.broadcast %max3A : f32 to vector<2048x128xf32>
    %max3A_11 = arith.maximumf %add3A_9, %max3A_10 : vector<2048x128xf32>
    %get3A_12 = arith.constant 0 : index
    %get3A_13 = arith.constant 0 : index
    %get3A_14 = vector.load %arg4[%get3A_12, %get3A_13] : memref<128x128xf32, #tpu.memory_space<vmem>>, vector<128x128xf32>
    %dot_general3A_15 = arith.constant dense<0.000000e+00> : vector<2048x128xf32>
    %dot_general3A_16 = tpu.matmul %max3A_11, %get3A_14, %dot_general3A_15 {dimension_numbers = #tpu.dot_dimension_numbers<[1], [0], [0], [1], [0, 0, 1, 1], [], []>, transpose_lhs_hint = false} : vector<2048x128xf32>, vector<128x128xf32>, vector<2048x128xf32> -> vector<2048x128xf32>
    %get3A_17 = arith.constant 0 : index
    %get3A_18 = arith.constant 0 : index
    %get3A_19 = vector.load %arg5[%get3A_17, %get3A_18] : memref<1x128xf32, #tpu.memory_space<vmem>>, vector<1x128xf32>
    %add3A_20 = vector.broadcast %get3A_19 : vector<1x128xf32> to vector<2048x128xf32>
    %add3A_21 = arith.addf %dot_general3A_16, %add3A_20 : vector<2048x128xf32>
    %swap3A = arith.constant 0 : index
    %swap3A_22 = arith.constant 0 : index
    %swap3A_23 = vector.load %arg6[%swap3A, %swap3A_22] : memref<2048x128xf32, #tpu.memory_space<vmem>>, vector<2048x128xf32>
    tpu.vector_store %arg6[%swap3A, %swap3A_22], %add3A_21 {strides = array<i32>} : memref<2048x128xf32, #tpu.memory_space<vmem>>, vector<2048x128xf32>,
    return
  }
  func.func @transform_0(%arg0: i32) -> (i32, i32) {
    %c0_i32 = arith.constant 0 : i32
    %c0_i32_0 = arith.constant 0 : i32
    return %arg0, %c0_i32 : i32, i32
  }
  func.func @transform_1(%arg0: i32) -> (i32, i32) {
    %c0_i32 = arith.constant 0 : i32
    %c0_i32_0 = arith.constant 0 : i32
    %c0_i32_1 = arith.constant 0 : i32
    return %c0_i32, %c0_i32_0 : i32, i32
  }
  func.func @transform_2(%arg0: i32) -> (i32, i32) {
    %c0_i32 = arith.constant 0 : i32
    %c0_i32_0 = arith.constant 0 : i32
    %c0_i32_1 = arith.constant 0 : i32
    return %c0_i32, %c0_i32_0 : i32, i32
  }
  func.func @transform_3(%arg0: i32) -> (i32, i32) {
    %c0_i32 = arith.constant 0 : i32
    %c0_i32_0 = arith.constant 0 : i32
    %c0_i32_1 = arith.constant 0 : i32
    return %c0_i32, %c0_i32_0 : i32, i32
  }
  func.func @transform_4(%arg0: i32) -> (i32, i32) {
    %c0_i32 = arith.constant 0 : i32
    %c0_i32_0 = arith.constant 0 : i32
    %c0_i32_1 = arith.constant 0 : i32
    return %c0_i32, %c0_i32_0 : i32, i32
  }
  func.func @transform_5(%arg0: i32) -> (i32, i32) {
    %c0_i32 = arith.constant 0 : i32
    %c0_i32_0 = arith.constant 0 : i32
    return %arg0, %c0_i32 : i32, i32
  }
}

</mosaic_0001>

<sc_bundles>
// kernel: sc_gather2_16.3.cloned.1.call-start
scs
__scs_entry_jumppad:
0x0: {  	(pc) =	sbr.rel $0x88, $3  }
0x1: {  	(tag) =	ssettag $0x0;
	lr =	simm.s32 $0x1  }
0x2: {  	[smem:$0x3F60] =	sst lr;
	_ =	strace $0xD0000000  }
0x3: {  	_ = 	snop  }
0x4: {  	_ = 	snop  }
0x5: {  	_ = 	snop  }
0x6: {  	_ = 	snop  }
0x7: {  	_ = 	snop  }
__scs_overlays_trampoline_lowered:
0x8: {  	[smem:$0x3F6F] =	sst s0  }
0x9: {  	[smem:$0x3F70] =	sst s1  }
0xa: {  	[smem:$0x3F71] =	sst s2  }
0xb: {  	[smem:$0x3F72] =	sst s3  }
0xc: {  	[smem:$0x3F73] =	sst s4  }
0xd: {  	[smem:$0x3F74] =	sst s5  }
0xe: {  	[smem:$0x3F75] =	sst s6  }
0xf: {  	[smem:$0x3F76] =	sst s7  }
0x10: {  	[smem:$0x3F77] =	sst s8  }
0x11: {  	[smem:$0x3F78] =	sst s9;
	s0 =	simm.s32 @!p0 $0x0  }
0x12: {  	s1 =	sld [smem:$0x3F5E];
	s0 =	simm.s32 @p0 $0x1  }
0x13: {  	[smem:$0x3F79] =	sst s0;
	s0 =	simm.s32 @!p1 $0x0  }
0x14: {  	s2 =	sld [smem:$0x3F5D];
	s0 =	simm.s32 @p1 $0x1  }
0x15: {  	[smem:$0x3F7A] =	sst s0;
	s0 =	simm.s32 @!p2 $0x0  }
0x16: {  	s3 =	sld [smem:$0x3FDB];
	s0 =	simm.s32 @p2 $0x1  }
0x17: {  	s4 =	simm.s32 $0x1BF5;
	[smem:$0x3F7C] =	sst s0  }
0x18: {  	s0 =	sld [smem:$0x3F5F];
	_ =	swait.ge [sflag:s4], $0x0  }
0x19: {  	s7 =	sld [smem:$0x3F60]  }
0x1a: {  	s8 =	sadd.s32 $0xFFFFE003, lr  }
0x1b: {  	s9 =	sadd.s32 $0xFFFFFEF7, lr;
	s5 =	simm.s32 $0xFFFFFFFF;
	p2 =	slt.u32 s8, $0xFFFFF086  }
0x1c: {  	p1 =	slt.u32 s9, $0xF7A;
	s5 =	simm.s32 @!p2 $0x0  }
0x1d: {  	s5 =	simm.s32 @p1 $0x1;
	p0 =	seq.s32 s7, s2  }
0x1e: {  	s7 =	smul.u32 @!p0 $0xF7A, s2;
	p2 =	seq.s32 @!p0 s5, $0x0  }
0x1f: {  	s9 =	smul.u32 $0xF7A, s1;
	s8 =	simm.s32 @!p0 $0x1BF5;
	p2 =	por !p2, p0  }
0x20: {  	[sflag:s8] =	ssyncset.s32 @!p0 $0xFFFFF086;
	s6 =	sadd.s32 @!p0 s3, s7;
	s7 =	simm.s32 @!p0 $0x108  }
0x21: {  	s3 =	sadd.s32 s3, s9;
	s6 =	sadd.s32 @!p0 $0x88, s6;
	s7 =	simm.s32 @p2 $0x1082  }
0x22: {  	[simem:s7], [sflag:s8] =	dma.local @!p0 [hbm:s6], $0xF7A  }
0x23: {  	s9 =	sor.u32 $0xD0000000, s2;
	s6 =	simm.s32 $0x108;
	_ =	swait.ge @!p0 [sflag:s8], $0x0  }
0x24: {  	s3 =	sadd.s32 $0x88, s3;
	s6 =	simm.s32 @!p1 $0x1082;
	[sflag:s4] =	ssyncset.s32 $0xFFFFF086  }
0x25: {  	[simem:s6], [sflag:s4] =	dma.local [hbm:s3], $0xF7A  }
0x26: {  	[smem:$0x3F60] =	sst s1;
	(tag) =	ssettag s2;
	_ =	strace s9  }
0x27: {  	s1 =	sld [smem:$0x3F70]  }
0x28: {  	s2 =	sld [smem:$0x3F71]  }
0x29: {  	s4 =	sld [smem:$0x3F73]  }
0x2a: {  	p0 =	seq.s32 s5, $0x0;
	s5 =	sld [smem:$0x3F74]  }
0x2b: {  	s6 =	sld [smem:$0x3F75]  }
0x2c: {  	s7 =	sld [smem:$0x3F76]  }
0x2d: {  	s3 =	simm.s32 $0x108;
	s8 =	sld [smem:$0x3F77]  }
0x2e: {  	s3 =	simm.s32 @!p0 $0x1082;
	s9 =	sld [smem:$0x3F78]  }
0x2f: {  	lr =	sadd.s32 s0, s3;
	s0 =	sld [smem:$0x3F6F]  }
0x30: {  	s3 =	sld [smem:$0x3F72]  }
0x31: {  	[smem:$0x3F7B] =	sst s10  }
0x32: {  	s10 =	sld [smem:$0x3F79];
	_ =	sdelay $0x3  }
0x33: {  	p0 =	seq.s32 s10, $0x1;
	s10 =	sld [smem:$0x3F7B];
	_ =	sdelay $0x3  }
0x34: {  	[smem:$0x3F7B] =	sst s10  }
0x35: {  	s10 =	sld [smem:$0x3F7A];
	_ =	sdelay $0x3  }
0x36: {  	p1 =	seq.s32 s10, $0x1;
	s10 =	sld [smem:$0x3F7B];
	_ =	sdelay $0x3  }
0x37: {  	[smem:$0x3F7B] =	sst s10  }
0x38: {  	s10 =	sld [smem:$0x3F7C]  }
0x39: {  	_ = 	snop;
	(pc) =	sbr.ind lr, $3  }
0x3a: {  	_ = 	snop  }
0x3b: {  	_ = 	snop  }
0x3c: {  	p2 =	seq.s32 s10, $0x1;
	s10 =	sld [smem:$0x3F7B]  }
0x3d: {  	_ =	shalt  }
0x3e: {  	_ =	shalt  }
0x3f: {  	_ =	shalt  }
0x40: {  	_ =	shalt  }
0x41: {  	_ =	shalt  }
0x42: {  	_ =	shalt  }
0x43: {  	_ =	shalt  }
0x44: {  	_ =	shalt  }
0x45: {  	_ =	shalt  }
0x46: {  	_ =	shalt  }
0x47: {  	_ =	shalt  }
0x48: {  	_ =	shalt  }
0x49: {  	_ =	shalt  }
0x4a: {  	_ =	shalt  }
0x4b: {  	_ =	shalt  }
0x4c: {  	_ =	shalt  }
0x4d: {  	_ =	shalt  }
0x4e: {  	_ =	shalt  }
0x4f: {  	_ =	shalt  }
0x50: {  	_ =	shalt  }
0x51: {  	_ =	shalt  }
0x52: {  	_ =	shalt  }
0x53: {  	_ =	shalt  }
0x54: {  	_ =	shalt  }
0x55: {  	_ =	shalt  }
0x56: {  	_ =	shalt  }
0x57: {  	_ =	shalt  }
0x58: {  	_ =	shalt  }
0x59: {  	_ =	shalt  }
0x5a: {  	_ =	shalt  }
0x5b: {  	_ =	shalt  }
0x5c: {  	_ =	shalt  }
0x5d: {  	_ =	shalt  }
0x5e: {  	_ =	shalt  }
0x5f: {  	_ =	shalt  }
0x60: {  	_ =	shalt  }
0x61: {  	_ =	shalt  }
0x62: {  	_ =	shalt  }
0x63: {  	_ =	shalt  }
0x64: {  	_ =	shalt  }
0x65: {  	_ =	shalt  }
0x66: {  	_ =	shalt  }
0x67: {  	_ =	shalt  }
0x68: {  	_ =	shalt  }
0x69: {  	_ =	shalt  }
0x6a: {  	_ =	shalt  }
0x6b: {  	_ =	shalt  }
0x6c: {  	_ =	shalt  }
0x6d: {  	_ =	shalt  }
0x6e: {  	_ =	shalt  }
0x6f: {  	_ =	shalt  }
0x70: {  	_ =	shalt  }
0x71: {  	_ =	shalt  }
0x72: {  	_ =	shalt  }
0x73: {  	_ =	shalt  }
0x74: {  	_ =	shalt  }
0x75: {  	_ =	shalt  }
0x76: {  	_ =	shalt  }
0x77: {  	_ =	shalt  }
0x78: {  	_ =	shalt  }
0x79: {  	_ =	shalt  }
0x7a: {  	_ =	shalt  }
0x7b: {  	_ =	shalt  }
0x7c: {  	_ =	shalt  }
0x7d: {  	_ =	shalt  }
0x7e: {  	_ =	shalt  }
0x7f: {  	_ =	shalt  }
0x80: {  	_ =	shalt  }
0x81: {  	_ =	shalt  }
0x82: {  	_ =	shalt  }
0x83: {  	_ =	shalt  }
0x84: {  	_ =	shalt  }
0x85: {  	_ =	shalt  }
0x86: {  	_ =	shalt  }
0x87: {  	_ =	shalt  }
.Lfunc_end0:
.L_simem_size_0:
called_computation_lowered:
.L_overlay_start_0:
0x88: {  	s2 =	sld [smem:$0x3FD9]  }
0x89: {  	s3 =	sld [smem:$0x3FFE];
	_ =	sdelay $0x1  }
0x8a: {  	s1 =	srdreg.scid  }
0x8b: {  	s0 =	sand.u32 $0x1, s1  }
0x8c: {  	s16 =	sshll.u32 s0, $0xA;
	s2 =	sadd.s32 s3, s2  }
0x8d: {  	s2 =	sadd.s32 s2, s16  }
0x8e: {  	[smem:$0x3F87] =	sst s2  }
0x8f: {  	_ = 	snop  }
0x90: {  	(tm) =	ssettm $0x1  }
0x91: {  	s17 =	sld [smem:$0x3FFB];
	_ =	sdelay $0x3  }
0x92: {  	_ =	strace s17  }
0x93: {  	s2 =	sld [smem:$0x3FFC];
	_ =	sdelay $0x3  }
0x94: {  	_ =	strace s2  }
0x95: {  	s2 =	sld [smem:$0x3FFD];
	_ =	sdelay $0x3  }
0x96: {  	_ =	strace s2  }
0x97: {  	_ =	strace $0x8FFFFFFF  }
0x98: {  	s18 =	sld [smem:$0x3FDB];
	_ =	sdelay $0x1  }
0x99: {  	s19 =	simm.s32 $_scs_section_size  }
0x9a: {  	s4 =	simm.s32 $_size__tile_overlayer_lowered;
	s5 =	simm.s32 $_tile_overlayer_lowered  }
0x9b: {  	s22 =	simm.s32 $0x1BFF;
	s21 =	sshll.u32 s5, $0x1;
	s2 =	sadd.s32 s19, s18  }
0x9c: {  	s6 =	simm.s32 $0x0;
	s20 =	sshll.u32 s4, $0x1;
	s4 =	sadd.s32 s21, s2  }
0x9d: {  	[timem:s6], [sflag:s22] =	dma.local [hbm:s4], s20  }
0x9e: {  	_ =	swait.ge [sflag:s22], s20  }
0x9f: {  	s3 =	ssub.s32 $0x0, s20;
	[sflag:s22] =	ssyncset.done $0x0  }
0xa0: {  	[sflag:s22] =	ssyncadd.s32 s3;
	_ =	sdelay $0x1  }
0xa1: {  	s23 =	simm.s32 $0x1B8B  }
0xa2: {  	_ =	swait.ge [sflag:s23], $0x1  }
0xa3: {  	[sflag:s23] =	ssyncset.done $0x0  }
0xa4: {  	s25 =	simm.s32 $0x1B8E;
	s24 =	sld [smem:$0x3FFE];
	[sflag:s23] =	ssyncadd.s32 $0xFFFFFFFF  }
0xa5: {  	s26 =	simm.s32 $execute0_lowered;
	[smem:$0x3FD2] =	sst s25  }
0xa6: {  	s4 =	sshll.u32 s26, $0x1;
	_ =	strace $0x80000046;
	[dreg:$0x1] =	wrdreg $0xFFFFFFFF  }
0xa7: {  	s28 =	simm.s32 $_size_execute0_lowered;
	s2 =	sadd.s32 s2, s4;
	[dreg:$0x0] =	wrdreg $0x0  }
0xa8: {  	s4 =	sshll.u32 s28, $0x1;
	[dreg:$0x2] =	wrdreg s2  }
0xa9: {  	[dreg:$0x3] =	wrdreg s4  }
0xaa: {  	[dreg:$0x4] =	wrdreg $0xC0  }
0xab: {  	_ =	task [dreg:s6], $0x5FFFF  }
0xac: {  	[dreg:$0x1] =	wrdreg $0xFFFFFFFF  }
0xad: {  	[dreg:$0x0] =	wrdreg $0x60  }
0xae: {  	[dreg:$0x2] =	wrdreg s24  }
0xaf: {  	[dreg:$0x3] =	wrdreg $0x9  }
0xb0: {  	_ =	task.clear_ibuf [dreg:s6], $0x4FFFF;
	_ =	strace $0x90000046  }
0xb1: {  	s29 =	simm.s32 $0x9;
	_ =	strace $0x80000048  }
0xb2: {  	_ =	swait.ge [sflag:s29], $0x1  }
0xb3: {  	[sflag:s29] =	ssyncadd.s32 $0xFFFFFFFF  }
0xb4: {  	_ =	strace $0x90000048  }
0xb5: {  	_ =	sfence  }
0xb6: {  	s30 =	sld [smem:$0x0];
	_ =	sdelay $0x2  }
0xb7: {  	s31 =	sshll.u32 s1, $0xD;
	s1 =	sshrl.u32 s1, $0x2  }
0xb8: {  	s3 =	sand.u32 $0x4000, s31;
	s1 =	sadd.s32 s1, s30  }
0xb9: {  	s0 =	sor.u32 s3, s0;
	s1 =	sshll.u32 s1, $0x11  }
0xba: {  	s0 =	sor.u32 s1, s0  }
0xbb: {  	s0 =	sadd.s32 $0x8F2B, s0  }
0xbc: {  	[sflag:s0] =	ssyncadd.remote.s32 $0x1  }
0xbd: {  	_ =	sfence.sel $0xFFFF  }
0xbe: {  	[dreg:$0x0] =	wrdreg $0xFFFFFFFF;
	(pc) =	sbr.abs _section_cstart, $3  }
0xbf: {  	[dreg:$0x1] =	wrdreg $0xFFFFFFFF  }
0xc0: {  	_ =	task.clear_ibuf [dreg:s6], $0x2FFFF;
	_ =	strace $0x9FFFFFFF  }
0xc1: {  	(tm) =	ssettm $0x7FFFFFFF  }
tec
execute0_lowered:
.L_overlay_start_1:
0x0: {  	(tag) =	ssettag $0x1  }
0x1: {  	s0 =	rddreg [dreg:$0x0]  }
0x2: {  	s1 =	simm.s32 $0x0;
	s2 =	srdreg.scid;
	s11 =	stileid.u32  }
0x3: {  	s28 =	simm.s32 $0x5800;
	s29 =	simm.s32 $0x3;
	s30 =	simm.s32 $0x2880  }
0x4: {  	s31 =	simm.s32 $0x6800;
	[smem:$0x7FF] =	sst s1;
	s3 =	sadd.s32 $0x22600, s0  }
0x5: {  	s5 =	sadd.s32 $0x18600, s0;
	s2 =	sand.u32 $0x1, s2;
	s8 =	smul.u32 $0x2800, s11  }
0x6: {  	s6 =	sadd.s32 $0xE600, s0;
	s10 =	sadd.s32 $0xC7600, s0;
	s16 =	smul.u32 $0x500, s11  }
0x7: {  	s4 =	sadd.s32 $0x27600, s0;
	s17 =	smul.u32 $0x28000, s11;
	s7 =	ssub.s32 $0x2, s2  }
0x8: {  	_ =	strace $0x80000047;
	p0 =	seq.s32 s2, $0x1;
	s15 =	sshrl.u32 s7, $0x1  }
0x9: {  	s8 =	sadd.s32 $0x28000, s8;
	s12 =	sadd.s32 s5, s16;
	s19 =	sshrl.u32 s17, $0x3  }
0xa: {  	s0 =	ssub.s32 s7, s15;
	s9 =	sshrl.u32 s8, $0x3;
	[dreg:$0x2] =	wrdreg s12  }
0xb: {  	s7 =	sadd.s32 s6, s16;
	s2 =	sadd.s32 s10, s19;
	s20 =	sadd.s32 s4, s19  }
0xc: {  	s22 =	sshll.u32 s8, $0x1;
	s15 =	smul.u32 $0x5000, s11;
	s8 =	simm.s32 $0x2900  }
0xd: {  	s11 =	simm.s32 $0x8;
	s12 =	simm.s32 $0x0;
	[dreg:$0x3] =	wrdreg s7  }
0xe: {  	s5 =	sadd.s32 s5, s9;
	s18 =	sadd.s32 s6, s9;
	[dreg:$0x6] =	wrdreg s2  }
0xf: {  	s9 =	smax.u32 s0, $0x1;
	[dreg:$0x7] =	wrdreg s20;
	s0 =	sor.u32 $0x100, s19  }
0x10: {  	s23 =	sadd.s32 s10, s22;
	s24 =	sor.u32 $0x100, s22;
	s2 =	simm.s32 $0x5  }
0x11: {  	s6 =	simm.s32 $0x4;
	s7 =	simm.s32 $0x7;
	[dreg:$0x4] =	wrdreg s5  }
0x12: {  	[dreg:$0x5] =	wrdreg s18;
	s21 =	sadd.s32 s10, s0;
	s0 =	sadd.s32 s4, s0  }
0x13: {  	[dreg:$0xa] =	wrdreg s23;
	s25 =	sadd.s32 s10, s24;
	s26 =	sadd.s32 s4, s24  }
0x14: {  	s19 =	sadd.s32 s15, s4;
	s20 =	sadd.s32 s15, s10;
	[dreg:$0x8] =	wrdreg s21  }
.Ltmp0:
0x15: {  	s23 =	simm.s32 $0x80;
	[dreg:$0x9] =	wrdreg s0;
	(pc) =	sbr.rel .LBB2_1-.Ltmp0, $4  }
0x16: {  	s24 =	simm.s32 $0x5000;
	s5 =	simm.s32 $0x100;
	[dreg:$0xc] =	wrdreg s25  }
0x17: {  	s10 =	simm.s32 $0x6;
	s0 =	sadd.s32 s4, s22;
	[dreg:$0xd] =	wrdreg s26  }
0x18: {  	s21 =	simm.s32 $0x9;
	s22 =	simm.s32 $0x2800;
	s25 =	simm.s32 $0x6000  }
0x19: {  	s26 =	simm.s32 $0x1;
	[dreg:$0xb] =	wrdreg s0;
	s0 =	simm.s32 $0x2  }
.LBB2_9:
0x1a: {  	s13 =	sadd.s32 s13, s15  }
0x1b: {  	s13 =	sadd.s32 $0x300, s13  }
.LBB2_10:
0x1c: {  	_ =	swait.ge [sflag:s6], $0x800  }
0x1d: {  	[sflag:s6] =	ssyncset.done $0x0  }
0x1e: {  	s13 =	sadd.s32 s4, s13;
	s12 =	sadd.s32 $0x1, s12;
	[sflag:s6] =	ssyncadd.s32 $0xFFFFF800  }
0x1f: {  	[hbm4b:s13+s1] =	stream.linear.scatter [tilespmem:s31], [sflag:$0x8], $0x800, $0x38;
	[tilespmem:$0x7000] =	vst v63  }
0x20: {  	p1 =	sne.s32 s12, s9;
	_ =	swait.ge [sflag:s10], $0x800  }
.Ltmp1:
0x21: {  	[sflag:s10] =	ssyncset.done $0x0;
	(pc) =	sbr.rel @!p1 .LBB2_11-.Ltmp1, $4  }
0x22: {  	[sflag:s10] =	ssyncadd.s32 $0xFFFFF800  }
0x23: {  	_ =	swait.ge [sflag:s11], $0x800  }
0x24: {  	[sflag:s11] =	ssyncset.done $0x0  }
0x25: {  	[sflag:s11] =	ssyncadd.s32 $0xFFFFF800  }
.LBB2_1:
.Ltmp2:
0x26: {  	(pc) =	sbr.rel @!p0 .LBB2_2-.Ltmp2, $2  }
0x27: {  	_ =	sdelay $0x2  }
0x28: {  	s13 =	simm.s32 $0x0  }
0x29: {  	s14 =	rddreg [dreg:$0x4]  }
0x2a: {  	[tilespmem:s13], [sflag:$0x9] =	stream.linear.gather [hbm4b:s14+s13], $0x2800, $0x38;
	[tilespmem:$0x7000] =	vst v63  }
0x2b: {  	_ =	swait.ge [sflag:s21], $0x2800  }
0x2c: {  	[sflag:s21] =	ssyncset.done $0x0  }
0x2d: {  	s17 =	rddreg [dreg:$0x5];
	[sflag:s21] =	ssyncadd.s32 $0xFFFFD800  }
0x2e: {  	[tilespmem:s22], [sflag:$0x9] =	stream.linear.gather [hbm4b:s17+s13], $0x2800, $0x38;
	[tilespmem:$0x7000] =	vst v63  }
0x2f: {  	_ =	swait.ge [sflag:s21], $0x2800  }
0x30: {  	[sflag:s21] =	ssyncset.done $0x0  }
0x31: {  	[sflag:s21] =	ssyncadd.s32 $0xFFFFD800  }
0x32: {  	[tilespmem:s24], [sflag:$0x1] =	stream.indirect.gather [hbm4b:s3+s23], $0x10, s13, s23, $0xb8;
	[tilespmem:$0x7000] =	vst v63  }
0x33: {  	_ = 	snop  }
0x34: {  	[tilespmem:s25], [sflag:$0x3] =	stream.indirect.gather [hbm4b:s3+s23], $0x10, s22, s23, $0xb8;
	[tilespmem:$0x7000] =	vst v63  }
0x35: {  	_ =	swait.ge [sflag:s26], $0x800  }
0x36: {  	[sflag:s26] =	ssyncset.done $0x0  }
0x37: {  	s18 =	rddreg [dreg:$0xa];
	[sflag:s26] =	ssyncadd.s32 $0xFFFFF800  }
0x38: {  	[hbm4b:s18+s13] =	stream.linear.scatter [tilespmem:s24], [sflag:$0x5], $0x800, $0x38;
	[tilespmem:$0x7000] =	vst v63  }
0x39: {  	_ = 	snop  }
0x3a: {  	[tilespmem:s28], [sflag:$0x2] =	stream.indirect.gather [hbm4b:s3+s23], $0x10, s23, s23, $0xb8;
	[tilespmem:$0x7000] =	vst v63  }
0x3b: {  	_ =	swait.ge [sflag:s29], $0x800  }
0x3c: {  	[sflag:s29] =	ssyncset.done $0x0  }
0x3d: {  	s16 =	rddreg [dreg:$0xb];
	[sflag:s29] =	ssyncadd.s32 $0xFFFFF800  }
0x3e: {  	[hbm4b:s16+s13] =	stream.linear.scatter [tilespmem:s25], [sflag:$0x7], $0x800, $0x38;
	[tilespmem:$0x7000] =	vst v63  }
0x3f: {  	_ = 	snop  }
0x40: {  	[tilespmem:s31], [sflag:$0x4] =	stream.indirect.gather [hbm4b:s3+s23], $0x10, s30, s23, $0xb8;
	[tilespmem:$0x7000] =	vst v63  }
0x41: {  	_ =	swait.ge [sflag:s0], $0x800  }
0x42: {  	[sflag:s0] =	ssyncset.done $0x0  }
0x43: {  	s17 =	rddreg [dreg:$0xc];
	[sflag:s0] =	ssyncadd.s32 $0xFFFFF800  }
0x44: {  	[hbm4b:s17+s13] =	stream.linear.scatter [tilespmem:s28], [sflag:$0x6], $0x800, $0x38;
	[tilespmem:$0x7000] =	vst v63  }
0x45: {  	_ =	swait.ge [sflag:s2], $0x800  }
0x46: {  	[sflag:s2] =	ssyncset.done $0x0  }
0x47: {  	[sflag:s2] =	ssyncadd.s32 $0xFFFFF800  }
0x48: {  	[tilespmem:s24], [sflag:$0x1] =	stream.indirect.gather [hbm4b:s3+s23], $0x10, s5, s23, $0xb8;
	[tilespmem:$0x7000] =	vst v63  }
0x49: {  	_ =	swait.ge [sflag:s6], $0x800  }
0x4a: {  	[sflag:s6] =	ssyncset.done $0x0  }
0x4b: {  	s18 =	rddreg [dreg:$0xd];
	[sflag:s6] =	ssyncadd.s32 $0xFFFFF800  }
0x4c: {  	[hbm4b:s18+s13] =	stream.linear.scatter [tilespmem:s31], [sflag:$0x8], $0x800, $0x38;
	[tilespmem:$0x7000] =	vst v63  }
0x4d: {  	_ =	swait.ge [sflag:s7], $0x800  }
0x4e: {  	[sflag:s7] =	ssyncset.done $0x0  }
0x4f: {  	s14 =	simm.s32 $0x2A00;
	[sflag:s7] =	ssyncadd.s32 $0xFFFFF800  }
0x50: {  	[tilespmem:s25], [sflag:$0x3] =	stream.indirect.gather [hbm4b:s3+s23], $0x10, s8, s23, $0xb8;
	[tilespmem:$0x7000] =	vst v63  }
.LBB2_6:
0x51: {  	_ =	swait.ge [sflag:s26], $0x800  }
0x52: {  	s17 =	sadd.s32 s13, s20;
	[sflag:s26] =	ssyncset.done $0x0  }
0x53: {  	s16 =	sadd.s32 $0x50200, s17;
	[sflag:s26] =	ssyncadd.s32 $0xFFFFF800  }
0x54: {  	[hbm4b:s16+s1] =	stream.linear.scatter [tilespmem:s24], [sflag:$0x5], $0x800, $0x38;
	[tilespmem:$0x7000] =	vst v63  }
0x55: {  	_ =	swait.ge [sflag:s10], $0x800  }
0x56: {  	[sflag:s10] =	ssyncset.done $0x0  }
0x57: {  	s18 =	sadd.s32 $0xFFFFD780, s14;
	[sflag:s10] =	ssyncadd.s32 $0xFFFFF800  }
0x58: {  	[tilespmem:s28], [sflag:$0x2] =	stream.indirect.gather [hbm4b:s3+s23], $0x10, s18, s23, $0xb8;
	[tilespmem:$0x7000] =	vst v63  }
0x59: {  	_ =	swait.ge [sflag:s29], $0x800  }
0x5a: {  	s16 =	sadd.s32 s13, s19;
	[sflag:s29] =	ssyncset.done $0x0  }
0x5b: {  	s18 =	sadd.s32 $0x50200, s16;
	[sflag:s29] =	ssyncadd.s32 $0xFFFFF800  }
0x5c: {  	[hbm4b:s18+s1] =	stream.linear.scatter [tilespmem:s25], [sflag:$0x7], $0x800, $0x38;
	[tilespmem:$0x7000] =	vst v63  }
0x5d: {  	_ =	swait.ge [sflag:s11], $0x800  }
0x5e: {  	[sflag:s11] =	ssyncset.done $0x0  }
0x5f: {  	p1 =	seq.s32 s13, $0x4C00;
	s18 =	sadd.s32 $0xFFFFFF80, s14;
	[sflag:s11] =	ssyncadd.s32 $0xFFFFF800  }
0x60: {  	[tilespmem:s31], [sflag:$0x4] =	stream.indirect.gather [hbm4b:s3+s23], $0x10, s18, s23, $0xb8;
	[tilespmem:$0x7000] =	vst v63  }
.Ltmp3:
0x61: {  	_ = 	snop;
	(pc) =	sbr.rel @p1 .LBB2_8-.Ltmp3, $4  }
0x62: {  	_ =	swait.ge [sflag:s0], $0x800  }
0x63: {  	[sflag:s0] =	ssyncset.done $0x0  }
0x64: {  	s17 =	sadd.s32 $0x50300, s17;
	[sflag:s0] =	ssyncadd.s32 $0xFFFFF800  }
0x65: {  	[hbm4b:s17+s1] =	stream.linear.scatter [tilespmem:s28], [sflag:$0x6], $0x800, $0x38;
	[tilespmem:$0x7000] =	vst v63  }
0x66: {  	_ =	swait.ge [sflag:s2], $0x800  }
0x67: {  	[sflag:s2] =	ssyncset.done $0x0  }
0x68: {  	s17 =	sadd.s32 $0xFFFFD800, s14;
	[sflag:s2] =	ssyncadd.s32 $0xFFFFF800  }
0x69: {  	[tilespmem:s24], [sflag:$0x1] =	stream.indirect.gather [hbm4b:s3+s23], $0x10, s17, s23, $0xb8;
	[tilespmem:$0x7000] =	vst v63  }
0x6a: {  	_ =	swait.ge [sflag:s6], $0x800  }
0x6b: {  	[sflag:s6] =	ssyncset.done $0x0  }
0x6c: {  	s16 =	sadd.s32 $0x50300, s16;
	[sflag:s6] =	ssyncadd.s32 $0xFFFFF800  }
0x6d: {  	[hbm4b:s16+s1] =	stream.linear.scatter [tilespmem:s31], [sflag:$0x8], $0x800, $0x38;
	[tilespmem:$0x7000] =	vst v63  }
.Ltmp4:
0x6e: {  	_ =	swait.ge [sflag:s7], $0x800;
	(pc) =	sbr.rel .LBB2_6-.Ltmp4, $4  }
0x6f: {  	[sflag:s7] =	ssyncset.done $0x0  }
0x70: {  	[sflag:s7] =	ssyncadd.s32 $0xFFFFF800  }
0x71: {  	[tilespmem:s25], [sflag:$0x3] =	stream.indirect.gather [hbm4b:s3+s23], $0x10, s14, s23, $0xb8;
	[tilespmem:$0x7000] =	vst v63  }
0x72: {  	s13 =	sadd.s32 $0x200, s13;
	s14 =	sadd.s32 $0x100, s14  }
.LBB2_2:
0x73: {  	s14 =	rddreg [dreg:$0x2]  }
0x74: {  	[tilespmem:s13], [sflag:$0x9] =	stream.linear.gather [hbm4b:s14+s13], $0x2800, $0x38;
	[tilespmem:$0x7000] =	vst v63  }
0x75: {  	_ =	swait.ge [sflag:s21], $0x2800  }
0x76: {  	[sflag:s21] =	ssyncset.done $0x0  }
0x77: {  	s17 =	rddreg [dreg:$0x3];
	[sflag:s21] =	ssyncadd.s32 $0xFFFFD800  }
0x78: {  	[tilespmem:s22], [sflag:$0x9] =	stream.linear.gather [hbm4b:s17+s13], $0x2800, $0x38;
	[tilespmem:$0x7000] =	vst v63  }
0x79: {  	_ =	swait.ge [sflag:s21], $0x2800  }
0x7a: {  	[sflag:s21] =	ssyncset.done $0x0  }
0x7b: {  	[sflag:s21] =	ssyncadd.s32 $0xFFFFD800  }
0x7c: {  	[tilespmem:s24], [sflag:$0x1] =	stream.indirect.gather [hbm4b:s3+s23], $0x10, s13, s23, $0xb8;
	[tilespmem:$0x7000] =	vst v63  }
0x7d: {  	_ = 	snop  }
0x7e: {  	[tilespmem:s25], [sflag:$0x3] =	stream.indirect.gather [hbm4b:s3+s23], $0x10, s22, s23, $0xb8;
	[tilespmem:$0x7000] =	vst v63  }
0x7f: {  	_ =	swait.ge [sflag:s26], $0x800  }
0x80: {  	[sflag:s26] =	ssyncset.done $0x0  }
0x81: {  	s18 =	rddreg [dreg:$0x6];
	[sflag:s26] =	ssyncadd.s32 $0xFFFFF800  }
0x82: {  	[hbm4b:s18+s13] =	stream.linear.scatter [tilespmem:s24], [sflag:$0x5], $0x800, $0x38;
	[tilespmem:$0x7000] =	vst v63  }
0x83: {  	_ = 	snop  }
0x84: {  	[tilespmem:s28], [sflag:$0x2] =	stream.indirect.gather [hbm4b:s3+s23], $0x10, s23, s23, $0xb8;
	[tilespmem:$0x7000] =	vst v63  }
0x85: {  	_ =	swait.ge [sflag:s29], $0x800  }
0x86: {  	[sflag:s29] =	ssyncset.done $0x0  }
0x87: {  	s16 =	rddreg [dreg:$0x7];
	[sflag:s29] =	ssyncadd.s32 $0xFFFFF800  }
0x88: {  	[hbm4b:s16+s13] =	stream.linear.scatter [tilespmem:s25], [sflag:$0x7], $0x800, $0x38;
	[tilespmem:$0x7000] =	vst v63  }
0x89: {  	_ = 	snop  }
0x8a: {  	[tilespmem:s31], [sflag:$0x4] =	stream.indirect.gather [hbm4b:s3+s23], $0x10, s30, s23, $0xb8;
	[tilespmem:$0x7000] =	vst v63  }
0x8b: {  	_ =	swait.ge [sflag:s0], $0x800  }
0x8c: {  	[sflag:s0] =	ssyncset.done $0x0  }
0x8d: {  	s17 =	rddreg [dreg:$0x8];
	[sflag:s0] =	ssyncadd.s32 $0xFFFFF800  }
0x8e: {  	[hbm4b:s17+s13] =	stream.linear.scatter [tilespmem:s28], [sflag:$0x6], $0x800, $0x38;
	[tilespmem:$0x7000] =	vst v63  }
0x8f: {  	_ =	swait.ge [sflag:s2], $0x800  }
0x90: {  	[sflag:s2] =	ssyncset.done $0x0  }
0x91: {  	[sflag:s2] =	ssyncadd.s32 $0xFFFFF800  }
0x92: {  	[tilespmem:s24], [sflag:$0x1] =	stream.indirect.gather [hbm4b:s3+s23], $0x10, s5, s23, $0xb8;
	[tilespmem:$0x7000] =	vst v63  }
0x93: {  	_ =	swait.ge [sflag:s6], $0x800  }
0x94: {  	[sflag:s6] =	ssyncset.done $0x0  }
0x95: {  	s18 =	rddreg [dreg:$0x9];
	[sflag:s6] =	ssyncadd.s32 $0xFFFFF800  }
0x96: {  	[hbm4b:s18+s13] =	stream.linear.scatter [tilespmem:s31], [sflag:$0x8], $0x800, $0x38;
	[tilespmem:$0x7000] =	vst v63  }
0x97: {  	_ =	swait.ge [sflag:s7], $0x800  }
0x98: {  	[sflag:s7] =	ssyncset.done $0x0  }
0x99: {  	s14 =	simm.s32 $0x2A00;
	[sflag:s7] =	ssyncadd.s32 $0xFFFFF800  }
0x9a: {  	[tilespmem:s25], [sflag:$0x3] =	stream.indirect.gather [hbm4b:s3+s23], $0x10, s8, s23, $0xb8;
	[tilespmem:$0x7000] =	vst v63  }
.LBB2_3:
0x9b: {  	_ =	swait.ge [sflag:s26], $0x800  }
0x9c: {  	s17 =	sadd.s32 s13, s20;
	[sflag:s26] =	ssyncset.done $0x0  }
0x9d: {  	s16 =	sadd.s32 $0x200, s17;
	[sflag:s26] =	ssyncadd.s32 $0xFFFFF800  }
0x9e: {  	[hbm4b:s16+s1] =	stream.linear.scatter [tilespmem:s24], [sflag:$0x5], $0x800, $0x38;
	[tilespmem:$0x7000] =	vst v63  }
0x9f: {  	_ =	swait.ge [sflag:s10], $0x800  }
0xa0: {  	[sflag:s10] =	ssyncset.done $0x0  }
0xa1: {  	s18 =	sadd.s32 $0xFFFFD780, s14;
	[sflag:s10] =	ssyncadd.s32 $0xFFFFF800  }
0xa2: {  	[tilespmem:s28], [sflag:$0x2] =	stream.indirect.gather [hbm4b:s3+s23], $0x10, s18, s23, $0xb8;
	[tilespmem:$0x7000] =	vst v63  }
0xa3: {  	_ =	swait.ge [sflag:s29], $0x800  }
0xa4: {  	s16 =	sadd.s32 s13, s19;
	[sflag:s29] =	ssyncset.done $0x0  }
0xa5: {  	s18 =	sadd.s32 $0x200, s16;
	[sflag:s29] =	ssyncadd.s32 $0xFFFFF800  }
0xa6: {  	[hbm4b:s18+s1] =	stream.linear.scatter [tilespmem:s25], [sflag:$0x7], $0x800, $0x38;
	[tilespmem:$0x7000] =	vst v63  }
0xa7: {  	_ =	swait.ge [sflag:s11], $0x800  }
0xa8: {  	[sflag:s11] =	ssyncset.done $0x0  }
0xa9: {  	p1 =	seq.s32 s13, $0x4C00;
	s18 =	sadd.s32 $0xFFFFFF80, s14;
	[sflag:s11] =	ssyncadd.s32 $0xFFFFF800  }
0xaa: {  	[tilespmem:s31], [sflag:$0x4] =	stream.indirect.gather [hbm4b:s3+s23], $0x10, s18, s23, $0xb8;
	[tilespmem:$0x7000] =	vst v63  }
.Ltmp5:
0xab: {  	_ = 	snop;
	(pc) =	sbr.rel @p1 .LBB2_9-.Ltmp5, $4  }
0xac: {  	_ =	swait.ge [sflag:s0], $0x800  }
0xad: {  	[sflag:s0] =	ssyncset.done $0x0  }
0xae: {  	s17 =	sadd.s32 $0x300, s17;
	[sflag:s0] =	ssyncadd.s32 $0xFFFFF800  }
0xaf: {  	[hbm4b:s17+s1] =	stream.linear.scatter [tilespmem:s28], [sflag:$0x6], $0x800, $0x38;
	[tilespmem:$0x7000] =	vst v63  }
0xb0: {  	_ =	swait.ge [sflag:s2], $0x800  }
0xb1: {  	[sflag:s2] =	ssyncset.done $0x0  }
0xb2: {  	s17 =	sadd.s32 $0xFFFFD800, s14;
	[sflag:s2] =	ssyncadd.s32 $0xFFFFF800  }
0xb3: {  	[tilespmem:s24], [sflag:$0x1] =	stream.indirect.gather [hbm4b:s3+s23], $0x10, s17, s23, $0xb8;
	[tilespmem:$0x7000] =	vst v63  }
0xb4: {  	_ =	swait.ge [sflag:s6], $0x800  }
0xb5: {  	[sflag:s6] =	ssyncset.done $0x0  }
0xb6: {  	s16 =	sadd.s32 $0x300, s16;
	[sflag:s6] =	ssyncadd.s32 $0xFFFFF800  }
0xb7: {  	[hbm4b:s16+s1] =	stream.linear.scatter [tilespmem:s31], [sflag:$0x8], $0x800, $0x38;
	[tilespmem:$0x7000] =	vst v63  }
.Ltmp6:
0xb8: {  	_ =	swait.ge [sflag:s7], $0x800;
	(pc) =	sbr.rel .LBB2_3-.Ltmp6, $4  }
0xb9: {  	[sflag:s7] =	ssyncset.done $0x0  }
0xba: {  	[sflag:s7] =	ssyncadd.s32 $0xFFFFF800  }
0xbb: {  	[tilespmem:s25], [sflag:$0x3] =	stream.indirect.gather [hbm4b:s3+s23], $0x10, s14, s23, $0xb8;
	[tilespmem:$0x7000] =	vst v63  }
0xbc: {  	s13 =	sadd.s32 $0x200, s13;
	s14 =	sadd.s32 $0x100, s14  }
.LBB2_8:
.Ltmp7:
0xbd: {  	(pc) =	sbr.rel .LBB2_10-.Ltmp7, $3  }
0xbe: {  	_ =	sdelay $0x1  }
0xbf: {  	s13 =	sadd.s32 s13, s15  }
0xc0: {  	s13 =	sadd.s32 $0x50300, s13  }
.LBB2_11:
0xc1: {  	_ =	sfence.sel $0x180000  }
0xc2: {  	[bflag:$0x0] =	sbarrier.arrive $0xFFFF  }
0xc3: {  	_ =	strace $0x90000047  }
0xc4: {  	s0 =	stileid.u32;
	[bflag:$0x2] =	sbarrier.arrive $0xFFFF  }
0xc5: {  	p0 =	sne.s32 s0, $0x0;
	s0 =	rddreg [dreg:$0x1]  }
0xc6: {  	s0 =	sadd.s32 @!p0 $0x100000, s0  }
0xc7: {  	[sflag:s0] =	ssyncadd.tile.s32 @!p0 $0x1;
	_ =	shalt  }
.Lfunc_end2:
_tile_overlayer_lowered:
.L_overlay_start_2:
0xc8: {  	(tag) =	ssettag $0x2  }
0xc9: {  	s0 =	rddreg [dreg:$0x0];
	s2 =	stileid.u32  }
0xca: {  	s1 =	rddreg [dreg:$0x1];
	p0 =	sne.s32 s2, $0x0  }
0xcb: {  	s3 =	rddreg [dreg:$0x2];
	[bflag:$0x3] =	sbarrier.arrive $0xFFFF;
	s2 =	simm.s32 @!p0 $0x1C09  }
0xcc: {  	[timem:s3], [sflag:s2] =	dma.local @!p0 [hbm:s0], s1  }
0xcd: {  	s0 =	simm.s32 @!p0 $0x9  }
0xce: {  	_ =	swait.ge @!p0 [sflag:s0], s1  }
0xcf: {  	s1 =	ssub.s32 @!p0 $0x0, s1;
	[sflag:s0] =	ssyncset.done @!p0 $0x0  }
0xd0: {  	[sflag:s0] =	ssyncadd.s32 @!p0 s1  }
0xd1: {  	[bflag:$0x3] =	sbarrier.arrive $0xFFFF  }
0xd2: {  	_ =	shalt  }

// kernel: sc_gather2_64.11.cloned.1.call-start
scs
__scs_entry_jumppad:
0x0: {  	(pc) =	sbr.rel $0x88, $3  }
0x1: {  	(tag) =	ssettag $0x0;
	lr =	simm.s32 $0x1  }
0x2: {  	[smem:$0x3F60] =	sst lr;
	_ =	strace $0xD0000000  }
0x3: {  	_ = 	snop  }
0x4: {  	_ = 	snop  }
0x5: {  	_ = 	snop  }
0x6: {  	_ = 	snop  }
0x7: {  	_ = 	snop  }
__scs_overlays_trampoline_lowered:
0x8: {  	[smem:$0x3F6F] =	sst s0  }
0x9: {  	[smem:$0x3F70] =	sst s1  }
0xa: {  	[smem:$0x3F71] =	sst s2  }
0xb: {  	[smem:$0x3F72] =	sst s3  }
0xc: {  	[smem:$0x3F73] =	sst s4  }
0xd: {  	[smem:$0x3F74] =	sst s5  }
0xe: {  	[smem:$0x3F75] =	sst s6  }
0xf: {  	[smem:$0x3F76] =	sst s7  }
0x10: {  	[smem:$0x3F77] =	sst s8  }
0x11: {  	[smem:$0x3F78] =	sst s9;
	s0 =	simm.s32 @!p0 $0x0  }
0x12: {  	s1 =	sld [smem:$0x3F5E];
	s0 =	simm.s32 @p0 $0x1  }
0x13: {  	[smem:$0x3F79] =	sst s0;
	s0 =	simm.s32 @!p1 $0x0  }
0x14: {  	s2 =	sld [smem:$0x3F5D];
	s0 =	simm.s32 @p1 $0x1  }
0x15: {  	[smem:$0x3F7A] =	sst s0;
	s0 =	simm.s32 @!p2 $0x0  }
0x16: {  	s3 =	sld [smem:$0x3FDB];
	s0 =	simm.s32 @p2 $0x1  }
0x17: {  	s4 =	simm.s32 $0x1BF5;
	[smem:$0x3F7C] =	sst s0  }
0x18: {  	s0 =	sld [smem:$0x3F5F];
	_ =	swait.ge [sflag:s4], $0x0  }
0x19: {  	s7 =	sld [smem:$0x3F60]  }
0x1a: {  	s8 =	sadd.s32 $0xFFFFE003, lr  }
0x1b: {  	s9 =	sadd.s32 $0xFFFFFEF7, lr;
	s5 =	simm.s32 $0xFFFFFFFF;
	p2 =	slt.u32 s8, $0xFFFFF086  }
0x1c: {  	p1 =	slt.u32 s9, $0xF7A;
	s5 =	simm.s32 @!p2 $0x0  }
0x1d: {  	s5 =	simm.s32 @p1 $0x1;
	p0 =	seq.s32 s7, s2  }
0x1e: {  	s7 =	smul.u32 @!p0 $0xF7A, s2;
	p2 =	seq.s32 @!p0 s5, $0x0  }
0x1f: {  	s9 =	smul.u32 $0xF7A, s1;
	s8 =	simm.s32 @!p0 $0x1BF5;
	p2 =	por !p2, p0  }
0x20: {  	[sflag:s8] =	ssyncset.s32 @!p0 $0xFFFFF086;
	s6 =	sadd.s32 @!p0 s3, s7;
	s7 =	simm.s32 @!p0 $0x108  }
0x21: {  	s3 =	sadd.s32 s3, s9;
	s6 =	sadd.s32 @!p0 $0x88, s6;
	s7 =	simm.s32 @p2 $0x1082  }
0x22: {  	[simem:s7], [sflag:s8] =	dma.local @!p0 [hbm:s6], $0xF7A  }
0x23: {  	s9 =	sor.u32 $0xD0000000, s2;
	s6 =	simm.s32 $0x108;
	_ =	swait.ge @!p0 [sflag:s8], $0x0  }
0x24: {  	s3 =	sadd.s32 $0x88, s3;
	s6 =	simm.s32 @!p1 $0x1082;
	[sflag:s4] =	ssyncset.s32 $0xFFFFF086  }
0x25: {  	[simem:s6], [sflag:s4] =	dma.local [hbm:s3], $0xF7A  }
0x26: {  	[smem:$0x3F60] =	sst s1;
	(tag) =	ssettag s2;
	_ =	strace s9  }
0x27: {  	s1 =	sld [smem:$0x3F70]  }
0x28: {  	s2 =	sld [smem:$0x3F71]  }
0x29: {  	s4 =	sld [smem:$0x3F73]  }
0x2a: {  	p0 =	seq.s32 s5, $0x0;
	s5 =	sld [smem:$0x3F74]  }
0x2b: {  	s6 =	sld [smem:$0x3F75]  }
0x2c: {  	s7 =	sld [smem:$0x3F76]  }
0x2d: {  	s3 =	simm.s32 $0x108;
	s8 =	sld [smem:$0x3F77]  }
0x2e: {  	s3 =	simm.s32 @!p0 $0x1082;
	s9 =	sld [smem:$0x3F78]  }
0x2f: {  	lr =	sadd.s32 s0, s3;
	s0 =	sld [smem:$0x3F6F]  }
0x30: {  	s3 =	sld [smem:$0x3F72]  }
0x31: {  	[smem:$0x3F7B] =	sst s10  }
0x32: {  	s10 =	sld [smem:$0x3F79];
	_ =	sdelay $0x3  }
0x33: {  	p0 =	seq.s32 s10, $0x1;
	s10 =	sld [smem:$0x3F7B];
	_ =	sdelay $0x3  }
0x34: {  	[smem:$0x3F7B] =	sst s10  }
0x35: {  	s10 =	sld [smem:$0x3F7A];
	_ =	sdelay $0x3  }
0x36: {  	p1 =	seq.s32 s10, $0x1;
	s10 =	sld [smem:$0x3F7B];
	_ =	sdelay $0x3  }
0x37: {  	[smem:$0x3F7B] =	sst s10  }
0x38: {  	s10 =	sld [smem:$0x3F7C]  }
0x39: {  	_ = 	snop;
	(pc) =	sbr.ind lr, $3  }
0x3a: {  	_ = 	snop  }
0x3b: {  	_ = 	snop  }
0x3c: {  	p2 =	seq.s32 s10, $0x1;
	s10 =	sld [smem:$0x3F7B]  }
0x3d: {  	_ =	shalt  }
0x3e: {  	_ =	shalt  }
0x3f: {  	_ =	shalt  }
0x40: {  	_ =	shalt  }
0x41: {  	_ =	shalt  }
0x42: {  	_ =	shalt  }
0x43: {  	_ =	shalt  }
0x44: {  	_ =	shalt  }
0x45: {  	_ =	shalt  }
0x46: {  	_ =	shalt  }
0x47: {  	_ =	shalt  }
0x48: {  	_ =	shalt  }
0x49: {  	_ =	shalt  }
0x4a: {  	_ =	shalt  }
0x4b: {  	_ =	shalt  }
0x4c: {  	_ =	shalt  }
0x4d: {  	_ =	shalt  }
0x4e: {  	_ =	shalt  }
0x4f: {  	_ =	shalt  }
0x50: {  	_ =	shalt  }
0x51: {  	_ =	shalt  }
0x52: {  	_ =	shalt  }
0x53: {  	_ =	shalt  }
0x54: {  	_ =	shalt  }
0x55: {  	_ =	shalt  }
0x56: {  	_ =	shalt  }
0x57: {  	_ =	shalt  }
0x58: {  	_ =	shalt  }
0x59: {  	_ =	shalt  }
0x5a: {  	_ =	shalt  }
0x5b: {  	_ =	shalt  }
0x5c: {  	_ =	shalt  }
0x5d: {  	_ =	shalt  }
0x5e: {  	_ =	shalt  }
0x5f: {  	_ =	shalt  }
0x60: {  	_ =	shalt  }
0x61: {  	_ =	shalt  }
0x62: {  	_ =	shalt  }
0x63: {  	_ =	shalt  }
0x64: {  	_ =	shalt  }
0x65: {  	_ =	shalt  }
0x66: {  	_ =	shalt  }
0x67: {  	_ =	shalt  }
0x68: {  	_ =	shalt  }
0x69: {  	_ =	shalt  }
0x6a: {  	_ =	shalt  }
0x6b: {  	_ =	shalt  }
0x6c: {  	_ =	shalt  }
0x6d: {  	_ =	shalt  }
0x6e: {  	_ =	shalt  }
0x6f: {  	_ =	shalt  }
0x70: {  	_ =	shalt  }
0x71: {  	_ =	shalt  }
0x72: {  	_ =	shalt  }
0x73: {  	_ =	shalt  }
0x74: {  	_ =	shalt  }
0x75: {  	_ =	shalt  }
0x76: {  	_ =	shalt  }
0x77: {  	_ =	shalt  }
0x78: {  	_ =	shalt  }
0x79: {  	_ =	shalt  }
0x7a: {  	_ =	shalt  }
0x7b: {  	_ =	shalt  }
0x7c: {  	_ =	shalt  }
0x7d: {  	_ =	shalt  }
0x7e: {  	_ =	shalt  }
0x7f: {  	_ =	shalt  }
0x80: {  	_ =	shalt  }
0x81: {  	_ =	shalt  }
0x82: {  	_ =	shalt  }
0x83: {  	_ =	shalt  }
0x84: {  	_ =	shalt  }
0x85: {  	_ =	shalt  }
0x86: {  	_ =	shalt  }
0x87: {  	_ =	shalt  }
.Lfunc_end0:
.L_simem_size_0:
called_computation.5_lowered:
.L_overlay_start_0:
0x88: {  	s2 =	sld [smem:$0x3FD9]  }
0x89: {  	s3 =	sld [smem:$0x3FFE];
	_ =	sdelay $0x1  }
0x8a: {  	s1 =	srdreg.scid  }
0x8b: {  	s0 =	sand.u32 $0x1, s1  }
0x8c: {  	s16 =	sshll.u32 s0, $0xA;
	s2 =	sadd.s32 s3, s2  }
0x8d: {  	s2 =	sadd.s32 s2, s16  }
0x8e: {  	[smem:$0x3F87] =	sst s2  }
0x8f: {  	_ = 	snop  }
0x90: {  	(tm) =	ssettm $0x1  }
0x91: {  	s17 =	sld [smem:$0x3FFB];
	_ =	sdelay $0x3  }
0x92: {  	_ =	strace s17  }
0x93: {  	s2 =	sld [smem:$0x3FFC];
	_ =	sdelay $0x3  }
0x94: {  	_ =	strace s2  }
0x95: {  	s2 =	sld [smem:$0x3FFD];
	_ =	sdelay $0x3  }
0x96: {  	_ =	strace s2  }
0x97: {  	_ =	strace $0x8FFFFFFF  }
0x98: {  	s18 =	sld [smem:$0x3FDB];
	_ =	sdelay $0x1  }
0x99: {  	s19 =	simm.s32 $_scs_section_size  }
0x9a: {  	s4 =	simm.s32 $_size__tile_overlayer_lowered;
	s5 =	simm.s32 $_tile_overlayer_lowered  }
0x9b: {  	s22 =	simm.s32 $0x1BFF;
	s21 =	sshll.u32 s5, $0x1;
	s2 =	sadd.s32 s19, s18  }
0x9c: {  	s6 =	simm.s32 $0x0;
	s20 =	sshll.u32 s4, $0x1;
	s4 =	sadd.s32 s21, s2  }
0x9d: {  	[timem:s6], [sflag:s22] =	dma.local [hbm:s4], s20  }
0x9e: {  	_ =	swait.ge [sflag:s22], s20  }
0x9f: {  	s3 =	ssub.s32 $0x0, s20;
	[sflag:s22] =	ssyncset.done $0x0  }
0xa0: {  	[sflag:s22] =	ssyncadd.s32 s3;
	_ =	sdelay $0x1  }
0xa1: {  	s23 =	simm.s32 $0x1B8B  }
0xa2: {  	_ =	swait.ge [sflag:s23], $0x1  }
0xa3: {  	[sflag:s23] =	ssyncset.done $0x0  }
0xa4: {  	s25 =	simm.s32 $0x1B8E;
	s24 =	sld [smem:$0x3FFE];
	[sflag:s23] =	ssyncadd.s32 $0xFFFFFFFF  }
0xa5: {  	s26 =	simm.s32 $execute0_lowered;
	[smem:$0x3FD2] =	sst s25  }
0xa6: {  	s4 =	sshll.u32 s26, $0x1;
	_ =	strace $0x80000055;
	[dreg:$0x1] =	wrdreg $0xFFFFFFFF  }
0xa7: {  	s28 =	simm.s32 $_size_execute0_lowered;
	s2 =	sadd.s32 s2, s4;
	[dreg:$0x0] =	wrdreg $0x0  }
0xa8: {  	s4 =	sshll.u32 s28, $0x1;
	[dreg:$0x2] =	wrdreg s2  }
0xa9: {  	[dreg:$0x3] =	wrdreg s4  }
0xaa: {  	[dreg:$0x4] =	wrdreg $0xC0  }
0xab: {  	_ =	task [dreg:s6], $0x5FFFF  }
0xac: {  	[dreg:$0x1] =	wrdreg $0xFFFFFFFF  }
0xad: {  	[dreg:$0x0] =	wrdreg $0x60  }
0xae: {  	[dreg:$0x2] =	wrdreg s24  }
0xaf: {  	[dreg:$0x3] =	wrdreg $0x9  }
0xb0: {  	_ =	task.clear_ibuf [dreg:s6], $0x4FFFF;
	_ =	strace $0x90000055  }
0xb1: {  	s29 =	simm.s32 $0x9;
	_ =	strace $0x80000057  }
0xb2: {  	_ =	swait.ge [sflag:s29], $0x1  }
0xb3: {  	[sflag:s29] =	ssyncadd.s32 $0xFFFFFFFF  }
0xb4: {  	_ =	strace $0x90000057  }
0xb5: {  	_ =	sfence  }
0xb6: {  	s30 =	sld [smem:$0x0];
	_ =	sdelay $0x2  }
0xb7: {  	s31 =	sshll.u32 s1, $0xD;
	s1 =	sshrl.u32 s1, $0x2  }
0xb8: {  	s3 =	sand.u32 $0x4000, s31;
	s1 =	sadd.s32 s1, s30  }
0xb9: {  	s0 =	sor.u32 s3, s0;
	s1 =	sshll.u32 s1, $0x11  }
0xba: {  	s0 =	sor.u32 s1, s0  }
0xbb: {  	s0 =	sadd.s32 $0x8F2B, s0  }
0xbc: {  	[sflag:s0] =	ssyncadd.remote.s32 $0x1  }
0xbd: {  	_ =	sfence.sel $0xFFFF  }
0xbe: {  	[dreg:$0x0] =	wrdreg $0xFFFFFFFF;
	(pc) =	sbr.abs _section_cstart, $3  }
0xbf: {  	[dreg:$0x1] =	wrdreg $0xFFFFFFFF  }
0xc0: {  	_ =	task.clear_ibuf [dreg:s6], $0x2FFFF;
	_ =	strace $0x9FFFFFFF  }
0xc1: {  	(tm) =	ssettm $0x7FFFFFFF  }
tec
execute0_lowered:
.L_overlay_start_1:
0x0: {  	(tag) =	ssettag $0x1  }
0x1: {  	s1 =	srdreg.scid  }
0x2: {  	s1 =	sand.u32 $0x1, s1  }
0x3: {  	p0 =	seq.s32 s1, $0x1  }
.Ltmp0:
0x4: {  	_ = 	snop;
	(pc) =	sbr.rel @p0 .LBB2_5-.Ltmp0, $4  }
0x5: {  	_ = 	snop  }
0x6: {  	s10 =	rddreg [dreg:$0x0];
	s2 =	simm.s32 $0x0  }
0x7: {  	[smem:$0x7FF] =	sst s2  }
0x8: {  	s0 =	rddreg [dreg:$0x1];
	_ =	strace $0x80000056;
	s1 =	stileid.u32  }
0x9: {  	s3 =	smul.u32 $0xA00, s1  }
0xa: {  	s4 =	sadd.s32 $0x3F1600, s10  }
0xb: {  	s30 =	simm.s32 $0x9;
	s4 =	sadd.s32 s4, s3  }
0xc: {  	[tilespmem:s2], [sflag:$0x9] =	stream.linear.gather [hbm4b:s4+s2], $0x5000, $0x38;
	[tilespmem:$0x12000] =	vst v63  }
0xd: {  	_ =	swait.ge [sflag:s30], $0x5000  }
0xe: {  	s5 =	sadd.s32 $0x3E7600, s10;
	[sflag:s30] =	ssyncset.done $0x0  }
0xf: {  	s7 =	simm.s32 $0x5000;
	s3 =	sadd.s32 s5, s3;
	[sflag:s30] =	ssyncadd.s32 $0xFFFFB000  }
0x10: {  	[tilespmem:s7], [sflag:$0x9] =	stream.linear.gather [hbm4b:s3+s2], $0x5000, $0x38;
	[tilespmem:$0x12000] =	vst v63  }
0x11: {  	_ =	swait.ge [sflag:s30], $0x5000  }
0x12: {  	s5 =	simm.s32 $0xA000;
	[sflag:s30] =	ssyncset.done $0x0  }
0x13: {  	s4 =	simm.s32 $0x80;
	s3 =	sadd.s32 $0x68600, s10;
	[sflag:s30] =	ssyncadd.s32 $0xFFFFB000  }
0x14: {  	[tilespmem:s5], [sflag:$0x1] =	stream.indirect.gather [hbm4b:s3+s4], $0x40, s2, s4, $0xb8;
	[tilespmem:$0x12000] =	vst v63  }
0x15: {  	s6 =	simm.s32 $0xE000  }
0x16: {  	[tilespmem:s6], [sflag:$0x3] =	stream.indirect.gather [hbm4b:s3+s4], $0x40, s7, s4, $0xb8;
	[tilespmem:$0x12000] =	vst v63  }
0x17: {  	s8 =	smul.u32 $0x140000, s1;
	s7 =	simm.s32 $0x1  }
0x18: {  	_ =	swait.ge [sflag:s7], $0x2000  }
0x19: {  	s15 =	sadd.s32 $0x7C600, s10;
	s12 =	sshrl.u32 s8, $0x3;
	[sflag:s7] =	ssyncset.done $0x0  }
0x1a: {  	s8 =	sadd.s32 s15, s12;
	[sflag:s7] =	ssyncadd.s32 $0xFFFFE000  }
0x1b: {  	[hbm4b:s8+s2] =	stream.linear.scatter [tilespmem:s5], [sflag:$0x5], $0x2000, $0x38;
	[tilespmem:$0x12000] =	vst v63  }
0x1c: {  	s9 =	simm.s32 $0x3;
	s8 =	simm.s32 $0xC000  }
0x1d: {  	[tilespmem:s8], [sflag:$0x2] =	stream.indirect.gather [hbm4b:s3+s4], $0x40, s4, s4, $0xb8;
	[tilespmem:$0x12000] =	vst v63  }
0x1e: {  	_ =	swait.ge [sflag:s9], $0x2000  }
0x1f: {  	s16 =	sadd.s32 $0xDFB600, s10;
	[sflag:s9] =	ssyncset.done $0x0  }
0x20: {  	s10 =	sadd.s32 s16, s12;
	[sflag:s9] =	ssyncadd.s32 $0xFFFFE000  }
0x21: {  	[hbm4b:s10+s2] =	stream.linear.scatter [tilespmem:s6], [sflag:$0x7], $0x2000, $0x38;
	[tilespmem:$0x12000] =	vst v63  }
0x22: {  	s11 =	simm.s32 $0x5080;
	s10 =	simm.s32 $0x10000  }
0x23: {  	[tilespmem:s10], [sflag:$0x4] =	stream.indirect.gather [hbm4b:s3+s4], $0x40, s11, s4, $0xb8;
	[tilespmem:$0x12000] =	vst v63  }
0x24: {  	s11 =	simm.s32 $0x2  }
0x25: {  	_ =	swait.ge [sflag:s11], $0x2000  }
0x26: {  	s14 =	sor.u32 $0x400, s12;
	[sflag:s11] =	ssyncset.done $0x0  }
0x27: {  	s12 =	sadd.s32 s15, s14;
	[sflag:s11] =	ssyncadd.s32 $0xFFFFE000  }
0x28: {  	[hbm4b:s12+s2] =	stream.linear.scatter [tilespmem:s8], [sflag:$0x6], $0x2000, $0x38;
	[tilespmem:$0x12000] =	vst v63  }
0x29: {  	s12 =	simm.s32 $0x5  }
0x2a: {  	_ =	swait.ge [sflag:s12], $0x2000  }
0x2b: {  	[sflag:s12] =	ssyncset.done $0x0  }
0x2c: {  	s13 =	simm.s32 $0x100;
	[sflag:s12] =	ssyncadd.s32 $0xFFFFE000  }
0x2d: {  	[tilespmem:s5], [sflag:$0x1] =	stream.indirect.gather [hbm4b:s3+s4], $0x40, s13, s4, $0xb8;
	[tilespmem:$0x12000] =	vst v63  }
0x2e: {  	s13 =	simm.s32 $0x4  }
0x2f: {  	_ =	swait.ge [sflag:s13], $0x2000  }
0x30: {  	[sflag:s13] =	ssyncset.done $0x0  }
0x31: {  	s14 =	sadd.s32 s16, s14;
	[sflag:s13] =	ssyncadd.s32 $0xFFFFE000  }
0x32: {  	[hbm4b:s14+s2] =	stream.linear.scatter [tilespmem:s10], [sflag:$0x8], $0x2000, $0x38;
	[tilespmem:$0x12000] =	vst v63  }
0x33: {  	s18 =	smul.u32 $0x28000, s1;
	s14 =	simm.s32 $0x7  }
0x34: {  	s17 =	simm.s32 $0x5100;
	_ =	swait.ge [sflag:s14], $0x2000  }
0x35: {  	s19 =	simm.s32 $0x0;
	s31 =	sadd.s32 s18, s15;
	[sflag:s14] =	ssyncset.done $0x0  }
0x36: {  	s16 =	sadd.s32 s18, s16;
	s18 =	simm.s32 $0x8;
	[sflag:s14] =	ssyncadd.s32 $0xFFFFE000  }
0x37: {  	[tilespmem:s6], [sflag:$0x3] =	stream.indirect.gather [hbm4b:s3+s4], $0x40, s17, s4, $0xb8;
	[tilespmem:$0x12000] =	vst v63  }
0x38: {  	s15 =	sadd.s32 $0x800, s16;
	s16 =	sadd.s32 $0x800, s31;
	s17 =	simm.s32 $0x6  }
.LBB2_2:
0x39: {  	_ =	swait.ge [sflag:s7], $0x2000  }
0x3a: {  	[sflag:s7] =	ssyncset.done $0x0  }
0x3b: {  	[sflag:s7] =	ssyncadd.s32 $0xFFFFE000  }
0x3c: {  	[hbm4b:s16+s2] =	stream.linear.scatter [tilespmem:s5], [sflag:$0x5], $0x2000, $0x38;
	[tilespmem:$0x12000] =	vst v63  }
0x3d: {  	_ =	swait.ge [sflag:s17], $0x2000  }
0x3e: {  	s20 =	sshra.s32 s19, $0x2;
	[sflag:s17] =	ssyncset.done $0x0  }
0x3f: {  	s21 =	sadd.s32 $0x180, s20;
	[sflag:s17] =	ssyncadd.s32 $0xFFFFE000  }
0x40: {  	[tilespmem:s8], [sflag:$0x2] =	stream.indirect.gather [hbm4b:s3+s4], $0x40, s21, s4, $0xb8;
	[tilespmem:$0x12000] =	vst v63  }
0x41: {  	_ =	swait.ge [sflag:s9], $0x2000  }
0x42: {  	[sflag:s9] =	ssyncset.done $0x0  }
0x43: {  	[sflag:s9] =	ssyncadd.s32 $0xFFFFE000  }
0x44: {  	[hbm4b:s15+s2] =	stream.linear.scatter [tilespmem:s6], [sflag:$0x7], $0x2000, $0x38;
	[tilespmem:$0x12000] =	vst v63  }
0x45: {  	_ =	swait.ge [sflag:s18], $0x2000  }
0x46: {  	[sflag:s18] =	ssyncset.done $0x0  }
0x47: {  	p0 =	seq.s32 s19, $0x13800;
	s30 =	sadd.s32 $0x5180, s20;
	[sflag:s18] =	ssyncadd.s32 $0xFFFFE000  }
0x48: {  	[tilespmem:s10], [sflag:$0x4] =	stream.indirect.gather [hbm4b:s3+s4], $0x40, s30, s4, $0xb8;
	[tilespmem:$0x12000] =	vst v63  }
.Ltmp1:
0x49: {  	_ = 	snop;
	(pc) =	sbr.rel @p0 .LBB2_4-.Ltmp1, $4  }
0x4a: {  	_ =	swait.ge [sflag:s11], $0x2000  }
0x4b: {  	[sflag:s11] =	ssyncset.done $0x0  }
0x4c: {  	s31 =	sadd.s32 $0x400, s16;
	[sflag:s11] =	ssyncadd.s32 $0xFFFFE000  }
0x4d: {  	[hbm4b:s31+s2] =	stream.linear.scatter [tilespmem:s8], [sflag:$0x6], $0x2000, $0x38;
	[tilespmem:$0x12000] =	vst v63  }
0x4e: {  	_ =	swait.ge [sflag:s12], $0x2000  }
0x4f: {  	[sflag:s12] =	ssyncset.done $0x0  }
0x50: {  	s21 =	sadd.s32 $0x200, s20;
	[sflag:s12] =	ssyncadd.s32 $0xFFFFE000  }
0x51: {  	[tilespmem:s5], [sflag:$0x1] =	stream.indirect.gather [hbm4b:s3+s4], $0x40, s21, s4, $0xb8;
	[tilespmem:$0x12000] =	vst v63  }
0x52: {  	_ =	swait.ge [sflag:s13], $0x2000  }
0x53: {  	[sflag:s13] =	ssyncset.done $0x0  }
0x54: {  	s30 =	sadd.s32 $0x400, s15;
	[sflag:s13] =	ssyncadd.s32 $0xFFFFE000  }
0x55: {  	[hbm4b:s30+s2] =	stream.linear.scatter [tilespmem:s10], [sflag:$0x8], $0x2000, $0x38;
	[tilespmem:$0x12000] =	vst v63  }
.Ltmp2:
0x56: {  	_ = 	snop;
	(pc) =	sbr.rel .LBB2_2-.Ltmp2, $4  }
0x57: {  	_ =	swait.ge [sflag:s14], $0x2000  }
0x58: {  	s31 =	sadd.s32 $0x5200, s20;
	s19 =	sadd.s32 $0x400, s19;
	[sflag:s14] =	ssyncset.done $0x0  }
0x59: {  	s15 =	sadd.s32 $0x800, s15;
	s16 =	sadd.s32 $0x800, s16;
	[sflag:s14] =	ssyncadd.s32 $0xFFFFE000  }
0x5a: {  	[tilespmem:s6], [sflag:$0x3] =	stream.indirect.gather [hbm4b:s3+s4], $0x40, s31, s4, $0xb8;
	[tilespmem:$0x12000] =	vst v63  }
.LBB2_4:
0x5b: {  	s2 =	simm.s32 $0x4  }
0x5c: {  	_ =	swait.ge [sflag:s2], $0x2000  }
0x5d: {  	s29 =	sadd.s32 $0x400, s15;
	s3 =	simm.s32 $0x0;
	[sflag:s2] =	ssyncset.done $0x0  }
0x5e: {  	s4 =	simm.s32 $0x10000;
	s30 =	simm.s32 $0x6;
	[sflag:s2] =	ssyncadd.s32 $0xFFFFE000  }
0x5f: {  	[hbm4b:s29+s3] =	stream.linear.scatter [tilespmem:s4], [sflag:$0x8], $0x2000, $0x38;
	[tilespmem:$0x12000] =	vst v63  }
0x60: {  	_ =	swait.ge [sflag:s30], $0x2000  }
0x61: {  	[sflag:s30] =	ssyncset.done $0x0  }
0x62: {  	s31 =	simm.s32 $0x8;
	[sflag:s30] =	ssyncadd.s32 $0xFFFFE000  }
0x63: {  	_ =	swait.ge [sflag:s31], $0x2000  }
0x64: {  	[sflag:s31] =	ssyncset.done $0x0  }
0x65: {  	[sflag:s31] =	ssyncadd.s32 $0xFFFFE000  }
.LBB2_5:
0x66: {  	_ =	sfence.sel $0x180000  }
0x67: {  	[bflag:$0x0] =	sbarrier.arrive $0xFFFF  }
0x68: {  	p0 =	sne.s32 s1, $0x0;
	_ =	strace $0x90000056  }
0x69: {  	s0 =	sadd.s32 @!p0 $0x100000, s0;
	[bflag:$0x2] =	sbarrier.arrive $0xFFFF  }
0x6a: {  	[sflag:s0] =	ssyncadd.tile.s32 @!p0 $0x1;
	_ =	shalt  }
.Lfunc_end2:
_tile_overlayer_lowered:
.L_overlay_start_2:
0x6b: {  	(tag) =	ssettag $0x2  }
0x6c: {  	s0 =	rddreg [dreg:$0x0];
	s2 =	stileid.u32  }
0x6d: {  	s1 =	rddreg [dreg:$0x1];
	p0 =	sne.s32 s2, $0x0  }
0x6e: {  	s3 =	rddreg [dreg:$0x2];
	[bflag:$0x3] =	sbarrier.arrive $0xFFFF;
	s2 =	simm.s32 @!p0 $0x1C09  }
0x6f: {  	[timem:s3], [sflag:s2] =	dma.local @!p0 [hbm:s0], s1  }
0x70: {  	s0 =	simm.s32 @!p0 $0x9  }
0x71: {  	_ =	swait.ge @!p0 [sflag:s0], s1  }
0x72: {  	s1 =	ssub.s32 @!p0 $0x0, s1;
	[sflag:s0] =	ssyncset.done @!p0 $0x0  }
0x73: {  	[sflag:s0] =	ssyncadd.s32 @!p0 s1  }
0x74: {  	[bflag:$0x3] =	sbarrier.arrive $0xFFFF  }
0x75: {  	_ =	shalt  }

// kernel: sc_gather2_64.5.cloned.1.call-start
scs
__scs_entry_jumppad:
0x0: {  	(pc) =	sbr.rel $0x88, $3  }
0x1: {  	(tag) =	ssettag $0x0;
	lr =	simm.s32 $0x1  }
0x2: {  	[smem:$0x3F60] =	sst lr;
	_ =	strace $0xD0000000  }
0x3: {  	_ = 	snop  }
0x4: {  	_ = 	snop  }
0x5: {  	_ = 	snop  }
0x6: {  	_ = 	snop  }
0x7: {  	_ = 	snop  }
__scs_overlays_trampoline_lowered:
0x8: {  	[smem:$0x3F6F] =	sst s0  }
0x9: {  	[smem:$0x3F70] =	sst s1  }
0xa: {  	[smem:$0x3F71] =	sst s2  }
0xb: {  	[smem:$0x3F72] =	sst s3  }
0xc: {  	[smem:$0x3F73] =	sst s4  }
0xd: {  	[smem:$0x3F74] =	sst s5  }
0xe: {  	[smem:$0x3F75] =	sst s6  }
0xf: {  	[smem:$0x3F76] =	sst s7  }
0x10: {  	[smem:$0x3F77] =	sst s8  }
0x11: {  	[smem:$0x3F78] =	sst s9;
	s0 =	simm.s32 @!p0 $0x0  }
0x12: {  	s1 =	sld [smem:$0x3F5E];
	s0 =	simm.s32 @p0 $0x1  }
0x13: {  	[smem:$0x3F79] =	sst s0;
	s0 =	simm.s32 @!p1 $0x0  }
0x14: {  	s2 =	sld [smem:$0x3F5D];
	s0 =	simm.s32 @p1 $0x1  }
0x15: {  	[smem:$0x3F7A] =	sst s0;
	s0 =	simm.s32 @!p2 $0x0  }
0x16: {  	s3 =	sld [smem:$0x3FDB];
	s0 =	simm.s32 @p2 $0x1  }
0x17: {  	s4 =	simm.s32 $0x1BF5;
	[smem:$0x3F7C] =	sst s0  }
0x18: {  	s0 =	sld [smem:$0x3F5F];
	_ =	swait.ge [sflag:s4], $0x0  }
0x19: {  	s7 =	sld [smem:$0x3F60]  }
0x1a: {  	s8 =	sadd.s32 $0xFFFFE003, lr  }
0x1b: {  	s9 =	sadd.s32 $0xFFFFFEF7, lr;
	s5 =	simm.s32 $0xFFFFFFFF;
	p2 =	slt.u32 s8, $0xFFFFF086  }
0x1c: {  	p1 =	slt.u32 s9, $0xF7A;
	s5 =	simm.s32 @!p2 $0x0  }
0x1d: {  	s5 =	simm.s32 @p1 $0x1;
	p0 =	seq.s32 s7, s2  }
0x1e: {  	s7 =	smul.u32 @!p0 $0xF7A, s2;
	p2 =	seq.s32 @!p0 s5, $0x0  }
0x1f: {  	s9 =	smul.u32 $0xF7A, s1;
	s8 =	simm.s32 @!p0 $0x1BF5;
	p2 =	por !p2, p0  }
0x20: {  	[sflag:s8] =	ssyncset.s32 @!p0 $0xFFFFF086;
	s6 =	sadd.s32 @!p0 s3, s7;
	s7 =	simm.s32 @!p0 $0x108  }
0x21: {  	s3 =	sadd.s32 s3, s9;
	s6 =	sadd.s32 @!p0 $0x88, s6;
	s7 =	simm.s32 @p2 $0x1082  }
0x22: {  	[simem:s7], [sflag:s8] =	dma.local @!p0 [hbm:s6], $0xF7A  }
0x23: {  	s9 =	sor.u32 $0xD0000000, s2;
	s6 =	simm.s32 $0x108;
	_ =	swait.ge @!p0 [sflag:s8], $0x0  }
0x24: {  	s3 =	sadd.s32 $0x88, s3;
	s6 =	simm.s32 @!p1 $0x1082;
	[sflag:s4] =	ssyncset.s32 $0xFFFFF086  }
0x25: {  	[simem:s6], [sflag:s4] =	dma.local [hbm:s3], $0xF7A  }
0x26: {  	[smem:$0x3F60] =	sst s1;
	(tag) =	ssettag s2;
	_ =	strace s9  }
0x27: {  	s1 =	sld [smem:$0x3F70]  }
0x28: {  	s2 =	sld [smem:$0x3F71]  }
0x29: {  	s4 =	sld [smem:$0x3F73]  }
0x2a: {  	p0 =	seq.s32 s5, $0x0;
	s5 =	sld [smem:$0x3F74]  }
0x2b: {  	s6 =	sld [smem:$0x3F75]  }
0x2c: {  	s7 =	sld [smem:$0x3F76]  }
0x2d: {  	s3 =	simm.s32 $0x108;
	s8 =	sld [smem:$0x3F77]  }
0x2e: {  	s3 =	simm.s32 @!p0 $0x1082;
	s9 =	sld [smem:$0x3F78]  }
0x2f: {  	lr =	sadd.s32 s0, s3;
	s0 =	sld [smem:$0x3F6F]  }
0x30: {  	s3 =	sld [smem:$0x3F72]  }
0x31: {  	[smem:$0x3F7B] =	sst s10  }
0x32: {  	s10 =	sld [smem:$0x3F79];
	_ =	sdelay $0x3  }
0x33: {  	p0 =	seq.s32 s10, $0x1;
	s10 =	sld [smem:$0x3F7B];
	_ =	sdelay $0x3  }
0x34: {  	[smem:$0x3F7B] =	sst s10  }
0x35: {  	s10 =	sld [smem:$0x3F7A];
	_ =	sdelay $0x3  }
0x36: {  	p1 =	seq.s32 s10, $0x1;
	s10 =	sld [smem:$0x3F7B];
	_ =	sdelay $0x3  }
0x37: {  	[smem:$0x3F7B] =	sst s10  }
0x38: {  	s10 =	sld [smem:$0x3F7C]  }
0x39: {  	_ = 	snop;
	(pc) =	sbr.ind lr, $3  }
0x3a: {  	_ = 	snop  }
0x3b: {  	_ = 	snop  }
0x3c: {  	p2 =	seq.s32 s10, $0x1;
	s10 =	sld [smem:$0x3F7B]  }
0x3d: {  	_ =	shalt  }
0x3e: {  	_ =	shalt  }
0x3f: {  	_ =	shalt  }
0x40: {  	_ =	shalt  }
0x41: {  	_ =	shalt  }
0x42: {  	_ =	shalt  }
0x43: {  	_ =	shalt  }
0x44: {  	_ =	shalt  }
0x45: {  	_ =	shalt  }
0x46: {  	_ =	shalt  }
0x47: {  	_ =	shalt  }
0x48: {  	_ =	shalt  }
0x49: {  	_ =	shalt  }
0x4a: {  	_ =	shalt  }
0x4b: {  	_ =	shalt  }
0x4c: {  	_ =	shalt  }
0x4d: {  	_ =	shalt  }
0x4e: {  	_ =	shalt  }
0x4f: {  	_ =	shalt  }
0x50: {  	_ =	shalt  }
0x51: {  	_ =	shalt  }
0x52: {  	_ =	shalt  }
0x53: {  	_ =	shalt  }
0x54: {  	_ =	shalt  }
0x55: {  	_ =	shalt  }
0x56: {  	_ =	shalt  }
0x57: {  	_ =	shalt  }
0x58: {  	_ =	shalt  }
0x59: {  	_ =	shalt  }
0x5a: {  	_ =	shalt  }
0x5b: {  	_ =	shalt  }
0x5c: {  	_ =	shalt  }
0x5d: {  	_ =	shalt  }
0x5e: {  	_ =	shalt  }
0x5f: {  	_ =	shalt  }
0x60: {  	_ =	shalt  }
0x61: {  	_ =	shalt  }
0x62: {  	_ =	shalt  }
0x63: {  	_ =	shalt  }
0x64: {  	_ =	shalt  }
0x65: {  	_ =	shalt  }
0x66: {  	_ =	shalt  }
0x67: {  	_ =	shalt  }
0x68: {  	_ =	shalt  }
0x69: {  	_ =	shalt  }
0x6a: {  	_ =	shalt  }
0x6b: {  	_ =	shalt  }
0x6c: {  	_ =	shalt  }
0x6d: {  	_ =	shalt  }
0x6e: {  	_ =	shalt  }
0x6f: {  	_ =	shalt  }
0x70: {  	_ =	shalt  }
0x71: {  	_ =	shalt  }
0x72: {  	_ =	shalt  }
0x73: {  	_ =	shalt  }
0x74: {  	_ =	shalt  }
0x75: {  	_ =	shalt  }
0x76: {  	_ =	shalt  }
0x77: {  	_ =	shalt  }
0x78: {  	_ =	shalt  }
0x79: {  	_ =	shalt  }
0x7a: {  	_ =	shalt  }
0x7b: {  	_ =	shalt  }
0x7c: {  	_ =	shalt  }
0x7d: {  	_ =	shalt  }
0x7e: {  	_ =	shalt  }
0x7f: {  	_ =	shalt  }
0x80: {  	_ =	shalt  }
0x81: {  	_ =	shalt  }
0x82: {  	_ =	shalt  }
0x83: {  	_ =	shalt  }
0x84: {  	_ =	shalt  }
0x85: {  	_ =	shalt  }
0x86: {  	_ =	shalt  }
0x87: {  	_ =	shalt  }
.Lfunc_end0:
.L_simem_size_0:
called_computation.1_lowered:
.L_overlay_start_0:
0x88: {  	s2 =	sld [smem:$0x3FD9]  }
0x89: {  	s3 =	sld [smem:$0x3FFE];
	_ =	sdelay $0x1  }
0x8a: {  	s1 =	srdreg.scid  }
0x8b: {  	s0 =	sand.u32 $0x1, s1  }
0x8c: {  	s17 =	sshll.u32 s0, $0xA;
	s2 =	sadd.s32 s3, s2  }
0x8d: {  	s2 =	sadd.s32 s2, s17  }
0x8e: {  	[smem:$0x3F87] =	sst s2  }
0x8f: {  	_ = 	snop  }
0x90: {  	(tm) =	ssettm $0x1  }
0x91: {  	s18 =	sld [smem:$0x3FFB];
	_ =	sdelay $0x3  }
0x92: {  	_ =	strace s18  }
0x93: {  	s2 =	sld [smem:$0x3FFC];
	_ =	sdelay $0x3  }
0x94: {  	_ =	strace s2  }
0x95: {  	s2 =	sld [smem:$0x3FFD];
	_ =	sdelay $0x3  }
0x96: {  	_ =	strace s2  }
0x97: {  	_ =	strace $0x8FFFFFFF  }
0x98: {  	s19 =	sld [smem:$0x3FDB];
	_ =	sdelay $0x1  }
0x99: {  	s20 =	simm.s32 $_scs_section_size  }
0x9a: {  	s4 =	simm.s32 $_size__tile_overlayer_lowered;
	s5 =	simm.s32 $_tile_overlayer_lowered  }
0x9b: {  	s6 =	simm.s32 $0x1BFF;
	s21 =	sshll.u32 s5, $0x1;
	s3 =	sadd.s32 s20, s19  }
0x9c: {  	s22 =	simm.s32 $0x0;
	s4 =	sshll.u32 s4, $0x1;
	s5 =	sadd.s32 s21, s3  }
0x9d: {  	[timem:s22], [sflag:s6] =	dma.local [hbm:s5], s4  }
0x9e: {  	_ =	swait.ge [sflag:s6], s4  }
0x9f: {  	s4 =	ssub.s32 $0x0, s4;
	[sflag:s6] =	ssyncset.done $0x0  }
0xa0: {  	[sflag:s6] =	ssyncadd.s32 s4;
	_ =	sdelay $0x1  }
0xa1: {  	s23 =	simm.s32 $0x1B8B  }
0xa2: {  	_ =	swait.ge [sflag:s23], $0x1  }
0xa3: {  	[sflag:s23] =	ssyncset.done $0x0  }
0xa4: {  	[sflag:s23] =	ssyncadd.s32 $0xFFFFFFFF  }
0xa5: {  	s4 =	sld [smem:$0x0]  }
0xa6: {  	s5 =	sand.u32 $0xFFFFFFFE, s1  }
0xa7: {  	p0 =	sne.s32 s1, s5  }
0xa8: {  	s5 =	sshll.u32 @p0 s5, $0xE  }
0xa9: {  	s5 =	sadd.s32 @p0 $0x11B8D, s5;
	s6 =	sshll.u32 @p0 s4, $0x11  }
0xaa: {  	s5 =	sor.u32 @p0 s6, s5  }
0xab: {  	[sflag:s5] =	ssyncadd.remote.s32 @p0 $0x1;
	_ =	sdelay $0x1  }
0xac: {  	s5 =	simm.s32 @p0 $0x1B8D  }
0xad: {  	_ =	swait.eq @p0 [sflag:s5], $0x1  }
0xae: {  	[sflag:s5] =	ssyncadd.s32 @p0 $0xFFFFFFFF  }
0xaf: {  	s6 =	sshll.u32 @!p0 s1, $0xE  }
0xb0: {  	s6 =	sor.u32 @!p0 $0x4000, s6;
	s5 =	simm.s32 @!p0 $0x1B8D  }
0xb1: {  	s4 =	sshll.u32 @!p0 s4, $0x11;
	s6 =	sadd.s32 @!p0 $0x11B8D, s6;
	_ =	swait.eq @!p0 [sflag:s5], $0x1  }
0xb2: {  	s4 =	sor.u32 @!p0 s4, s6;
	[sflag:s5] =	ssyncadd.s32 @!p0 $0xFFFFFFFF  }
0xb3: {  	s25 =	simm.s32 $0x1B8E;
	s24 =	sld [smem:$0x3FFE];
	[sflag:s4] =	ssyncadd.remote.s32 @!p0 $0x1  }
0xb4: {  	s26 =	simm.s32 $execute0_lowered;
	[smem:$0x3FD2] =	sst s25  }
0xb5: {  	s5 =	sshll.u32 s26, $0x1;
	_ =	strace $0x80000049;
	[dreg:$0x1] =	wrdreg $0xFFFFFFFF  }
0xb6: {  	s28 =	simm.s32 $_size_execute0_lowered;
	s3 =	sadd.s32 s3, s5;
	[dreg:$0x0] =	wrdreg $0x0  }
0xb7: {  	s5 =	sshll.u32 s28, $0x1;
	[dreg:$0x2] =	wrdreg s3  }
0xb8: {  	[dreg:$0x3] =	wrdreg s5  }
0xb9: {  	[dreg:$0x4] =	wrdreg $0xC0  }
0xba: {  	_ =	task [dreg:s22], $0x5FFFF  }
0xbb: {  	[dreg:$0x1] =	wrdreg $0xFFFFFFFF  }
0xbc: {  	[dreg:$0x0] =	wrdreg $0x60  }
0xbd: {  	[dreg:$0x2] =	wrdreg s24  }
0xbe: {  	[dreg:$0x3] =	wrdreg $0xA  }
0xbf: {  	_ =	task.clear_ibuf [dreg:s22], $0x4FFFF;
	_ =	strace $0x90000049  }
0xc0: {  	s29 =	simm.s32 $0xA;
	_ =	strace $0x8000004B  }
0xc1: {  	_ =	swait.ge [sflag:s29], $0x1  }
0xc2: {  	[sflag:s29] =	ssyncadd.s32 $0xFFFFFFFF  }
0xc3: {  	_ =	strace $0x9000004B  }
0xc4: {  	_ =	sfence  }
0xc5: {  	s30 =	sld [smem:$0x0];
	_ =	sdelay $0x2  }
0xc6: {  	s31 =	sshll.u32 s1, $0xD;
	s1 =	sshrl.u32 s1, $0x2  }
0xc7: {  	s4 =	sand.u32 $0x4000, s31;
	s1 =	sadd.s32 s1, s30  }
0xc8: {  	s0 =	sor.u32 s4, s0;
	s1 =	sshll.u32 s1, $0x11  }
0xc9: {  	s0 =	sor.u32 s1, s0  }
0xca: {  	s0 =	sadd.s32 $0x8F2B, s0  }
0xcb: {  	[sflag:s0] =	ssyncadd.remote.s32 $0x1  }
0xcc: {  	_ =	sfence.sel $0xFFFF  }
0xcd: {  	[dreg:$0x0] =	wrdreg $0xFFFFFFFF;
	(pc) =	sbr.abs _section_cstart, $3  }
0xce: {  	[dreg:$0x1] =	wrdreg $0xFFFFFFFF  }
0xcf: {  	_ =	task.clear_ibuf [dreg:s22], $0x2FFFF;
	_ =	strace $0x9FFFFFFF  }
0xd0: {  	(tm) =	ssettm $0x7FFFFFFF  }
0xd1: {  	_ =	shalt  }
tec
execute0_lowered:
.L_overlay_start_1:
0x0: {  	(tag) =	ssettag $0x1  }
0x1: {  	s1 =	srdreg.scid  }
0x2: {  	s1 =	sand.u32 $0x1, s1  }
0x3: {  	p0 =	seq.s32 s1, $0x1  }
.Ltmp0:
0x4: {  	_ = 	snop;
	(pc) =	sbr.rel @p0 .LBB2_5-.Ltmp0, $4  }
0x5: {  	_ = 	snop  }
0x6: {  	s10 =	rddreg [dreg:$0x0];
	s2 =	simm.s32 $0x0  }
0x7: {  	[smem:$0x7FF] =	sst s2  }
0x8: {  	s0 =	rddreg [dreg:$0x1];
	_ =	strace $0x8000004A;
	s1 =	stileid.u32  }
0x9: {  	s3 =	smul.u32 $0xA00, s1  }
0xa: {  	s4 =	sadd.s32 $0x3F1600, s10  }
0xb: {  	s30 =	simm.s32 $0x9;
	s4 =	sadd.s32 s4, s3  }
0xc: {  	[tilespmem:s2], [sflag:$0x9] =	stream.linear.gather [hbm4b:s4+s2], $0x5000, $0x38;
	[tilespmem:$0x12000] =	vst v63  }
0xd: {  	_ =	swait.ge [sflag:s30], $0x5000  }
0xe: {  	s5 =	sadd.s32 $0x3E7600, s10;
	[sflag:s30] =	ssyncset.done $0x0  }
0xf: {  	s7 =	simm.s32 $0x5000;
	s3 =	sadd.s32 s5, s3;
	[sflag:s30] =	ssyncadd.s32 $0xFFFFB000  }
0x10: {  	[tilespmem:s7], [sflag:$0x9] =	stream.linear.gather [hbm4b:s3+s2], $0x5000, $0x38;
	[tilespmem:$0x12000] =	vst v63  }
0x11: {  	_ =	swait.ge [sflag:s30], $0x5000  }
0x12: {  	s5 =	simm.s32 $0xA000;
	[sflag:s30] =	ssyncset.done $0x0  }
0x13: {  	s4 =	simm.s32 $0x80;
	s3 =	sadd.s32 $0x18F600, s10;
	[sflag:s30] =	ssyncadd.s32 $0xFFFFB000  }
0x14: {  	[tilespmem:s5], [sflag:$0x1] =	stream.indirect.gather [hbm4b:s3+s4], $0x40, s2, s4, $0xb8;
	[tilespmem:$0x12000] =	vst v63  }
0x15: {  	s6 =	simm.s32 $0xE000  }
0x16: {  	[tilespmem:s6], [sflag:$0x3] =	stream.indirect.gather [hbm4b:s3+s4], $0x40, s7, s4, $0xb8;
	[tilespmem:$0x12000] =	vst v63  }
0x17: {  	s8 =	smul.u32 $0x140000, s1;
	s7 =	simm.s32 $0x1  }
0x18: {  	_ =	swait.ge [sflag:s7], $0x2000  }
0x19: {  	s15 =	sadd.s32 $0x3FB600, s10;
	s12 =	sshrl.u32 s8, $0x3;
	[sflag:s7] =	ssyncset.done $0x0  }
0x1a: {  	s8 =	sadd.s32 s15, s12;
	[sflag:s7] =	ssyncadd.s32 $0xFFFFE000  }
0x1b: {  	[hbm4b:s8+s2] =	stream.linear.scatter [tilespmem:s5], [sflag:$0x5], $0x2000, $0x38;
	[tilespmem:$0x12000] =	vst v63  }
0x1c: {  	s9 =	simm.s32 $0x3;
	s8 =	simm.s32 $0xC000  }
0x1d: {  	[tilespmem:s8], [sflag:$0x2] =	stream.indirect.gather [hbm4b:s3+s4], $0x40, s4, s4, $0xb8;
	[tilespmem:$0x12000] =	vst v63  }
0x1e: {  	_ =	swait.ge [sflag:s9], $0x2000  }
0x1f: {  	s16 =	sadd.s32 $0x67B600, s10;
	[sflag:s9] =	ssyncset.done $0x0  }
0x20: {  	s10 =	sadd.s32 s16, s12;
	[sflag:s9] =	ssyncadd.s32 $0xFFFFE000  }
0x21: {  	[hbm4b:s10+s2] =	stream.linear.scatter [tilespmem:s6], [sflag:$0x7], $0x2000, $0x38;
	[tilespmem:$0x12000] =	vst v63  }
0x22: {  	s11 =	simm.s32 $0x5080;
	s10 =	simm.s32 $0x10000  }
0x23: {  	[tilespmem:s10], [sflag:$0x4] =	stream.indirect.gather [hbm4b:s3+s4], $0x40, s11, s4, $0xb8;
	[tilespmem:$0x12000] =	vst v63  }
0x24: {  	s11 =	simm.s32 $0x2  }
0x25: {  	_ =	swait.ge [sflag:s11], $0x2000  }
0x26: {  	s14 =	sor.u32 $0x400, s12;
	[sflag:s11] =	ssyncset.done $0x0  }
0x27: {  	s12 =	sadd.s32 s15, s14;
	[sflag:s11] =	ssyncadd.s32 $0xFFFFE000  }
0x28: {  	[hbm4b:s12+s2] =	stream.linear.scatter [tilespmem:s8], [sflag:$0x6], $0x2000, $0x38;
	[tilespmem:$0x12000] =	vst v63  }
0x29: {  	s12 =	simm.s32 $0x5  }
0x2a: {  	_ =	swait.ge [sflag:s12], $0x2000  }
0x2b: {  	[sflag:s12] =	ssyncset.done $0x0  }
0x2c: {  	s13 =	simm.s32 $0x100;
	[sflag:s12] =	ssyncadd.s32 $0xFFFFE000  }
0x2d: {  	[tilespmem:s5], [sflag:$0x1] =	stream.indirect.gather [hbm4b:s3+s4], $0x40, s13, s4, $0xb8;
	[tilespmem:$0x12000] =	vst v63  }
0x2e: {  	s13 =	simm.s32 $0x4  }
0x2f: {  	_ =	swait.ge [sflag:s13], $0x2000  }
0x30: {  	[sflag:s13] =	ssyncset.done $0x0  }
0x31: {  	s14 =	sadd.s32 s16, s14;
	[sflag:s13] =	ssyncadd.s32 $0xFFFFE000  }
0x32: {  	[hbm4b:s14+s2] =	stream.linear.scatter [tilespmem:s10], [sflag:$0x8], $0x2000, $0x38;
	[tilespmem:$0x12000] =	vst v63  }
0x33: {  	s18 =	smul.u32 $0x28000, s1;
	s14 =	simm.s32 $0x7  }
0x34: {  	s17 =	simm.s32 $0x5100;
	_ =	swait.ge [sflag:s14], $0x2000  }
0x35: {  	s19 =	simm.s32 $0x0;
	s31 =	sadd.s32 s18, s15;
	[sflag:s14] =	ssyncset.done $0x0  }
0x36: {  	s16 =	sadd.s32 s18, s16;
	s18 =	simm.s32 $0x8;
	[sflag:s14] =	ssyncadd.s32 $0xFFFFE000  }
0x37: {  	[tilespmem:s6], [sflag:$0x3] =	stream.indirect.gather [hbm4b:s3+s4], $0x40, s17, s4, $0xb8;
	[tilespmem:$0x12000] =	vst v63  }
0x38: {  	s15 =	sadd.s32 $0x800, s16;
	s16 =	sadd.s32 $0x800, s31;
	s17 =	simm.s32 $0x6  }
.LBB2_2:
0x39: {  	_ =	swait.ge [sflag:s7], $0x2000  }
0x3a: {  	[sflag:s7] =	ssyncset.done $0x0  }
0x3b: {  	[sflag:s7] =	ssyncadd.s32 $0xFFFFE000  }
0x3c: {  	[hbm4b:s16+s2] =	stream.linear.scatter [tilespmem:s5], [sflag:$0x5], $0x2000, $0x38;
	[tilespmem:$0x12000] =	vst v63  }
0x3d: {  	_ =	swait.ge [sflag:s17], $0x2000  }
0x3e: {  	s20 =	sshra.s32 s19, $0x2;
	[sflag:s17] =	ssyncset.done $0x0  }
0x3f: {  	s21 =	sadd.s32 $0x180, s20;
	[sflag:s17] =	ssyncadd.s32 $0xFFFFE000  }
0x40: {  	[tilespmem:s8], [sflag:$0x2] =	stream.indirect.gather [hbm4b:s3+s4], $0x40, s21, s4, $0xb8;
	[tilespmem:$0x12000] =	vst v63  }
0x41: {  	_ =	swait.ge [sflag:s9], $0x2000  }
0x42: {  	[sflag:s9] =	ssyncset.done $0x0  }
0x43: {  	[sflag:s9] =	ssyncadd.s32 $0xFFFFE000  }
0x44: {  	[hbm4b:s15+s2] =	stream.linear.scatter [tilespmem:s6], [sflag:$0x7], $0x2000, $0x38;
	[tilespmem:$0x12000] =	vst v63  }
0x45: {  	_ =	swait.ge [sflag:s18], $0x2000  }
0x46: {  	[sflag:s18] =	ssyncset.done $0x0  }
0x47: {  	p0 =	seq.s32 s19, $0x13800;
	s30 =	sadd.s32 $0x5180, s20;
	[sflag:s18] =	ssyncadd.s32 $0xFFFFE000  }
0x48: {  	[tilespmem:s10], [sflag:$0x4] =	stream.indirect.gather [hbm4b:s3+s4], $0x40, s30, s4, $0xb8;
	[tilespmem:$0x12000] =	vst v63  }
.Ltmp1:
0x49: {  	_ = 	snop;
	(pc) =	sbr.rel @p0 .LBB2_4-.Ltmp1, $4  }
0x4a: {  	_ =	swait.ge [sflag:s11], $0x2000  }
0x4b: {  	[sflag:s11] =	ssyncset.done $0x0  }
0x4c: {  	s31 =	sadd.s32 $0x400, s16;
	[sflag:s11] =	ssyncadd.s32 $0xFFFFE000  }
0x4d: {  	[hbm4b:s31+s2] =	stream.linear.scatter [tilespmem:s8], [sflag:$0x6], $0x2000, $0x38;
	[tilespmem:$0x12000] =	vst v63  }
0x4e: {  	_ =	swait.ge [sflag:s12], $0x2000  }
0x4f: {  	[sflag:s12] =	ssyncset.done $0x0  }
0x50: {  	s21 =	sadd.s32 $0x200, s20;
	[sflag:s12] =	ssyncadd.s32 $0xFFFFE000  }
0x51: {  	[tilespmem:s5], [sflag:$0x1] =	stream.indirect.gather [hbm4b:s3+s4], $0x40, s21, s4, $0xb8;
	[tilespmem:$0x12000] =	vst v63  }
0x52: {  	_ =	swait.ge [sflag:s13], $0x2000  }
0x53: {  	[sflag:s13] =	ssyncset.done $0x0  }
0x54: {  	s30 =	sadd.s32 $0x400, s15;
	[sflag:s13] =	ssyncadd.s32 $0xFFFFE000  }
0x55: {  	[hbm4b:s30+s2] =	stream.linear.scatter [tilespmem:s10], [sflag:$0x8], $0x2000, $0x38;
	[tilespmem:$0x12000] =	vst v63  }
.Ltmp2:
0x56: {  	_ = 	snop;
	(pc) =	sbr.rel .LBB2_2-.Ltmp2, $4  }
0x57: {  	_ =	swait.ge [sflag:s14], $0x2000  }
0x58: {  	s31 =	sadd.s32 $0x5200, s20;
	s19 =	sadd.s32 $0x400, s19;
	[sflag:s14] =	ssyncset.done $0x0  }
0x59: {  	s15 =	sadd.s32 $0x800, s15;
	s16 =	sadd.s32 $0x800, s16;
	[sflag:s14] =	ssyncadd.s32 $0xFFFFE000  }
0x5a: {  	[tilespmem:s6], [sflag:$0x3] =	stream.indirect.gather [hbm4b:s3+s4], $0x40, s31, s4, $0xb8;
	[tilespmem:$0x12000] =	vst v63  }
.LBB2_4:
0x5b: {  	s2 =	simm.s32 $0x4  }
0x5c: {  	_ =	swait.ge [sflag:s2], $0x2000  }
0x5d: {  	s29 =	sadd.s32 $0x400, s15;
	s3 =	simm.s32 $0x0;
	[sflag:s2] =	ssyncset.done $0x0  }
0x5e: {  	s4 =	simm.s32 $0x10000;
	s30 =	simm.s32 $0x6;
	[sflag:s2] =	ssyncadd.s32 $0xFFFFE000  }
0x5f: {  	[hbm4b:s29+s3] =	stream.linear.scatter [tilespmem:s4], [sflag:$0x8], $0x2000, $0x38;
	[tilespmem:$0x12000] =	vst v63  }
0x60: {  	_ =	swait.ge [sflag:s30], $0x2000  }
0x61: {  	[sflag:s30] =	ssyncset.done $0x0  }
0x62: {  	s31 =	simm.s32 $0x8;
	[sflag:s30] =	ssyncadd.s32 $0xFFFFE000  }
0x63: {  	_ =	swait.ge [sflag:s31], $0x2000  }
0x64: {  	[sflag:s31] =	ssyncset.done $0x0  }
0x65: {  	[sflag:s31] =	ssyncadd.s32 $0xFFFFE000  }
.LBB2_5:
0x66: {  	_ =	sfence.sel $0x180000  }
0x67: {  	[bflag:$0x0] =	sbarrier.arrive $0xFFFF  }
0x68: {  	p0 =	sne.s32 s1, $0x0;
	_ =	strace $0x9000004A  }
0x69: {  	s0 =	sadd.s32 @!p0 $0x100000, s0;
	[bflag:$0x2] =	sbarrier.arrive $0xFFFF  }
0x6a: {  	[sflag:s0] =	ssyncadd.tile.s32 @!p0 $0x1;
	_ =	shalt  }
.Lfunc_end2:
_tile_overlayer_lowered:
.L_overlay_start_2:
0x6b: {  	(tag) =	ssettag $0x2  }
0x6c: {  	s0 =	rddreg [dreg:$0x0];
	s2 =	stileid.u32  }
0x6d: {  	s1 =	rddreg [dreg:$0x1];
	p0 =	sne.s32 s2, $0x0  }
0x6e: {  	s3 =	rddreg [dreg:$0x2];
	[bflag:$0x3] =	sbarrier.arrive $0xFFFF;
	s2 =	simm.s32 @!p0 $0x1C09  }
0x6f: {  	[timem:s3], [sflag:s2] =	dma.local @!p0 [hbm:s0], s1  }
0x70: {  	s0 =	simm.s32 @!p0 $0x9  }
0x71: {  	_ =	swait.ge @!p0 [sflag:s0], s1  }
0x72: {  	s1 =	ssub.s32 @!p0 $0x0, s1;
	[sflag:s0] =	ssyncset.done @!p0 $0x0  }
0x73: {  	[sflag:s0] =	ssyncadd.s32 @!p0 s1  }
0x74: {  	[bflag:$0x3] =	sbarrier.arrive $0xFFFF  }
0x75: {  	_ =	shalt  }

// kernel: sc_gather2_64.8.cloned.1.call-start
scs
__scs_entry_jumppad:
0x0: {  	(pc) =	sbr.rel $0x88, $3  }
0x1: {  	(tag) =	ssettag $0x0;
	lr =	simm.s32 $0x1  }
0x2: {  	[smem:$0x3F60] =	sst lr;
	_ =	strace $0xD0000000  }
0x3: {  	_ = 	snop  }
0x4: {  	_ = 	snop  }
0x5: {  	_ = 	snop  }
0x6: {  	_ = 	snop  }
0x7: {  	_ = 	snop  }
__scs_overlays_trampoline_lowered:
0x8: {  	[smem:$0x3F6F] =	sst s0  }
0x9: {  	[smem:$0x3F70] =	sst s1  }
0xa: {  	[smem:$0x3F71] =	sst s2  }
0xb: {  	[smem:$0x3F72] =	sst s3  }
0xc: {  	[smem:$0x3F73] =	sst s4  }
0xd: {  	[smem:$0x3F74] =	sst s5  }
0xe: {  	[smem:$0x3F75] =	sst s6  }
0xf: {  	[smem:$0x3F76] =	sst s7  }
0x10: {  	[smem:$0x3F77] =	sst s8  }
0x11: {  	[smem:$0x3F78] =	sst s9;
	s0 =	simm.s32 @!p0 $0x0  }
0x12: {  	s1 =	sld [smem:$0x3F5E];
	s0 =	simm.s32 @p0 $0x1  }
0x13: {  	[smem:$0x3F79] =	sst s0;
	s0 =	simm.s32 @!p1 $0x0  }
0x14: {  	s2 =	sld [smem:$0x3F5D];
	s0 =	simm.s32 @p1 $0x1  }
0x15: {  	[smem:$0x3F7A] =	sst s0;
	s0 =	simm.s32 @!p2 $0x0  }
0x16: {  	s3 =	sld [smem:$0x3FDB];
	s0 =	simm.s32 @p2 $0x1  }
0x17: {  	s4 =	simm.s32 $0x1BF5;
	[smem:$0x3F7C] =	sst s0  }
0x18: {  	s0 =	sld [smem:$0x3F5F];
	_ =	swait.ge [sflag:s4], $0x0  }
0x19: {  	s7 =	sld [smem:$0x3F60]  }
0x1a: {  	s8 =	sadd.s32 $0xFFFFE003, lr  }
0x1b: {  	s9 =	sadd.s32 $0xFFFFFEF7, lr;
	s5 =	simm.s32 $0xFFFFFFFF;
	p2 =	slt.u32 s8, $0xFFFFF086  }
0x1c: {  	p1 =	slt.u32 s9, $0xF7A;
	s5 =	simm.s32 @!p2 $0x0  }
0x1d: {  	s5 =	simm.s32 @p1 $0x1;
	p0 =	seq.s32 s7, s2  }
0x1e: {  	s7 =	smul.u32 @!p0 $0xF7A, s2;
	p2 =	seq.s32 @!p0 s5, $0x0  }
0x1f: {  	s9 =	smul.u32 $0xF7A, s1;
	s8 =	simm.s32 @!p0 $0x1BF5;
	p2 =	por !p2, p0  }
0x20: {  	[sflag:s8] =	ssyncset.s32 @!p0 $0xFFFFF086;
	s6 =	sadd.s32 @!p0 s3, s7;
	s7 =	simm.s32 @!p0 $0x108  }
0x21: {  	s3 =	sadd.s32 s3, s9;
	s6 =	sadd.s32 @!p0 $0x88, s6;
	s7 =	simm.s32 @p2 $0x1082  }
0x22: {  	[simem:s7], [sflag:s8] =	dma.local @!p0 [hbm:s6], $0xF7A  }
0x23: {  	s9 =	sor.u32 $0xD0000000, s2;
	s6 =	simm.s32 $0x108;
	_ =	swait.ge @!p0 [sflag:s8], $0x0  }
0x24: {  	s3 =	sadd.s32 $0x88, s3;
	s6 =	simm.s32 @!p1 $0x1082;
	[sflag:s4] =	ssyncset.s32 $0xFFFFF086  }
0x25: {  	[simem:s6], [sflag:s4] =	dma.local [hbm:s3], $0xF7A  }
0x26: {  	[smem:$0x3F60] =	sst s1;
	(tag) =	ssettag s2;
	_ =	strace s9  }
0x27: {  	s1 =	sld [smem:$0x3F70]  }
0x28: {  	s2 =	sld [smem:$0x3F71]  }
0x29: {  	s4 =	sld [smem:$0x3F73]  }
0x2a: {  	p0 =	seq.s32 s5, $0x0;
	s5 =	sld [smem:$0x3F74]  }
0x2b: {  	s6 =	sld [smem:$0x3F75]  }
0x2c: {  	s7 =	sld [smem:$0x3F76]  }
0x2d: {  	s3 =	simm.s32 $0x108;
	s8 =	sld [smem:$0x3F77]  }
0x2e: {  	s3 =	simm.s32 @!p0 $0x1082;
	s9 =	sld [smem:$0x3F78]  }
0x2f: {  	lr =	sadd.s32 s0, s3;
	s0 =	sld [smem:$0x3F6F]  }
0x30: {  	s3 =	sld [smem:$0x3F72]  }
0x31: {  	[smem:$0x3F7B] =	sst s10  }
0x32: {  	s10 =	sld [smem:$0x3F79];
	_ =	sdelay $0x3  }
0x33: {  	p0 =	seq.s32 s10, $0x1;
	s10 =	sld [smem:$0x3F7B];
	_ =	sdelay $0x3  }
0x34: {  	[smem:$0x3F7B] =	sst s10  }
0x35: {  	s10 =	sld [smem:$0x3F7A];
	_ =	sdelay $0x3  }
0x36: {  	p1 =	seq.s32 s10, $0x1;
	s10 =	sld [smem:$0x3F7B];
	_ =	sdelay $0x3  }
0x37: {  	[smem:$0x3F7B] =	sst s10  }
0x38: {  	s10 =	sld [smem:$0x3F7C]  }
0x39: {  	_ = 	snop;
	(pc) =	sbr.ind lr, $3  }
0x3a: {  	_ = 	snop  }
0x3b: {  	_ = 	snop  }
0x3c: {  	p2 =	seq.s32 s10, $0x1;
	s10 =	sld [smem:$0x3F7B]  }
0x3d: {  	_ =	shalt  }
0x3e: {  	_ =	shalt  }
0x3f: {  	_ =	shalt  }
0x40: {  	_ =	shalt  }
0x41: {  	_ =	shalt  }
0x42: {  	_ =	shalt  }
0x43: {  	_ =	shalt  }
0x44: {  	_ =	shalt  }
0x45: {  	_ =	shalt  }
0x46: {  	_ =	shalt  }
0x47: {  	_ =	shalt  }
0x48: {  	_ =	shalt  }
0x49: {  	_ =	shalt  }
0x4a: {  	_ =	shalt  }
0x4b: {  	_ =	shalt  }
0x4c: {  	_ =	shalt  }
0x4d: {  	_ =	shalt  }
0x4e: {  	_ =	shalt  }
0x4f: {  	_ =	shalt  }
0x50: {  	_ =	shalt  }
0x51: {  	_ =	shalt  }
0x52: {  	_ =	shalt  }
0x53: {  	_ =	shalt  }
0x54: {  	_ =	shalt  }
0x55: {  	_ =	shalt  }
0x56: {  	_ =	shalt  }
0x57: {  	_ =	shalt  }
0x58: {  	_ =	shalt  }
0x59: {  	_ =	shalt  }
0x5a: {  	_ =	shalt  }
0x5b: {  	_ =	shalt  }
0x5c: {  	_ =	shalt  }
0x5d: {  	_ =	shalt  }
0x5e: {  	_ =	shalt  }
0x5f: {  	_ =	shalt  }
0x60: {  	_ =	shalt  }
0x61: {  	_ =	shalt  }
0x62: {  	_ =	shalt  }
0x63: {  	_ =	shalt  }
0x64: {  	_ =	shalt  }
0x65: {  	_ =	shalt  }
0x66: {  	_ =	shalt  }
0x67: {  	_ =	shalt  }
0x68: {  	_ =	shalt  }
0x69: {  	_ =	shalt  }
0x6a: {  	_ =	shalt  }
0x6b: {  	_ =	shalt  }
0x6c: {  	_ =	shalt  }
0x6d: {  	_ =	shalt  }
0x6e: {  	_ =	shalt  }
0x6f: {  	_ =	shalt  }
0x70: {  	_ =	shalt  }
0x71: {  	_ =	shalt  }
0x72: {  	_ =	shalt  }
0x73: {  	_ =	shalt  }
0x74: {  	_ =	shalt  }
0x75: {  	_ =	shalt  }
0x76: {  	_ =	shalt  }
0x77: {  	_ =	shalt  }
0x78: {  	_ =	shalt  }
0x79: {  	_ =	shalt  }
0x7a: {  	_ =	shalt  }
0x7b: {  	_ =	shalt  }
0x7c: {  	_ =	shalt  }
0x7d: {  	_ =	shalt  }
0x7e: {  	_ =	shalt  }
0x7f: {  	_ =	shalt  }
0x80: {  	_ =	shalt  }
0x81: {  	_ =	shalt  }
0x82: {  	_ =	shalt  }
0x83: {  	_ =	shalt  }
0x84: {  	_ =	shalt  }
0x85: {  	_ =	shalt  }
0x86: {  	_ =	shalt  }
0x87: {  	_ =	shalt  }
.Lfunc_end0:
.L_simem_size_0:
called_computation.3_lowered:
.L_overlay_start_0:
0x88: {  	s2 =	sld [smem:$0x3FD9]  }
0x89: {  	s3 =	sld [smem:$0x3FFE];
	_ =	sdelay $0x1  }
0x8a: {  	s1 =	srdreg.scid  }
0x8b: {  	s0 =	sand.u32 $0x1, s1  }
0x8c: {  	s16 =	sshll.u32 s0, $0xA;
	s2 =	sadd.s32 s3, s2  }
0x8d: {  	s2 =	sadd.s32 s2, s16  }
0x8e: {  	[smem:$0x3F87] =	sst s2  }
0x8f: {  	_ = 	snop  }
0x90: {  	(tm) =	ssettm $0x1  }
0x91: {  	s17 =	sld [smem:$0x3FFB];
	_ =	sdelay $0x3  }
0x92: {  	_ =	strace s17  }
0x93: {  	s2 =	sld [smem:$0x3FFC];
	_ =	sdelay $0x3  }
0x94: {  	_ =	strace s2  }
0x95: {  	s2 =	sld [smem:$0x3FFD];
	_ =	sdelay $0x3  }
0x96: {  	_ =	strace s2  }
0x97: {  	_ =	strace $0x8FFFFFFF  }
0x98: {  	s18 =	sld [smem:$0x3FDB];
	_ =	sdelay $0x1  }
0x99: {  	s19 =	simm.s32 $_scs_section_size  }
0x9a: {  	s4 =	simm.s32 $_size__tile_overlayer_lowered;
	s5 =	simm.s32 $_tile_overlayer_lowered  }
0x9b: {  	s22 =	simm.s32 $0x1BFF;
	s21 =	sshll.u32 s5, $0x1;
	s2 =	sadd.s32 s19, s18  }
0x9c: {  	s6 =	simm.s32 $0x0;
	s20 =	sshll.u32 s4, $0x1;
	s4 =	sadd.s32 s21, s2  }
0x9d: {  	[timem:s6], [sflag:s22] =	dma.local [hbm:s4], s20  }
0x9e: {  	_ =	swait.ge [sflag:s22], s20  }
0x9f: {  	s3 =	ssub.s32 $0x0, s20;
	[sflag:s22] =	ssyncset.done $0x0  }
0xa0: {  	[sflag:s22] =	ssyncadd.s32 s3;
	_ =	sdelay $0x1  }
0xa1: {  	s23 =	simm.s32 $0x1B8B  }
0xa2: {  	_ =	swait.ge [sflag:s23], $0x1  }
0xa3: {  	[sflag:s23] =	ssyncset.done $0x0  }
0xa4: {  	s25 =	simm.s32 $0x1B8E;
	s24 =	sld [smem:$0x3FFE];
	[sflag:s23] =	ssyncadd.s32 $0xFFFFFFFF  }
0xa5: {  	s26 =	simm.s32 $execute0_lowered;
	[smem:$0x3FD2] =	sst s25  }
0xa6: {  	s4 =	sshll.u32 s26, $0x1;
	_ =	strace $0x8000004F;
	[dreg:$0x1] =	wrdreg $0xFFFFFFFF  }
0xa7: {  	s28 =	simm.s32 $_size_execute0_lowered;
	s2 =	sadd.s32 s2, s4;
	[dreg:$0x0] =	wrdreg $0x0  }
0xa8: {  	s4 =	sshll.u32 s28, $0x1;
	[dreg:$0x2] =	wrdreg s2  }
0xa9: {  	[dreg:$0x3] =	wrdreg s4  }
0xaa: {  	[dreg:$0x4] =	wrdreg $0xC0  }
0xab: {  	_ =	task [dreg:s6], $0x5FFFF  }
0xac: {  	[dreg:$0x1] =	wrdreg $0xFFFFFFFF  }
0xad: {  	[dreg:$0x0] =	wrdreg $0x60  }
0xae: {  	[dreg:$0x2] =	wrdreg s24  }
0xaf: {  	[dreg:$0x3] =	wrdreg $0x9  }
0xb0: {  	_ =	task.clear_ibuf [dreg:s6], $0x4FFFF;
	_ =	strace $0x9000004F  }
0xb1: {  	s29 =	simm.s32 $0x9;
	_ =	strace $0x80000051  }
0xb2: {  	_ =	swait.ge [sflag:s29], $0x1  }
0xb3: {  	[sflag:s29] =	ssyncadd.s32 $0xFFFFFFFF  }
0xb4: {  	_ =	strace $0x90000051  }
0xb5: {  	_ =	sfence  }
0xb6: {  	s30 =	sld [smem:$0x0];
	_ =	sdelay $0x2  }
0xb7: {  	s31 =	sshll.u32 s1, $0xD;
	s1 =	sshrl.u32 s1, $0x2  }
0xb8: {  	s3 =	sand.u32 $0x4000, s31;
	s1 =	sadd.s32 s1, s30  }
0xb9: {  	s0 =	sor.u32 s3, s0;
	s1 =	sshll.u32 s1, $0x11  }
0xba: {  	s0 =	sor.u32 s1, s0  }
0xbb: {  	s0 =	sadd.s32 $0x8F2B, s0  }
0xbc: {  	[sflag:s0] =	ssyncadd.remote.s32 $0x1  }
0xbd: {  	_ =	sfence.sel $0xFFFF  }
0xbe: {  	[dreg:$0x0] =	wrdreg $0xFFFFFFFF;
	(pc) =	sbr.abs _section_cstart, $3  }
0xbf: {  	[dreg:$0x1] =	wrdreg $0xFFFFFFFF  }
0xc0: {  	_ =	task.clear_ibuf [dreg:s6], $0x2FFFF;
	_ =	strace $0x9FFFFFFF  }
0xc1: {  	(tm) =	ssettm $0x7FFFFFFF  }
tec
execute0_lowered:
.L_overlay_start_1:
0x0: {  	(tag) =	ssettag $0x1  }
0x1: {  	s1 =	srdreg.scid  }
0x2: {  	s1 =	sand.u32 $0x1, s1  }
0x3: {  	p0 =	seq.s32 s1, $0x1  }
.Ltmp0:
0x4: {  	_ = 	snop;
	(pc) =	sbr.rel @p0 .LBB2_5-.Ltmp0, $4  }
0x5: {  	_ = 	snop  }
0x6: {  	s10 =	rddreg [dreg:$0x0];
	s2 =	simm.s32 $0x0  }
0x7: {  	[smem:$0x7FF] =	sst s2  }
0x8: {  	s0 =	rddreg [dreg:$0x1];
	_ =	strace $0x80000050;
	s1 =	stileid.u32  }
0x9: {  	s3 =	smul.u32 $0xA00, s1  }
0xa: {  	s4 =	sadd.s32 $0x3F1600, s10  }
0xb: {  	s30 =	simm.s32 $0x9;
	s4 =	sadd.s32 s4, s3  }
0xc: {  	[tilespmem:s2], [sflag:$0x9] =	stream.linear.gather [hbm4b:s4+s2], $0x5000, $0x38;
	[tilespmem:$0x12000] =	vst v63  }
0xd: {  	_ =	swait.ge [sflag:s30], $0x5000  }
0xe: {  	s5 =	sadd.s32 $0x3E7600, s10;
	[sflag:s30] =	ssyncset.done $0x0  }
0xf: {  	s7 =	simm.s32 $0x5000;
	s3 =	sadd.s32 s5, s3;
	[sflag:s30] =	ssyncadd.s32 $0xFFFFB000  }
0x10: {  	[tilespmem:s7], [sflag:$0x9] =	stream.linear.gather [hbm4b:s3+s2], $0x5000, $0x38;
	[tilespmem:$0x12000] =	vst v63  }
0x11: {  	_ =	swait.ge [sflag:s30], $0x5000  }
0x12: {  	s5 =	simm.s32 $0xA000;
	[sflag:s30] =	ssyncset.done $0x0  }
0x13: {  	s4 =	simm.s32 $0x80;
	s3 =	sadd.s32 $0x68600, s10;
	[sflag:s30] =	ssyncadd.s32 $0xFFFFB000  }
0x14: {  	[tilespmem:s5], [sflag:$0x1] =	stream.indirect.gather [hbm4b:s3+s4], $0x40, s2, s4, $0xb8;
	[tilespmem:$0x12000] =	vst v63  }
0x15: {  	s6 =	simm.s32 $0xE000  }
0x16: {  	[tilespmem:s6], [sflag:$0x3] =	stream.indirect.gather [hbm4b:s3+s4], $0x40, s7, s4, $0xb8;
	[tilespmem:$0x12000] =	vst v63  }
0x17: {  	s8 =	smul.u32 $0x140000, s1;
	s7 =	simm.s32 $0x1  }
0x18: {  	_ =	swait.ge [sflag:s7], $0x2000  }
0x19: {  	s15 =	sadd.s32 $0x7C600, s10;
	s12 =	sshrl.u32 s8, $0x3;
	[sflag:s7] =	ssyncset.done $0x0  }
0x1a: {  	s8 =	sadd.s32 s15, s12;
	[sflag:s7] =	ssyncadd.s32 $0xFFFFE000  }
0x1b: {  	[hbm4b:s8+s2] =	stream.linear.scatter [tilespmem:s5], [sflag:$0x5], $0x2000, $0x38;
	[tilespmem:$0x12000] =	vst v63  }
0x1c: {  	s9 =	simm.s32 $0x3;
	s8 =	simm.s32 $0xC000  }
0x1d: {  	[tilespmem:s8], [sflag:$0x2] =	stream.indirect.gather [hbm4b:s3+s4], $0x40, s4, s4, $0xb8;
	[tilespmem:$0x12000] =	vst v63  }
0x1e: {  	_ =	swait.ge [sflag:s9], $0x2000  }
0x1f: {  	s16 =	sadd.s32 $0x3FB600, s10;
	[sflag:s9] =	ssyncset.done $0x0  }
0x20: {  	s10 =	sadd.s32 s16, s12;
	[sflag:s9] =	ssyncadd.s32 $0xFFFFE000  }
0x21: {  	[hbm4b:s10+s2] =	stream.linear.scatter [tilespmem:s6], [sflag:$0x7], $0x2000, $0x38;
	[tilespmem:$0x12000] =	vst v63  }
0x22: {  	s11 =	simm.s32 $0x5080;
	s10 =	simm.s32 $0x10000  }
0x23: {  	[tilespmem:s10], [sflag:$0x4] =	stream.indirect.gather [hbm4b:s3+s4], $0x40, s11, s4, $0xb8;
	[tilespmem:$0x12000] =	vst v63  }
0x24: {  	s11 =	simm.s32 $0x2  }
0x25: {  	_ =	swait.ge [sflag:s11], $0x2000  }
0x26: {  	s14 =	sor.u32 $0x400, s12;
	[sflag:s11] =	ssyncset.done $0x0  }
0x27: {  	s12 =	sadd.s32 s15, s14;
	[sflag:s11] =	ssyncadd.s32 $0xFFFFE000  }
0x28: {  	[hbm4b:s12+s2] =	stream.linear.scatter [tilespmem:s8], [sflag:$0x6], $0x2000, $0x38;
	[tilespmem:$0x12000] =	vst v63  }
0x29: {  	s12 =	simm.s32 $0x5  }
0x2a: {  	_ =	swait.ge [sflag:s12], $0x2000  }
0x2b: {  	[sflag:s12] =	ssyncset.done $0x0  }
0x2c: {  	s13 =	simm.s32 $0x100;
	[sflag:s12] =	ssyncadd.s32 $0xFFFFE000  }
0x2d: {  	[tilespmem:s5], [sflag:$0x1] =	stream.indirect.gather [hbm4b:s3+s4], $0x40, s13, s4, $0xb8;
	[tilespmem:$0x12000] =	vst v63  }
0x2e: {  	s13 =	simm.s32 $0x4  }
0x2f: {  	_ =	swait.ge [sflag:s13], $0x2000  }
0x30: {  	[sflag:s13] =	ssyncset.done $0x0  }
0x31: {  	s14 =	sadd.s32 s16, s14;
	[sflag:s13] =	ssyncadd.s32 $0xFFFFE000  }
0x32: {  	[hbm4b:s14+s2] =	stream.linear.scatter [tilespmem:s10], [sflag:$0x8], $0x2000, $0x38;
	[tilespmem:$0x12000] =	vst v63  }
0x33: {  	s18 =	smul.u32 $0x28000, s1;
	s14 =	simm.s32 $0x7  }
0x34: {  	s17 =	simm.s32 $0x5100;
	_ =	swait.ge [sflag:s14], $0x2000  }
0x35: {  	s19 =	simm.s32 $0x0;
	s31 =	sadd.s32 s18, s15;
	[sflag:s14] =	ssyncset.done $0x0  }
0x36: {  	s16 =	sadd.s32 s18, s16;
	s18 =	simm.s32 $0x8;
	[sflag:s14] =	ssyncadd.s32 $0xFFFFE000  }
0x37: {  	[tilespmem:s6], [sflag:$0x3] =	stream.indirect.gather [hbm4b:s3+s4], $0x40, s17, s4, $0xb8;
	[tilespmem:$0x12000] =	vst v63  }
0x38: {  	s15 =	sadd.s32 $0x800, s16;
	s16 =	sadd.s32 $0x800, s31;
	s17 =	simm.s32 $0x6  }
.LBB2_2:
0x39: {  	_ =	swait.ge [sflag:s7], $0x2000  }
0x3a: {  	[sflag:s7] =	ssyncset.done $0x0  }
0x3b: {  	[sflag:s7] =	ssyncadd.s32 $0xFFFFE000  }
0x3c: {  	[hbm4b:s16+s2] =	stream.linear.scatter [tilespmem:s5], [sflag:$0x5], $0x2000, $0x38;
	[tilespmem:$0x12000] =	vst v63  }
0x3d: {  	_ =	swait.ge [sflag:s17], $0x2000  }
0x3e: {  	s20 =	sshra.s32 s19, $0x2;
	[sflag:s17] =	ssyncset.done $0x0  }
0x3f: {  	s21 =	sadd.s32 $0x180, s20;
	[sflag:s17] =	ssyncadd.s32 $0xFFFFE000  }
0x40: {  	[tilespmem:s8], [sflag:$0x2] =	stream.indirect.gather [hbm4b:s3+s4], $0x40, s21, s4, $0xb8;
	[tilespmem:$0x12000] =	vst v63  }
0x41: {  	_ =	swait.ge [sflag:s9], $0x2000  }
0x42: {  	[sflag:s9] =	ssyncset.done $0x0  }
0x43: {  	[sflag:s9] =	ssyncadd.s32 $0xFFFFE000  }
0x44: {  	[hbm4b:s15+s2] =	stream.linear.scatter [tilespmem:s6], [sflag:$0x7], $0x2000, $0x38;
	[tilespmem:$0x12000] =	vst v63  }
0x45: {  	_ =	swait.ge [sflag:s18], $0x2000  }
0x46: {  	[sflag:s18] =	ssyncset.done $0x0  }
0x47: {  	p0 =	seq.s32 s19, $0x13800;
	s30 =	sadd.s32 $0x5180, s20;
	[sflag:s18] =	ssyncadd.s32 $0xFFFFE000  }
0x48: {  	[tilespmem:s10], [sflag:$0x4] =	stream.indirect.gather [hbm4b:s3+s4], $0x40, s30, s4, $0xb8;
	[tilespmem:$0x12000] =	vst v63  }
.Ltmp1:
0x49: {  	_ = 	snop;
	(pc) =	sbr.rel @p0 .LBB2_4-.Ltmp1, $4  }
0x4a: {  	_ =	swait.ge [sflag:s11], $0x2000  }
0x4b: {  	[sflag:s11] =	ssyncset.done $0x0  }
0x4c: {  	s31 =	sadd.s32 $0x400, s16;
	[sflag:s11] =	ssyncadd.s32 $0xFFFFE000  }
0x4d: {  	[hbm4b:s31+s2] =	stream.linear.scatter [tilespmem:s8], [sflag:$0x6], $0x2000, $0x38;
	[tilespmem:$0x12000] =	vst v63  }
0x4e: {  	_ =	swait.ge [sflag:s12], $0x2000  }
0x4f: {  	[sflag:s12] =	ssyncset.done $0x0  }
0x50: {  	s21 =	sadd.s32 $0x200, s20;
	[sflag:s12] =	ssyncadd.s32 $0xFFFFE000  }
0x51: {  	[tilespmem:s5], [sflag:$0x1] =	stream.indirect.gather [hbm4b:s3+s4], $0x40, s21, s4, $0xb8;
	[tilespmem:$0x12000] =	vst v63  }
0x52: {  	_ =	swait.ge [sflag:s13], $0x2000  }
0x53: {  	[sflag:s13] =	ssyncset.done $0x0  }
0x54: {  	s30 =	sadd.s32 $0x400, s15;
	[sflag:s13] =	ssyncadd.s32 $0xFFFFE000  }
0x55: {  	[hbm4b:s30+s2] =	stream.linear.scatter [tilespmem:s10], [sflag:$0x8], $0x2000, $0x38;
	[tilespmem:$0x12000] =	vst v63  }
.Ltmp2:
0x56: {  	_ = 	snop;
	(pc) =	sbr.rel .LBB2_2-.Ltmp2, $4  }
0x57: {  	_ =	swait.ge [sflag:s14], $0x2000  }
0x58: {  	s31 =	sadd.s32 $0x5200, s20;
	s19 =	sadd.s32 $0x400, s19;
	[sflag:s14] =	ssyncset.done $0x0  }
0x59: {  	s15 =	sadd.s32 $0x800, s15;
	s16 =	sadd.s32 $0x800, s16;
	[sflag:s14] =	ssyncadd.s32 $0xFFFFE000  }
0x5a: {  	[tilespmem:s6], [sflag:$0x3] =	stream.indirect.gather [hbm4b:s3+s4], $0x40, s31, s4, $0xb8;
	[tilespmem:$0x12000] =	vst v63  }
.LBB2_4:
0x5b: {  	s2 =	simm.s32 $0x4  }
0x5c: {  	_ =	swait.ge [sflag:s2], $0x2000  }
0x5d: {  	s29 =	sadd.s32 $0x400, s15;
	s3 =	simm.s32 $0x0;
	[sflag:s2] =	ssyncset.done $0x0  }
0x5e: {  	s4 =	simm.s32 $0x10000;
	s30 =	simm.s32 $0x6;
	[sflag:s2] =	ssyncadd.s32 $0xFFFFE000  }
0x5f: {  	[hbm4b:s29+s3] =	stream.linear.scatter [tilespmem:s4], [sflag:$0x8], $0x2000, $0x38;
	[tilespmem:$0x12000] =	vst v63  }
0x60: {  	_ =	swait.ge [sflag:s30], $0x2000  }
0x61: {  	[sflag:s30] =	ssyncset.done $0x0  }
0x62: {  	s31 =	simm.s32 $0x8;
	[sflag:s30] =	ssyncadd.s32 $0xFFFFE000  }
0x63: {  	_ =	swait.ge [sflag:s31], $0x2000  }
0x64: {  	[sflag:s31] =	ssyncset.done $0x0  }
0x65: {  	[sflag:s31] =	ssyncadd.s32 $0xFFFFE000  }
.LBB2_5:
0x66: {  	_ =	sfence.sel $0x180000  }
0x67: {  	[bflag:$0x0] =	sbarrier.arrive $0xFFFF  }
0x68: {  	p0 =	sne.s32 s1, $0x0;
	_ =	strace $0x90000050  }
0x69: {  	s0 =	sadd.s32 @!p0 $0x100000, s0;
	[bflag:$0x2] =	sbarrier.arrive $0xFFFF  }
0x6a: {  	[sflag:s0] =	ssyncadd.tile.s32 @!p0 $0x1;
	_ =	shalt  }
.Lfunc_end2:
_tile_overlayer_lowered:
.L_overlay_start_2:
0x6b: {  	(tag) =	ssettag $0x2  }
0x6c: {  	s0 =	rddreg [dreg:$0x0];
	s2 =	stileid.u32  }
0x6d: {  	s1 =	rddreg [dreg:$0x1];
	p0 =	sne.s32 s2, $0x0  }
0x6e: {  	s3 =	rddreg [dreg:$0x2];
	[bflag:$0x3] =	sbarrier.arrive $0xFFFF;
	s2 =	simm.s32 @!p0 $0x1C09  }
0x6f: {  	[timem:s3], [sflag:s2] =	dma.local @!p0 [hbm:s0], s1  }
0x70: {  	s0 =	simm.s32 @!p0 $0x9  }
0x71: {  	_ =	swait.ge @!p0 [sflag:s0], s1  }
0x72: {  	s1 =	ssub.s32 @!p0 $0x0, s1;
	[sflag:s0] =	ssyncset.done @!p0 $0x0  }
0x73: {  	[sflag:s0] =	ssyncadd.s32 @!p0 s1  }
0x74: {  	[bflag:$0x3] =	sbarrier.arrive $0xFFFF  }
0x75: {  	_ =	shalt  }

// kernel: sc_scatter_add.11.cloned.1.call-start
scs
__scs_entry_jumppad:
0x0: {  	(pc) =	sbr.rel $0x88, $3  }
0x1: {  	(tag) =	ssettag $0x0;
	lr =	simm.s32 $0x1  }
0x2: {  	[smem:$0x3F60] =	sst lr;
	_ =	strace $0xD0000000  }
0x3: {  	_ = 	snop  }
0x4: {  	_ = 	snop  }
0x5: {  	_ = 	snop  }
0x6: {  	_ = 	snop  }
0x7: {  	_ = 	snop  }
__scs_overlays_trampoline_lowered:
0x8: {  	[smem:$0x3F6F] =	sst s0  }
0x9: {  	[smem:$0x3F70] =	sst s1  }
0xa: {  	[smem:$0x3F71] =	sst s2  }
0xb: {  	[smem:$0x3F72] =	sst s3  }
0xc: {  	[smem:$0x3F73] =	sst s4  }
0xd: {  	[smem:$0x3F74] =	sst s5  }
0xe: {  	[smem:$0x3F75] =	sst s6  }
0xf: {  	[smem:$0x3F76] =	sst s7  }
0x10: {  	[smem:$0x3F77] =	sst s8  }
0x11: {  	[smem:$0x3F78] =	sst s9;
	s0 =	simm.s32 @!p0 $0x0  }
0x12: {  	s1 =	sld [smem:$0x3F5E];
	s0 =	simm.s32 @p0 $0x1  }
0x13: {  	[smem:$0x3F79] =	sst s0;
	s0 =	simm.s32 @!p1 $0x0  }
0x14: {  	s2 =	sld [smem:$0x3F5D];
	s0 =	simm.s32 @p1 $0x1  }
0x15: {  	[smem:$0x3F7A] =	sst s0;
	s0 =	simm.s32 @!p2 $0x0  }
0x16: {  	s3 =	sld [smem:$0x3FDB];
	s0 =	simm.s32 @p2 $0x1  }
0x17: {  	s4 =	simm.s32 $0x1BF5;
	[smem:$0x3F7C] =	sst s0  }
0x18: {  	s0 =	sld [smem:$0x3F5F];
	_ =	swait.ge [sflag:s4], $0x0  }
0x19: {  	s7 =	sld [smem:$0x3F60]  }
0x1a: {  	s8 =	sadd.s32 $0xFFFFE003, lr  }
0x1b: {  	s9 =	sadd.s32 $0xFFFFFEF7, lr;
	s5 =	simm.s32 $0xFFFFFFFF;
	p2 =	slt.u32 s8, $0xFFFFF086  }
0x1c: {  	p1 =	slt.u32 s9, $0xF7A;
	s5 =	simm.s32 @!p2 $0x0  }
0x1d: {  	s5 =	simm.s32 @p1 $0x1;
	p0 =	seq.s32 s7, s2  }
0x1e: {  	s7 =	smul.u32 @!p0 $0xF7A, s2;
	p2 =	seq.s32 @!p0 s5, $0x0  }
0x1f: {  	s9 =	smul.u32 $0xF7A, s1;
	s8 =	simm.s32 @!p0 $0x1BF5;
	p2 =	por !p2, p0  }
0x20: {  	[sflag:s8] =	ssyncset.s32 @!p0 $0xFFFFF086;
	s6 =	sadd.s32 @!p0 s3, s7;
	s7 =	simm.s32 @!p0 $0x108  }
0x21: {  	s3 =	sadd.s32 s3, s9;
	s6 =	sadd.s32 @!p0 $0x88, s6;
	s7 =	simm.s32 @p2 $0x1082  }
0x22: {  	[simem:s7], [sflag:s8] =	dma.local @!p0 [hbm:s6], $0xF7A  }
0x23: {  	s9 =	sor.u32 $0xD0000000, s2;
	s6 =	simm.s32 $0x108;
	_ =	swait.ge @!p0 [sflag:s8], $0x0  }
0x24: {  	s3 =	sadd.s32 $0x88, s3;
	s6 =	simm.s32 @!p1 $0x1082;
	[sflag:s4] =	ssyncset.s32 $0xFFFFF086  }
0x25: {  	[simem:s6], [sflag:s4] =	dma.local [hbm:s3], $0xF7A  }
0x26: {  	[smem:$0x3F60] =	sst s1;
	(tag) =	ssettag s2;
	_ =	strace s9  }
0x27: {  	s1 =	sld [smem:$0x3F70]  }
0x28: {  	s2 =	sld [smem:$0x3F71]  }
0x29: {  	s4 =	sld [smem:$0x3F73]  }
0x2a: {  	p0 =	seq.s32 s5, $0x0;
	s5 =	sld [smem:$0x3F74]  }
0x2b: {  	s6 =	sld [smem:$0x3F75]  }
0x2c: {  	s7 =	sld [smem:$0x3F76]  }
0x2d: {  	s3 =	simm.s32 $0x108;
	s8 =	sld [smem:$0x3F77]  }
0x2e: {  	s3 =	simm.s32 @!p0 $0x1082;
	s9 =	sld [smem:$0x3F78]  }
0x2f: {  	lr =	sadd.s32 s0, s3;
	s0 =	sld [smem:$0x3F6F]  }
0x30: {  	s3 =	sld [smem:$0x3F72]  }
0x31: {  	[smem:$0x3F7B] =	sst s10  }
0x32: {  	s10 =	sld [smem:$0x3F79];
	_ =	sdelay $0x3  }
0x33: {  	p0 =	seq.s32 s10, $0x1;
	s10 =	sld [smem:$0x3F7B];
	_ =	sdelay $0x3  }
0x34: {  	[smem:$0x3F7B] =	sst s10  }
0x35: {  	s10 =	sld [smem:$0x3F7A];
	_ =	sdelay $0x3  }
0x36: {  	p1 =	seq.s32 s10, $0x1;
	s10 =	sld [smem:$0x3F7B];
	_ =	sdelay $0x3  }
0x37: {  	[smem:$0x3F7B] =	sst s10  }
0x38: {  	s10 =	sld [smem:$0x3F7C]  }
0x39: {  	_ = 	snop;
	(pc) =	sbr.ind lr, $3  }
0x3a: {  	_ = 	snop  }
0x3b: {  	_ = 	snop  }
0x3c: {  	p2 =	seq.s32 s10, $0x1;
	s10 =	sld [smem:$0x3F7B]  }
0x3d: {  	_ =	shalt  }
0x3e: {  	_ =	shalt  }
0x3f: {  	_ =	shalt  }
0x40: {  	_ =	shalt  }
0x41: {  	_ =	shalt  }
0x42: {  	_ =	shalt  }
0x43: {  	_ =	shalt  }
0x44: {  	_ =	shalt  }
0x45: {  	_ =	shalt  }
0x46: {  	_ =	shalt  }
0x47: {  	_ =	shalt  }
0x48: {  	_ =	shalt  }
0x49: {  	_ =	shalt  }
0x4a: {  	_ =	shalt  }
0x4b: {  	_ =	shalt  }
0x4c: {  	_ =	shalt  }
0x4d: {  	_ =	shalt  }
0x4e: {  	_ =	shalt  }
0x4f: {  	_ =	shalt  }
0x50: {  	_ =	shalt  }
0x51: {  	_ =	shalt  }
0x52: {  	_ =	shalt  }
0x53: {  	_ =	shalt  }
0x54: {  	_ =	shalt  }
0x55: {  	_ =	shalt  }
0x56: {  	_ =	shalt  }
0x57: {  	_ =	shalt  }
0x58: {  	_ =	shalt  }
0x59: {  	_ =	shalt  }
0x5a: {  	_ =	shalt  }
0x5b: {  	_ =	shalt  }
0x5c: {  	_ =	shalt  }
0x5d: {  	_ =	shalt  }
0x5e: {  	_ =	shalt  }
0x5f: {  	_ =	shalt  }
0x60: {  	_ =	shalt  }
0x61: {  	_ =	shalt  }
0x62: {  	_ =	shalt  }
0x63: {  	_ =	shalt  }
0x64: {  	_ =	shalt  }
0x65: {  	_ =	shalt  }
0x66: {  	_ =	shalt  }
0x67: {  	_ =	shalt  }
0x68: {  	_ =	shalt  }
0x69: {  	_ =	shalt  }
0x6a: {  	_ =	shalt  }
0x6b: {  	_ =	shalt  }
0x6c: {  	_ =	shalt  }
0x6d: {  	_ =	shalt  }
0x6e: {  	_ =	shalt  }
0x6f: {  	_ =	shalt  }
0x70: {  	_ =	shalt  }
0x71: {  	_ =	shalt  }
0x72: {  	_ =	shalt  }
0x73: {  	_ =	shalt  }
0x74: {  	_ =	shalt  }
0x75: {  	_ =	shalt  }
0x76: {  	_ =	shalt  }
0x77: {  	_ =	shalt  }
0x78: {  	_ =	shalt  }
0x79: {  	_ =	shalt  }
0x7a: {  	_ =	shalt  }
0x7b: {  	_ =	shalt  }
0x7c: {  	_ =	shalt  }
0x7d: {  	_ =	shalt  }
0x7e: {  	_ =	shalt  }
0x7f: {  	_ =	shalt  }
0x80: {  	_ =	shalt  }
0x81: {  	_ =	shalt  }
0x82: {  	_ =	shalt  }
0x83: {  	_ =	shalt  }
0x84: {  	_ =	shalt  }
0x85: {  	_ =	shalt  }
0x86: {  	_ =	shalt  }
0x87: {  	_ =	shalt  }
.Lfunc_end0:
.L_simem_size_0:
called_computation.6_lowered:
.L_overlay_start_0:
0x88: {  	s2 =	sld [smem:$0x3FD9]  }
0x89: {  	s3 =	sld [smem:$0x3FFE];
	_ =	sdelay $0x1  }
0x8a: {  	s1 =	srdreg.scid  }
0x8b: {  	s0 =	sand.u32 $0x1, s1  }
0x8c: {  	s16 =	sshll.u32 s0, $0xA;
	s2 =	sadd.s32 s3, s2  }
0x8d: {  	s2 =	sadd.s32 s2, s16  }
0x8e: {  	[smem:$0x3F87] =	sst s2  }
0x8f: {  	_ = 	snop  }
0x90: {  	(tm) =	ssettm $0x1  }
0x91: {  	s17 =	sld [smem:$0x3FFB];
	_ =	sdelay $0x3  }
0x92: {  	_ =	strace s17  }
0x93: {  	s2 =	sld [smem:$0x3FFC];
	_ =	sdelay $0x3  }
0x94: {  	_ =	strace s2  }
0x95: {  	s2 =	sld [smem:$0x3FFD];
	_ =	sdelay $0x3  }
0x96: {  	_ =	strace s2  }
0x97: {  	_ =	strace $0x8FFFFFFF  }
0x98: {  	s18 =	sld [smem:$0x3FDB];
	_ =	sdelay $0x1  }
0x99: {  	s19 =	simm.s32 $_scs_section_size  }
0x9a: {  	s4 =	simm.s32 $_size__tile_overlayer_lowered;
	s5 =	simm.s32 $_tile_overlayer_lowered  }
0x9b: {  	s22 =	simm.s32 $0x1BFF;
	s21 =	sshll.u32 s5, $0x1;
	s2 =	sadd.s32 s19, s18  }
0x9c: {  	s6 =	simm.s32 $0x0;
	s20 =	sshll.u32 s4, $0x1;
	s4 =	sadd.s32 s21, s2  }
0x9d: {  	[timem:s6], [sflag:s22] =	dma.local [hbm:s4], s20  }
0x9e: {  	_ =	swait.ge [sflag:s22], s20  }
0x9f: {  	s3 =	ssub.s32 $0x0, s20;
	[sflag:s22] =	ssyncset.done $0x0  }
0xa0: {  	[sflag:s22] =	ssyncadd.s32 s3;
	_ =	sdelay $0x1  }
0xa1: {  	s23 =	simm.s32 $0x1B8B  }
0xa2: {  	_ =	swait.ge [sflag:s23], $0x1  }
0xa3: {  	[sflag:s23] =	ssyncset.done $0x0  }
0xa4: {  	s25 =	simm.s32 $0x1B8E;
	s24 =	sld [smem:$0x3FFE];
	[sflag:s23] =	ssyncadd.s32 $0xFFFFFFFF  }
0xa5: {  	s26 =	simm.s32 $execute0_lowered;
	[smem:$0x3FD2] =	sst s25  }
0xa6: {  	s4 =	sshll.u32 s26, $0x1;
	_ =	strace $0x80000058;
	[dreg:$0x1] =	wrdreg $0xFFFFFFFF  }
0xa7: {  	s28 =	simm.s32 $_size_execute0_lowered;
	s2 =	sadd.s32 s2, s4;
	[dreg:$0x0] =	wrdreg $0x0  }
0xa8: {  	s4 =	sshll.u32 s28, $0x1;
	[dreg:$0x2] =	wrdreg s2  }
0xa9: {  	[dreg:$0x3] =	wrdreg s4  }
0xaa: {  	[dreg:$0x4] =	wrdreg $0xC0  }
0xab: {  	_ =	task [dreg:s6], $0x5FFFF  }
0xac: {  	[dreg:$0x1] =	wrdreg $0xFFFFFFFF  }
0xad: {  	[dreg:$0x0] =	wrdreg $0x60  }
0xae: {  	[dreg:$0x2] =	wrdreg s24  }
0xaf: {  	[dreg:$0x3] =	wrdreg $0x40800  }
0xb0: {  	[dreg:$0x4] =	wrdreg $0x9  }
0xb1: {  	_ =	task.clear_ibuf [dreg:s6], $0x5FFFF;
	_ =	strace $0x90000058  }
0xb2: {  	s29 =	simm.s32 $0x9;
	_ =	strace $0x8000005A  }
0xb3: {  	_ =	swait.ge [sflag:s29], $0x1  }
0xb4: {  	[sflag:s29] =	ssyncadd.s32 $0xFFFFFFFF  }
0xb5: {  	_ =	strace $0x9000005A  }
0xb6: {  	_ =	sfence  }
0xb7: {  	s30 =	sld [smem:$0x0];
	_ =	sdelay $0x2  }
0xb8: {  	s31 =	sshll.u32 s1, $0xD;
	s1 =	sshrl.u32 s1, $0x2  }
0xb9: {  	s3 =	sand.u32 $0x4000, s31;
	s1 =	sadd.s32 s1, s30  }
0xba: {  	s0 =	sor.u32 s3, s0;
	s1 =	sshll.u32 s1, $0x11  }
0xbb: {  	s0 =	sor.u32 s1, s0  }
0xbc: {  	s0 =	sadd.s32 $0x8F2B, s0  }
0xbd: {  	[sflag:s0] =	ssyncadd.remote.s32 $0x1  }
0xbe: {  	_ =	sfence.sel $0xFFFF  }
0xbf: {  	[dreg:$0x0] =	wrdreg $0xFFFFFFFF;
	(pc) =	sbr.abs _section_cstart, $3  }
0xc0: {  	[dreg:$0x1] =	wrdreg $0xFFFFFFFF  }
0xc1: {  	_ =	task.clear_ibuf [dreg:s6], $0x2FFFF;
	_ =	strace $0x9FFFFFFF  }
0xc2: {  	(tm) =	ssettm $0x7FFFFFFF  }
0xc3: {  	_ =	shalt  }
tec
execute0_lowered:
.L_overlay_start_1:
0x0: {  	(tag) =	ssettag $0x1  }
0x1: {  	s6 =	rddreg [dreg:$0x0]  }
0x2: {  	s2 =	rddreg [dreg:$0x1]  }
0x3: {  	s0 =	rddreg [dreg:$0x2];
	s3 =	simm.s32 $0x0;
	s1 =	stileid.u32  }
0x4: {  	s7 =	srdreg.scid;
	s16 =	simm.s32 $0x80;
	s4 =	smul.u32 $0x28000, s1  }
0x5: {  	s17 =	simm.s32 $0x1;
	s18 =	simm.s32 $0x0;
	s5 =	smul.u32 $0x500, s1  }
0x6: {  	[smem:$0x7FF] =	sst s3;
	s14 =	sand.u32 $0x1, s7;
	s8 =	smul.u32 $0x50000, s1  }
0x7: {  	s31 =	sshll.u32 s1, $0x6;
	_ =	strace $0x80000059;
	s7 =	ssub.s32 $0x2, s14  }
0x8: {  	p0 =	sne.s32 s14, $0x0;
	s13 =	sadd.s32 s4, s6;
	s4 =	smul.u32 $0x2800, s1  }
0x9: {  	s12 =	sadd.s32 s5, s6;
	s5 =	sadd.s32 $0x68600, s6;
	s10 =	sshrl.u32 s7, $0x1  }
.Ltmp0:
0xa: {  	s30 =	sshrl.u32 s8, $0x2;
	s8 =	sor.u32 $0x1C02, s31;
	(pc) =	sbr.rel .LBB2_1-.Ltmp0, $4  }
0xb: {  	s10 =	ssub.s32 s7, s10;
	s15 =	sadd.s32 s30, s2;
	s11 =	sadd.s32 $0xE600, s12  }
0xc: {  	s12 =	sadd.s32 $0x13600, s12;
	s9 =	sadd.s32 s4, s6;
	s6 =	sadd.s32 $0x90600, s6  }
0xd: {  	s14 =	sshrl.u32 s15, $0x3;
	s15 =	simm.s32 $0x2;
	s7 =	sadd.s32 $0x18600, s9  }
0xe: {  	s9 =	smax.u32 s10, $0x1;
	s10 =	sadd.s32 $0x7FC600, s13;
	s13 =	sadd.s32 $0x57C600, s13  }
.LBB2_7:
0xf: {  	s20 =	sadd.s32 s20, s12;
	[sflag:s15] =	ssyncadd.s32 $0xFFFFC000  }
0x10: {  	[tilespmem:s3], [sflag:$0x2] =	stream.linear.gather [hbm4b:s20+s3], $0x80, $0x38;
	[tilespmem:$0x18080] =	vst v63  }
0x11: {  	_ =	swait.ge [sflag:s15], $0x80  }
0x12: {  	[sflag:s15] =	ssyncset.done $0x0  }
0x13: {  	[sflag:s15] =	ssyncadd.s32 $0xFFFFFF80  }
0x14: {  	[tilespmem:s16], [sflag:$0x1] =	stream.linear.gather [hbm4b:s19+s3], $0x4000, $0x38;
	[tilespmem:$0x18080] =	vst v63  }
0x15: {  	_ =	swait.ge [sflag:s17], $0x4000  }
0x16: {  	[sflag:s17] =	ssyncset.done $0x0  }
0x17: {  	[sflag:s17] =	ssyncadd.s32 $0xFFFFC000  }
0x18: {  	[spmem:s2] =	stream.indirect.scatter.add.f32 [tilespmem:s16], [sflag:$0x2], $0x80, s3, s16, $0xb8;
	[tilespmem:$0x18080] =	vst v63  }
0x19: {  	_ =	swait.ge [sflag:s15], $0x4000  }
0x1a: {  	[sflag:s15] =	ssyncset.done $0x0  }
0x1b: {  	s19 =	smov.u32 s6;
	[sflag:s15] =	ssyncadd.s32 $0xFFFFC000  }
.LBB2_8:
0x1c: {  	s18 =	sadd.s32 $0x1, s18  }
0x1d: {  	p1 =	sne.s32 s18, s9  }
.Ltmp1:
0x1e: {  	s19 =	sadd.s32 s19, s4;
	[bflag:$0x0] =	sbarrier.arrive $0xFFFF;
	(pc) =	sbr.rel @!p1 .LBB2_9-.Ltmp1, $4  }
0x1f: {  	[hbm:s19], [sflag:s8] =	dma.local [spmem:s14], $0x2800  }
0x20: {  	_ =	swait.ge [sflag:s15], $0x2800  }
0x21: {  	[sflag:s15] =	ssyncset.done $0x0  }
0x22: {  	[sflag:s15] =	ssyncadd.s32 $0xFFFFD800  }
.LBB2_1:
0x23: {  	[spmem:s14], [sflag:s8] =	dma.local [hbm:s7], $0x2800  }
.Ltmp2:
0x24: {  	_ =	swait.ge [sflag:s15], $0x2800;
	(pc) =	sbr.rel @p0 .LBB2_5-.Ltmp2, $3  }
0x25: {  	[sflag:s15] =	ssyncset.done $0x0  }
0x26: {  	[sflag:s15] =	ssyncadd.s32 $0xFFFFD800  }
0x27: {  	[bflag:$0x0] =	sbarrier.arrive $0xFFFF;
	_ =	sdelay $0x1  }
0x28: {  	s19 =	sadd.s32 $0x0, s11  }
0x29: {  	[tilespmem:s3], [sflag:$0x2] =	stream.linear.gather [hbm4b:s19+s3], $0x80, $0x38;
	[tilespmem:$0x18080] =	vst v63  }
0x2a: {  	_ =	swait.ge [sflag:s15], $0x80  }
0x2b: {  	[sflag:s15] =	ssyncset.done $0x0  }
0x2c: {  	[sflag:s15] =	ssyncadd.s32 $0xFFFFFF80  }
0x2d: {  	[tilespmem:s16], [sflag:$0x1] =	stream.linear.gather [hbm4b:s13+s3], $0x4000, $0x38;
	[tilespmem:$0x18080] =	vst v63  }
0x2e: {  	_ =	swait.ge [sflag:s17], $0x4000  }
0x2f: {  	[sflag:s17] =	ssyncset.done $0x0  }
0x30: {  	[sflag:s17] =	ssyncadd.s32 $0xFFFFC000  }
0x31: {  	[spmem:s2] =	stream.indirect.scatter.add.f32 [tilespmem:s16], [sflag:$0x2], $0x80, s3, s16, $0xb8;
	[tilespmem:$0x18080] =	vst v63  }
0x32: {  	s20 =	simm.s32 $0x10;
	_ =	swait.ge [sflag:s15], $0x4000  }
0x33: {  	s21 =	simm.s32 $0x20;
	s19 =	sadd.s32 $0x800, s13;
	[sflag:s15] =	ssyncset.done $0x0  }
.LBB2_3:
0x34: {  	s22 =	sadd.s32 s20, s11  }
0x35: {  	[sflag:s15] =	ssyncadd.s32 $0xFFFFC000;
	s20 =	smov.u32 s21;
	s23 =	sadd.s32 $0x10, s21  }
0x36: {  	[tilespmem:s3], [sflag:$0x2] =	stream.linear.gather [hbm4b:s22+s3], $0x80, $0x38;
	[tilespmem:$0x18080] =	vst v63  }
0x37: {  	p1 =	seq.s32 s21, $0x4F0;
	_ =	swait.ge [sflag:s15], $0x80  }
0x38: {  	[sflag:s15] =	ssyncset.done $0x0  }
0x39: {  	[sflag:s15] =	ssyncadd.s32 $0xFFFFFF80  }
0x3a: {  	[tilespmem:s16], [sflag:$0x1] =	stream.linear.gather [hbm4b:s19+s3], $0x4000, $0x38;
	[tilespmem:$0x18080] =	vst v63  }
0x3b: {  	_ =	swait.ge [sflag:s17], $0x4000  }
.Ltmp3:
0x3c: {  	[sflag:s17] =	ssyncset.done $0x0;
	(pc) =	sbr.rel @!p1 .LBB2_3-.Ltmp3, $4  }
0x3d: {  	[sflag:s17] =	ssyncadd.s32 $0xFFFFC000  }
0x3e: {  	[spmem:s2] =	stream.indirect.scatter.add.f32 [tilespmem:s16], [sflag:$0x2], $0x80, s3, s16, $0xb8;
	[tilespmem:$0x18080] =	vst v63  }
0x3f: {  	_ =	swait.ge [sflag:s15], $0x4000  }
0x40: {  	s21 =	smov.u32 s23;
	s19 =	sadd.s32 $0x800, s19;
	[sflag:s15] =	ssyncset.done $0x0  }
0x41: {  	s20 =	sadd.s32 s20, s11;
	[sflag:s15] =	ssyncadd.s32 $0xFFFFC000  }
0x42: {  	[tilespmem:s3], [sflag:$0x2] =	stream.linear.gather [hbm4b:s20+s3], $0x80, $0x38;
	[tilespmem:$0x18080] =	vst v63  }
0x43: {  	_ =	swait.ge [sflag:s15], $0x80  }
0x44: {  	[sflag:s15] =	ssyncset.done $0x0  }
0x45: {  	[sflag:s15] =	ssyncadd.s32 $0xFFFFFF80  }
0x46: {  	[tilespmem:s16], [sflag:$0x1] =	stream.linear.gather [hbm4b:s19+s3], $0x4000, $0x38;
	[tilespmem:$0x18080] =	vst v63  }
0x47: {  	_ =	swait.ge [sflag:s17], $0x4000  }
0x48: {  	[sflag:s17] =	ssyncset.done $0x0  }
.Ltmp4:
0x49: {  	[sflag:s17] =	ssyncadd.s32 $0xFFFFC000;
	(pc) =	sbr.rel .LBB2_8-.Ltmp4, $4  }
0x4a: {  	[spmem:s2] =	stream.indirect.scatter.add.f32 [tilespmem:s16], [sflag:$0x2], $0x80, s3, s16, $0xb8;
	[tilespmem:$0x18080] =	vst v63  }
0x4b: {  	_ =	swait.ge [sflag:s15], $0x4000  }
0x4c: {  	[sflag:s15] =	ssyncset.done $0x0  }
0x4d: {  	s19 =	smov.u32 s5;
	[sflag:s15] =	ssyncadd.s32 $0xFFFFC000  }
.LBB2_5:
0x4e: {  	s19 =	sadd.s32 $0x0, s12  }
0x4f: {  	[tilespmem:s3], [sflag:$0x2] =	stream.linear.gather [hbm4b:s19+s3], $0x80, $0x38;
	[tilespmem:$0x18080] =	vst v63  }
0x50: {  	_ =	swait.ge [sflag:s15], $0x80  }
0x51: {  	[sflag:s15] =	ssyncset.done $0x0  }
0x52: {  	[sflag:s15] =	ssyncadd.s32 $0xFFFFFF80  }
0x53: {  	[tilespmem:s16], [sflag:$0x1] =	stream.linear.gather [hbm4b:s10+s3], $0x4000, $0x38;
	[tilespmem:$0x18080] =	vst v63  }
0x54: {  	_ =	swait.ge [sflag:s17], $0x4000  }
0x55: {  	[sflag:s17] =	ssyncset.done $0x0  }
0x56: {  	[sflag:s17] =	ssyncadd.s32 $0xFFFFC000  }
0x57: {  	[spmem:s2] =	stream.indirect.scatter.add.f32 [tilespmem:s16], [sflag:$0x2], $0x80, s3, s16, $0xb8;
	[tilespmem:$0x18080] =	vst v63  }
0x58: {  	s20 =	simm.s32 $0x10;
	_ =	swait.ge [sflag:s15], $0x4000  }
0x59: {  	s21 =	simm.s32 $0x20;
	s19 =	sadd.s32 $0x800, s10;
	[sflag:s15] =	ssyncset.done $0x0  }
.LBB2_6:
0x5a: {  	s22 =	sadd.s32 s20, s12  }
0x5b: {  	[sflag:s15] =	ssyncadd.s32 $0xFFFFC000;
	s20 =	smov.u32 s21;
	s23 =	sadd.s32 $0x10, s21  }
0x5c: {  	[tilespmem:s3], [sflag:$0x2] =	stream.linear.gather [hbm4b:s22+s3], $0x80, $0x38;
	[tilespmem:$0x18080] =	vst v63  }
0x5d: {  	p1 =	sne.s32 s21, $0x4F0;
	_ =	swait.ge [sflag:s15], $0x80  }
0x5e: {  	[sflag:s15] =	ssyncset.done $0x0  }
0x5f: {  	[sflag:s15] =	ssyncadd.s32 $0xFFFFFF80  }
0x60: {  	[tilespmem:s16], [sflag:$0x1] =	stream.linear.gather [hbm4b:s19+s3], $0x4000, $0x38;
	[tilespmem:$0x18080] =	vst v63  }
0x61: {  	_ =	swait.ge [sflag:s17], $0x4000  }
.Ltmp5:
0x62: {  	[sflag:s17] =	ssyncset.done $0x0;
	(pc) =	sbr.rel @p1 .LBB2_6-.Ltmp5, $4  }
0x63: {  	[sflag:s17] =	ssyncadd.s32 $0xFFFFC000  }
0x64: {  	[spmem:s2] =	stream.indirect.scatter.add.f32 [tilespmem:s16], [sflag:$0x2], $0x80, s3, s16, $0xb8;
	[tilespmem:$0x18080] =	vst v63  }
0x65: {  	_ =	swait.ge [sflag:s15], $0x4000  }
0x66: {  	s21 =	smov.u32 s23;
	s19 =	sadd.s32 $0x800, s19;
	[sflag:s15] =	ssyncset.done $0x0  }
.Ltmp6:
0x67: {  	_ = 	snop;
	(pc) =	sbr.rel .LBB2_7-.Ltmp6, $1  }
0x68: {  	_ =	sdelay $0x3  }
.LBB2_9:
0x69: {  	_ =	sfence.sel $0x180000  }
0x6a: {  	[bflag:$0x0] =	sbarrier.arrive $0xFFFF  }
0x6b: {  	p0 =	sne.s32 s1, $0x0;
	_ =	strace $0x90000059  }
0x6c: {  	s0 =	sadd.s32 @!p0 $0x100000, s0;
	[bflag:$0x2] =	sbarrier.arrive $0xFFFF  }
0x6d: {  	[sflag:s0] =	ssyncadd.tile.s32 @!p0 $0x1;
	_ =	shalt  }
.Lfunc_end2:
_tile_overlayer_lowered:
.L_overlay_start_2:
0x6e: {  	(tag) =	ssettag $0x2  }
0x6f: {  	s0 =	rddreg [dreg:$0x0];
	s2 =	stileid.u32  }
0x70: {  	s1 =	rddreg [dreg:$0x1];
	p0 =	sne.s32 s2, $0x0  }
0x71: {  	s3 =	rddreg [dreg:$0x2];
	[bflag:$0x3] =	sbarrier.arrive $0xFFFF;
	s2 =	simm.s32 @!p0 $0x1C02  }
0x72: {  	[timem:s3], [sflag:s2] =	dma.local @!p0 [hbm:s0], s1  }
0x73: {  	s0 =	simm.s32 @!p0 $0x2  }
0x74: {  	_ =	swait.ge @!p0 [sflag:s0], s1  }
0x75: {  	s1 =	ssub.s32 @!p0 $0x0, s1;
	[sflag:s0] =	ssyncset.done @!p0 $0x0  }
0x76: {  	[sflag:s0] =	ssyncadd.s32 @!p0 s1  }
0x77: {  	[bflag:$0x3] =	sbarrier.arrive $0xFFFF  }
0x78: {  	_ =	shalt  }

// kernel: sc_scatter_add.5.cloned.1.call-start
scs
__scs_entry_jumppad:
0x0: {  	(pc) =	sbr.rel $0x88, $3  }
0x1: {  	(tag) =	ssettag $0x0;
	lr =	simm.s32 $0x1  }
0x2: {  	[smem:$0x3F60] =	sst lr;
	_ =	strace $0xD0000000  }
0x3: {  	_ = 	snop  }
0x4: {  	_ = 	snop  }
0x5: {  	_ = 	snop  }
0x6: {  	_ = 	snop  }
0x7: {  	_ = 	snop  }
__scs_overlays_trampoline_lowered:
0x8: {  	[smem:$0x3F6F] =	sst s0  }
0x9: {  	[smem:$0x3F70] =	sst s1  }
0xa: {  	[smem:$0x3F71] =	sst s2  }
0xb: {  	[smem:$0x3F72] =	sst s3  }
0xc: {  	[smem:$0x3F73] =	sst s4  }
0xd: {  	[smem:$0x3F74] =	sst s5  }
0xe: {  	[smem:$0x3F75] =	sst s6  }
0xf: {  	[smem:$0x3F76] =	sst s7  }
0x10: {  	[smem:$0x3F77] =	sst s8  }
0x11: {  	[smem:$0x3F78] =	sst s9;
	s0 =	simm.s32 @!p0 $0x0  }
0x12: {  	s1 =	sld [smem:$0x3F5E];
	s0 =	simm.s32 @p0 $0x1  }
0x13: {  	[smem:$0x3F79] =	sst s0;
	s0 =	simm.s32 @!p1 $0x0  }
0x14: {  	s2 =	sld [smem:$0x3F5D];
	s0 =	simm.s32 @p1 $0x1  }
0x15: {  	[smem:$0x3F7A] =	sst s0;
	s0 =	simm.s32 @!p2 $0x0  }
0x16: {  	s3 =	sld [smem:$0x3FDB];
	s0 =	simm.s32 @p2 $0x1  }
0x17: {  	s4 =	simm.s32 $0x1BF5;
	[smem:$0x3F7C] =	sst s0  }
0x18: {  	s0 =	sld [smem:$0x3F5F];
	_ =	swait.ge [sflag:s4], $0x0  }
0x19: {  	s7 =	sld [smem:$0x3F60]  }
0x1a: {  	s8 =	sadd.s32 $0xFFFFE003, lr  }
0x1b: {  	s9 =	sadd.s32 $0xFFFFFEF7, lr;
	s5 =	simm.s32 $0xFFFFFFFF;
	p2 =	slt.u32 s8, $0xFFFFF086  }
0x1c: {  	p1 =	slt.u32 s9, $0xF7A;
	s5 =	simm.s32 @!p2 $0x0  }
0x1d: {  	s5 =	simm.s32 @p1 $0x1;
	p0 =	seq.s32 s7, s2  }
0x1e: {  	s7 =	smul.u32 @!p0 $0xF7A, s2;
	p2 =	seq.s32 @!p0 s5, $0x0  }
0x1f: {  	s9 =	smul.u32 $0xF7A, s1;
	s8 =	simm.s32 @!p0 $0x1BF5;
	p2 =	por !p2, p0  }
0x20: {  	[sflag:s8] =	ssyncset.s32 @!p0 $0xFFFFF086;
	s6 =	sadd.s32 @!p0 s3, s7;
	s7 =	simm.s32 @!p0 $0x108  }
0x21: {  	s3 =	sadd.s32 s3, s9;
	s6 =	sadd.s32 @!p0 $0x88, s6;
	s7 =	simm.s32 @p2 $0x1082  }
0x22: {  	[simem:s7], [sflag:s8] =	dma.local @!p0 [hbm:s6], $0xF7A  }
0x23: {  	s9 =	sor.u32 $0xD0000000, s2;
	s6 =	simm.s32 $0x108;
	_ =	swait.ge @!p0 [sflag:s8], $0x0  }
0x24: {  	s3 =	sadd.s32 $0x88, s3;
	s6 =	simm.s32 @!p1 $0x1082;
	[sflag:s4] =	ssyncset.s32 $0xFFFFF086  }
0x25: {  	[simem:s6], [sflag:s4] =	dma.local [hbm:s3], $0xF7A  }
0x26: {  	[smem:$0x3F60] =	sst s1;
	(tag) =	ssettag s2;
	_ =	strace s9  }
0x27: {  	s1 =	sld [smem:$0x3F70]  }
0x28: {  	s2 =	sld [smem:$0x3F71]  }
0x29: {  	s4 =	sld [smem:$0x3F73]  }
0x2a: {  	p0 =	seq.s32 s5, $0x0;
	s5 =	sld [smem:$0x3F74]  }
0x2b: {  	s6 =	sld [smem:$0x3F75]  }
0x2c: {  	s7 =	sld [smem:$0x3F76]  }
0x2d: {  	s3 =	simm.s32 $0x108;
	s8 =	sld [smem:$0x3F77]  }
0x2e: {  	s3 =	simm.s32 @!p0 $0x1082;
	s9 =	sld [smem:$0x3F78]  }
0x2f: {  	lr =	sadd.s32 s0, s3;
	s0 =	sld [smem:$0x3F6F]  }
0x30: {  	s3 =	sld [smem:$0x3F72]  }
0x31: {  	[smem:$0x3F7B] =	sst s10  }
0x32: {  	s10 =	sld [smem:$0x3F79];
	_ =	sdelay $0x3  }
0x33: {  	p0 =	seq.s32 s10, $0x1;
	s10 =	sld [smem:$0x3F7B];
	_ =	sdelay $0x3  }
0x34: {  	[smem:$0x3F7B] =	sst s10  }
0x35: {  	s10 =	sld [smem:$0x3F7A];
	_ =	sdelay $0x3  }
0x36: {  	p1 =	seq.s32 s10, $0x1;
	s10 =	sld [smem:$0x3F7B];
	_ =	sdelay $0x3  }
0x37: {  	[smem:$0x3F7B] =	sst s10  }
0x38: {  	s10 =	sld [smem:$0x3F7C]  }
0x39: {  	_ = 	snop;
	(pc) =	sbr.ind lr, $3  }
0x3a: {  	_ = 	snop  }
0x3b: {  	_ = 	snop  }
0x3c: {  	p2 =	seq.s32 s10, $0x1;
	s10 =	sld [smem:$0x3F7B]  }
0x3d: {  	_ =	shalt  }
0x3e: {  	_ =	shalt  }
0x3f: {  	_ =	shalt  }
0x40: {  	_ =	shalt  }
0x41: {  	_ =	shalt  }
0x42: {  	_ =	shalt  }
0x43: {  	_ =	shalt  }
0x44: {  	_ =	shalt  }
0x45: {  	_ =	shalt  }
0x46: {  	_ =	shalt  }
0x47: {  	_ =	shalt  }
0x48: {  	_ =	shalt  }
0x49: {  	_ =	shalt  }
0x4a: {  	_ =	shalt  }
0x4b: {  	_ =	shalt  }
0x4c: {  	_ =	shalt  }
0x4d: {  	_ =	shalt  }
0x4e: {  	_ =	shalt  }
0x4f: {  	_ =	shalt  }
0x50: {  	_ =	shalt  }
0x51: {  	_ =	shalt  }
0x52: {  	_ =	shalt  }
0x53: {  	_ =	shalt  }
0x54: {  	_ =	shalt  }
0x55: {  	_ =	shalt  }
0x56: {  	_ =	shalt  }
0x57: {  	_ =	shalt  }
0x58: {  	_ =	shalt  }
0x59: {  	_ =	shalt  }
0x5a: {  	_ =	shalt  }
0x5b: {  	_ =	shalt  }
0x5c: {  	_ =	shalt  }
0x5d: {  	_ =	shalt  }
0x5e: {  	_ =	shalt  }
0x5f: {  	_ =	shalt  }
0x60: {  	_ =	shalt  }
0x61: {  	_ =	shalt  }
0x62: {  	_ =	shalt  }
0x63: {  	_ =	shalt  }
0x64: {  	_ =	shalt  }
0x65: {  	_ =	shalt  }
0x66: {  	_ =	shalt  }
0x67: {  	_ =	shalt  }
0x68: {  	_ =	shalt  }
0x69: {  	_ =	shalt  }
0x6a: {  	_ =	shalt  }
0x6b: {  	_ =	shalt  }
0x6c: {  	_ =	shalt  }
0x6d: {  	_ =	shalt  }
0x6e: {  	_ =	shalt  }
0x6f: {  	_ =	shalt  }
0x70: {  	_ =	shalt  }
0x71: {  	_ =	shalt  }
0x72: {  	_ =	shalt  }
0x73: {  	_ =	shalt  }
0x74: {  	_ =	shalt  }
0x75: {  	_ =	shalt  }
0x76: {  	_ =	shalt  }
0x77: {  	_ =	shalt  }
0x78: {  	_ =	shalt  }
0x79: {  	_ =	shalt  }
0x7a: {  	_ =	shalt  }
0x7b: {  	_ =	shalt  }
0x7c: {  	_ =	shalt  }
0x7d: {  	_ =	shalt  }
0x7e: {  	_ =	shalt  }
0x7f: {  	_ =	shalt  }
0x80: {  	_ =	shalt  }
0x81: {  	_ =	shalt  }
0x82: {  	_ =	shalt  }
0x83: {  	_ =	shalt  }
0x84: {  	_ =	shalt  }
0x85: {  	_ =	shalt  }
0x86: {  	_ =	shalt  }
0x87: {  	_ =	shalt  }
.Lfunc_end0:
.L_simem_size_0:
called_computation.2_lowered:
.L_overlay_start_0:
0x88: {  	s2 =	sld [smem:$0x3FD9]  }
0x89: {  	s3 =	sld [smem:$0x3FFE];
	_ =	sdelay $0x1  }
0x8a: {  	s1 =	srdreg.scid  }
0x8b: {  	s0 =	sand.u32 $0x1, s1  }
0x8c: {  	s16 =	sshll.u32 s0, $0xA;
	s2 =	sadd.s32 s3, s2  }
0x8d: {  	s2 =	sadd.s32 s2, s16  }
0x8e: {  	[smem:$0x3F87] =	sst s2  }
0x8f: {  	_ = 	snop  }
0x90: {  	(tm) =	ssettm $0x1  }
0x91: {  	s17 =	sld [smem:$0x3FFB];
	_ =	sdelay $0x3  }
0x92: {  	_ =	strace s17  }
0x93: {  	s2 =	sld [smem:$0x3FFC];
	_ =	sdelay $0x3  }
0x94: {  	_ =	strace s2  }
0x95: {  	s2 =	sld [smem:$0x3FFD];
	_ =	sdelay $0x3  }
0x96: {  	_ =	strace s2  }
0x97: {  	_ =	strace $0x8FFFFFFF  }
0x98: {  	s18 =	sld [smem:$0x3FDB];
	_ =	sdelay $0x1  }
0x99: {  	s19 =	simm.s32 $_scs_section_size  }
0x9a: {  	s4 =	simm.s32 $_size__tile_overlayer_lowered;
	s5 =	simm.s32 $_tile_overlayer_lowered  }
0x9b: {  	s22 =	simm.s32 $0x1BFF;
	s21 =	sshll.u32 s5, $0x1;
	s2 =	sadd.s32 s19, s18  }
0x9c: {  	s6 =	simm.s32 $0x0;
	s20 =	sshll.u32 s4, $0x1;
	s4 =	sadd.s32 s21, s2  }
0x9d: {  	[timem:s6], [sflag:s22] =	dma.local [hbm:s4], s20  }
0x9e: {  	_ =	swait.ge [sflag:s22], s20  }
0x9f: {  	s3 =	ssub.s32 $0x0, s20;
	[sflag:s22] =	ssyncset.done $0x0  }
0xa0: {  	[sflag:s22] =	ssyncadd.s32 s3;
	_ =	sdelay $0x1  }
0xa1: {  	s23 =	simm.s32 $0x1B8B  }
0xa2: {  	_ =	swait.ge [sflag:s23], $0x1  }
0xa3: {  	[sflag:s23] =	ssyncset.done $0x0  }
0xa4: {  	s25 =	simm.s32 $0x1B8E;
	s24 =	sld [smem:$0x3FFE];
	[sflag:s23] =	ssyncadd.s32 $0xFFFFFFFF  }
0xa5: {  	s26 =	simm.s32 $execute0_lowered;
	[smem:$0x3FD2] =	sst s25  }
0xa6: {  	s4 =	sshll.u32 s26, $0x1;
	_ =	strace $0x8000004C;
	[dreg:$0x1] =	wrdreg $0xFFFFFFFF  }
0xa7: {  	s28 =	simm.s32 $_size_execute0_lowered;
	s2 =	sadd.s32 s2, s4;
	[dreg:$0x0] =	wrdreg $0x0  }
0xa8: {  	s4 =	sshll.u32 s28, $0x1;
	[dreg:$0x2] =	wrdreg s2  }
0xa9: {  	[dreg:$0x3] =	wrdreg s4  }
0xaa: {  	[dreg:$0x4] =	wrdreg $0xC0  }
0xab: {  	_ =	task [dreg:s6], $0x5FFFF  }
0xac: {  	[dreg:$0x1] =	wrdreg $0xFFFFFFFF  }
0xad: {  	[dreg:$0x0] =	wrdreg $0x60  }
0xae: {  	[dreg:$0x2] =	wrdreg s24  }
0xaf: {  	[dreg:$0x3] =	wrdreg $0x40800  }
0xb0: {  	[dreg:$0x4] =	wrdreg $0x9  }
0xb1: {  	_ =	task.clear_ibuf [dreg:s6], $0x5FFFF;
	_ =	strace $0x9000004C  }
0xb2: {  	s29 =	simm.s32 $0x9;
	_ =	strace $0x8000004E  }
0xb3: {  	_ =	swait.ge [sflag:s29], $0x1  }
0xb4: {  	[sflag:s29] =	ssyncadd.s32 $0xFFFFFFFF  }
0xb5: {  	_ =	strace $0x9000004E  }
0xb6: {  	_ =	sfence  }
0xb7: {  	s30 =	sld [smem:$0x0];
	_ =	sdelay $0x2  }
0xb8: {  	s31 =	sshll.u32 s1, $0xD;
	s1 =	sshrl.u32 s1, $0x2  }
0xb9: {  	s3 =	sand.u32 $0x4000, s31;
	s1 =	sadd.s32 s1, s30  }
0xba: {  	s0 =	sor.u32 s3, s0;
	s1 =	sshll.u32 s1, $0x11  }
0xbb: {  	s0 =	sor.u32 s1, s0  }
0xbc: {  	s0 =	sadd.s32 $0x8F2B, s0  }
0xbd: {  	[sflag:s0] =	ssyncadd.remote.s32 $0x1  }
0xbe: {  	_ =	sfence.sel $0xFFFF  }
0xbf: {  	[dreg:$0x0] =	wrdreg $0xFFFFFFFF;
	(pc) =	sbr.abs _section_cstart, $3  }
0xc0: {  	[dreg:$0x1] =	wrdreg $0xFFFFFFFF  }
0xc1: {  	_ =	task.clear_ibuf [dreg:s6], $0x2FFFF;
	_ =	strace $0x9FFFFFFF  }
0xc2: {  	(tm) =	ssettm $0x7FFFFFFF  }
0xc3: {  	_ =	shalt  }
tec
execute0_lowered:
.L_overlay_start_1:
0x0: {  	(tag) =	ssettag $0x1  }
0x1: {  	s6 =	rddreg [dreg:$0x0]  }
0x2: {  	s2 =	rddreg [dreg:$0x1]  }
0x3: {  	s0 =	rddreg [dreg:$0x2];
	s3 =	simm.s32 $0x0;
	s1 =	stileid.u32  }
0x4: {  	s7 =	srdreg.scid;
	s16 =	simm.s32 $0x80;
	s4 =	smul.u32 $0x28000, s1  }
0x5: {  	s17 =	simm.s32 $0x1;
	s18 =	simm.s32 $0x0;
	s5 =	smul.u32 $0x500, s1  }
0x6: {  	[smem:$0x7FF] =	sst s3;
	s14 =	sand.u32 $0x1, s7;
	s8 =	smul.u32 $0x50000, s1  }
0x7: {  	s31 =	sshll.u32 s1, $0x6;
	_ =	strace $0x8000004D;
	s7 =	ssub.s32 $0x2, s14  }
0x8: {  	p0 =	sne.s32 s14, $0x0;
	s13 =	sadd.s32 s4, s6;
	s4 =	smul.u32 $0x2800, s1  }
0x9: {  	s12 =	sadd.s32 s5, s6;
	s5 =	sadd.s32 $0x40600, s6;
	s10 =	sshrl.u32 s7, $0x1  }
.Ltmp0:
0xa: {  	s30 =	sshrl.u32 s8, $0x2;
	s8 =	sor.u32 $0x1C02, s31;
	(pc) =	sbr.rel .LBB2_1-.Ltmp0, $4  }
0xb: {  	s10 =	ssub.s32 s7, s10;
	s15 =	sadd.s32 s30, s2;
	s11 =	sadd.s32 $0xE600, s12  }
0xc: {  	s12 =	sadd.s32 $0x13600, s12;
	s9 =	sadd.s32 s4, s6;
	s6 =	sadd.s32 $0x68600, s6  }
0xd: {  	s14 =	sshrl.u32 s15, $0x3;
	s15 =	simm.s32 $0x2;
	s7 =	sadd.s32 $0x18600, s9  }
0xe: {  	s9 =	smax.u32 s10, $0x1;
	s10 =	sadd.s32 $0xB7B600, s13;
	s13 =	sadd.s32 $0x8FB600, s13  }
.LBB2_7:
0xf: {  	s20 =	sadd.s32 s20, s12;
	[sflag:s15] =	ssyncadd.s32 $0xFFFFC000  }
0x10: {  	[tilespmem:s3], [sflag:$0x2] =	stream.linear.gather [hbm4b:s20+s3], $0x80, $0x38;
	[tilespmem:$0x18080] =	vst v63  }
0x11: {  	_ =	swait.ge [sflag:s15], $0x80  }
0x12: {  	[sflag:s15] =	ssyncset.done $0x0  }
0x13: {  	[sflag:s15] =	ssyncadd.s32 $0xFFFFFF80  }
0x14: {  	[tilespmem:s16], [sflag:$0x1] =	stream.linear.gather [hbm4b:s19+s3], $0x4000, $0x38;
	[tilespmem:$0x18080] =	vst v63  }
0x15: {  	_ =	swait.ge [sflag:s17], $0x4000  }
0x16: {  	[sflag:s17] =	ssyncset.done $0x0  }
0x17: {  	[sflag:s17] =	ssyncadd.s32 $0xFFFFC000  }
0x18: {  	[spmem:s2] =	stream.indirect.scatter.add.f32 [tilespmem:s16], [sflag:$0x2], $0x80, s3, s16, $0xb8;
	[tilespmem:$0x18080] =	vst v63  }
0x19: {  	_ =	swait.ge [sflag:s15], $0x4000  }
0x1a: {  	[sflag:s15] =	ssyncset.done $0x0  }
0x1b: {  	s19 =	smov.u32 s6;
	[sflag:s15] =	ssyncadd.s32 $0xFFFFC000  }
.LBB2_8:
0x1c: {  	s18 =	sadd.s32 $0x1, s18  }
0x1d: {  	p1 =	sne.s32 s18, s9  }
.Ltmp1:
0x1e: {  	s19 =	sadd.s32 s19, s4;
	[bflag:$0x0] =	sbarrier.arrive $0xFFFF;
	(pc) =	sbr.rel @!p1 .LBB2_9-.Ltmp1, $4  }
0x1f: {  	[hbm:s19], [sflag:s8] =	dma.local [spmem:s14], $0x2800  }
0x20: {  	_ =	swait.ge [sflag:s15], $0x2800  }
0x21: {  	[sflag:s15] =	ssyncset.done $0x0  }
0x22: {  	[sflag:s15] =	ssyncadd.s32 $0xFFFFD800  }
.LBB2_1:
0x23: {  	[spmem:s14], [sflag:s8] =	dma.local [hbm:s7], $0x2800  }
.Ltmp2:
0x24: {  	_ =	swait.ge [sflag:s15], $0x2800;
	(pc) =	sbr.rel @p0 .LBB2_5-.Ltmp2, $3  }
0x25: {  	[sflag:s15] =	ssyncset.done $0x0  }
0x26: {  	[sflag:s15] =	ssyncadd.s32 $0xFFFFD800  }
0x27: {  	[bflag:$0x0] =	sbarrier.arrive $0xFFFF;
	_ =	sdelay $0x1  }
0x28: {  	s19 =	sadd.s32 $0x0, s11  }
0x29: {  	[tilespmem:s3], [sflag:$0x2] =	stream.linear.gather [hbm4b:s19+s3], $0x80, $0x38;
	[tilespmem:$0x18080] =	vst v63  }
0x2a: {  	_ =	swait.ge [sflag:s15], $0x80  }
0x2b: {  	[sflag:s15] =	ssyncset.done $0x0  }
0x2c: {  	[sflag:s15] =	ssyncadd.s32 $0xFFFFFF80  }
0x2d: {  	[tilespmem:s16], [sflag:$0x1] =	stream.linear.gather [hbm4b:s13+s3], $0x4000, $0x38;
	[tilespmem:$0x18080] =	vst v63  }
0x2e: {  	_ =	swait.ge [sflag:s17], $0x4000  }
0x2f: {  	[sflag:s17] =	ssyncset.done $0x0  }
0x30: {  	[sflag:s17] =	ssyncadd.s32 $0xFFFFC000  }
0x31: {  	[spmem:s2] =	stream.indirect.scatter.add.f32 [tilespmem:s16], [sflag:$0x2], $0x80, s3, s16, $0xb8;
	[tilespmem:$0x18080] =	vst v63  }
0x32: {  	s20 =	simm.s32 $0x10;
	_ =	swait.ge [sflag:s15], $0x4000  }
0x33: {  	s21 =	simm.s32 $0x20;
	s19 =	sadd.s32 $0x800, s13;
	[sflag:s15] =	ssyncset.done $0x0  }
.LBB2_3:
0x34: {  	s22 =	sadd.s32 s20, s11  }
0x35: {  	[sflag:s15] =	ssyncadd.s32 $0xFFFFC000;
	s20 =	smov.u32 s21;
	s23 =	sadd.s32 $0x10, s21  }
0x36: {  	[tilespmem:s3], [sflag:$0x2] =	stream.linear.gather [hbm4b:s22+s3], $0x80, $0x38;
	[tilespmem:$0x18080] =	vst v63  }
0x37: {  	p1 =	seq.s32 s21, $0x4F0;
	_ =	swait.ge [sflag:s15], $0x80  }
0x38: {  	[sflag:s15] =	ssyncset.done $0x0  }
0x39: {  	[sflag:s15] =	ssyncadd.s32 $0xFFFFFF80  }
0x3a: {  	[tilespmem:s16], [sflag:$0x1] =	stream.linear.gather [hbm4b:s19+s3], $0x4000, $0x38;
	[tilespmem:$0x18080] =	vst v63  }
0x3b: {  	_ =	swait.ge [sflag:s17], $0x4000  }
.Ltmp3:
0x3c: {  	[sflag:s17] =	ssyncset.done $0x0;
	(pc) =	sbr.rel @!p1 .LBB2_3-.Ltmp3, $4  }
0x3d: {  	[sflag:s17] =	ssyncadd.s32 $0xFFFFC000  }
0x3e: {  	[spmem:s2] =	stream.indirect.scatter.add.f32 [tilespmem:s16], [sflag:$0x2], $0x80, s3, s16, $0xb8;
	[tilespmem:$0x18080] =	vst v63  }
0x3f: {  	_ =	swait.ge [sflag:s15], $0x4000  }
0x40: {  	s21 =	smov.u32 s23;
	s19 =	sadd.s32 $0x800, s19;
	[sflag:s15] =	ssyncset.done $0x0  }
0x41: {  	s20 =	sadd.s32 s20, s11;
	[sflag:s15] =	ssyncadd.s32 $0xFFFFC000  }
0x42: {  	[tilespmem:s3], [sflag:$0x2] =	stream.linear.gather [hbm4b:s20+s3], $0x80, $0x38;
	[tilespmem:$0x18080] =	vst v63  }
0x43: {  	_ =	swait.ge [sflag:s15], $0x80  }
0x44: {  	[sflag:s15] =	ssyncset.done $0x0  }
0x45: {  	[sflag:s15] =	ssyncadd.s32 $0xFFFFFF80  }
0x46: {  	[tilespmem:s16], [sflag:$0x1] =	stream.linear.gather [hbm4b:s19+s3], $0x4000, $0x38;
	[tilespmem:$0x18080] =	vst v63  }
0x47: {  	_ =	swait.ge [sflag:s17], $0x4000  }
0x48: {  	[sflag:s17] =	ssyncset.done $0x0  }
.Ltmp4:
0x49: {  	[sflag:s17] =	ssyncadd.s32 $0xFFFFC000;
	(pc) =	sbr.rel .LBB2_8-.Ltmp4, $4  }
0x4a: {  	[spmem:s2] =	stream.indirect.scatter.add.f32 [tilespmem:s16], [sflag:$0x2], $0x80, s3, s16, $0xb8;
	[tilespmem:$0x18080] =	vst v63  }
0x4b: {  	_ =	swait.ge [sflag:s15], $0x4000  }
0x4c: {  	[sflag:s15] =	ssyncset.done $0x0  }
0x4d: {  	s19 =	smov.u32 s5;
	[sflag:s15] =	ssyncadd.s32 $0xFFFFC000  }
.LBB2_5:
0x4e: {  	s19 =	sadd.s32 $0x0, s12  }
0x4f: {  	[tilespmem:s3], [sflag:$0x2] =	stream.linear.gather [hbm4b:s19+s3], $0x80, $0x38;
	[tilespmem:$0x18080] =	vst v63  }
0x50: {  	_ =	swait.ge [sflag:s15], $0x80  }
0x51: {  	[sflag:s15] =	ssyncset.done $0x0  }
0x52: {  	[sflag:s15] =	ssyncadd.s32 $0xFFFFFF80  }
0x53: {  	[tilespmem:s16], [sflag:$0x1] =	stream.linear.gather [hbm4b:s10+s3], $0x4000, $0x38;
	[tilespmem:$0x18080] =	vst v63  }
0x54: {  	_ =	swait.ge [sflag:s17], $0x4000  }
0x55: {  	[sflag:s17] =	ssyncset.done $0x0  }
0x56: {  	[sflag:s17] =	ssyncadd.s32 $0xFFFFC000  }
0x57: {  	[spmem:s2] =	stream.indirect.scatter.add.f32 [tilespmem:s16], [sflag:$0x2], $0x80, s3, s16, $0xb8;
	[tilespmem:$0x18080] =	vst v63  }
0x58: {  	s20 =	simm.s32 $0x10;
	_ =	swait.ge [sflag:s15], $0x4000  }
0x59: {  	s21 =	simm.s32 $0x20;
	s19 =	sadd.s32 $0x800, s10;
	[sflag:s15] =	ssyncset.done $0x0  }
.LBB2_6:
0x5a: {  	s22 =	sadd.s32 s20, s12  }
0x5b: {  	[sflag:s15] =	ssyncadd.s32 $0xFFFFC000;
	s20 =	smov.u32 s21;
	s23 =	sadd.s32 $0x10, s21  }
0x5c: {  	[tilespmem:s3], [sflag:$0x2] =	stream.linear.gather [hbm4b:s22+s3], $0x80, $0x38;
	[tilespmem:$0x18080] =	vst v63  }
0x5d: {  	p1 =	sne.s32 s21, $0x4F0;
	_ =	swait.ge [sflag:s15], $0x80  }
0x5e: {  	[sflag:s15] =	ssyncset.done $0x0  }
0x5f: {  	[sflag:s15] =	ssyncadd.s32 $0xFFFFFF80  }
0x60: {  	[tilespmem:s16], [sflag:$0x1] =	stream.linear.gather [hbm4b:s19+s3], $0x4000, $0x38;
	[tilespmem:$0x18080] =	vst v63  }
0x61: {  	_ =	swait.ge [sflag:s17], $0x4000  }
.Ltmp5:
0x62: {  	[sflag:s17] =	ssyncset.done $0x0;
	(pc) =	sbr.rel @p1 .LBB2_6-.Ltmp5, $4  }
0x63: {  	[sflag:s17] =	ssyncadd.s32 $0xFFFFC000  }
0x64: {  	[spmem:s2] =	stream.indirect.scatter.add.f32 [tilespmem:s16], [sflag:$0x2], $0x80, s3, s16, $0xb8;
	[tilespmem:$0x18080] =	vst v63  }
0x65: {  	_ =	swait.ge [sflag:s15], $0x4000  }
0x66: {  	s21 =	smov.u32 s23;
	s19 =	sadd.s32 $0x800, s19;
	[sflag:s15] =	ssyncset.done $0x0  }
.Ltmp6:
0x67: {  	_ = 	snop;
	(pc) =	sbr.rel .LBB2_7-.Ltmp6, $1  }
0x68: {  	_ =	sdelay $0x3  }
.LBB2_9:
0x69: {  	_ =	sfence.sel $0x180000  }
0x6a: {  	[bflag:$0x0] =	sbarrier.arrive $0xFFFF  }
0x6b: {  	p0 =	sne.s32 s1, $0x0;
	_ =	strace $0x9000004D  }
0x6c: {  	s0 =	sadd.s32 @!p0 $0x100000, s0;
	[bflag:$0x2] =	sbarrier.arrive $0xFFFF  }
0x6d: {  	[sflag:s0] =	ssyncadd.tile.s32 @!p0 $0x1;
	_ =	shalt  }
.Lfunc_end2:
_tile_overlayer_lowered:
.L_overlay_start_2:
0x6e: {  	(tag) =	ssettag $0x2  }
0x6f: {  	s0 =	rddreg [dreg:$0x0];
	s2 =	stileid.u32  }
0x70: {  	s1 =	rddreg [dreg:$0x1];
	p0 =	sne.s32 s2, $0x0  }
0x71: {  	s3 =	rddreg [dreg:$0x2];
	[bflag:$0x3] =	sbarrier.arrive $0xFFFF;
	s2 =	simm.s32 @!p0 $0x1C02  }
0x72: {  	[timem:s3], [sflag:s2] =	dma.local @!p0 [hbm:s0], s1  }
0x73: {  	s0 =	simm.s32 @!p0 $0x2  }
0x74: {  	_ =	swait.ge @!p0 [sflag:s0], s1  }
0x75: {  	s1 =	ssub.s32 @!p0 $0x0, s1;
	[sflag:s0] =	ssyncset.done @!p0 $0x0  }
0x76: {  	[sflag:s0] =	ssyncadd.s32 @!p0 s1  }
0x77: {  	[bflag:$0x3] =	sbarrier.arrive $0xFFFF  }
0x78: {  	_ =	shalt  }

// kernel: sc_scatter_add.8.cloned.1.call-start
scs
__scs_entry_jumppad:
0x0: {  	(pc) =	sbr.rel $0x88, $3  }
0x1: {  	(tag) =	ssettag $0x0;
	lr =	simm.s32 $0x1  }
0x2: {  	[smem:$0x3F60] =	sst lr;
	_ =	strace $0xD0000000  }
0x3: {  	_ = 	snop  }
0x4: {  	_ = 	snop  }
0x5: {  	_ = 	snop  }
0x6: {  	_ = 	snop  }
0x7: {  	_ = 	snop  }
__scs_overlays_trampoline_lowered:
0x8: {  	[smem:$0x3F6F] =	sst s0  }
0x9: {  	[smem:$0x3F70] =	sst s1  }
0xa: {  	[smem:$0x3F71] =	sst s2  }
0xb: {  	[smem:$0x3F72] =	sst s3  }
0xc: {  	[smem:$0x3F73] =	sst s4  }
0xd: {  	[smem:$0x3F74] =	sst s5  }
0xe: {  	[smem:$0x3F75] =	sst s6  }
0xf: {  	[smem:$0x3F76] =	sst s7  }
0x10: {  	[smem:$0x3F77] =	sst s8  }
0x11: {  	[smem:$0x3F78] =	sst s9;
	s0 =	simm.s32 @!p0 $0x0  }
0x12: {  	s1 =	sld [smem:$0x3F5E];
	s0 =	simm.s32 @p0 $0x1  }
0x13: {  	[smem:$0x3F79] =	sst s0;
	s0 =	simm.s32 @!p1 $0x0  }
0x14: {  	s2 =	sld [smem:$0x3F5D];
	s0 =	simm.s32 @p1 $0x1  }
0x15: {  	[smem:$0x3F7A] =	sst s0;
	s0 =	simm.s32 @!p2 $0x0  }
0x16: {  	s3 =	sld [smem:$0x3FDB];
	s0 =	simm.s32 @p2 $0x1  }
0x17: {  	s4 =	simm.s32 $0x1BF5;
	[smem:$0x3F7C] =	sst s0  }
0x18: {  	s0 =	sld [smem:$0x3F5F];
	_ =	swait.ge [sflag:s4], $0x0  }
0x19: {  	s7 =	sld [smem:$0x3F60]  }
0x1a: {  	s8 =	sadd.s32 $0xFFFFE003, lr  }
0x1b: {  	s9 =	sadd.s32 $0xFFFFFEF7, lr;
	s5 =	simm.s32 $0xFFFFFFFF;
	p2 =	slt.u32 s8, $0xFFFFF086  }
0x1c: {  	p1 =	slt.u32 s9, $0xF7A;
	s5 =	simm.s32 @!p2 $0x0  }
0x1d: {  	s5 =	simm.s32 @p1 $0x1;
	p0 =	seq.s32 s7, s2  }
0x1e: {  	s7 =	smul.u32 @!p0 $0xF7A, s2;
	p2 =	seq.s32 @!p0 s5, $0x0  }
0x1f: {  	s9 =	smul.u32 $0xF7A, s1;
	s8 =	simm.s32 @!p0 $0x1BF5;
	p2 =	por !p2, p0  }
0x20: {  	[sflag:s8] =	ssyncset.s32 @!p0 $0xFFFFF086;
	s6 =	sadd.s32 @!p0 s3, s7;
	s7 =	simm.s32 @!p0 $0x108  }
0x21: {  	s3 =	sadd.s32 s3, s9;
	s6 =	sadd.s32 @!p0 $0x88, s6;
	s7 =	simm.s32 @p2 $0x1082  }
0x22: {  	[simem:s7], [sflag:s8] =	dma.local @!p0 [hbm:s6], $0xF7A  }
0x23: {  	s9 =	sor.u32 $0xD0000000, s2;
	s6 =	simm.s32 $0x108;
	_ =	swait.ge @!p0 [sflag:s8], $0x0  }
0x24: {  	s3 =	sadd.s32 $0x88, s3;
	s6 =	simm.s32 @!p1 $0x1082;
	[sflag:s4] =	ssyncset.s32 $0xFFFFF086  }
0x25: {  	[simem:s6], [sflag:s4] =	dma.local [hbm:s3], $0xF7A  }
0x26: {  	[smem:$0x3F60] =	sst s1;
	(tag) =	ssettag s2;
	_ =	strace s9  }
0x27: {  	s1 =	sld [smem:$0x3F70]  }
0x28: {  	s2 =	sld [smem:$0x3F71]  }
0x29: {  	s4 =	sld [smem:$0x3F73]  }
0x2a: {  	p0 =	seq.s32 s5, $0x0;
	s5 =	sld [smem:$0x3F74]  }
0x2b: {  	s6 =	sld [smem:$0x3F75]  }
0x2c: {  	s7 =	sld [smem:$0x3F76]  }
0x2d: {  	s3 =	simm.s32 $0x108;
	s8 =	sld [smem:$0x3F77]  }
0x2e: {  	s3 =	simm.s32 @!p0 $0x1082;
	s9 =	sld [smem:$0x3F78]  }
0x2f: {  	lr =	sadd.s32 s0, s3;
	s0 =	sld [smem:$0x3F6F]  }
0x30: {  	s3 =	sld [smem:$0x3F72]  }
0x31: {  	[smem:$0x3F7B] =	sst s10  }
0x32: {  	s10 =	sld [smem:$0x3F79];
	_ =	sdelay $0x3  }
0x33: {  	p0 =	seq.s32 s10, $0x1;
	s10 =	sld [smem:$0x3F7B];
	_ =	sdelay $0x3  }
0x34: {  	[smem:$0x3F7B] =	sst s10  }
0x35: {  	s10 =	sld [smem:$0x3F7A];
	_ =	sdelay $0x3  }
0x36: {  	p1 =	seq.s32 s10, $0x1;
	s10 =	sld [smem:$0x3F7B];
	_ =	sdelay $0x3  }
0x37: {  	[smem:$0x3F7B] =	sst s10  }
0x38: {  	s10 =	sld [smem:$0x3F7C]  }
0x39: {  	_ = 	snop;
	(pc) =	sbr.ind lr, $3  }
0x3a: {  	_ = 	snop  }
0x3b: {  	_ = 	snop  }
0x3c: {  	p2 =	seq.s32 s10, $0x1;
	s10 =	sld [smem:$0x3F7B]  }
0x3d: {  	_ =	shalt  }
0x3e: {  	_ =	shalt  }
0x3f: {  	_ =	shalt  }
0x40: {  	_ =	shalt  }
0x41: {  	_ =	shalt  }
0x42: {  	_ =	shalt  }
0x43: {  	_ =	shalt  }
0x44: {  	_ =	shalt  }
0x45: {  	_ =	shalt  }
0x46: {  	_ =	shalt  }
0x47: {  	_ =	shalt  }
0x48: {  	_ =	shalt  }
0x49: {  	_ =	shalt  }
0x4a: {  	_ =	shalt  }
0x4b: {  	_ =	shalt  }
0x4c: {  	_ =	shalt  }
0x4d: {  	_ =	shalt  }
0x4e: {  	_ =	shalt  }
0x4f: {  	_ =	shalt  }
0x50: {  	_ =	shalt  }
0x51: {  	_ =	shalt  }
0x52: {  	_ =	shalt  }
0x53: {  	_ =	shalt  }
0x54: {  	_ =	shalt  }
0x55: {  	_ =	shalt  }
0x56: {  	_ =	shalt  }
0x57: {  	_ =	shalt  }
0x58: {  	_ =	shalt  }
0x59: {  	_ =	shalt  }
0x5a: {  	_ =	shalt  }
0x5b: {  	_ =	shalt  }
0x5c: {  	_ =	shalt  }
0x5d: {  	_ =	shalt  }
0x5e: {  	_ =	shalt  }
0x5f: {  	_ =	shalt  }
0x60: {  	_ =	shalt  }
0x61: {  	_ =	shalt  }
0x62: {  	_ =	shalt  }
0x63: {  	_ =	shalt  }
0x64: {  	_ =	shalt  }
0x65: {  	_ =	shalt  }
0x66: {  	_ =	shalt  }
0x67: {  	_ =	shalt  }
0x68: {  	_ =	shalt  }
0x69: {  	_ =	shalt  }
0x6a: {  	_ =	shalt  }
0x6b: {  	_ =	shalt  }
0x6c: {  	_ =	shalt  }
0x6d: {  	_ =	shalt  }
0x6e: {  	_ =	shalt  }
0x6f: {  	_ =	shalt  }
0x70: {  	_ =	shalt  }
0x71: {  	_ =	shalt  }
0x72: {  	_ =	shalt  }
0x73: {  	_ =	shalt  }
0x74: {  	_ =	shalt  }
0x75: {  	_ =	shalt  }
0x76: {  	_ =	shalt  }
0x77: {  	_ =	shalt  }
0x78: {  	_ =	shalt  }
0x79: {  	_ =	shalt  }
0x7a: {  	_ =	shalt  }
0x7b: {  	_ =	shalt  }
0x7c: {  	_ =	shalt  }
0x7d: {  	_ =	shalt  }
0x7e: {  	_ =	shalt  }
0x7f: {  	_ =	shalt  }
0x80: {  	_ =	shalt  }
0x81: {  	_ =	shalt  }
0x82: {  	_ =	shalt  }
0x83: {  	_ =	shalt  }
0x84: {  	_ =	shalt  }
0x85: {  	_ =	shalt  }
0x86: {  	_ =	shalt  }
0x87: {  	_ =	shalt  }
.Lfunc_end0:
.L_simem_size_0:
called_computation.4_lowered:
.L_overlay_start_0:
0x88: {  	s2 =	sld [smem:$0x3FD9]  }
0x89: {  	s3 =	sld [smem:$0x3FFE];
	_ =	sdelay $0x1  }
0x8a: {  	s1 =	srdreg.scid  }
0x8b: {  	s0 =	sand.u32 $0x1, s1  }
0x8c: {  	s16 =	sshll.u32 s0, $0xA;
	s2 =	sadd.s32 s3, s2  }
0x8d: {  	s2 =	sadd.s32 s2, s16  }
0x8e: {  	[smem:$0x3F87] =	sst s2  }
0x8f: {  	_ = 	snop  }
0x90: {  	(tm) =	ssettm $0x1  }
0x91: {  	s17 =	sld [smem:$0x3FFB];
	_ =	sdelay $0x3  }
0x92: {  	_ =	strace s17  }
0x93: {  	s2 =	sld [smem:$0x3FFC];
	_ =	sdelay $0x3  }
0x94: {  	_ =	strace s2  }
0x95: {  	s2 =	sld [smem:$0x3FFD];
	_ =	sdelay $0x3  }
0x96: {  	_ =	strace s2  }
0x97: {  	_ =	strace $0x8FFFFFFF  }
0x98: {  	s18 =	sld [smem:$0x3FDB];
	_ =	sdelay $0x1  }
0x99: {  	s19 =	simm.s32 $_scs_section_size  }
0x9a: {  	s4 =	simm.s32 $_size__tile_overlayer_lowered;
	s5 =	simm.s32 $_tile_overlayer_lowered  }
0x9b: {  	s22 =	simm.s32 $0x1BFF;
	s21 =	sshll.u32 s5, $0x1;
	s2 =	sadd.s32 s19, s18  }
0x9c: {  	s6 =	simm.s32 $0x0;
	s20 =	sshll.u32 s4, $0x1;
	s4 =	sadd.s32 s21, s2  }
0x9d: {  	[timem:s6], [sflag:s22] =	dma.local [hbm:s4], s20  }
0x9e: {  	_ =	swait.ge [sflag:s22], s20  }
0x9f: {  	s3 =	ssub.s32 $0x0, s20;
	[sflag:s22] =	ssyncset.done $0x0  }
0xa0: {  	[sflag:s22] =	ssyncadd.s32 s3;
	_ =	sdelay $0x1  }
0xa1: {  	s23 =	simm.s32 $0x1B8B  }
0xa2: {  	_ =	swait.ge [sflag:s23], $0x1  }
0xa3: {  	[sflag:s23] =	ssyncset.done $0x0  }
0xa4: {  	s25 =	simm.s32 $0x1B8E;
	s24 =	sld [smem:$0x3FFE];
	[sflag:s23] =	ssyncadd.s32 $0xFFFFFFFF  }
0xa5: {  	s26 =	simm.s32 $execute0_lowered;
	[smem:$0x3FD2] =	sst s25  }
0xa6: {  	s4 =	sshll.u32 s26, $0x1;
	_ =	strace $0x80000052;
	[dreg:$0x1] =	wrdreg $0xFFFFFFFF  }
0xa7: {  	s28 =	simm.s32 $_size_execute0_lowered;
	s2 =	sadd.s32 s2, s4;
	[dreg:$0x0] =	wrdreg $0x0  }
0xa8: {  	s4 =	sshll.u32 s28, $0x1;
	[dreg:$0x2] =	wrdreg s2  }
0xa9: {  	[dreg:$0x3] =	wrdreg s4  }
0xaa: {  	[dreg:$0x4] =	wrdreg $0xC0  }
0xab: {  	_ =	task [dreg:s6], $0x5FFFF  }
0xac: {  	[dreg:$0x1] =	wrdreg $0xFFFFFFFF  }
0xad: {  	[dreg:$0x0] =	wrdreg $0x60  }
0xae: {  	[dreg:$0x2] =	wrdreg s24  }
0xaf: {  	[dreg:$0x3] =	wrdreg $0x40800  }
0xb0: {  	[dreg:$0x4] =	wrdreg $0x9  }
0xb1: {  	_ =	task.clear_ibuf [dreg:s6], $0x5FFFF;
	_ =	strace $0x90000052  }
0xb2: {  	s29 =	simm.s32 $0x9;
	_ =	strace $0x80000054  }
0xb3: {  	_ =	swait.ge [sflag:s29], $0x1  }
0xb4: {  	[sflag:s29] =	ssyncadd.s32 $0xFFFFFFFF  }
0xb5: {  	_ =	strace $0x90000054  }
0xb6: {  	_ =	sfence  }
0xb7: {  	s30 =	sld [smem:$0x0];
	_ =	sdelay $0x2  }
0xb8: {  	s31 =	sshll.u32 s1, $0xD;
	s1 =	sshrl.u32 s1, $0x2  }
0xb9: {  	s3 =	sand.u32 $0x4000, s31;
	s1 =	sadd.s32 s1, s30  }
0xba: {  	s0 =	sor.u32 s3, s0;
	s1 =	sshll.u32 s1, $0x11  }
0xbb: {  	s0 =	sor.u32 s1, s0  }
0xbc: {  	s0 =	sadd.s32 $0x8F2B, s0  }
0xbd: {  	[sflag:s0] =	ssyncadd.remote.s32 $0x1  }
0xbe: {  	_ =	sfence.sel $0xFFFF  }
0xbf: {  	[dreg:$0x0] =	wrdreg $0xFFFFFFFF;
	(pc) =	sbr.abs _section_cstart, $3  }
0xc0: {  	[dreg:$0x1] =	wrdreg $0xFFFFFFFF  }
0xc1: {  	_ =	task.clear_ibuf [dreg:s6], $0x2FFFF;
	_ =	strace $0x9FFFFFFF  }
0xc2: {  	(tm) =	ssettm $0x7FFFFFFF  }
0xc3: {  	_ =	shalt  }
tec
execute0_lowered:
.L_overlay_start_1:
0x0: {  	(tag) =	ssettag $0x1  }
0x1: {  	s6 =	rddreg [dreg:$0x0]  }
0x2: {  	s2 =	rddreg [dreg:$0x1]  }
0x3: {  	s0 =	rddreg [dreg:$0x2];
	s3 =	simm.s32 $0x0;
	s1 =	stileid.u32  }
0x4: {  	s7 =	srdreg.scid;
	s16 =	simm.s32 $0x80;
	s4 =	smul.u32 $0x28000, s1  }
0x5: {  	s17 =	simm.s32 $0x1;
	s18 =	simm.s32 $0x0;
	s5 =	smul.u32 $0x500, s1  }
0x6: {  	[smem:$0x7FF] =	sst s3;
	s14 =	sand.u32 $0x1, s7;
	s8 =	smul.u32 $0x50000, s1  }
0x7: {  	s31 =	sshll.u32 s1, $0x6;
	_ =	strace $0x80000053;
	s7 =	ssub.s32 $0x2, s14  }
0x8: {  	p0 =	sne.s32 s14, $0x0;
	s13 =	sadd.s32 s4, s6;
	s4 =	smul.u32 $0x2800, s1  }
0x9: {  	s12 =	sadd.s32 s5, s6;
	s5 =	sadd.s32 $0x3FB600, s6;
	s10 =	sshrl.u32 s7, $0x1  }
.Ltmp0:
0xa: {  	s30 =	sshrl.u32 s8, $0x2;
	s8 =	sor.u32 $0x1C02, s31;
	(pc) =	sbr.rel .LBB2_1-.Ltmp0, $4  }
0xb: {  	s10 =	ssub.s32 s7, s10;
	s15 =	sadd.s32 s30, s2;
	s11 =	sadd.s32 $0xE600, s12  }
0xc: {  	s12 =	sadd.s32 $0x13600, s12;
	s9 =	sadd.s32 s4, s6;
	s6 =	sadd.s32 $0x423600, s6  }
0xd: {  	s14 =	sshrl.u32 s15, $0x3;
	s15 =	simm.s32 $0x2;
	s7 =	sadd.s32 $0x18600, s9  }
0xe: {  	s9 =	smax.u32 s10, $0x1;
	s10 =	sadd.s32 $0x8FB600, s13;
	s13 =	sadd.s32 $0x67B600, s13  }
.LBB2_7:
0xf: {  	s20 =	sadd.s32 s20, s12;
	[sflag:s15] =	ssyncadd.s32 $0xFFFFC000  }
0x10: {  	[tilespmem:s3], [sflag:$0x2] =	stream.linear.gather [hbm4b:s20+s3], $0x80, $0x38;
	[tilespmem:$0x18080] =	vst v63  }
0x11: {  	_ =	swait.ge [sflag:s15], $0x80  }
0x12: {  	[sflag:s15] =	ssyncset.done $0x0  }
0x13: {  	[sflag:s15] =	ssyncadd.s32 $0xFFFFFF80  }
0x14: {  	[tilespmem:s16], [sflag:$0x1] =	stream.linear.gather [hbm4b:s19+s3], $0x4000, $0x38;
	[tilespmem:$0x18080] =	vst v63  }
0x15: {  	_ =	swait.ge [sflag:s17], $0x4000  }
0x16: {  	[sflag:s17] =	ssyncset.done $0x0  }
0x17: {  	[sflag:s17] =	ssyncadd.s32 $0xFFFFC000  }
0x18: {  	[spmem:s2] =	stream.indirect.scatter.add.f32 [tilespmem:s16], [sflag:$0x2], $0x80, s3, s16, $0xb8;
	[tilespmem:$0x18080] =	vst v63  }
0x19: {  	_ =	swait.ge [sflag:s15], $0x4000  }
0x1a: {  	[sflag:s15] =	ssyncset.done $0x0  }
0x1b: {  	s19 =	smov.u32 s6;
	[sflag:s15] =	ssyncadd.s32 $0xFFFFC000  }
.LBB2_8:
0x1c: {  	s18 =	sadd.s32 $0x1, s18  }
0x1d: {  	p1 =	sne.s32 s18, s9  }
.Ltmp1:
0x1e: {  	s19 =	sadd.s32 s19, s4;
	[bflag:$0x0] =	sbarrier.arrive $0xFFFF;
	(pc) =	sbr.rel @!p1 .LBB2_9-.Ltmp1, $4  }
0x1f: {  	[hbm:s19], [sflag:s8] =	dma.local [spmem:s14], $0x2800  }
0x20: {  	_ =	swait.ge [sflag:s15], $0x2800  }
0x21: {  	[sflag:s15] =	ssyncset.done $0x0  }
0x22: {  	[sflag:s15] =	ssyncadd.s32 $0xFFFFD800  }
.LBB2_1:
0x23: {  	[spmem:s14], [sflag:s8] =	dma.local [hbm:s7], $0x2800  }
.Ltmp2:
0x24: {  	_ =	swait.ge [sflag:s15], $0x2800;
	(pc) =	sbr.rel @p0 .LBB2_5-.Ltmp2, $3  }
0x25: {  	[sflag:s15] =	ssyncset.done $0x0  }
0x26: {  	[sflag:s15] =	ssyncadd.s32 $0xFFFFD800  }
0x27: {  	[bflag:$0x0] =	sbarrier.arrive $0xFFFF;
	_ =	sdelay $0x1  }
0x28: {  	s19 =	sadd.s32 $0x0, s11  }
0x29: {  	[tilespmem:s3], [sflag:$0x2] =	stream.linear.gather [hbm4b:s19+s3], $0x80, $0x38;
	[tilespmem:$0x18080] =	vst v63  }
0x2a: {  	_ =	swait.ge [sflag:s15], $0x80  }
0x2b: {  	[sflag:s15] =	ssyncset.done $0x0  }
0x2c: {  	[sflag:s15] =	ssyncadd.s32 $0xFFFFFF80  }
0x2d: {  	[tilespmem:s16], [sflag:$0x1] =	stream.linear.gather [hbm4b:s13+s3], $0x4000, $0x38;
	[tilespmem:$0x18080] =	vst v63  }
0x2e: {  	_ =	swait.ge [sflag:s17], $0x4000  }
0x2f: {  	[sflag:s17] =	ssyncset.done $0x0  }
0x30: {  	[sflag:s17] =	ssyncadd.s32 $0xFFFFC000  }
0x31: {  	[spmem:s2] =	stream.indirect.scatter.add.f32 [tilespmem:s16], [sflag:$0x2], $0x80, s3, s16, $0xb8;
	[tilespmem:$0x18080] =	vst v63  }
0x32: {  	s20 =	simm.s32 $0x10;
	_ =	swait.ge [sflag:s15], $0x4000  }
0x33: {  	s21 =	simm.s32 $0x20;
	s19 =	sadd.s32 $0x800, s13;
	[sflag:s15] =	ssyncset.done $0x0  }
.LBB2_3:
0x34: {  	s22 =	sadd.s32 s20, s11  }
0x35: {  	[sflag:s15] =	ssyncadd.s32 $0xFFFFC000;
	s20 =	smov.u32 s21;
	s23 =	sadd.s32 $0x10, s21  }
0x36: {  	[tilespmem:s3], [sflag:$0x2] =	stream.linear.gather [hbm4b:s22+s3], $0x80, $0x38;
	[tilespmem:$0x18080] =	vst v63  }
0x37: {  	p1 =	seq.s32 s21, $0x4F0;
	_ =	swait.ge [sflag:s15], $0x80  }
0x38: {  	[sflag:s15] =	ssyncset.done $0x0  }
0x39: {  	[sflag:s15] =	ssyncadd.s32 $0xFFFFFF80  }
0x3a: {  	[tilespmem:s16], [sflag:$0x1] =	stream.linear.gather [hbm4b:s19+s3], $0x4000, $0x38;
	[tilespmem:$0x18080] =	vst v63  }
0x3b: {  	_ =	swait.ge [sflag:s17], $0x4000  }
.Ltmp3:
0x3c: {  	[sflag:s17] =	ssyncset.done $0x0;
	(pc) =	sbr.rel @!p1 .LBB2_3-.Ltmp3, $4  }
0x3d: {  	[sflag:s17] =	ssyncadd.s32 $0xFFFFC000  }
0x3e: {  	[spmem:s2] =	stream.indirect.scatter.add.f32 [tilespmem:s16], [sflag:$0x2], $0x80, s3, s16, $0xb8;
	[tilespmem:$0x18080] =	vst v63  }
0x3f: {  	_ =	swait.ge [sflag:s15], $0x4000  }
0x40: {  	s21 =	smov.u32 s23;
	s19 =	sadd.s32 $0x800, s19;
	[sflag:s15] =	ssyncset.done $0x0  }
0x41: {  	s20 =	sadd.s32 s20, s11;
	[sflag:s15] =	ssyncadd.s32 $0xFFFFC000  }
0x42: {  	[tilespmem:s3], [sflag:$0x2] =	stream.linear.gather [hbm4b:s20+s3], $0x80, $0x38;
	[tilespmem:$0x18080] =	vst v63  }
0x43: {  	_ =	swait.ge [sflag:s15], $0x80  }
0x44: {  	[sflag:s15] =	ssyncset.done $0x0  }
0x45: {  	[sflag:s15] =	ssyncadd.s32 $0xFFFFFF80  }
0x46: {  	[tilespmem:s16], [sflag:$0x1] =	stream.linear.gather [hbm4b:s19+s3], $0x4000, $0x38;
	[tilespmem:$0x18080] =	vst v63  }
0x47: {  	_ =	swait.ge [sflag:s17], $0x4000  }
0x48: {  	[sflag:s17] =	ssyncset.done $0x0  }
.Ltmp4:
0x49: {  	[sflag:s17] =	ssyncadd.s32 $0xFFFFC000;
	(pc) =	sbr.rel .LBB2_8-.Ltmp4, $4  }
0x4a: {  	[spmem:s2] =	stream.indirect.scatter.add.f32 [tilespmem:s16], [sflag:$0x2], $0x80, s3, s16, $0xb8;
	[tilespmem:$0x18080] =	vst v63  }
0x4b: {  	_ =	swait.ge [sflag:s15], $0x4000  }
0x4c: {  	[sflag:s15] =	ssyncset.done $0x0  }
0x4d: {  	s19 =	smov.u32 s5;
	[sflag:s15] =	ssyncadd.s32 $0xFFFFC000  }
.LBB2_5:
0x4e: {  	s19 =	sadd.s32 $0x0, s12  }
0x4f: {  	[tilespmem:s3], [sflag:$0x2] =	stream.linear.gather [hbm4b:s19+s3], $0x80, $0x38;
	[tilespmem:$0x18080] =	vst v63  }
0x50: {  	_ =	swait.ge [sflag:s15], $0x80  }
0x51: {  	[sflag:s15] =	ssyncset.done $0x0  }
0x52: {  	[sflag:s15] =	ssyncadd.s32 $0xFFFFFF80  }
0x53: {  	[tilespmem:s16], [sflag:$0x1] =	stream.linear.gather [hbm4b:s10+s3], $0x4000, $0x38;
	[tilespmem:$0x18080] =	vst v63  }
0x54: {  	_ =	swait.ge [sflag:s17], $0x4000  }
0x55: {  	[sflag:s17] =	ssyncset.done $0x0  }
0x56: {  	[sflag:s17] =	ssyncadd.s32 $0xFFFFC000  }
0x57: {  	[spmem:s2] =	stream.indirect.scatter.add.f32 [tilespmem:s16], [sflag:$0x2], $0x80, s3, s16, $0xb8;
	[tilespmem:$0x18080] =	vst v63  }
0x58: {  	s20 =	simm.s32 $0x10;
	_ =	swait.ge [sflag:s15], $0x4000  }
0x59: {  	s21 =	simm.s32 $0x20;
	s19 =	sadd.s32 $0x800, s10;
	[sflag:s15] =	ssyncset.done $0x0  }
.LBB2_6:
0x5a: {  	s22 =	sadd.s32 s20, s12  }
0x5b: {  	[sflag:s15] =	ssyncadd.s32 $0xFFFFC000;
	s20 =	smov.u32 s21;
	s23 =	sadd.s32 $0x10, s21  }
0x5c: {  	[tilespmem:s3], [sflag:$0x2] =	stream.linear.gather [hbm4b:s22+s3], $0x80, $0x38;
	[tilespmem:$0x18080] =	vst v63  }
0x5d: {  	p1 =	sne.s32 s21, $0x4F0;
	_ =	swait.ge [sflag:s15], $0x80  }
0x5e: {  	[sflag:s15] =	ssyncset.done $0x0  }
0x5f: {  	[sflag:s15] =	ssyncadd.s32 $0xFFFFFF80  }
0x60: {  	[tilespmem:s16], [sflag:$0x1] =	stream.linear.gather [hbm4b:s19+s3], $0x4000, $0x38;
	[tilespmem:$0x18080] =	vst v63  }
0x61: {  	_ =	swait.ge [sflag:s17], $0x4000  }
.Ltmp5:
0x62: {  	[sflag:s17] =	ssyncset.done $0x0;
	(pc) =	sbr.rel @p1 .LBB2_6-.Ltmp5, $4  }
0x63: {  	[sflag:s17] =	ssyncadd.s32 $0xFFFFC000  }
0x64: {  	[spmem:s2] =	stream.indirect.scatter.add.f32 [tilespmem:s16], [sflag:$0x2], $0x80, s3, s16, $0xb8;
	[tilespmem:$0x18080] =	vst v63  }
0x65: {  	_ =	swait.ge [sflag:s15], $0x4000  }
0x66: {  	s21 =	smov.u32 s23;
	s19 =	sadd.s32 $0x800, s19;
	[sflag:s15] =	ssyncset.done $0x0  }
.Ltmp6:
0x67: {  	_ = 	snop;
	(pc) =	sbr.rel .LBB2_7-.Ltmp6, $1  }
0x68: {  	_ =	sdelay $0x3  }
.LBB2_9:
0x69: {  	_ =	sfence.sel $0x180000  }
0x6a: {  	[bflag:$0x0] =	sbarrier.arrive $0xFFFF  }
0x6b: {  	p0 =	sne.s32 s1, $0x0;
	_ =	strace $0x90000053  }
0x6c: {  	s0 =	sadd.s32 @!p0 $0x100000, s0;
	[bflag:$0x2] =	sbarrier.arrive $0xFFFF  }
0x6d: {  	[sflag:s0] =	ssyncadd.tile.s32 @!p0 $0x1;
	_ =	shalt  }
.Lfunc_end2:
_tile_overlayer_lowered:
.L_overlay_start_2:
0x6e: {  	(tag) =	ssettag $0x2  }
0x6f: {  	s0 =	rddreg [dreg:$0x0];
	s2 =	stileid.u32  }
0x70: {  	s1 =	rddreg [dreg:$0x1];
	p0 =	sne.s32 s2, $0x0  }
0x71: {  	s3 =	rddreg [dreg:$0x2];
	[bflag:$0x3] =	sbarrier.arrive $0xFFFF;
	s2 =	simm.s32 @!p0 $0x1C02  }
0x72: {  	[timem:s3], [sflag:s2] =	dma.local @!p0 [hbm:s0], s1  }
0x73: {  	s0 =	simm.s32 @!p0 $0x2  }
0x74: {  	_ =	swait.ge @!p0 [sflag:s0], s1  }
0x75: {  	s1 =	ssub.s32 @!p0 $0x0, s1;
	[sflag:s0] =	ssyncset.done @!p0 $0x0  }
0x76: {  	[sflag:s0] =	ssyncadd.s32 @!p0 s1  }
0x77: {  	[bflag:$0x3] =	sbarrier.arrive $0xFFFF  }
0x78: {  	_ =	shalt  }

</sc_bundles>
